<compile_context>
chip_gen: v7x
topology: tpu7x:2x2x1
jax: 0.10.2.dev20260603
libtpu: 0.0.44.dev20260713+nightly
codegen_flags: <defaults>
</compile_context>

<pallas_src>
import functools
import math

import jax
import jax.numpy as jnp
import numpy as np
from jax import lax
from jax.experimental import pallas as pl
from jax.experimental.pallas import tpu as pltpu
from jax.experimental.pallas import tpu_sc as plsc

_VOCAB = 100000
_D = 1024
_B = 4
_S = 2048
_SCALE = math.sqrt(_D)

_NW = 32
_P_PER_W = _S // _NW
_PC = 16
_NCH = _P_PER_W // _PC
_NITEM = _NCH * _B
_NBUF = 5
_AHEAD = 3
_LANES = 16


def _sin_pe(max_len, d_model):
    pos = np.arange(max_len, dtype=np.float32)[:, None]
    div = np.exp(
        np.arange(0, d_model, 2, dtype=np.float32) * (-math.log(10000.0) / d_model)
    )
    pe = np.zeros((max_len, d_model), dtype=np.float32)
    pe[:, 0::2] = np.sin(pos * div)
    pe[:, 1::2] = np.cos(pos * div)
    return pe


_PE = _sin_pe(_S, _D)

_mesh = plsc.VectorSubcoreMesh(core_axis_name="c", subcore_axis_name="s")


@functools.partial(
    pl.kernel,
    mesh=_mesh,
    out_type=jax.ShapeDtypeStruct((_B, _S, _D), jnp.float32),
    scratch_types=[
        pltpu.VMEM((_B, _P_PER_W), jnp.int32),
        pltpu.VMEM((_PC, _D), jnp.float32),
        pltpu.VMEM((_PC, _D), jnp.float32),
        pltpu.VMEM((_PC, _D), jnp.float32),
        pltpu.VMEM((_PC, _D), jnp.float32),
        pltpu.VMEM((_PC, _D), jnp.float32),
        pltpu.VMEM((_PC, _D), jnp.float32),
        pltpu.VMEM((_PC, _D), jnp.float32),
        pltpu.SemaphoreType.DMA,
        pltpu.SemaphoreType.DMA,
        pltpu.SemaphoreType.DMA,
        pltpu.SemaphoreType.DMA,
        pltpu.SemaphoreType.DMA,
        pltpu.SemaphoreType.DMA,
        pltpu.SemaphoreType.DMA,
        pltpu.SemaphoreType.DMA,
        pltpu.SemaphoreType.DMA,
        pltpu.SemaphoreType.DMA,
        pltpu.SemaphoreType.DMA,
        pltpu.SemaphoreType.DMA,
    ],
)
def _emb_kernel(ids_hbm, w_hbm, pe_hbm, out_hbm,
                idx_v, r0, r1, r2, r3, r4, pe0, pe1,
                g0, g1, g2, g3, g4, s0, s1, s2, s3, s4, psem0, psem1):
    rows = (r0, r1, r2, r3, r4)
    pes = (pe0, pe1)
    gsems = (g0, g1, g2, g3, g4)
    ssems = (s0, s1, s2, s3, s4)
    psems = (psem0, psem1)

    wid = lax.axis_index("s") * 2 + lax.axis_index("c")
    base_p = wid * _P_PER_W

    def gather_copy(i):
        b, c, k = i % _B, i // _B, i % _NBUF
        return pltpu.make_async_copy(
            w_hbm.at[idx_v.at[b, pl.ds(c * _PC, _PC)]], rows[k], gsems[k])

    def store_copy(i):
        b, c, k = i % _B, i // _B, i % _NBUF
        return pltpu.make_async_copy(
            rows[k], out_hbm.at[b, pl.ds(base_p + c * _PC, _PC)], ssems[k])

    def pe_copy(c):
        return pltpu.make_async_copy(
            pe_hbm.at[pl.ds(base_p + c * _PC, _PC)], pes[c % 2], psems[c % 2])

    for b in range(_B):
        pltpu.sync_copy(ids_hbm.at[b, pl.ds(base_p, _P_PER_W)], idx_v.at[b])
    pe_copy(0).start()
    for i in range(_AHEAD):
        gather_copy(i).start()

    for i in range(_NITEM):
        b, c = i % _B, i // _B
        j = i + _AHEAD
        if j < _NITEM:
            if j - _NBUF >= 0:
                store_copy(j - _NBUF).wait()
            gather_copy(j).start()
        if b == 0 and c + 1 < _NCH:
            pe_copy(c + 1).start()
        if b == 0:
            pe_copy(c).wait()
        gather_copy(i).wait()

        rb, pb = rows[i % _NBUF], pes[c % 2]

        def body_r(r, _):
            def body_j(jx, _):
                for jj in range(4):
                    sl = pl.ds((jx * 4 + jj) * _LANES, _LANES)
                    rb[r, sl] = rb[r, sl] * _SCALE + pb[r, sl]
                return 0

            return lax.fori_loop(0, _D // (_LANES * 4), body_j, 0)

        lax.fori_loop(0, _PC, body_r, 0)
        store_copy(i).start()

    for i in range(_NITEM - _NBUF, _NITEM):
        store_copy(i).wait()


def kernel(token_ids, W):
    ids = token_ids if token_ids.dtype == jnp.int32 else token_ids.astype(jnp.int32)
    pe = jnp.asarray(_PE)
    return _emb_kernel(ids, W, pe)

# --- scband reference (transcript-rebuilt; emitter-appended) ---
"""Pipeline reference for scband-transformer-embedding-40827959116447 (READ-ONLY COPY).

The authoritative reference and input builder live on the scoring server;
editing this copy changes nothing except your own understanding.
"""

import jax, jax.numpy as jnp
import numpy as np
import math

VOCAB = 100000
D_MODEL = 1024
MAX_SEQ_LEN = 2048
BATCH = 4
SEQ_LEN = 2048


def _sinusoidal_pe(max_len, d_model):
    pos = np.arange(max_len, dtype=np.float32)[:, None]
    div = np.exp(np.arange(0, d_model, 2, dtype=np.float32) * (-math.log(10000.0) / d_model))
    pe = np.zeros((max_len, d_model), dtype=np.float32)
    pe[:, 0::2] = np.sin(pos * div)
    pe[:, 1::2] = np.cos(pos * div)
    return jnp.asarray(pe)


def setup_inputs(seed: int = 0) -> dict:
    key = jax.random.key(seed)
    k1, k2 = jax.random.split(key)
    token_ids = jax.random.randint(k1, (BATCH, SEQ_LEN), 0, VOCAB, dtype=jnp.int64 if jax.config.jax_enable_x64 else jnp.int32)
    W = jax.random.normal(k2, (VOCAB, D_MODEL), dtype=jnp.float32) * 0.02
    return {"token_ids": token_ids, "W": W}


def reference(token_ids, W):
    # Token embedding lookup (SparseCore gather), scaled by sqrt(d_model)
    x = jnp.take(W, token_ids, axis=0) * math.sqrt(D_MODEL)
    # Sinusoidal positional encoding (fixed, non-learned); dropout is identity in eval mode
    pe = _sinusoidal_pe(MAX_SEQ_LEN, D_MODEL)
    seq_len = token_ids.shape[1]
    return x + pe[None, :seq_len, :]

if __name__ == "__main__":
    import jax
    _d = setup_inputs()
    print(jax.jit(kernel)(*tuple(_d.values())))

</pallas_src>

<mosaic_0001>
#map = affine_map<(d0, d1) -> (0, 0)>
#map1 = affine_map<(d0, d1) -> (0, 0, 0)>
module attributes {stable_mosaic.version = 14 : i64} {
  func.func @_emb_kernel(%arg0: i32, %arg1: i32, %arg2: memref<4x2048xi32, #tpu.memory_space<hbm>>, %arg3: memref<100000x1024xf32, #tpu.memory_space<hbm>>, %arg4: memref<2048x1024xf32, #tpu.memory_space<hbm>>, %arg5: memref<4x2048x1024xf32, #tpu.memory_space<hbm>>, %arg6: memref<4x64xi32, #tpu.memory_space<vmem>>, %arg7: memref<16x1024xf32, #tpu.memory_space<vmem>>, %arg8: memref<16x1024xf32, #tpu.memory_space<vmem>>, %arg9: memref<16x1024xf32, #tpu.memory_space<vmem>>, %arg10: memref<16x1024xf32, #tpu.memory_space<vmem>>, %arg11: memref<16x1024xf32, #tpu.memory_space<vmem>>, %arg12: memref<16x1024xf32, #tpu.memory_space<vmem>>, %arg13: memref<16x1024xf32, #tpu.memory_space<vmem>>, %arg14: memref<!tpu.dma_semaphore, #tpu.memory_space<semaphore_mem>>, %arg15: memref<!tpu.dma_semaphore, #tpu.memory_space<semaphore_mem>>, %arg16: memref<!tpu.dma_semaphore, #tpu.memory_space<semaphore_mem>>, %arg17: memref<!tpu.dma_semaphore, #tpu.memory_space<semaphore_mem>>, %arg18: memref<!tpu.dma_semaphore, #tpu.memory_space<semaphore_mem>>, %arg19: memref<!tpu.dma_semaphore, #tpu.memory_space<semaphore_mem>>, %arg20: memref<!tpu.dma_semaphore, #tpu.memory_space<semaphore_mem>>, %arg21: memref<!tpu.dma_semaphore, #tpu.memory_space<semaphore_mem>>, %arg22: memref<!tpu.dma_semaphore, #tpu.memory_space<semaphore_mem>>, %arg23: memref<!tpu.dma_semaphore, #tpu.memory_space<semaphore_mem>>, %arg24: memref<!tpu.dma_semaphore, #tpu.memory_space<semaphore_mem>>, %arg25: memref<!tpu.dma_semaphore, #tpu.memory_space<semaphore_mem>>) attributes {dimension_semantics = [#tpu.dimension_semantics<core_parallel>, #tpu.dimension_semantics<subcore_parallel>], iteration_bounds = array<i64: 2, 16>, scalar_prefetch = 0 : i64, scratch_operands = 20 : i64, tpu.core_type = #tpu.core_type<sc_vector_subcore>, window_params = [{transform_indices = #map}, {transform_indices = #map}, {transform_indices = #map}, {transform_indices = #map1}]} {
    %mul3A = arith.constant 2 : i32
    %mul3A_0 = arith.muli %arg1, %mul3A : i32
    %add3A = arith.addi %mul3A_0, %arg0 : i32
    %mul3A_1 = arith.constant 64 : i32
    %mul3A_2 = arith.muli %add3A, %mul3A_1 : i32
    %run_scoped3A = arith.constant 0 : i32
    %run_scoped3A_3 = arith.constant 0 : i32
    "tpu.region"() ({
      %run_scoped3A_679 = tpu.sem_alloc : memref<!tpu.dma_semaphore, #tpu.memory_space<semaphore_mem>>
      %dma_start3A_680 = arith.constant 0 : i32
      %dma_start3A_681 = tpu.memref_slice %arg6[%run_scoped3A_3, %dma_start3A_680] : memref<4x64xi32, #tpu.memory_space<vmem>> -> memref<1x64xi32, #tpu.memory_space<vmem>>
      %dma_start3A_682 = tpu.memref_squeeze %dma_start3A_681 : memref<1x64xi32, #tpu.memory_space<vmem>> -> memref<64xi32, #tpu.memory_space<vmem>>
      %dma_start3A_683 = tpu.memref_slice %arg2[%run_scoped3A, %mul3A_2] : memref<4x2048xi32, #tpu.memory_space<hbm>> -> memref<1x64xi32, #tpu.memory_space<hbm>>
      %dma_start3A_684 = tpu.memref_squeeze %dma_start3A_683 : memref<1x64xi32, #tpu.memory_space<hbm>> -> memref<64xi32, #tpu.memory_space<hbm>>
      %dma_start3A_685 = arith.constant 0 : i32
      %dma_start3A_686 = tpu.memref_slice %arg6[%run_scoped3A_3, %dma_start3A_685] : memref<4x64xi32, #tpu.memory_space<vmem>> -> memref<1x64xi32, #tpu.memory_space<vmem>>
      %dma_start3A_687 = tpu.memref_squeeze %dma_start3A_686 : memref<1x64xi32, #tpu.memory_space<vmem>> -> memref<64xi32, #tpu.memory_space<vmem>>
      %dma_start3A_688 = tpu.memref_slice %arg2[%run_scoped3A, %mul3A_2] : memref<4x2048xi32, #tpu.memory_space<hbm>> -> memref<1x64xi32, #tpu.memory_space<hbm>>
      %dma_start3A_689 = tpu.memref_squeeze %dma_start3A_688 : memref<1x64xi32, #tpu.memory_space<hbm>> -> memref<64xi32, #tpu.memory_space<hbm>>
      tpu.enqueue_dma source(%dma_start3A_689 : memref<64xi32, #tpu.memory_space<hbm>>) target(%dma_start3A_687 : memref<64xi32, #tpu.memory_space<vmem>>) target_semaphore(%run_scoped3A_679 : memref<!tpu.dma_semaphore, #tpu.memory_space<semaphore_mem>>)
      %dma_wait3A_690 = arith.constant 0 : i32
      %dma_wait3A_691 = tpu.memref_slice %arg6[%run_scoped3A_3, %dma_wait3A_690] : memref<4x64xi32, #tpu.memory_space<vmem>> -> memref<1x64xi32, #tpu.memory_space<vmem>>
      %dma_wait3A_692 = tpu.memref_squeeze %dma_wait3A_691 : memref<1x64xi32, #tpu.memory_space<vmem>> -> memref<64xi32, #tpu.memory_space<vmem>>
      %dma_wait3A_693 = tpu.memref_slice %arg2[%run_scoped3A, %mul3A_2] : memref<4x2048xi32, #tpu.memory_space<hbm>> -> memref<1x64xi32, #tpu.memory_space<hbm>>
      %dma_wait3A_694 = tpu.memref_squeeze %dma_wait3A_693 : memref<1x64xi32, #tpu.memory_space<hbm>> -> memref<64xi32, #tpu.memory_space<hbm>>
      %dma_wait3A_695 = arith.constant 0 : i32
      %dma_wait3A_696 = tpu.memref_slice %arg6[%run_scoped3A_3, %dma_wait3A_695] : memref<4x64xi32, #tpu.memory_space<vmem>> -> memref<1x64xi32, #tpu.memory_space<vmem>>
      %dma_wait3A_697 = tpu.memref_squeeze %dma_wait3A_696 : memref<1x64xi32, #tpu.memory_space<vmem>> -> memref<64xi32, #tpu.memory_space<vmem>>
      %dma_wait3A_698 = tpu.memref_slice %arg2[%run_scoped3A, %mul3A_2] : memref<4x2048xi32, #tpu.memory_space<hbm>> -> memref<1x64xi32, #tpu.memory_space<hbm>>
      %dma_wait3A_699 = tpu.memref_squeeze %dma_wait3A_698 : memref<1x64xi32, #tpu.memory_space<hbm>> -> memref<64xi32, #tpu.memory_space<hbm>>
      tpu.wait_dma2 semaphore(%run_scoped3A_679 : memref<!tpu.dma_semaphore, #tpu.memory_space<semaphore_mem>>) src(%dma_wait3A_699 : memref<64xi32, #tpu.memory_space<hbm>>) dst(%dma_wait3A_697 : memref<64xi32, #tpu.memory_space<vmem>>)
      tpu.yield
    }) : () -> ()
    %run_scoped3A_4 = arith.constant 1 : i32
    %run_scoped3A_5 = arith.constant 1 : i32
    "tpu.region"() ({
      %run_scoped3A_679 = tpu.sem_alloc : memref<!tpu.dma_semaphore, #tpu.memory_space<semaphore_mem>>
      %dma_start3A_680 = arith.constant 0 : i32
      %dma_start3A_681 = tpu.memref_slice %arg6[%run_scoped3A_5, %dma_start3A_680] : memref<4x64xi32, #tpu.memory_space<vmem>> -> memref<1x64xi32, #tpu.memory_space<vmem>>
      %dma_start3A_682 = tpu.memref_squeeze %dma_start3A_681 : memref<1x64xi32, #tpu.memory_space<vmem>> -> memref<64xi32, #tpu.memory_space<vmem>>
      %dma_start3A_683 = tpu.memref_slice %arg2[%run_scoped3A_4, %mul3A_2] : memref<4x2048xi32, #tpu.memory_space<hbm>> -> memref<1x64xi32, #tpu.memory_space<hbm>>
      %dma_start3A_684 = tpu.memref_squeeze %dma_start3A_683 : memref<1x64xi32, #tpu.memory_space<hbm>> -> memref<64xi32, #tpu.memory_space<hbm>>
      %dma_start3A_685 = arith.constant 0 : i32
      %dma_start3A_686 = tpu.memref_slice %arg6[%run_scoped3A_5, %dma_start3A_685] : memref<4x64xi32, #tpu.memory_space<vmem>> -> memref<1x64xi32, #tpu.memory_space<vmem>>
      %dma_start3A_687 = tpu.memref_squeeze %dma_start3A_686 : memref<1x64xi32, #tpu.memory_space<vmem>> -> memref<64xi32, #tpu.memory_space<vmem>>
      %dma_start3A_688 = tpu.memref_slice %arg2[%run_scoped3A_4, %mul3A_2] : memref<4x2048xi32, #tpu.memory_space<hbm>> -> memref<1x64xi32, #tpu.memory_space<hbm>>
      %dma_start3A_689 = tpu.memref_squeeze %dma_start3A_688 : memref<1x64xi32, #tpu.memory_space<hbm>> -> memref<64xi32, #tpu.memory_space<hbm>>
      tpu.enqueue_dma source(%dma_start3A_689 : memref<64xi32, #tpu.memory_space<hbm>>) target(%dma_start3A_687 : memref<64xi32, #tpu.memory_space<vmem>>) target_semaphore(%run_scoped3A_679 : memref<!tpu.dma_semaphore, #tpu.memory_space<semaphore_mem>>)
      %dma_wait3A_690 = arith.constant 0 : i32
      %dma_wait3A_691 = tpu.memref_slice %arg6[%run_scoped3A_5, %dma_wait3A_690] : memref<4x64xi32, #tpu.memory_space<vmem>> -> memref<1x64xi32, #tpu.memory_space<vmem>>
      %dma_wait3A_692 = tpu.memref_squeeze %dma_wait3A_691 : memref<1x64xi32, #tpu.memory_space<vmem>> -> memref<64xi32, #tpu.memory_space<vmem>>
      %dma_wait3A_693 = tpu.memref_slice %arg2[%run_scoped3A_4, %mul3A_2] : memref<4x2048xi32, #tpu.memory_space<hbm>> -> memref<1x64xi32, #tpu.memory_space<hbm>>
      %dma_wait3A_694 = tpu.memref_squeeze %dma_wait3A_693 : memref<1x64xi32, #tpu.memory_space<hbm>> -> memref<64xi32, #tpu.memory_space<hbm>>
      %dma_wait3A_695 = arith.constant 0 : i32
      %dma_wait3A_696 = tpu.memref_slice %arg6[%run_scoped3A_5, %dma_wait3A_695] : memref<4x64xi32, #tpu.memory_space<vmem>> -> memref<1x64xi32, #tpu.memory_space<vmem>>
      %dma_wait3A_697 = tpu.memref_squeeze %dma_wait3A_696 : memref<1x64xi32, #tpu.memory_space<vmem>> -> memref<64xi32, #tpu.memory_space<vmem>>
      %dma_wait3A_698 = tpu.memref_slice %arg2[%run_scoped3A_4, %mul3A_2] : memref<4x2048xi32, #tpu.memory_space<hbm>> -> memref<1x64xi32, #tpu.memory_space<hbm>>
      %dma_wait3A_699 = tpu.memref_squeeze %dma_wait3A_698 : memref<1x64xi32, #tpu.memory_space<hbm>> -> memref<64xi32, #tpu.memory_space<hbm>>
      tpu.wait_dma2 semaphore(%run_scoped3A_679 : memref<!tpu.dma_semaphore, #tpu.memory_space<semaphore_mem>>) src(%dma_wait3A_699 : memref<64xi32, #tpu.memory_space<hbm>>) dst(%dma_wait3A_697 : memref<64xi32, #tpu.memory_space<vmem>>)
      tpu.yield
    }) : () -> ()
    %run_scoped3A_6 = arith.constant 2 : i32
    %run_scoped3A_7 = arith.constant 2 : i32
    "tpu.region"() ({
      %run_scoped3A_679 = tpu.sem_alloc : memref<!tpu.dma_semaphore, #tpu.memory_space<semaphore_mem>>
      %dma_start3A_680 = arith.constant 0 : i32
      %dma_start3A_681 = tpu.memref_slice %arg6[%run_scoped3A_7, %dma_start3A_680] : memref<4x64xi32, #tpu.memory_space<vmem>> -> memref<1x64xi32, #tpu.memory_space<vmem>>
      %dma_start3A_682 = tpu.memref_squeeze %dma_start3A_681 : memref<1x64xi32, #tpu.memory_space<vmem>> -> memref<64xi32, #tpu.memory_space<vmem>>
      %dma_start3A_683 = tpu.memref_slice %arg2[%run_scoped3A_6, %mul3A_2] : memref<4x2048xi32, #tpu.memory_space<hbm>> -> memref<1x64xi32, #tpu.memory_space<hbm>>
      %dma_start3A_684 = tpu.memref_squeeze %dma_start3A_683 : memref<1x64xi32, #tpu.memory_space<hbm>> -> memref<64xi32, #tpu.memory_space<hbm>>
      %dma_start3A_685 = arith.constant 0 : i32
      %dma_start3A_686 = tpu.memref_slice %arg6[%run_scoped3A_7, %dma_start3A_685] : memref<4x64xi32, #tpu.memory_space<vmem>> -> memref<1x64xi32, #tpu.memory_space<vmem>>
      %dma_start3A_687 = tpu.memref_squeeze %dma_start3A_686 : memref<1x64xi32, #tpu.memory_space<vmem>> -> memref<64xi32, #tpu.memory_space<vmem>>
      %dma_start3A_688 = tpu.memref_slice %arg2[%run_scoped3A_6, %mul3A_2] : memref<4x2048xi32, #tpu.memory_space<hbm>> -> memref<1x64xi32, #tpu.memory_space<hbm>>
      %dma_start3A_689 = tpu.memref_squeeze %dma_start3A_688 : memref<1x64xi32, #tpu.memory_space<hbm>> -> memref<64xi32, #tpu.memory_space<hbm>>
      tpu.enqueue_dma source(%dma_start3A_689 : memref<64xi32, #tpu.memory_space<hbm>>) target(%dma_start3A_687 : memref<64xi32, #tpu.memory_space<vmem>>) target_semaphore(%run_scoped3A_679 : memref<!tpu.dma_semaphore, #tpu.memory_space<semaphore_mem>>)
      %dma_wait3A_690 = arith.constant 0 : i32
      %dma_wait3A_691 = tpu.memref_slice %arg6[%run_scoped3A_7, %dma_wait3A_690] : memref<4x64xi32, #tpu.memory_space<vmem>> -> memref<1x64xi32, #tpu.memory_space<vmem>>
      %dma_wait3A_692 = tpu.memref_squeeze %dma_wait3A_691 : memref<1x64xi32, #tpu.memory_space<vmem>> -> memref<64xi32, #tpu.memory_space<vmem>>
      %dma_wait3A_693 = tpu.memref_slice %arg2[%run_scoped3A_6, %mul3A_2] : memref<4x2048xi32, #tpu.memory_space<hbm>> -> memref<1x64xi32, #tpu.memory_space<hbm>>
      %dma_wait3A_694 = tpu.memref_squeeze %dma_wait3A_693 : memref<1x64xi32, #tpu.memory_space<hbm>> -> memref<64xi32, #tpu.memory_space<hbm>>
      %dma_wait3A_695 = arith.constant 0 : i32
      %dma_wait3A_696 = tpu.memref_slice %arg6[%run_scoped3A_7, %dma_wait3A_695] : memref<4x64xi32, #tpu.memory_space<vmem>> -> memref<1x64xi32, #tpu.memory_space<vmem>>
      %dma_wait3A_697 = tpu.memref_squeeze %dma_wait3A_696 : memref<1x64xi32, #tpu.memory_space<vmem>> -> memref<64xi32, #tpu.memory_space<vmem>>
      %dma_wait3A_698 = tpu.memref_slice %arg2[%run_scoped3A_6, %mul3A_2] : memref<4x2048xi32, #tpu.memory_space<hbm>> -> memref<1x64xi32, #tpu.memory_space<hbm>>
      %dma_wait3A_699 = tpu.memref_squeeze %dma_wait3A_698 : memref<1x64xi32, #tpu.memory_space<hbm>> -> memref<64xi32, #tpu.memory_space<hbm>>
      tpu.wait_dma2 semaphore(%run_scoped3A_679 : memref<!tpu.dma_semaphore, #tpu.memory_space<semaphore_mem>>) src(%dma_wait3A_699 : memref<64xi32, #tpu.memory_space<hbm>>) dst(%dma_wait3A_697 : memref<64xi32, #tpu.memory_space<vmem>>)
      tpu.yield
    }) : () -> ()
    %run_scoped3A_8 = arith.constant 3 : i32
    %run_scoped3A_9 = arith.constant 3 : i32
    "tpu.region"() ({
      %run_scoped3A_679 = tpu.sem_alloc : memref<!tpu.dma_semaphore, #tpu.memory_space<semaphore_mem>>
      %dma_start3A_680 = arith.constant 0 : i32
      %dma_start3A_681 = tpu.memref_slice %arg6[%run_scoped3A_9, %dma_start3A_680] : memref<4x64xi32, #tpu.memory_space<vmem>> -> memref<1x64xi32, #tpu.memory_space<vmem>>
      %dma_start3A_682 = tpu.memref_squeeze %dma_start3A_681 : memref<1x64xi32, #tpu.memory_space<vmem>> -> memref<64xi32, #tpu.memory_space<vmem>>
      %dma_start3A_683 = tpu.memref_slice %arg2[%run_scoped3A_8, %mul3A_2] : memref<4x2048xi32, #tpu.memory_space<hbm>> -> memref<1x64xi32, #tpu.memory_space<hbm>>
      %dma_start3A_684 = tpu.memref_squeeze %dma_start3A_683 : memref<1x64xi32, #tpu.memory_space<hbm>> -> memref<64xi32, #tpu.memory_space<hbm>>
      %dma_start3A_685 = arith.constant 0 : i32
      %dma_start3A_686 = tpu.memref_slice %arg6[%run_scoped3A_9, %dma_start3A_685] : memref<4x64xi32, #tpu.memory_space<vmem>> -> memref<1x64xi32, #tpu.memory_space<vmem>>
      %dma_start3A_687 = tpu.memref_squeeze %dma_start3A_686 : memref<1x64xi32, #tpu.memory_space<vmem>> -> memref<64xi32, #tpu.memory_space<vmem>>
      %dma_start3A_688 = tpu.memref_slice %arg2[%run_scoped3A_8, %mul3A_2] : memref<4x2048xi32, #tpu.memory_space<hbm>> -> memref<1x64xi32, #tpu.memory_space<hbm>>
      %dma_start3A_689 = tpu.memref_squeeze %dma_start3A_688 : memref<1x64xi32, #tpu.memory_space<hbm>> -> memref<64xi32, #tpu.memory_space<hbm>>
      tpu.enqueue_dma source(%dma_start3A_689 : memref<64xi32, #tpu.memory_space<hbm>>) target(%dma_start3A_687 : memref<64xi32, #tpu.memory_space<vmem>>) target_semaphore(%run_scoped3A_679 : memref<!tpu.dma_semaphore, #tpu.memory_space<semaphore_mem>>)
      %dma_wait3A_690 = arith.constant 0 : i32
      %dma_wait3A_691 = tpu.memref_slice %arg6[%run_scoped3A_9, %dma_wait3A_690] : memref<4x64xi32, #tpu.memory_space<vmem>> -> memref<1x64xi32, #tpu.memory_space<vmem>>
      %dma_wait3A_692 = tpu.memref_squeeze %dma_wait3A_691 : memref<1x64xi32, #tpu.memory_space<vmem>> -> memref<64xi32, #tpu.memory_space<vmem>>
      %dma_wait3A_693 = tpu.memref_slice %arg2[%run_scoped3A_8, %mul3A_2] : memref<4x2048xi32, #tpu.memory_space<hbm>> -> memref<1x64xi32, #tpu.memory_space<hbm>>
      %dma_wait3A_694 = tpu.memref_squeeze %dma_wait3A_693 : memref<1x64xi32, #tpu.memory_space<hbm>> -> memref<64xi32, #tpu.memory_space<hbm>>
      %dma_wait3A_695 = arith.constant 0 : i32
      %dma_wait3A_696 = tpu.memref_slice %arg6[%run_scoped3A_9, %dma_wait3A_695] : memref<4x64xi32, #tpu.memory_space<vmem>> -> memref<1x64xi32, #tpu.memory_space<vmem>>
      %dma_wait3A_697 = tpu.memref_squeeze %dma_wait3A_696 : memref<1x64xi32, #tpu.memory_space<vmem>> -> memref<64xi32, #tpu.memory_space<vmem>>
      %dma_wait3A_698 = tpu.memref_slice %arg2[%run_scoped3A_8, %mul3A_2] : memref<4x2048xi32, #tpu.memory_space<hbm>> -> memref<1x64xi32, #tpu.memory_space<hbm>>
      %dma_wait3A_699 = tpu.memref_squeeze %dma_wait3A_698 : memref<1x64xi32, #tpu.memory_space<hbm>> -> memref<64xi32, #tpu.memory_space<hbm>>
      tpu.wait_dma2 semaphore(%run_scoped3A_679 : memref<!tpu.dma_semaphore, #tpu.memory_space<semaphore_mem>>) src(%dma_wait3A_699 : memref<64xi32, #tpu.memory_space<hbm>>) dst(%dma_wait3A_697 : memref<64xi32, #tpu.memory_space<vmem>>)
      tpu.yield
    }) : () -> ()
    %add3A_10 = arith.constant 0 : i32
    %add3A_11 = arith.addi %mul3A_2, %add3A_10 : i32
    %dma_start3A = arith.constant 0 : i32
    %dma_start3A_12 = tpu.memref_slice %arg4[%add3A_11, %dma_start3A] : memref<2048x1024xf32, #tpu.memory_space<hbm>> -> memref<16x1024xf32, #tpu.memory_space<hbm>>
    %dma_start3A_13 = arith.constant 0 : i32
    %dma_start3A_14 = tpu.memref_slice %arg4[%add3A_11, %dma_start3A_13] : memref<2048x1024xf32, #tpu.memory_space<hbm>> -> memref<16x1024xf32, #tpu.memory_space<hbm>>
    tpu.enqueue_dma source(%dma_start3A_14 : memref<16x1024xf32, #tpu.memory_space<hbm>>) target(%arg12 : memref<16x1024xf32, #tpu.memory_space<vmem>>) target_semaphore(%arg24 : memref<!tpu.dma_semaphore, #tpu.memory_space<semaphore_mem>>)
    %dma_start3A_15 = arith.constant 0 : i32
    %dma_start3A_16 = arith.constant 0 : i32
    %dma_start3A_17 = tpu.memref_slice %arg6[%dma_start3A_15, %dma_start3A_16] : memref<4x64xi32, #tpu.memory_space<vmem>> -> memref<1x16xi32, #tpu.memory_space<vmem>>
    %dma_start3A_18 = tpu.memref_squeeze %dma_start3A_17 : memref<1x16xi32, #tpu.memory_space<vmem>> -> memref<16xi32, #tpu.memory_space<vmem>>
    %dma_start3A_19 = arith.constant 0 : i32
    %dma_start3A_20 = arith.constant 0 : i32
    %dma_start3A_21 = tpu.memref_slice %arg3[%dma_start3A_19, %dma_start3A_20] : memref<100000x1024xf32, #tpu.memory_space<hbm>> -> memref<100000x1024xf32, #tpu.memory_space<hbm>>
    tpu.enqueue_indirect_dma source(%dma_start3A_21 : memref<100000x1024xf32, #tpu.memory_space<hbm>>) target(%arg7 : memref<16x1024xf32, #tpu.memory_space<vmem>>) offsets(%dma_start3A_18 : memref<16xi32, #tpu.memory_space<vmem>>) semaphore(%arg14 : memref<!tpu.dma_semaphore, #tpu.memory_space<semaphore_mem>>)
    %dma_start3A_22 = arith.constant 1 : i32
    %dma_start3A_23 = arith.constant 0 : i32
    %dma_start3A_24 = tpu.memref_slice %arg6[%dma_start3A_22, %dma_start3A_23] : memref<4x64xi32, #tpu.memory_space<vmem>> -> memref<1x16xi32, #tpu.memory_space<vmem>>
    %dma_start3A_25 = tpu.memref_squeeze %dma_start3A_24 : memref<1x16xi32, #tpu.memory_space<vmem>> -> memref<16xi32, #tpu.memory_space<vmem>>
    %dma_start3A_26 = arith.constant 0 : i32
    %dma_start3A_27 = arith.constant 0 : i32
    %dma_start3A_28 = tpu.memref_slice %arg3[%dma_start3A_26, %dma_start3A_27] : memref<100000x1024xf32, #tpu.memory_space<hbm>> -> memref<100000x1024xf32, #tpu.memory_space<hbm>>
    tpu.enqueue_indirect_dma source(%dma_start3A_28 : memref<100000x1024xf32, #tpu.memory_space<hbm>>) target(%arg8 : memref<16x1024xf32, #tpu.memory_space<vmem>>) offsets(%dma_start3A_25 : memref<16xi32, #tpu.memory_space<vmem>>) semaphore(%arg15 : memref<!tpu.dma_semaphore, #tpu.memory_space<semaphore_mem>>)
    %dma_start3A_29 = arith.constant 2 : i32
    %dma_start3A_30 = arith.constant 0 : i32
    %dma_start3A_31 = tpu.memref_slice %arg6[%dma_start3A_29, %dma_start3A_30] : memref<4x64xi32, #tpu.memory_space<vmem>> -> memref<1x16xi32, #tpu.memory_space<vmem>>
    %dma_start3A_32 = tpu.memref_squeeze %dma_start3A_31 : memref<1x16xi32, #tpu.memory_space<vmem>> -> memref<16xi32, #tpu.memory_space<vmem>>
    %dma_start3A_33 = arith.constant 0 : i32
    %dma_start3A_34 = arith.constant 0 : i32
    %dma_start3A_35 = tpu.memref_slice %arg3[%dma_start3A_33, %dma_start3A_34] : memref<100000x1024xf32, #tpu.memory_space<hbm>> -> memref<100000x1024xf32, #tpu.memory_space<hbm>>
    tpu.enqueue_indirect_dma source(%dma_start3A_35 : memref<100000x1024xf32, #tpu.memory_space<hbm>>) target(%arg9 : memref<16x1024xf32, #tpu.memory_space<vmem>>) offsets(%dma_start3A_32 : memref<16xi32, #tpu.memory_space<vmem>>) semaphore(%arg16 : memref<!tpu.dma_semaphore, #tpu.memory_space<semaphore_mem>>)
    %dma_start3A_36 = arith.constant 3 : i32
    %dma_start3A_37 = arith.constant 0 : i32
    %dma_start3A_38 = tpu.memref_slice %arg6[%dma_start3A_36, %dma_start3A_37] : memref<4x64xi32, #tpu.memory_space<vmem>> -> memref<1x16xi32, #tpu.memory_space<vmem>>
    %dma_start3A_39 = tpu.memref_squeeze %dma_start3A_38 : memref<1x16xi32, #tpu.memory_space<vmem>> -> memref<16xi32, #tpu.memory_space<vmem>>
    %dma_start3A_40 = arith.constant 0 : i32
    %dma_start3A_41 = arith.constant 0 : i32
    %dma_start3A_42 = tpu.memref_slice %arg3[%dma_start3A_40, %dma_start3A_41] : memref<100000x1024xf32, #tpu.memory_space<hbm>> -> memref<100000x1024xf32, #tpu.memory_space<hbm>>
    tpu.enqueue_indirect_dma source(%dma_start3A_42 : memref<100000x1024xf32, #tpu.memory_space<hbm>>) target(%arg10 : memref<16x1024xf32, #tpu.memory_space<vmem>>) offsets(%dma_start3A_39 : memref<16xi32, #tpu.memory_space<vmem>>) semaphore(%arg17 : memref<!tpu.dma_semaphore, #tpu.memory_space<semaphore_mem>>)
    %add3A_43 = arith.constant 16 : i32
    %add3A_44 = arith.addi %mul3A_2, %add3A_43 : i32
    %dma_start3A_45 = arith.constant 0 : i32
    %dma_start3A_46 = tpu.memref_slice %arg4[%add3A_44, %dma_start3A_45] : memref<2048x1024xf32, #tpu.memory_space<hbm>> -> memref<16x1024xf32, #tpu.memory_space<hbm>>
    %dma_start3A_47 = arith.constant 0 : i32
    %dma_start3A_48 = tpu.memref_slice %arg4[%add3A_44, %dma_start3A_47] : memref<2048x1024xf32, #tpu.memory_space<hbm>> -> memref<16x1024xf32, #tpu.memory_space<hbm>>
    tpu.enqueue_dma source(%dma_start3A_48 : memref<16x1024xf32, #tpu.memory_space<hbm>>) target(%arg13 : memref<16x1024xf32, #tpu.memory_space<vmem>>) target_semaphore(%arg25 : memref<!tpu.dma_semaphore, #tpu.memory_space<semaphore_mem>>)
    %add3A_49 = arith.constant 0 : i32
    %add3A_50 = arith.addi %mul3A_2, %add3A_49 : i32
    %dma_wait3A = arith.constant 0 : i32
    %dma_wait3A_51 = tpu.memref_slice %arg4[%add3A_50, %dma_wait3A] : memref<2048x1024xf32, #tpu.memory_space<hbm>> -> memref<16x1024xf32, #tpu.memory_space<hbm>>
    %dma_wait3A_52 = arith.constant 0 : i32
    %dma_wait3A_53 = tpu.memref_slice %arg4[%add3A_50, %dma_wait3A_52] : memref<2048x1024xf32, #tpu.memory_space<hbm>> -> memref<16x1024xf32, #tpu.memory_space<hbm>>
    tpu.wait_dma2 semaphore(%arg24 : memref<!tpu.dma_semaphore, #tpu.memory_space<semaphore_mem>>) src(%dma_wait3A_53 : memref<16x1024xf32, #tpu.memory_space<hbm>>) dst(%arg12 : memref<16x1024xf32, #tpu.memory_space<vmem>>)
    %dma_wait3A_54 = arith.constant 0 : i32
    %dma_wait3A_55 = arith.constant 0 : i32
    %dma_wait3A_56 = tpu.memref_slice %arg6[%dma_wait3A_54, %dma_wait3A_55] : memref<4x64xi32, #tpu.memory_space<vmem>> -> memref<1x16xi32, #tpu.memory_space<vmem>>
    %dma_wait3A_57 = tpu.memref_squeeze %dma_wait3A_56 : memref<1x16xi32, #tpu.memory_space<vmem>> -> memref<16xi32, #tpu.memory_space<vmem>>
    %dma_wait3A_58 = arith.constant 0 : i32
    %dma_wait3A_59 = arith.constant 0 : i32
    %dma_wait3A_60 = tpu.memref_slice %arg3[%dma_wait3A_58, %dma_wait3A_59] : memref<100000x1024xf32, #tpu.memory_space<hbm>> -> memref<100000x1024xf32, #tpu.memory_space<hbm>>
    tpu.wait_indirect_dma semaphore(%arg14 : memref<!tpu.dma_semaphore, #tpu.memory_space<semaphore_mem>>) src(%dma_wait3A_60 : memref<100000x1024xf32, #tpu.memory_space<hbm>>) dst(%arg7 : memref<16x1024xf32, #tpu.memory_space<vmem>>)
    %scan3A = arith.constant 0 : i32
    %scan3A_61 = arith.constant 0 : i32
    %scan3A_62 = arith.constant 16 : i32
    %scan3A_63 = arith.addi %scan3A_61, %scan3A_62 : i32
    %scan3A_64 = arith.constant 1 : i32
    %scan3A_65 = scf.for %scan3A_679 = %scan3A_61 to %scan3A_63 step %scan3A_64 iter_args(%scan3A_680 = %scan3A) -> (i32)  : i32 {
      %scan3A_681 = arith.constant 0 : i32
      %scan3A_682 = arith.constant 0 : i32
      %scan3A_683 = arith.constant 16 : i32
      %scan3A_684 = arith.addi %scan3A_682, %scan3A_683 : i32
      %scan3A_685 = arith.constant 1 : i32
      %scan3A_686 = scf.for %scan3A_688 = %scan3A_682 to %scan3A_684 step %scan3A_685 iter_args(%scan3A_689 = %scan3A_681) -> (i32)  : i32 {
        %mul3A_690 = arith.constant 4 : i32
        %mul3A_691 = arith.muli %scan3A_688, %mul3A_690 : i32
        %add3A_692 = arith.constant 0 : i32
        %add3A_693 = arith.addi %mul3A_691, %add3A_692 : i32
        %mul3A_694 = arith.constant 16 : i32
        %mul3A_695 = arith.muli %add3A_693, %mul3A_694 : i32
        %get3A = arith.index_cast %scan3A_679 : i32 to index
        %get3A_696 = arith.index_cast %mul3A_695 : i32 to index
        %get3A_697 = tpu.vector_load %arg7[%get3A, %get3A_696] {strides = array<i32>} : memref<16x1024xf32, #tpu.memory_space<vmem>>, vector<1x16xf32>,
        %get3A_698 = vector.shape_cast %get3A_697 : vector<1x16xf32> to vector<16xf32>
        %mul3A_699 = arith.constant 3.200000e+01 : f32
        %mul3A_700 = vector.broadcast %mul3A_699 : f32 to vector<16xf32>
        %mul3A_701 = arith.mulf %get3A_698, %mul3A_700 : vector<16xf32>
        %get3A_702 = arith.index_cast %scan3A_679 : i32 to index
        %get3A_703 = arith.index_cast %mul3A_695 : i32 to index
        %get3A_704 = tpu.vector_load %arg12[%get3A_702, %get3A_703] {strides = array<i32>} : memref<16x1024xf32, #tpu.memory_space<vmem>>, vector<1x16xf32>,
        %get3A_705 = vector.shape_cast %get3A_704 : vector<1x16xf32> to vector<16xf32>
        %add3A_706 = arith.addf %mul3A_701, %get3A_705 : vector<16xf32>
        %swap3A = arith.index_cast %scan3A_679 : i32 to index
        %swap3A_707 = arith.index_cast %mul3A_695 : i32 to index
        %swap3A_708 = tpu.vector_load %arg7[%swap3A, %swap3A_707] {strides = array<i32>} : memref<16x1024xf32, #tpu.memory_space<vmem>>, vector<1x16xf32>,
        %swap3A_709 = vector.shape_cast %swap3A_708 : vector<1x16xf32> to vector<16xf32>
        %swap3A_710 = vector.shape_cast %add3A_706 : vector<16xf32> to vector<1x16xf32>
        tpu.vector_store %arg7[%swap3A, %swap3A_707], %swap3A_710 {strides = array<i32>} : memref<16x1024xf32, #tpu.memory_space<vmem>>, vector<1x16xf32>,
        %mul3A_711 = arith.constant 4 : i32
        %mul3A_712 = arith.muli %scan3A_688, %mul3A_711 : i32
        %add3A_713 = arith.constant 1 : i32
        %add3A_714 = arith.addi %mul3A_712, %add3A_713 : i32
        %mul3A_715 = arith.constant 16 : i32
        %mul3A_716 = arith.muli %add3A_714, %mul3A_715 : i32
        %get3A_717 = arith.index_cast %scan3A_679 : i32 to index
        %get3A_718 = arith.index_cast %mul3A_716 : i32 to index
        %get3A_719 = tpu.vector_load %arg7[%get3A_717, %get3A_718] {strides = array<i32>} : memref<16x1024xf32, #tpu.memory_space<vmem>>, vector<1x16xf32>,
        %get3A_720 = vector.shape_cast %get3A_719 : vector<1x16xf32> to vector<16xf32>
        %mul3A_721 = arith.constant 3.200000e+01 : f32
        %mul3A_722 = vector.broadcast %mul3A_721 : f32 to vector<16xf32>
        %mul3A_723 = arith.mulf %get3A_720, %mul3A_722 : vector<16xf32>
        %get3A_724 = arith.index_cast %scan3A_679 : i32 to index
        %get3A_725 = arith.index_cast %mul3A_716 : i32 to index
        %get3A_726 = tpu.vector_load %arg12[%get3A_724, %get3A_725] {strides = array<i32>} : memref<16x1024xf32, #tpu.memory_space<vmem>>, vector<1x16xf32>,
        %get3A_727 = vector.shape_cast %get3A_726 : vector<1x16xf32> to vector<16xf32>
        %add3A_728 = arith.addf %mul3A_723, %get3A_727 : vector<16xf32>
        %swap3A_729 = arith.index_cast %scan3A_679 : i32 to index
        %swap3A_730 = arith.index_cast %mul3A_716 : i32 to index
        %swap3A_731 = tpu.vector_load %arg7[%swap3A_729, %swap3A_730] {strides = array<i32>} : memref<16x1024xf32, #tpu.memory_space<vmem>>, vector<1x16xf32>,
        %swap3A_732 = vector.shape_cast %swap3A_731 : vector<1x16xf32> to vector<16xf32>
        %swap3A_733 = vector.shape_cast %add3A_728 : vector<16xf32> to vector<1x16xf32>
        tpu.vector_store %arg7[%swap3A_729, %swap3A_730], %swap3A_733 {strides = array<i32>} : memref<16x1024xf32, #tpu.memory_space<vmem>>, vector<1x16xf32>,
        %mul3A_734 = arith.constant 4 : i32
        %mul3A_735 = arith.muli %scan3A_688, %mul3A_734 : i32
        %add3A_736 = arith.constant 2 : i32
        %add3A_737 = arith.addi %mul3A_735, %add3A_736 : i32
        %mul3A_738 = arith.constant 16 : i32
        %mul3A_739 = arith.muli %add3A_737, %mul3A_738 : i32
        %get3A_740 = arith.index_cast %scan3A_679 : i32 to index
        %get3A_741 = arith.index_cast %mul3A_739 : i32 to index
        %get3A_742 = tpu.vector_load %arg7[%get3A_740, %get3A_741] {strides = array<i32>} : memref<16x1024xf32, #tpu.memory_space<vmem>>, vector<1x16xf32>,
        %get3A_743 = vector.shape_cast %get3A_742 : vector<1x16xf32> to vector<16xf32>
        %mul3A_744 = arith.constant 3.200000e+01 : f32
        %mul3A_745 = vector.broadcast %mul3A_744 : f32 to vector<16xf32>
        %mul3A_746 = arith.mulf %get3A_743, %mul3A_745 : vector<16xf32>
        %get3A_747 = arith.index_cast %scan3A_679 : i32 to index
        %get3A_748 = arith.index_cast %mul3A_739 : i32 to index
        %get3A_749 = tpu.vector_load %arg12[%get3A_747, %get3A_748] {strides = array<i32>} : memref<16x1024xf32, #tpu.memory_space<vmem>>, vector<1x16xf32>,
        %get3A_750 = vector.shape_cast %get3A_749 : vector<1x16xf32> to vector<16xf32>
        %add3A_751 = arith.addf %mul3A_746, %get3A_750 : vector<16xf32>
        %swap3A_752 = arith.index_cast %scan3A_679 : i32 to index
        %swap3A_753 = arith.index_cast %mul3A_739 : i32 to index
        %swap3A_754 = tpu.vector_load %arg7[%swap3A_752, %swap3A_753] {strides = array<i32>} : memref<16x1024xf32, #tpu.memory_space<vmem>>, vector<1x16xf32>,
        %swap3A_755 = vector.shape_cast %swap3A_754 : vector<1x16xf32> to vector<16xf32>
        %swap3A_756 = vector.shape_cast %add3A_751 : vector<16xf32> to vector<1x16xf32>
        tpu.vector_store %arg7[%swap3A_752, %swap3A_753], %swap3A_756 {strides = array<i32>} : memref<16x1024xf32, #tpu.memory_space<vmem>>, vector<1x16xf32>,
        %mul3A_757 = arith.constant 4 : i32
        %mul3A_758 = arith.muli %scan3A_688, %mul3A_757 : i32
        %add3A_759 = arith.constant 3 : i32
        %add3A_760 = arith.addi %mul3A_758, %add3A_759 : i32
        %mul3A_761 = arith.constant 16 : i32
        %mul3A_762 = arith.muli %add3A_760, %mul3A_761 : i32
        %get3A_763 = arith.index_cast %scan3A_679 : i32 to index
        %get3A_764 = arith.index_cast %mul3A_762 : i32 to index
        %get3A_765 = tpu.vector_load %arg7[%get3A_763, %get3A_764] {strides = array<i32>} : memref<16x1024xf32, #tpu.memory_space<vmem>>, vector<1x16xf32>,
        %get3A_766 = vector.shape_cast %get3A_765 : vector<1x16xf32> to vector<16xf32>
        %mul3A_767 = arith.constant 3.200000e+01 : f32
        %mul3A_768 = vector.broadcast %mul3A_767 : f32 to vector<16xf32>
        %mul3A_769 = arith.mulf %get3A_766, %mul3A_768 : vector<16xf32>
        %get3A_770 = arith.index_cast %scan3A_679 : i32 to index
        %get3A_771 = arith.index_cast %mul3A_762 : i32 to index
        %get3A_772 = tpu.vector_load %arg12[%get3A_770, %get3A_771] {strides = array<i32>} : memref<16x1024xf32, #tpu.memory_space<vmem>>, vector<1x16xf32>,
        %get3A_773 = vector.shape_cast %get3A_772 : vector<1x16xf32> to vector<16xf32>
        %add3A_774 = arith.addf %mul3A_769, %get3A_773 : vector<16xf32>
        %swap3A_775 = arith.index_cast %scan3A_679 : i32 to index
        %swap3A_776 = arith.index_cast %mul3A_762 : i32 to index
        %swap3A_777 = tpu.vector_load %arg7[%swap3A_775, %swap3A_776] {strides = array<i32>} : memref<16x1024xf32, #tpu.memory_space<vmem>>, vector<1x16xf32>,
        %swap3A_778 = vector.shape_cast %swap3A_777 : vector<1x16xf32> to vector<16xf32>
        %swap3A_779 = vector.shape_cast %add3A_774 : vector<16xf32> to vector<1x16xf32>
        tpu.vector_store %arg7[%swap3A_775, %swap3A_776], %swap3A_779 {strides = array<i32>} : memref<16x1024xf32, #tpu.memory_space<vmem>>, vector<1x16xf32>,
        %scan3A_780 = arith.constant 0 : i32
        scf.yield %scan3A_780 : i32
      }
      %scan3A_687 = arith.constant 16 : i32
      scf.yield %scan3A_686 : i32
    }
    %scan3A_66 = arith.constant 16 : i32
    %add3A_67 = arith.constant 0 : i32
    %add3A_68 = arith.addi %mul3A_2, %add3A_67 : i32
    %dma_start3A_69 = arith.constant 0 : i32
    %dma_start3A_70 = arith.constant 0 : i32
    %dma_start3A_71 = tpu.memref_slice %arg5[%dma_start3A_69, %add3A_68, %dma_start3A_70] : memref<4x2048x1024xf32, #tpu.memory_space<hbm>> -> memref<1x16x1024xf32, #tpu.memory_space<hbm>>
    %dma_start3A_72 = tpu.memref_squeeze %dma_start3A_71 : memref<1x16x1024xf32, #tpu.memory_space<hbm>> -> memref<16x1024xf32, #tpu.memory_space<hbm>>
    %dma_start3A_73 = arith.constant 0 : i32
    %dma_start3A_74 = tpu.memref_slice %arg5[%dma_start3A_69, %add3A_68, %dma_start3A_73] : memref<4x2048x1024xf32, #tpu.memory_space<hbm>> -> memref<1x16x1024xf32, #tpu.memory_space<hbm>>
    %dma_start3A_75 = tpu.memref_squeeze %dma_start3A_74 : memref<1x16x1024xf32, #tpu.memory_space<hbm>> -> memref<16x1024xf32, #tpu.memory_space<hbm>>
    tpu.enqueue_dma source(%arg7 : memref<16x1024xf32, #tpu.memory_space<vmem>>) target(%dma_start3A_75 : memref<16x1024xf32, #tpu.memory_space<hbm>>) target_semaphore(%arg19 : memref<!tpu.dma_semaphore, #tpu.memory_space<semaphore_mem>>)
    %dma_start3A_76 = arith.constant 0 : i32
    %dma_start3A_77 = arith.constant 16 : i32
    %dma_start3A_78 = tpu.memref_slice %arg6[%dma_start3A_76, %dma_start3A_77] : memref<4x64xi32, #tpu.memory_space<vmem>> -> memref<1x16xi32, #tpu.memory_space<vmem>>
    %dma_start3A_79 = tpu.memref_squeeze %dma_start3A_78 : memref<1x16xi32, #tpu.memory_space<vmem>> -> memref<16xi32, #tpu.memory_space<vmem>>
    %dma_start3A_80 = arith.constant 0 : i32
    %dma_start3A_81 = arith.constant 0 : i32
    %dma_start3A_82 = tpu.memref_slice %arg3[%dma_start3A_80, %dma_start3A_81] : memref<100000x1024xf32, #tpu.memory_space<hbm>> -> memref<100000x1024xf32, #tpu.memory_space<hbm>>
    tpu.enqueue_indirect_dma source(%dma_start3A_82 : memref<100000x1024xf32, #tpu.memory_space<hbm>>) target(%arg11 : memref<16x1024xf32, #tpu.memory_space<vmem>>) offsets(%dma_start3A_79 : memref<16xi32, #tpu.memory_space<vmem>>) semaphore(%arg18 : memref<!tpu.dma_semaphore, #tpu.memory_space<semaphore_mem>>)
    %dma_wait3A_83 = arith.constant 1 : i32
    %dma_wait3A_84 = arith.constant 0 : i32
    %dma_wait3A_85 = tpu.memref_slice %arg6[%dma_wait3A_83, %dma_wait3A_84] : memref<4x64xi32, #tpu.memory_space<vmem>> -> memref<1x16xi32, #tpu.memory_space<vmem>>
    %dma_wait3A_86 = tpu.memref_squeeze %dma_wait3A_85 : memref<1x16xi32, #tpu.memory_space<vmem>> -> memref<16xi32, #tpu.memory_space<vmem>>
    %dma_wait3A_87 = arith.constant 0 : i32
    %dma_wait3A_88 = arith.constant 0 : i32
    %dma_wait3A_89 = tpu.memref_slice %arg3[%dma_wait3A_87, %dma_wait3A_88] : memref<100000x1024xf32, #tpu.memory_space<hbm>> -> memref<100000x1024xf32, #tpu.memory_space<hbm>>
    tpu.wait_indirect_dma semaphore(%arg15 : memref<!tpu.dma_semaphore, #tpu.memory_space<semaphore_mem>>) src(%dma_wait3A_89 : memref<100000x1024xf32, #tpu.memory_space<hbm>>) dst(%arg8 : memref<16x1024xf32, #tpu.memory_space<vmem>>)
    %scan3A_90 = arith.constant 0 : i32
    %scan3A_91 = arith.constant 0 : i32
    %scan3A_92 = arith.constant 16 : i32
    %scan3A_93 = arith.addi %scan3A_91, %scan3A_92 : i32
    %scan3A_94 = arith.constant 1 : i32
    %scan3A_95 = scf.for %scan3A_679 = %scan3A_91 to %scan3A_93 step %scan3A_94 iter_args(%scan3A_680 = %scan3A_90) -> (i32)  : i32 {
      %scan3A_681 = arith.constant 0 : i32
      %scan3A_682 = arith.constant 0 : i32
      %scan3A_683 = arith.constant 16 : i32
      %scan3A_684 = arith.addi %scan3A_682, %scan3A_683 : i32
      %scan3A_685 = arith.constant 1 : i32
      %scan3A_686 = scf.for %scan3A_688 = %scan3A_682 to %scan3A_684 step %scan3A_685 iter_args(%scan3A_689 = %scan3A_681) -> (i32)  : i32 {
        %mul3A_690 = arith.constant 4 : i32
        %mul3A_691 = arith.muli %scan3A_688, %mul3A_690 : i32
        %add3A_692 = arith.constant 0 : i32
        %add3A_693 = arith.addi %mul3A_691, %add3A_692 : i32
        %mul3A_694 = arith.constant 16 : i32
        %mul3A_695 = arith.muli %add3A_693, %mul3A_694 : i32
        %get3A = arith.index_cast %scan3A_679 : i32 to index
        %get3A_696 = arith.index_cast %mul3A_695 : i32 to index
        %get3A_697 = tpu.vector_load %arg8[%get3A, %get3A_696] {strides = array<i32>} : memref<16x1024xf32, #tpu.memory_space<vmem>>, vector<1x16xf32>,
        %get3A_698 = vector.shape_cast %get3A_697 : vector<1x16xf32> to vector<16xf32>
        %mul3A_699 = arith.constant 3.200000e+01 : f32
        %mul3A_700 = vector.broadcast %mul3A_699 : f32 to vector<16xf32>
        %mul3A_701 = arith.mulf %get3A_698, %mul3A_700 : vector<16xf32>
        %get3A_702 = arith.index_cast %scan3A_679 : i32 to index
        %get3A_703 = arith.index_cast %mul3A_695 : i32 to index
        %get3A_704 = tpu.vector_load %arg12[%get3A_702, %get3A_703] {strides = array<i32>} : memref<16x1024xf32, #tpu.memory_space<vmem>>, vector<1x16xf32>,
        %get3A_705 = vector.shape_cast %get3A_704 : vector<1x16xf32> to vector<16xf32>
        %add3A_706 = arith.addf %mul3A_701, %get3A_705 : vector<16xf32>
        %swap3A = arith.index_cast %scan3A_679 : i32 to index
        %swap3A_707 = arith.index_cast %mul3A_695 : i32 to index
        %swap3A_708 = tpu.vector_load %arg8[%swap3A, %swap3A_707] {strides = array<i32>} : memref<16x1024xf32, #tpu.memory_space<vmem>>, vector<1x16xf32>,
        %swap3A_709 = vector.shape_cast %swap3A_708 : vector<1x16xf32> to vector<16xf32>
        %swap3A_710 = vector.shape_cast %add3A_706 : vector<16xf32> to vector<1x16xf32>
        tpu.vector_store %arg8[%swap3A, %swap3A_707], %swap3A_710 {strides = array<i32>} : memref<16x1024xf32, #tpu.memory_space<vmem>>, vector<1x16xf32>,
        %mul3A_711 = arith.constant 4 : i32
        %mul3A_712 = arith.muli %scan3A_688, %mul3A_711 : i32
        %add3A_713 = arith.constant 1 : i32
        %add3A_714 = arith.addi %mul3A_712, %add3A_713 : i32
        %mul3A_715 = arith.constant 16 : i32
        %mul3A_716 = arith.muli %add3A_714, %mul3A_715 : i32
        %get3A_717 = arith.index_cast %scan3A_679 : i32 to index
        %get3A_718 = arith.index_cast %mul3A_716 : i32 to index
        %get3A_719 = tpu.vector_load %arg8[%get3A_717, %get3A_718] {strides = array<i32>} : memref<16x1024xf32, #tpu.memory_space<vmem>>, vector<1x16xf32>,
        %get3A_720 = vector.shape_cast %get3A_719 : vector<1x16xf32> to vector<16xf32>
        %mul3A_721 = arith.constant 3.200000e+01 : f32
        %mul3A_722 = vector.broadcast %mul3A_721 : f32 to vector<16xf32>
        %mul3A_723 = arith.mulf %get3A_720, %mul3A_722 : vector<16xf32>
        %get3A_724 = arith.index_cast %scan3A_679 : i32 to index
        %get3A_725 = arith.index_cast %mul3A_716 : i32 to index
        %get3A_726 = tpu.vector_load %arg12[%get3A_724, %get3A_725] {strides = array<i32>} : memref<16x1024xf32, #tpu.memory_space<vmem>>, vector<1x16xf32>,
        %get3A_727 = vector.shape_cast %get3A_726 : vector<1x16xf32> to vector<16xf32>
        %add3A_728 = arith.addf %mul3A_723, %get3A_727 : vector<16xf32>
        %swap3A_729 = arith.index_cast %scan3A_679 : i32 to index
        %swap3A_730 = arith.index_cast %mul3A_716 : i32 to index
        %swap3A_731 = tpu.vector_load %arg8[%swap3A_729, %swap3A_730] {strides = array<i32>} : memref<16x1024xf32, #tpu.memory_space<vmem>>, vector<1x16xf32>,
        %swap3A_732 = vector.shape_cast %swap3A_731 : vector<1x16xf32> to vector<16xf32>
        %swap3A_733 = vector.shape_cast %add3A_728 : vector<16xf32> to vector<1x16xf32>
        tpu.vector_store %arg8[%swap3A_729, %swap3A_730], %swap3A_733 {strides = array<i32>} : memref<16x1024xf32, #tpu.memory_space<vmem>>, vector<1x16xf32>,
        %mul3A_734 = arith.constant 4 : i32
        %mul3A_735 = arith.muli %scan3A_688, %mul3A_734 : i32
        %add3A_736 = arith.constant 2 : i32
        %add3A_737 = arith.addi %mul3A_735, %add3A_736 : i32
        %mul3A_738 = arith.constant 16 : i32
        %mul3A_739 = arith.muli %add3A_737, %mul3A_738 : i32
        %get3A_740 = arith.index_cast %scan3A_679 : i32 to index
        %get3A_741 = arith.index_cast %mul3A_739 : i32 to index
        %get3A_742 = tpu.vector_load %arg8[%get3A_740, %get3A_741] {strides = array<i32>} : memref<16x1024xf32, #tpu.memory_space<vmem>>, vector<1x16xf32>,
        %get3A_743 = vector.shape_cast %get3A_742 : vector<1x16xf32> to vector<16xf32>
        %mul3A_744 = arith.constant 3.200000e+01 : f32
        %mul3A_745 = vector.broadcast %mul3A_744 : f32 to vector<16xf32>
        %mul3A_746 = arith.mulf %get3A_743, %mul3A_745 : vector<16xf32>
        %get3A_747 = arith.index_cast %scan3A_679 : i32 to index
        %get3A_748 = arith.index_cast %mul3A_739 : i32 to index
        %get3A_749 = tpu.vector_load %arg12[%get3A_747, %get3A_748] {strides = array<i32>} : memref<16x1024xf32, #tpu.memory_space<vmem>>, vector<1x16xf32>,
        %get3A_750 = vector.shape_cast %get3A_749 : vector<1x16xf32> to vector<16xf32>
        %add3A_751 = arith.addf %mul3A_746, %get3A_750 : vector<16xf32>
        %swap3A_752 = arith.index_cast %scan3A_679 : i32 to index
        %swap3A_753 = arith.index_cast %mul3A_739 : i32 to index
        %swap3A_754 = tpu.vector_load %arg8[%swap3A_752, %swap3A_753] {strides = array<i32>} : memref<16x1024xf32, #tpu.memory_space<vmem>>, vector<1x16xf32>,
        %swap3A_755 = vector.shape_cast %swap3A_754 : vector<1x16xf32> to vector<16xf32>
        %swap3A_756 = vector.shape_cast %add3A_751 : vector<16xf32> to vector<1x16xf32>
        tpu.vector_store %arg8[%swap3A_752, %swap3A_753], %swap3A_756 {strides = array<i32>} : memref<16x1024xf32, #tpu.memory_space<vmem>>, vector<1x16xf32>,
        %mul3A_757 = arith.constant 4 : i32
        %mul3A_758 = arith.muli %scan3A_688, %mul3A_757 : i32
        %add3A_759 = arith.constant 3 : i32
        %add3A_760 = arith.addi %mul3A_758, %add3A_759 : i32
        %mul3A_761 = arith.constant 16 : i32
        %mul3A_762 = arith.muli %add3A_760, %mul3A_761 : i32
        %get3A_763 = arith.index_cast %scan3A_679 : i32 to index
        %get3A_764 = arith.index_cast %mul3A_762 : i32 to index
        %get3A_765 = tpu.vector_load %arg8[%get3A_763, %get3A_764] {strides = array<i32>} : memref<16x1024xf32, #tpu.memory_space<vmem>>, vector<1x16xf32>,
        %get3A_766 = vector.shape_cast %get3A_765 : vector<1x16xf32> to vector<16xf32>
        %mul3A_767 = arith.constant 3.200000e+01 : f32
        %mul3A_768 = vector.broadcast %mul3A_767 : f32 to vector<16xf32>
        %mul3A_769 = arith.mulf %get3A_766, %mul3A_768 : vector<16xf32>
        %get3A_770 = arith.index_cast %scan3A_679 : i32 to index
        %get3A_771 = arith.index_cast %mul3A_762 : i32 to index
        %get3A_772 = tpu.vector_load %arg12[%get3A_770, %get3A_771] {strides = array<i32>} : memref<16x1024xf32, #tpu.memory_space<vmem>>, vector<1x16xf32>,
        %get3A_773 = vector.shape_cast %get3A_772 : vector<1x16xf32> to vector<16xf32>
        %add3A_774 = arith.addf %mul3A_769, %get3A_773 : vector<16xf32>
        %swap3A_775 = arith.index_cast %scan3A_679 : i32 to index
        %swap3A_776 = arith.index_cast %mul3A_762 : i32 to index
        %swap3A_777 = tpu.vector_load %arg8[%swap3A_775, %swap3A_776] {strides = array<i32>} : memref<16x1024xf32, #tpu.memory_space<vmem>>, vector<1x16xf32>,
        %swap3A_778 = vector.shape_cast %swap3A_777 : vector<1x16xf32> to vector<16xf32>
        %swap3A_779 = vector.shape_cast %add3A_774 : vector<16xf32> to vector<1x16xf32>
        tpu.vector_store %arg8[%swap3A_775, %swap3A_776], %swap3A_779 {strides = array<i32>} : memref<16x1024xf32, #tpu.memory_space<vmem>>, vector<1x16xf32>,
        %scan3A_780 = arith.constant 0 : i32
        scf.yield %scan3A_780 : i32
      }
      %scan3A_687 = arith.constant 16 : i32
      scf.yield %scan3A_686 : i32
    }
    %scan3A_96 = arith.constant 16 : i32
    %add3A_97 = arith.constant 0 : i32
    %add3A_98 = arith.addi %mul3A_2, %add3A_97 : i32
    %dma_start3A_99 = arith.constant 1 : i32
    %dma_start3A_100 = arith.constant 0 : i32
    %dma_start3A_101 = tpu.memref_slice %arg5[%dma_start3A_99, %add3A_98, %dma_start3A_100] : memref<4x2048x1024xf32, #tpu.memory_space<hbm>> -> memref<1x16x1024xf32, #tpu.memory_space<hbm>>
    %dma_start3A_102 = tpu.memref_squeeze %dma_start3A_101 : memref<1x16x1024xf32, #tpu.memory_space<hbm>> -> memref<16x1024xf32, #tpu.memory_space<hbm>>
    %dma_start3A_103 = arith.constant 0 : i32
    %dma_start3A_104 = tpu.memref_slice %arg5[%dma_start3A_99, %add3A_98, %dma_start3A_103] : memref<4x2048x1024xf32, #tpu.memory_space<hbm>> -> memref<1x16x1024xf32, #tpu.memory_space<hbm>>
    %dma_start3A_105 = tpu.memref_squeeze %dma_start3A_104 : memref<1x16x1024xf32, #tpu.memory_space<hbm>> -> memref<16x1024xf32, #tpu.memory_space<hbm>>
    tpu.enqueue_dma source(%arg8 : memref<16x1024xf32, #tpu.memory_space<vmem>>) target(%dma_start3A_105 : memref<16x1024xf32, #tpu.memory_space<hbm>>) target_semaphore(%arg20 : memref<!tpu.dma_semaphore, #tpu.memory_space<semaphore_mem>>)
    %add3A_106 = arith.constant 0 : i32
    %add3A_107 = arith.addi %mul3A_2, %add3A_106 : i32
    %dma_wait3A_108 = arith.constant 0 : i32
    %dma_wait3A_109 = arith.constant 0 : i32
    %dma_wait3A_110 = tpu.memref_slice %arg5[%dma_wait3A_108, %add3A_107, %dma_wait3A_109] : memref<4x2048x1024xf32, #tpu.memory_space<hbm>> -> memref<1x16x1024xf32, #tpu.memory_space<hbm>>
    %dma_wait3A_111 = tpu.memref_squeeze %dma_wait3A_110 : memref<1x16x1024xf32, #tpu.memory_space<hbm>> -> memref<16x1024xf32, #tpu.memory_space<hbm>>
    %dma_wait3A_112 = arith.constant 0 : i32
    %dma_wait3A_113 = tpu.memref_slice %arg5[%dma_wait3A_108, %add3A_107, %dma_wait3A_112] : memref<4x2048x1024xf32, #tpu.memory_space<hbm>> -> memref<1x16x1024xf32, #tpu.memory_space<hbm>>
    %dma_wait3A_114 = tpu.memref_squeeze %dma_wait3A_113 : memref<1x16x1024xf32, #tpu.memory_space<hbm>> -> memref<16x1024xf32, #tpu.memory_space<hbm>>
    tpu.wait_dma2 semaphore(%arg19 : memref<!tpu.dma_semaphore, #tpu.memory_space<semaphore_mem>>) src(%arg7 : memref<16x1024xf32, #tpu.memory_space<vmem>>) dst(%dma_wait3A_114 : memref<16x1024xf32, #tpu.memory_space<hbm>>)
    %dma_start3A_115 = arith.constant 1 : i32
    %dma_start3A_116 = arith.constant 16 : i32
    %dma_start3A_117 = tpu.memref_slice %arg6[%dma_start3A_115, %dma_start3A_116] : memref<4x64xi32, #tpu.memory_space<vmem>> -> memref<1x16xi32, #tpu.memory_space<vmem>>
    %dma_start3A_118 = tpu.memref_squeeze %dma_start3A_117 : memref<1x16xi32, #tpu.memory_space<vmem>> -> memref<16xi32, #tpu.memory_space<vmem>>
    %dma_start3A_119 = arith.constant 0 : i32
    %dma_start3A_120 = arith.constant 0 : i32
    %dma_start3A_121 = tpu.memref_slice %arg3[%dma_start3A_119, %dma_start3A_120] : memref<100000x1024xf32, #tpu.memory_space<hbm>> -> memref<100000x1024xf32, #tpu.memory_space<hbm>>
    tpu.enqueue_indirect_dma source(%dma_start3A_121 : memref<100000x1024xf32, #tpu.memory_space<hbm>>) target(%arg7 : memref<16x1024xf32, #tpu.memory_space<vmem>>) offsets(%dma_start3A_118 : memref<16xi32, #tpu.memory_space<vmem>>) semaphore(%arg14 : memref<!tpu.dma_semaphore, #tpu.memory_space<semaphore_mem>>)
    %dma_wait3A_122 = arith.constant 2 : i32
    %dma_wait3A_123 = arith.constant 0 : i32
    %dma_wait3A_124 = tpu.memref_slice %arg6[%dma_wait3A_122, %dma_wait3A_123] : memref<4x64xi32, #tpu.memory_space<vmem>> -> memref<1x16xi32, #tpu.memory_space<vmem>>
    %dma_wait3A_125 = tpu.memref_squeeze %dma_wait3A_124 : memref<1x16xi32, #tpu.memory_space<vmem>> -> memref<16xi32, #tpu.memory_space<vmem>>
    %dma_wait3A_126 = arith.constant 0 : i32
    %dma_wait3A_127 = arith.constant 0 : i32
    %dma_wait3A_128 = tpu.memref_slice %arg3[%dma_wait3A_126, %dma_wait3A_127] : memref<100000x1024xf32, #tpu.memory_space<hbm>> -> memref<100000x1024xf32, #tpu.memory_space<hbm>>
    tpu.wait_indirect_dma semaphore(%arg16 : memref<!tpu.dma_semaphore, #tpu.memory_space<semaphore_mem>>) src(%dma_wait3A_128 : memref<100000x1024xf32, #tpu.memory_space<hbm>>) dst(%arg9 : memref<16x1024xf32, #tpu.memory_space<vmem>>)
    %scan3A_129 = arith.constant 0 : i32
    %scan3A_130 = arith.constant 0 : i32
    %scan3A_131 = arith.constant 16 : i32
    %scan3A_132 = arith.addi %scan3A_130, %scan3A_131 : i32
    %scan3A_133 = arith.constant 1 : i32
    %scan3A_134 = scf.for %scan3A_679 = %scan3A_130 to %scan3A_132 step %scan3A_133 iter_args(%scan3A_680 = %scan3A_129) -> (i32)  : i32 {
      %scan3A_681 = arith.constant 0 : i32
      %scan3A_682 = arith.constant 0 : i32
      %scan3A_683 = arith.constant 16 : i32
      %scan3A_684 = arith.addi %scan3A_682, %scan3A_683 : i32
      %scan3A_685 = arith.constant 1 : i32
      %scan3A_686 = scf.for %scan3A_688 = %scan3A_682 to %scan3A_684 step %scan3A_685 iter_args(%scan3A_689 = %scan3A_681) -> (i32)  : i32 {
        %mul3A_690 = arith.constant 4 : i32
        %mul3A_691 = arith.muli %scan3A_688, %mul3A_690 : i32
        %add3A_692 = arith.constant 0 : i32
        %add3A_693 = arith.addi %mul3A_691, %add3A_692 : i32
        %mul3A_694 = arith.constant 16 : i32
        %mul3A_695 = arith.muli %add3A_693, %mul3A_694 : i32
        %get3A = arith.index_cast %scan3A_679 : i32 to index
        %get3A_696 = arith.index_cast %mul3A_695 : i32 to index
        %get3A_697 = tpu.vector_load %arg9[%get3A, %get3A_696] {strides = array<i32>} : memref<16x1024xf32, #tpu.memory_space<vmem>>, vector<1x16xf32>,
        %get3A_698 = vector.shape_cast %get3A_697 : vector<1x16xf32> to vector<16xf32>
        %mul3A_699 = arith.constant 3.200000e+01 : f32
        %mul3A_700 = vector.broadcast %mul3A_699 : f32 to vector<16xf32>
        %mul3A_701 = arith.mulf %get3A_698, %mul3A_700 : vector<16xf32>
        %get3A_702 = arith.index_cast %scan3A_679 : i32 to index
        %get3A_703 = arith.index_cast %mul3A_695 : i32 to index
        %get3A_704 = tpu.vector_load %arg12[%get3A_702, %get3A_703] {strides = array<i32>} : memref<16x1024xf32, #tpu.memory_space<vmem>>, vector<1x16xf32>,
        %get3A_705 = vector.shape_cast %get3A_704 : vector<1x16xf32> to vector<16xf32>
        %add3A_706 = arith.addf %mul3A_701, %get3A_705 : vector<16xf32>
        %swap3A = arith.index_cast %scan3A_679 : i32 to index
        %swap3A_707 = arith.index_cast %mul3A_695 : i32 to index
        %swap3A_708 = tpu.vector_load %arg9[%swap3A, %swap3A_707] {strides = array<i32>} : memref<16x1024xf32, #tpu.memory_space<vmem>>, vector<1x16xf32>,
        %swap3A_709 = vector.shape_cast %swap3A_708 : vector<1x16xf32> to vector<16xf32>
        %swap3A_710 = vector.shape_cast %add3A_706 : vector<16xf32> to vector<1x16xf32>
        tpu.vector_store %arg9[%swap3A, %swap3A_707], %swap3A_710 {strides = array<i32>} : memref<16x1024xf32, #tpu.memory_space<vmem>>, vector<1x16xf32>,
        %mul3A_711 = arith.constant 4 : i32
        %mul3A_712 = arith.muli %scan3A_688, %mul3A_711 : i32
        %add3A_713 = arith.constant 1 : i32
        %add3A_714 = arith.addi %mul3A_712, %add3A_713 : i32
        %mul3A_715 = arith.constant 16 : i32
        %mul3A_716 = arith.muli %add3A_714, %mul3A_715 : i32
        %get3A_717 = arith.index_cast %scan3A_679 : i32 to index
        %get3A_718 = arith.index_cast %mul3A_716 : i32 to index
        %get3A_719 = tpu.vector_load %arg9[%get3A_717, %get3A_718] {strides = array<i32>} : memref<16x1024xf32, #tpu.memory_space<vmem>>, vector<1x16xf32>,
        %get3A_720 = vector.shape_cast %get3A_719 : vector<1x16xf32> to vector<16xf32>
        %mul3A_721 = arith.constant 3.200000e+01 : f32
        %mul3A_722 = vector.broadcast %mul3A_721 : f32 to vector<16xf32>
        %mul3A_723 = arith.mulf %get3A_720, %mul3A_722 : vector<16xf32>
        %get3A_724 = arith.index_cast %scan3A_679 : i32 to index
        %get3A_725 = arith.index_cast %mul3A_716 : i32 to index
        %get3A_726 = tpu.vector_load %arg12[%get3A_724, %get3A_725] {strides = array<i32>} : memref<16x1024xf32, #tpu.memory_space<vmem>>, vector<1x16xf32>,
        %get3A_727 = vector.shape_cast %get3A_726 : vector<1x16xf32> to vector<16xf32>
        %add3A_728 = arith.addf %mul3A_723, %get3A_727 : vector<16xf32>
        %swap3A_729 = arith.index_cast %scan3A_679 : i32 to index
        %swap3A_730 = arith.index_cast %mul3A_716 : i32 to index
        %swap3A_731 = tpu.vector_load %arg9[%swap3A_729, %swap3A_730] {strides = array<i32>} : memref<16x1024xf32, #tpu.memory_space<vmem>>, vector<1x16xf32>,
        %swap3A_732 = vector.shape_cast %swap3A_731 : vector<1x16xf32> to vector<16xf32>
        %swap3A_733 = vector.shape_cast %add3A_728 : vector<16xf32> to vector<1x16xf32>
        tpu.vector_store %arg9[%swap3A_729, %swap3A_730], %swap3A_733 {strides = array<i32>} : memref<16x1024xf32, #tpu.memory_space<vmem>>, vector<1x16xf32>,
        %mul3A_734 = arith.constant 4 : i32
        %mul3A_735 = arith.muli %scan3A_688, %mul3A_734 : i32
        %add3A_736 = arith.constant 2 : i32
        %add3A_737 = arith.addi %mul3A_735, %add3A_736 : i32
        %mul3A_738 = arith.constant 16 : i32
        %mul3A_739 = arith.muli %add3A_737, %mul3A_738 : i32
        %get3A_740 = arith.index_cast %scan3A_679 : i32 to index
        %get3A_741 = arith.index_cast %mul3A_739 : i32 to index
        %get3A_742 = tpu.vector_load %arg9[%get3A_740, %get3A_741] {strides = array<i32>} : memref<16x1024xf32, #tpu.memory_space<vmem>>, vector<1x16xf32>,
        %get3A_743 = vector.shape_cast %get3A_742 : vector<1x16xf32> to vector<16xf32>
        %mul3A_744 = arith.constant 3.200000e+01 : f32
        %mul3A_745 = vector.broadcast %mul3A_744 : f32 to vector<16xf32>
        %mul3A_746 = arith.mulf %get3A_743, %mul3A_745 : vector<16xf32>
        %get3A_747 = arith.index_cast %scan3A_679 : i32 to index
        %get3A_748 = arith.index_cast %mul3A_739 : i32 to index
        %get3A_749 = tpu.vector_load %arg12[%get3A_747, %get3A_748] {strides = array<i32>} : memref<16x1024xf32, #tpu.memory_space<vmem>>, vector<1x16xf32>,
        %get3A_750 = vector.shape_cast %get3A_749 : vector<1x16xf32> to vector<16xf32>
        %add3A_751 = arith.addf %mul3A_746, %get3A_750 : vector<16xf32>
        %swap3A_752 = arith.index_cast %scan3A_679 : i32 to index
        %swap3A_753 = arith.index_cast %mul3A_739 : i32 to index
        %swap3A_754 = tpu.vector_load %arg9[%swap3A_752, %swap3A_753] {strides = array<i32>} : memref<16x1024xf32, #tpu.memory_space<vmem>>, vector<1x16xf32>,
        %swap3A_755 = vector.shape_cast %swap3A_754 : vector<1x16xf32> to vector<16xf32>
        %swap3A_756 = vector.shape_cast %add3A_751 : vector<16xf32> to vector<1x16xf32>
        tpu.vector_store %arg9[%swap3A_752, %swap3A_753], %swap3A_756 {strides = array<i32>} : memref<16x1024xf32, #tpu.memory_space<vmem>>, vector<1x16xf32>,
        %mul3A_757 = arith.constant 4 : i32
        %mul3A_758 = arith.muli %scan3A_688, %mul3A_757 : i32
        %add3A_759 = arith.constant 3 : i32
        %add3A_760 = arith.addi %mul3A_758, %add3A_759 : i32
        %mul3A_761 = arith.constant 16 : i32
        %mul3A_762 = arith.muli %add3A_760, %mul3A_761 : i32
        %get3A_763 = arith.index_cast %scan3A_679 : i32 to index
        %get3A_764 = arith.index_cast %mul3A_762 : i32 to index
        %get3A_765 = tpu.vector_load %arg9[%get3A_763, %get3A_764] {strides = array<i32>} : memref<16x1024xf32, #tpu.memory_space<vmem>>, vector<1x16xf32>,
        %get3A_766 = vector.shape_cast %get3A_765 : vector<1x16xf32> to vector<16xf32>
        %mul3A_767 = arith.constant 3.200000e+01 : f32
        %mul3A_768 = vector.broadcast %mul3A_767 : f32 to vector<16xf32>
        %mul3A_769 = arith.mulf %get3A_766, %mul3A_768 : vector<16xf32>
        %get3A_770 = arith.index_cast %scan3A_679 : i32 to index
        %get3A_771 = arith.index_cast %mul3A_762 : i32 to index
        %get3A_772 = tpu.vector_load %arg12[%get3A_770, %get3A_771] {strides = array<i32>} : memref<16x1024xf32, #tpu.memory_space<vmem>>, vector<1x16xf32>,
        %get3A_773 = vector.shape_cast %get3A_772 : vector<1x16xf32> to vector<16xf32>
        %add3A_774 = arith.addf %mul3A_769, %get3A_773 : vector<16xf32>
        %swap3A_775 = arith.index_cast %scan3A_679 : i32 to index
        %swap3A_776 = arith.index_cast %mul3A_762 : i32 to index
        %swap3A_777 = tpu.vector_load %arg9[%swap3A_775, %swap3A_776] {strides = array<i32>} : memref<16x1024xf32, #tpu.memory_space<vmem>>, vector<1x16xf32>,
        %swap3A_778 = vector.shape_cast %swap3A_777 : vector<1x16xf32> to vector<16xf32>
        %swap3A_779 = vector.shape_cast %add3A_774 : vector<16xf32> to vector<1x16xf32>
        tpu.vector_store %arg9[%swap3A_775, %swap3A_776], %swap3A_779 {strides = array<i32>} : memref<16x1024xf32, #tpu.memory_space<vmem>>, vector<1x16xf32>,
        %scan3A_780 = arith.constant 0 : i32
        scf.yield %scan3A_780 : i32
      }
      %scan3A_687 = arith.constant 16 : i32
      scf.yield %scan3A_686 : i32
    }
    %scan3A_135 = arith.constant 16 : i32
    %add3A_136 = arith.constant 0 : i32
    %add3A_137 = arith.addi %mul3A_2, %add3A_136 : i32
    %dma_start3A_138 = arith.constant 2 : i32
    %dma_start3A_139 = arith.constant 0 : i32
    %dma_start3A_140 = tpu.memref_slice %arg5[%dma_start3A_138, %add3A_137, %dma_start3A_139] : memref<4x2048x1024xf32, #tpu.memory_space<hbm>> -> memref<1x16x1024xf32, #tpu.memory_space<hbm>>
    %dma_start3A_141 = tpu.memref_squeeze %dma_start3A_140 : memref<1x16x1024xf32, #tpu.memory_space<hbm>> -> memref<16x1024xf32, #tpu.memory_space<hbm>>
    %dma_start3A_142 = arith.constant 0 : i32
    %dma_start3A_143 = tpu.memref_slice %arg5[%dma_start3A_138, %add3A_137, %dma_start3A_142] : memref<4x2048x1024xf32, #tpu.memory_space<hbm>> -> memref<1x16x1024xf32, #tpu.memory_space<hbm>>
    %dma_start3A_144 = tpu.memref_squeeze %dma_start3A_143 : memref<1x16x1024xf32, #tpu.memory_space<hbm>> -> memref<16x1024xf32, #tpu.memory_space<hbm>>
    tpu.enqueue_dma source(%arg9 : memref<16x1024xf32, #tpu.memory_space<vmem>>) target(%dma_start3A_144 : memref<16x1024xf32, #tpu.memory_space<hbm>>) target_semaphore(%arg21 : memref<!tpu.dma_semaphore, #tpu.memory_space<semaphore_mem>>)
    %add3A_145 = arith.constant 0 : i32
    %add3A_146 = arith.addi %mul3A_2, %add3A_145 : i32
    %dma_wait3A_147 = arith.constant 1 : i32
    %dma_wait3A_148 = arith.constant 0 : i32
    %dma_wait3A_149 = tpu.memref_slice %arg5[%dma_wait3A_147, %add3A_146, %dma_wait3A_148] : memref<4x2048x1024xf32, #tpu.memory_space<hbm>> -> memref<1x16x1024xf32, #tpu.memory_space<hbm>>
    %dma_wait3A_150 = tpu.memref_squeeze %dma_wait3A_149 : memref<1x16x1024xf32, #tpu.memory_space<hbm>> -> memref<16x1024xf32, #tpu.memory_space<hbm>>
    %dma_wait3A_151 = arith.constant 0 : i32
    %dma_wait3A_152 = tpu.memref_slice %arg5[%dma_wait3A_147, %add3A_146, %dma_wait3A_151] : memref<4x2048x1024xf32, #tpu.memory_space<hbm>> -> memref<1x16x1024xf32, #tpu.memory_space<hbm>>
    %dma_wait3A_153 = tpu.memref_squeeze %dma_wait3A_152 : memref<1x16x1024xf32, #tpu.memory_space<hbm>> -> memref<16x1024xf32, #tpu.memory_space<hbm>>
    tpu.wait_dma2 semaphore(%arg20 : memref<!tpu.dma_semaphore, #tpu.memory_space<semaphore_mem>>) src(%arg8 : memref<16x1024xf32, #tpu.memory_space<vmem>>) dst(%dma_wait3A_153 : memref<16x1024xf32, #tpu.memory_space<hbm>>)
    %dma_start3A_154 = arith.constant 2 : i32
    %dma_start3A_155 = arith.constant 16 : i32
    %dma_start3A_156 = tpu.memref_slice %arg6[%dma_start3A_154, %dma_start3A_155] : memref<4x64xi32, #tpu.memory_space<vmem>> -> memref<1x16xi32, #tpu.memory_space<vmem>>
    %dma_start3A_157 = tpu.memref_squeeze %dma_start3A_156 : memref<1x16xi32, #tpu.memory_space<vmem>> -> memref<16xi32, #tpu.memory_space<vmem>>
    %dma_start3A_158 = arith.constant 0 : i32
    %dma_start3A_159 = arith.constant 0 : i32
    %dma_start3A_160 = tpu.memref_slice %arg3[%dma_start3A_158, %dma_start3A_159] : memref<100000x1024xf32, #tpu.memory_space<hbm>> -> memref<100000x1024xf32, #tpu.memory_space<hbm>>
    tpu.enqueue_indirect_dma source(%dma_start3A_160 : memref<100000x1024xf32, #tpu.memory_space<hbm>>) target(%arg8 : memref<16x1024xf32, #tpu.memory_space<vmem>>) offsets(%dma_start3A_157 : memref<16xi32, #tpu.memory_space<vmem>>) semaphore(%arg15 : memref<!tpu.dma_semaphore, #tpu.memory_space<semaphore_mem>>)
    %dma_wait3A_161 = arith.constant 3 : i32
    %dma_wait3A_162 = arith.constant 0 : i32
    %dma_wait3A_163 = tpu.memref_slice %arg6[%dma_wait3A_161, %dma_wait3A_162] : memref<4x64xi32, #tpu.memory_space<vmem>> -> memref<1x16xi32, #tpu.memory_space<vmem>>
    %dma_wait3A_164 = tpu.memref_squeeze %dma_wait3A_163 : memref<1x16xi32, #tpu.memory_space<vmem>> -> memref<16xi32, #tpu.memory_space<vmem>>
    %dma_wait3A_165 = arith.constant 0 : i32
    %dma_wait3A_166 = arith.constant 0 : i32
    %dma_wait3A_167 = tpu.memref_slice %arg3[%dma_wait3A_165, %dma_wait3A_166] : memref<100000x1024xf32, #tpu.memory_space<hbm>> -> memref<100000x1024xf32, #tpu.memory_space<hbm>>
    tpu.wait_indirect_dma semaphore(%arg17 : memref<!tpu.dma_semaphore, #tpu.memory_space<semaphore_mem>>) src(%dma_wait3A_167 : memref<100000x1024xf32, #tpu.memory_space<hbm>>) dst(%arg10 : memref<16x1024xf32, #tpu.memory_space<vmem>>)
    %scan3A_168 = arith.constant 0 : i32
    %scan3A_169 = arith.constant 0 : i32
    %scan3A_170 = arith.constant 16 : i32
    %scan3A_171 = arith.addi %scan3A_169, %scan3A_170 : i32
    %scan3A_172 = arith.constant 1 : i32
    %scan3A_173 = scf.for %scan3A_679 = %scan3A_169 to %scan3A_171 step %scan3A_172 iter_args(%scan3A_680 = %scan3A_168) -> (i32)  : i32 {
      %scan3A_681 = arith.constant 0 : i32
      %scan3A_682 = arith.constant 0 : i32
      %scan3A_683 = arith.constant 16 : i32
      %scan3A_684 = arith.addi %scan3A_682, %scan3A_683 : i32
      %scan3A_685 = arith.constant 1 : i32
      %scan3A_686 = scf.for %scan3A_688 = %scan3A_682 to %scan3A_684 step %scan3A_685 iter_args(%scan3A_689 = %scan3A_681) -> (i32)  : i32 {
        %mul3A_690 = arith.constant 4 : i32
        %mul3A_691 = arith.muli %scan3A_688, %mul3A_690 : i32
        %add3A_692 = arith.constant 0 : i32
        %add3A_693 = arith.addi %mul3A_691, %add3A_692 : i32
        %mul3A_694 = arith.constant 16 : i32
        %mul3A_695 = arith.muli %add3A_693, %mul3A_694 : i32
        %get3A = arith.index_cast %scan3A_679 : i32 to index
        %get3A_696 = arith.index_cast %mul3A_695 : i32 to index
        %get3A_697 = tpu.vector_load %arg10[%get3A, %get3A_696] {strides = array<i32>} : memref<16x1024xf32, #tpu.memory_space<vmem>>, vector<1x16xf32>,
        %get3A_698 = vector.shape_cast %get3A_697 : vector<1x16xf32> to vector<16xf32>
        %mul3A_699 = arith.constant 3.200000e+01 : f32
        %mul3A_700 = vector.broadcast %mul3A_699 : f32 to vector<16xf32>
        %mul3A_701 = arith.mulf %get3A_698, %mul3A_700 : vector<16xf32>
        %get3A_702 = arith.index_cast %scan3A_679 : i32 to index
        %get3A_703 = arith.index_cast %mul3A_695 : i32 to index
        %get3A_704 = tpu.vector_load %arg12[%get3A_702, %get3A_703] {strides = array<i32>} : memref<16x1024xf32, #tpu.memory_space<vmem>>, vector<1x16xf32>,
        %get3A_705 = vector.shape_cast %get3A_704 : vector<1x16xf32> to vector<16xf32>
        %add3A_706 = arith.addf %mul3A_701, %get3A_705 : vector<16xf32>
        %swap3A = arith.index_cast %scan3A_679 : i32 to index
        %swap3A_707 = arith.index_cast %mul3A_695 : i32 to index
        %swap3A_708 = tpu.vector_load %arg10[%swap3A, %swap3A_707] {strides = array<i32>} : memref<16x1024xf32, #tpu.memory_space<vmem>>, vector<1x16xf32>,
        %swap3A_709 = vector.shape_cast %swap3A_708 : vector<1x16xf32> to vector<16xf32>
        %swap3A_710 = vector.shape_cast %add3A_706 : vector<16xf32> to vector<1x16xf32>
        tpu.vector_store %arg10[%swap3A, %swap3A_707], %swap3A_710 {strides = array<i32>} : memref<16x1024xf32, #tpu.memory_space<vmem>>, vector<1x16xf32>,
        %mul3A_711 = arith.constant 4 : i32
        %mul3A_712 = arith.muli %scan3A_688, %mul3A_711 : i32
        %add3A_713 = arith.constant 1 : i32
        %add3A_714 = arith.addi %mul3A_712, %add3A_713 : i32
        %mul3A_715 = arith.constant 16 : i32
        %mul3A_716 = arith.muli %add3A_714, %mul3A_715 : i32
        %get3A_717 = arith.index_cast %scan3A_679 : i32 to index
        %get3A_718 = arith.index_cast %mul3A_716 : i32 to index
        %get3A_719 = tpu.vector_load %arg10[%get3A_717, %get3A_718] {strides = array<i32>} : memref<16x1024xf32, #tpu.memory_space<vmem>>, vector<1x16xf32>,
        %get3A_720 = vector.shape_cast %get3A_719 : vector<1x16xf32> to vector<16xf32>
        %mul3A_721 = arith.constant 3.200000e+01 : f32
        %mul3A_722 = vector.broadcast %mul3A_721 : f32 to vector<16xf32>
        %mul3A_723 = arith.mulf %get3A_720, %mul3A_722 : vector<16xf32>
        %get3A_724 = arith.index_cast %scan3A_679 : i32 to index
        %get3A_725 = arith.index_cast %mul3A_716 : i32 to index
        %get3A_726 = tpu.vector_load %arg12[%get3A_724, %get3A_725] {strides = array<i32>} : memref<16x1024xf32, #tpu.memory_space<vmem>>, vector<1x16xf32>,
        %get3A_727 = vector.shape_cast %get3A_726 : vector<1x16xf32> to vector<16xf32>
        %add3A_728 = arith.addf %mul3A_723, %get3A_727 : vector<16xf32>
        %swap3A_729 = arith.index_cast %scan3A_679 : i32 to index
        %swap3A_730 = arith.index_cast %mul3A_716 : i32 to index
        %swap3A_731 = tpu.vector_load %arg10[%swap3A_729, %swap3A_730] {strides = array<i32>} : memref<16x1024xf32, #tpu.memory_space<vmem>>, vector<1x16xf32>,
        %swap3A_732 = vector.shape_cast %swap3A_731 : vector<1x16xf32> to vector<16xf32>
        %swap3A_733 = vector.shape_cast %add3A_728 : vector<16xf32> to vector<1x16xf32>
        tpu.vector_store %arg10[%swap3A_729, %swap3A_730], %swap3A_733 {strides = array<i32>} : memref<16x1024xf32, #tpu.memory_space<vmem>>, vector<1x16xf32>,
        %mul3A_734 = arith.constant 4 : i32
        %mul3A_735 = arith.muli %scan3A_688, %mul3A_734 : i32
        %add3A_736 = arith.constant 2 : i32
        %add3A_737 = arith.addi %mul3A_735, %add3A_736 : i32
        %mul3A_738 = arith.constant 16 : i32
        %mul3A_739 = arith.muli %add3A_737, %mul3A_738 : i32
        %get3A_740 = arith.index_cast %scan3A_679 : i32 to index
        %get3A_741 = arith.index_cast %mul3A_739 : i32 to index
        %get3A_742 = tpu.vector_load %arg10[%get3A_740, %get3A_741] {strides = array<i32>} : memref<16x1024xf32, #tpu.memory_space<vmem>>, vector<1x16xf32>,
        %get3A_743 = vector.shape_cast %get3A_742 : vector<1x16xf32> to vector<16xf32>
        %mul3A_744 = arith.constant 3.200000e+01 : f32
        %mul3A_745 = vector.broadcast %mul3A_744 : f32 to vector<16xf32>
        %mul3A_746 = arith.mulf %get3A_743, %mul3A_745 : vector<16xf32>
        %get3A_747 = arith.index_cast %scan3A_679 : i32 to index
        %get3A_748 = arith.index_cast %mul3A_739 : i32 to index
        %get3A_749 = tpu.vector_load %arg12[%get3A_747, %get3A_748] {strides = array<i32>} : memref<16x1024xf32, #tpu.memory_space<vmem>>, vector<1x16xf32>,
        %get3A_750 = vector.shape_cast %get3A_749 : vector<1x16xf32> to vector<16xf32>
        %add3A_751 = arith.addf %mul3A_746, %get3A_750 : vector<16xf32>
        %swap3A_752 = arith.index_cast %scan3A_679 : i32 to index
        %swap3A_753 = arith.index_cast %mul3A_739 : i32 to index
        %swap3A_754 = tpu.vector_load %arg10[%swap3A_752, %swap3A_753] {strides = array<i32>} : memref<16x1024xf32, #tpu.memory_space<vmem>>, vector<1x16xf32>,
        %swap3A_755 = vector.shape_cast %swap3A_754 : vector<1x16xf32> to vector<16xf32>
        %swap3A_756 = vector.shape_cast %add3A_751 : vector<16xf32> to vector<1x16xf32>
        tpu.vector_store %arg10[%swap3A_752, %swap3A_753], %swap3A_756 {strides = array<i32>} : memref<16x1024xf32, #tpu.memory_space<vmem>>, vector<1x16xf32>,
        %mul3A_757 = arith.constant 4 : i32
        %mul3A_758 = arith.muli %scan3A_688, %mul3A_757 : i32
        %add3A_759 = arith.constant 3 : i32
        %add3A_760 = arith.addi %mul3A_758, %add3A_759 : i32
        %mul3A_761 = arith.constant 16 : i32
        %mul3A_762 = arith.muli %add3A_760, %mul3A_761 : i32
        %get3A_763 = arith.index_cast %scan3A_679 : i32 to index
        %get3A_764 = arith.index_cast %mul3A_762 : i32 to index
        %get3A_765 = tpu.vector_load %arg10[%get3A_763, %get3A_764] {strides = array<i32>} : memref<16x1024xf32, #tpu.memory_space<vmem>>, vector<1x16xf32>,
        %get3A_766 = vector.shape_cast %get3A_765 : vector<1x16xf32> to vector<16xf32>
        %mul3A_767 = arith.constant 3.200000e+01 : f32
        %mul3A_768 = vector.broadcast %mul3A_767 : f32 to vector<16xf32>
        %mul3A_769 = arith.mulf %get3A_766, %mul3A_768 : vector<16xf32>
        %get3A_770 = arith.index_cast %scan3A_679 : i32 to index
        %get3A_771 = arith.index_cast %mul3A_762 : i32 to index
        %get3A_772 = tpu.vector_load %arg12[%get3A_770, %get3A_771] {strides = array<i32>} : memref<16x1024xf32, #tpu.memory_space<vmem>>, vector<1x16xf32>,
        %get3A_773 = vector.shape_cast %get3A_772 : vector<1x16xf32> to vector<16xf32>
        %add3A_774 = arith.addf %mul3A_769, %get3A_773 : vector<16xf32>
        %swap3A_775 = arith.index_cast %scan3A_679 : i32 to index
        %swap3A_776 = arith.index_cast %mul3A_762 : i32 to index
        %swap3A_777 = tpu.vector_load %arg10[%swap3A_775, %swap3A_776] {strides = array<i32>} : memref<16x1024xf32, #tpu.memory_space<vmem>>, vector<1x16xf32>,
        %swap3A_778 = vector.shape_cast %swap3A_777 : vector<1x16xf32> to vector<16xf32>
        %swap3A_779 = vector.shape_cast %add3A_774 : vector<16xf32> to vector<1x16xf32>
        tpu.vector_store %arg10[%swap3A_775, %swap3A_776], %swap3A_779 {strides = array<i32>} : memref<16x1024xf32, #tpu.memory_space<vmem>>, vector<1x16xf32>,
        %scan3A_780 = arith.constant 0 : i32
        scf.yield %scan3A_780 : i32
      }
      %scan3A_687 = arith.constant 16 : i32
      scf.yield %scan3A_686 : i32
    }
    %scan3A_174 = arith.constant 16 : i32
    %add3A_175 = arith.constant 0 : i32
    %add3A_176 = arith.addi %mul3A_2, %add3A_175 : i32
    %dma_start3A_177 = arith.constant 3 : i32
    %dma_start3A_178 = arith.constant 0 : i32
    %dma_start3A_179 = tpu.memref_slice %arg5[%dma_start3A_177, %add3A_176, %dma_start3A_178] : memref<4x2048x1024xf32, #tpu.memory_space<hbm>> -> memref<1x16x1024xf32, #tpu.memory_space<hbm>>
    %dma_start3A_180 = tpu.memref_squeeze %dma_start3A_179 : memref<1x16x1024xf32, #tpu.memory_space<hbm>> -> memref<16x1024xf32, #tpu.memory_space<hbm>>
    %dma_start3A_181 = arith.constant 0 : i32
    %dma_start3A_182 = tpu.memref_slice %arg5[%dma_start3A_177, %add3A_176, %dma_start3A_181] : memref<4x2048x1024xf32, #tpu.memory_space<hbm>> -> memref<1x16x1024xf32, #tpu.memory_space<hbm>>
    %dma_start3A_183 = tpu.memref_squeeze %dma_start3A_182 : memref<1x16x1024xf32, #tpu.memory_space<hbm>> -> memref<16x1024xf32, #tpu.memory_space<hbm>>
    tpu.enqueue_dma source(%arg10 : memref<16x1024xf32, #tpu.memory_space<vmem>>) target(%dma_start3A_183 : memref<16x1024xf32, #tpu.memory_space<hbm>>) target_semaphore(%arg22 : memref<!tpu.dma_semaphore, #tpu.memory_space<semaphore_mem>>)
    %add3A_184 = arith.constant 0 : i32
    %add3A_185 = arith.addi %mul3A_2, %add3A_184 : i32
    %dma_wait3A_186 = arith.constant 2 : i32
    %dma_wait3A_187 = arith.constant 0 : i32
    %dma_wait3A_188 = tpu.memref_slice %arg5[%dma_wait3A_186, %add3A_185, %dma_wait3A_187] : memref<4x2048x1024xf32, #tpu.memory_space<hbm>> -> memref<1x16x1024xf32, #tpu.memory_space<hbm>>
    %dma_wait3A_189 = tpu.memref_squeeze %dma_wait3A_188 : memref<1x16x1024xf32, #tpu.memory_space<hbm>> -> memref<16x1024xf32, #tpu.memory_space<hbm>>
    %dma_wait3A_190 = arith.constant 0 : i32
    %dma_wait3A_191 = tpu.memref_slice %arg5[%dma_wait3A_186, %add3A_185, %dma_wait3A_190] : memref<4x2048x1024xf32, #tpu.memory_space<hbm>> -> memref<1x16x1024xf32, #tpu.memory_space<hbm>>
    %dma_wait3A_192 = tpu.memref_squeeze %dma_wait3A_191 : memref<1x16x1024xf32, #tpu.memory_space<hbm>> -> memref<16x1024xf32, #tpu.memory_space<hbm>>
    tpu.wait_dma2 semaphore(%arg21 : memref<!tpu.dma_semaphore, #tpu.memory_space<semaphore_mem>>) src(%arg9 : memref<16x1024xf32, #tpu.memory_space<vmem>>) dst(%dma_wait3A_192 : memref<16x1024xf32, #tpu.memory_space<hbm>>)
    %dma_start3A_193 = arith.constant 3 : i32
    %dma_start3A_194 = arith.constant 16 : i32
    %dma_start3A_195 = tpu.memref_slice %arg6[%dma_start3A_193, %dma_start3A_194] : memref<4x64xi32, #tpu.memory_space<vmem>> -> memref<1x16xi32, #tpu.memory_space<vmem>>
    %dma_start3A_196 = tpu.memref_squeeze %dma_start3A_195 : memref<1x16xi32, #tpu.memory_space<vmem>> -> memref<16xi32, #tpu.memory_space<vmem>>
    %dma_start3A_197 = arith.constant 0 : i32
    %dma_start3A_198 = arith.constant 0 : i32
    %dma_start3A_199 = tpu.memref_slice %arg3[%dma_start3A_197, %dma_start3A_198] : memref<100000x1024xf32, #tpu.memory_space<hbm>> -> memref<100000x1024xf32, #tpu.memory_space<hbm>>
    tpu.enqueue_indirect_dma source(%dma_start3A_199 : memref<100000x1024xf32, #tpu.memory_space<hbm>>) target(%arg9 : memref<16x1024xf32, #tpu.memory_space<vmem>>) offsets(%dma_start3A_196 : memref<16xi32, #tpu.memory_space<vmem>>) semaphore(%arg16 : memref<!tpu.dma_semaphore, #tpu.memory_space<semaphore_mem>>)
    %add3A_200 = arith.constant 32 : i32
    %add3A_201 = arith.addi %mul3A_2, %add3A_200 : i32
    %dma_start3A_202 = arith.constant 0 : i32
    %dma_start3A_203 = tpu.memref_slice %arg4[%add3A_201, %dma_start3A_202] : memref<2048x1024xf32, #tpu.memory_space<hbm>> -> memref<16x1024xf32, #tpu.memory_space<hbm>>
    %dma_start3A_204 = arith.constant 0 : i32
    %dma_start3A_205 = tpu.memref_slice %arg4[%add3A_201, %dma_start3A_204] : memref<2048x1024xf32, #tpu.memory_space<hbm>> -> memref<16x1024xf32, #tpu.memory_space<hbm>>
    tpu.enqueue_dma source(%dma_start3A_205 : memref<16x1024xf32, #tpu.memory_space<hbm>>) target(%arg12 : memref<16x1024xf32, #tpu.memory_space<vmem>>) target_semaphore(%arg24 : memref<!tpu.dma_semaphore, #tpu.memory_space<semaphore_mem>>)
    %add3A_206 = arith.constant 16 : i32
    %add3A_207 = arith.addi %mul3A_2, %add3A_206 : i32
    %dma_wait3A_208 = arith.constant 0 : i32
    %dma_wait3A_209 = tpu.memref_slice %arg4[%add3A_207, %dma_wait3A_208] : memref<2048x1024xf32, #tpu.memory_space<hbm>> -> memref<16x1024xf32, #tpu.memory_space<hbm>>
    %dma_wait3A_210 = arith.constant 0 : i32
    %dma_wait3A_211 = tpu.memref_slice %arg4[%add3A_207, %dma_wait3A_210] : memref<2048x1024xf32, #tpu.memory_space<hbm>> -> memref<16x1024xf32, #tpu.memory_space<hbm>>
    tpu.wait_dma2 semaphore(%arg25 : memref<!tpu.dma_semaphore, #tpu.memory_space<semaphore_mem>>) src(%dma_wait3A_211 : memref<16x1024xf32, #tpu.memory_space<hbm>>) dst(%arg13 : memref<16x1024xf32, #tpu.memory_space<vmem>>)
    %dma_wait3A_212 = arith.constant 0 : i32
    %dma_wait3A_213 = arith.constant 16 : i32
    %dma_wait3A_214 = tpu.memref_slice %arg6[%dma_wait3A_212, %dma_wait3A_213] : memref<4x64xi32, #tpu.memory_space<vmem>> -> memref<1x16xi32, #tpu.memory_space<vmem>>
    %dma_wait3A_215 = tpu.memref_squeeze %dma_wait3A_214 : memref<1x16xi32, #tpu.memory_space<vmem>> -> memref<16xi32, #tpu.memory_space<vmem>>
    %dma_wait3A_216 = arith.constant 0 : i32
    %dma_wait3A_217 = arith.constant 0 : i32
    %dma_wait3A_218 = tpu.memref_slice %arg3[%dma_wait3A_216, %dma_wait3A_217] : memref<100000x1024xf32, #tpu.memory_space<hbm>> -> memref<100000x1024xf32, #tpu.memory_space<hbm>>
    tpu.wait_indirect_dma semaphore(%arg18 : memref<!tpu.dma_semaphore, #tpu.memory_space<semaphore_mem>>) src(%dma_wait3A_218 : memref<100000x1024xf32, #tpu.memory_space<hbm>>) dst(%arg11 : memref<16x1024xf32, #tpu.memory_space<vmem>>)
    %scan3A_219 = arith.constant 0 : i32
    %scan3A_220 = arith.constant 0 : i32
    %scan3A_221 = arith.constant 16 : i32
    %scan3A_222 = arith.addi %scan3A_220, %scan3A_221 : i32
    %scan3A_223 = arith.constant 1 : i32
    %scan3A_224 = scf.for %scan3A_679 = %scan3A_220 to %scan3A_222 step %scan3A_223 iter_args(%scan3A_680 = %scan3A_219) -> (i32)  : i32 {
      %scan3A_681 = arith.constant 0 : i32
      %scan3A_682 = arith.constant 0 : i32
      %scan3A_683 = arith.constant 16 : i32
      %scan3A_684 = arith.addi %scan3A_682, %scan3A_683 : i32
      %scan3A_685 = arith.constant 1 : i32
      %scan3A_686 = scf.for %scan3A_688 = %scan3A_682 to %scan3A_684 step %scan3A_685 iter_args(%scan3A_689 = %scan3A_681) -> (i32)  : i32 {
        %mul3A_690 = arith.constant 4 : i32
        %mul3A_691 = arith.muli %scan3A_688, %mul3A_690 : i32
        %add3A_692 = arith.constant 0 : i32
        %add3A_693 = arith.addi %mul3A_691, %add3A_692 : i32
        %mul3A_694 = arith.constant 16 : i32
        %mul3A_695 = arith.muli %add3A_693, %mul3A_694 : i32
        %get3A = arith.index_cast %scan3A_679 : i32 to index
        %get3A_696 = arith.index_cast %mul3A_695 : i32 to index
        %get3A_697 = tpu.vector_load %arg11[%get3A, %get3A_696] {strides = array<i32>} : memref<16x1024xf32, #tpu.memory_space<vmem>>, vector<1x16xf32>,
        %get3A_698 = vector.shape_cast %get3A_697 : vector<1x16xf32> to vector<16xf32>
        %mul3A_699 = arith.constant 3.200000e+01 : f32
        %mul3A_700 = vector.broadcast %mul3A_699 : f32 to vector<16xf32>
        %mul3A_701 = arith.mulf %get3A_698, %mul3A_700 : vector<16xf32>
        %get3A_702 = arith.index_cast %scan3A_679 : i32 to index
        %get3A_703 = arith.index_cast %mul3A_695 : i32 to index
        %get3A_704 = tpu.vector_load %arg13[%get3A_702, %get3A_703] {strides = array<i32>} : memref<16x1024xf32, #tpu.memory_space<vmem>>, vector<1x16xf32>,
        %get3A_705 = vector.shape_cast %get3A_704 : vector<1x16xf32> to vector<16xf32>
        %add3A_706 = arith.addf %mul3A_701, %get3A_705 : vector<16xf32>
        %swap3A = arith.index_cast %scan3A_679 : i32 to index
        %swap3A_707 = arith.index_cast %mul3A_695 : i32 to index
        %swap3A_708 = tpu.vector_load %arg11[%swap3A, %swap3A_707] {strides = array<i32>} : memref<16x1024xf32, #tpu.memory_space<vmem>>, vector<1x16xf32>,
        %swap3A_709 = vector.shape_cast %swap3A_708 : vector<1x16xf32> to vector<16xf32>
        %swap3A_710 = vector.shape_cast %add3A_706 : vector<16xf32> to vector<1x16xf32>
        tpu.vector_store %arg11[%swap3A, %swap3A_707], %swap3A_710 {strides = array<i32>} : memref<16x1024xf32, #tpu.memory_space<vmem>>, vector<1x16xf32>,
        %mul3A_711 = arith.constant 4 : i32
        %mul3A_712 = arith.muli %scan3A_688, %mul3A_711 : i32
        %add3A_713 = arith.constant 1 : i32
        %add3A_714 = arith.addi %mul3A_712, %add3A_713 : i32
        %mul3A_715 = arith.constant 16 : i32
        %mul3A_716 = arith.muli %add3A_714, %mul3A_715 : i32
        %get3A_717 = arith.index_cast %scan3A_679 : i32 to index
        %get3A_718 = arith.index_cast %mul3A_716 : i32 to index
        %get3A_719 = tpu.vector_load %arg11[%get3A_717, %get3A_718] {strides = array<i32>} : memref<16x1024xf32, #tpu.memory_space<vmem>>, vector<1x16xf32>,
        %get3A_720 = vector.shape_cast %get3A_719 : vector<1x16xf32> to vector<16xf32>
        %mul3A_721 = arith.constant 3.200000e+01 : f32
        %mul3A_722 = vector.broadcast %mul3A_721 : f32 to vector<16xf32>
        %mul3A_723 = arith.mulf %get3A_720, %mul3A_722 : vector<16xf32>
        %get3A_724 = arith.index_cast %scan3A_679 : i32 to index
        %get3A_725 = arith.index_cast %mul3A_716 : i32 to index
        %get3A_726 = tpu.vector_load %arg13[%get3A_724, %get3A_725] {strides = array<i32>} : memref<16x1024xf32, #tpu.memory_space<vmem>>, vector<1x16xf32>,
        %get3A_727 = vector.shape_cast %get3A_726 : vector<1x16xf32> to vector<16xf32>
        %add3A_728 = arith.addf %mul3A_723, %get3A_727 : vector<16xf32>
        %swap3A_729 = arith.index_cast %scan3A_679 : i32 to index
        %swap3A_730 = arith.index_cast %mul3A_716 : i32 to index
        %swap3A_731 = tpu.vector_load %arg11[%swap3A_729, %swap3A_730] {strides = array<i32>} : memref<16x1024xf32, #tpu.memory_space<vmem>>, vector<1x16xf32>,
        %swap3A_732 = vector.shape_cast %swap3A_731 : vector<1x16xf32> to vector<16xf32>
        %swap3A_733 = vector.shape_cast %add3A_728 : vector<16xf32> to vector<1x16xf32>
        tpu.vector_store %arg11[%swap3A_729, %swap3A_730], %swap3A_733 {strides = array<i32>} : memref<16x1024xf32, #tpu.memory_space<vmem>>, vector<1x16xf32>,
        %mul3A_734 = arith.constant 4 : i32
        %mul3A_735 = arith.muli %scan3A_688, %mul3A_734 : i32
        %add3A_736 = arith.constant 2 : i32
        %add3A_737 = arith.addi %mul3A_735, %add3A_736 : i32
        %mul3A_738 = arith.constant 16 : i32
        %mul3A_739 = arith.muli %add3A_737, %mul3A_738 : i32
        %get3A_740 = arith.index_cast %scan3A_679 : i32 to index
        %get3A_741 = arith.index_cast %mul3A_739 : i32 to index
        %get3A_742 = tpu.vector_load %arg11[%get3A_740, %get3A_741] {strides = array<i32>} : memref<16x1024xf32, #tpu.memory_space<vmem>>, vector<1x16xf32>,
        %get3A_743 = vector.shape_cast %get3A_742 : vector<1x16xf32> to vector<16xf32>
        %mul3A_744 = arith.constant 3.200000e+01 : f32
        %mul3A_745 = vector.broadcast %mul3A_744 : f32 to vector<16xf32>
        %mul3A_746 = arith.mulf %get3A_743, %mul3A_745 : vector<16xf32>
        %get3A_747 = arith.index_cast %scan3A_679 : i32 to index
        %get3A_748 = arith.index_cast %mul3A_739 : i32 to index
        %get3A_749 = tpu.vector_load %arg13[%get3A_747, %get3A_748] {strides = array<i32>} : memref<16x1024xf32, #tpu.memory_space<vmem>>, vector<1x16xf32>,
        %get3A_750 = vector.shape_cast %get3A_749 : vector<1x16xf32> to vector<16xf32>
        %add3A_751 = arith.addf %mul3A_746, %get3A_750 : vector<16xf32>
        %swap3A_752 = arith.index_cast %scan3A_679 : i32 to index
        %swap3A_753 = arith.index_cast %mul3A_739 : i32 to index
        %swap3A_754 = tpu.vector_load %arg11[%swap3A_752, %swap3A_753] {strides = array<i32>} : memref<16x1024xf32, #tpu.memory_space<vmem>>, vector<1x16xf32>,
        %swap3A_755 = vector.shape_cast %swap3A_754 : vector<1x16xf32> to vector<16xf32>
        %swap3A_756 = vector.shape_cast %add3A_751 : vector<16xf32> to vector<1x16xf32>
        tpu.vector_store %arg11[%swap3A_752, %swap3A_753], %swap3A_756 {strides = array<i32>} : memref<16x1024xf32, #tpu.memory_space<vmem>>, vector<1x16xf32>,
        %mul3A_757 = arith.constant 4 : i32
        %mul3A_758 = arith.muli %scan3A_688, %mul3A_757 : i32
        %add3A_759 = arith.constant 3 : i32
        %add3A_760 = arith.addi %mul3A_758, %add3A_759 : i32
        %mul3A_761 = arith.constant 16 : i32
        %mul3A_762 = arith.muli %add3A_760, %mul3A_761 : i32
        %get3A_763 = arith.index_cast %scan3A_679 : i32 to index
        %get3A_764 = arith.index_cast %mul3A_762 : i32 to index
        %get3A_765 = tpu.vector_load %arg11[%get3A_763, %get3A_764] {strides = array<i32>} : memref<16x1024xf32, #tpu.memory_space<vmem>>, vector<1x16xf32>,
        %get3A_766 = vector.shape_cast %get3A_765 : vector<1x16xf32> to vector<16xf32>
        %mul3A_767 = arith.constant 3.200000e+01 : f32
        %mul3A_768 = vector.broadcast %mul3A_767 : f32 to vector<16xf32>
        %mul3A_769 = arith.mulf %get3A_766, %mul3A_768 : vector<16xf32>
        %get3A_770 = arith.index_cast %scan3A_679 : i32 to index
        %get3A_771 = arith.index_cast %mul3A_762 : i32 to index
        %get3A_772 = tpu.vector_load %arg13[%get3A_770, %get3A_771] {strides = array<i32>} : memref<16x1024xf32, #tpu.memory_space<vmem>>, vector<1x16xf32>,
        %get3A_773 = vector.shape_cast %get3A_772 : vector<1x16xf32> to vector<16xf32>
        %add3A_774 = arith.addf %mul3A_769, %get3A_773 : vector<16xf32>
        %swap3A_775 = arith.index_cast %scan3A_679 : i32 to index
        %swap3A_776 = arith.index_cast %mul3A_762 : i32 to index
        %swap3A_777 = tpu.vector_load %arg11[%swap3A_775, %swap3A_776] {strides = array<i32>} : memref<16x1024xf32, #tpu.memory_space<vmem>>, vector<1x16xf32>,
        %swap3A_778 = vector.shape_cast %swap3A_777 : vector<1x16xf32> to vector<16xf32>
        %swap3A_779 = vector.shape_cast %add3A_774 : vector<16xf32> to vector<1x16xf32>
        tpu.vector_store %arg11[%swap3A_775, %swap3A_776], %swap3A_779 {strides = array<i32>} : memref<16x1024xf32, #tpu.memory_space<vmem>>, vector<1x16xf32>,
        %scan3A_780 = arith.constant 0 : i32
        scf.yield %scan3A_780 : i32
      }
      %scan3A_687 = arith.constant 16 : i32
      scf.yield %scan3A_686 : i32
    }
    %scan3A_225 = arith.constant 16 : i32
    %add3A_226 = arith.constant 16 : i32
    %add3A_227 = arith.addi %mul3A_2, %add3A_226 : i32
    %dma_start3A_228 = arith.constant 0 : i32
    %dma_start3A_229 = arith.constant 0 : i32
    %dma_start3A_230 = tpu.memref_slice %arg5[%dma_start3A_228, %add3A_227, %dma_start3A_229] : memref<4x2048x1024xf32, #tpu.memory_space<hbm>> -> memref<1x16x1024xf32, #tpu.memory_space<hbm>>
    %dma_start3A_231 = tpu.memref_squeeze %dma_start3A_230 : memref<1x16x1024xf32, #tpu.memory_space<hbm>> -> memref<16x1024xf32, #tpu.memory_space<hbm>>
    %dma_start3A_232 = arith.constant 0 : i32
    %dma_start3A_233 = tpu.memref_slice %arg5[%dma_start3A_228, %add3A_227, %dma_start3A_232] : memref<4x2048x1024xf32, #tpu.memory_space<hbm>> -> memref<1x16x1024xf32, #tpu.memory_space<hbm>>
    %dma_start3A_234 = tpu.memref_squeeze %dma_start3A_233 : memref<1x16x1024xf32, #tpu.memory_space<hbm>> -> memref<16x1024xf32, #tpu.memory_space<hbm>>
    tpu.enqueue_dma source(%arg11 : memref<16x1024xf32, #tpu.memory_space<vmem>>) target(%dma_start3A_234 : memref<16x1024xf32, #tpu.memory_space<hbm>>) target_semaphore(%arg23 : memref<!tpu.dma_semaphore, #tpu.memory_space<semaphore_mem>>)
    %add3A_235 = arith.constant 0 : i32
    %add3A_236 = arith.addi %mul3A_2, %add3A_235 : i32
    %dma_wait3A_237 = arith.constant 3 : i32
    %dma_wait3A_238 = arith.constant 0 : i32
    %dma_wait3A_239 = tpu.memref_slice %arg5[%dma_wait3A_237, %add3A_236, %dma_wait3A_238] : memref<4x2048x1024xf32, #tpu.memory_space<hbm>> -> memref<1x16x1024xf32, #tpu.memory_space<hbm>>
    %dma_wait3A_240 = tpu.memref_squeeze %dma_wait3A_239 : memref<1x16x1024xf32, #tpu.memory_space<hbm>> -> memref<16x1024xf32, #tpu.memory_space<hbm>>
    %dma_wait3A_241 = arith.constant 0 : i32
    %dma_wait3A_242 = tpu.memref_slice %arg5[%dma_wait3A_237, %add3A_236, %dma_wait3A_241] : memref<4x2048x1024xf32, #tpu.memory_space<hbm>> -> memref<1x16x1024xf32, #tpu.memory_space<hbm>>
    %dma_wait3A_243 = tpu.memref_squeeze %dma_wait3A_242 : memref<1x16x1024xf32, #tpu.memory_space<hbm>> -> memref<16x1024xf32, #tpu.memory_space<hbm>>
    tpu.wait_dma2 semaphore(%arg22 : memref<!tpu.dma_semaphore, #tpu.memory_space<semaphore_mem>>) src(%arg10 : memref<16x1024xf32, #tpu.memory_space<vmem>>) dst(%dma_wait3A_243 : memref<16x1024xf32, #tpu.memory_space<hbm>>)
    %dma_start3A_244 = arith.constant 0 : i32
    %dma_start3A_245 = arith.constant 32 : i32
    %dma_start3A_246 = tpu.memref_slice %arg6[%dma_start3A_244, %dma_start3A_245] : memref<4x64xi32, #tpu.memory_space<vmem>> -> memref<1x16xi32, #tpu.memory_space<vmem>>
    %dma_start3A_247 = tpu.memref_squeeze %dma_start3A_246 : memref<1x16xi32, #tpu.memory_space<vmem>> -> memref<16xi32, #tpu.memory_space<vmem>>
    %dma_start3A_248 = arith.constant 0 : i32
    %dma_start3A_249 = arith.constant 0 : i32
    %dma_start3A_250 = tpu.memref_slice %arg3[%dma_start3A_248, %dma_start3A_249] : memref<100000x1024xf32, #tpu.memory_space<hbm>> -> memref<100000x1024xf32, #tpu.memory_space<hbm>>
    tpu.enqueue_indirect_dma source(%dma_start3A_250 : memref<100000x1024xf32, #tpu.memory_space<hbm>>) target(%arg10 : memref<16x1024xf32, #tpu.memory_space<vmem>>) offsets(%dma_start3A_247 : memref<16xi32, #tpu.memory_space<vmem>>) semaphore(%arg17 : memref<!tpu.dma_semaphore, #tpu.memory_space<semaphore_mem>>)
    %dma_wait3A_251 = arith.constant 1 : i32
    %dma_wait3A_252 = arith.constant 16 : i32
    %dma_wait3A_253 = tpu.memref_slice %arg6[%dma_wait3A_251, %dma_wait3A_252] : memref<4x64xi32, #tpu.memory_space<vmem>> -> memref<1x16xi32, #tpu.memory_space<vmem>>
    %dma_wait3A_254 = tpu.memref_squeeze %dma_wait3A_253 : memref<1x16xi32, #tpu.memory_space<vmem>> -> memref<16xi32, #tpu.memory_space<vmem>>
    %dma_wait3A_255 = arith.constant 0 : i32
    %dma_wait3A_256 = arith.constant 0 : i32
    %dma_wait3A_257 = tpu.memref_slice %arg3[%dma_wait3A_255, %dma_wait3A_256] : memref<100000x1024xf32, #tpu.memory_space<hbm>> -> memref<100000x1024xf32, #tpu.memory_space<hbm>>
    tpu.wait_indirect_dma semaphore(%arg14 : memref<!tpu.dma_semaphore, #tpu.memory_space<semaphore_mem>>) src(%dma_wait3A_257 : memref<100000x1024xf32, #tpu.memory_space<hbm>>) dst(%arg7 : memref<16x1024xf32, #tpu.memory_space<vmem>>)
    %scan3A_258 = arith.constant 0 : i32
    %scan3A_259 = arith.constant 0 : i32
    %scan3A_260 = arith.constant 16 : i32
    %scan3A_261 = arith.addi %scan3A_259, %scan3A_260 : i32
    %scan3A_262 = arith.constant 1 : i32
    %scan3A_263 = scf.for %scan3A_679 = %scan3A_259 to %scan3A_261 step %scan3A_262 iter_args(%scan3A_680 = %scan3A_258) -> (i32)  : i32 {
      %scan3A_681 = arith.constant 0 : i32
      %scan3A_682 = arith.constant 0 : i32
      %scan3A_683 = arith.constant 16 : i32
      %scan3A_684 = arith.addi %scan3A_682, %scan3A_683 : i32
      %scan3A_685 = arith.constant 1 : i32
      %scan3A_686 = scf.for %scan3A_688 = %scan3A_682 to %scan3A_684 step %scan3A_685 iter_args(%scan3A_689 = %scan3A_681) -> (i32)  : i32 {
        %mul3A_690 = arith.constant 4 : i32
        %mul3A_691 = arith.muli %scan3A_688, %mul3A_690 : i32
        %add3A_692 = arith.constant 0 : i32
        %add3A_693 = arith.addi %mul3A_691, %add3A_692 : i32
        %mul3A_694 = arith.constant 16 : i32
        %mul3A_695 = arith.muli %add3A_693, %mul3A_694 : i32
        %get3A = arith.index_cast %scan3A_679 : i32 to index
        %get3A_696 = arith.index_cast %mul3A_695 : i32 to index
        %get3A_697 = tpu.vector_load %arg7[%get3A, %get3A_696] {strides = array<i32>} : memref<16x1024xf32, #tpu.memory_space<vmem>>, vector<1x16xf32>,
        %get3A_698 = vector.shape_cast %get3A_697 : vector<1x16xf32> to vector<16xf32>
        %mul3A_699 = arith.constant 3.200000e+01 : f32
        %mul3A_700 = vector.broadcast %mul3A_699 : f32 to vector<16xf32>
        %mul3A_701 = arith.mulf %get3A_698, %mul3A_700 : vector<16xf32>
        %get3A_702 = arith.index_cast %scan3A_679 : i32 to index
        %get3A_703 = arith.index_cast %mul3A_695 : i32 to index
        %get3A_704 = tpu.vector_load %arg13[%get3A_702, %get3A_703] {strides = array<i32>} : memref<16x1024xf32, #tpu.memory_space<vmem>>, vector<1x16xf32>,
        %get3A_705 = vector.shape_cast %get3A_704 : vector<1x16xf32> to vector<16xf32>
        %add3A_706 = arith.addf %mul3A_701, %get3A_705 : vector<16xf32>
        %swap3A = arith.index_cast %scan3A_679 : i32 to index
        %swap3A_707 = arith.index_cast %mul3A_695 : i32 to index
        %swap3A_708 = tpu.vector_load %arg7[%swap3A, %swap3A_707] {strides = array<i32>} : memref<16x1024xf32, #tpu.memory_space<vmem>>, vector<1x16xf32>,
        %swap3A_709 = vector.shape_cast %swap3A_708 : vector<1x16xf32> to vector<16xf32>
        %swap3A_710 = vector.shape_cast %add3A_706 : vector<16xf32> to vector<1x16xf32>
        tpu.vector_store %arg7[%swap3A, %swap3A_707], %swap3A_710 {strides = array<i32>} : memref<16x1024xf32, #tpu.memory_space<vmem>>, vector<1x16xf32>,
        %mul3A_711 = arith.constant 4 : i32
        %mul3A_712 = arith.muli %scan3A_688, %mul3A_711 : i32
        %add3A_713 = arith.constant 1 : i32
        %add3A_714 = arith.addi %mul3A_712, %add3A_713 : i32
        %mul3A_715 = arith.constant 16 : i32
        %mul3A_716 = arith.muli %add3A_714, %mul3A_715 : i32
        %get3A_717 = arith.index_cast %scan3A_679 : i32 to index
        %get3A_718 = arith.index_cast %mul3A_716 : i32 to index
        %get3A_719 = tpu.vector_load %arg7[%get3A_717, %get3A_718] {strides = array<i32>} : memref<16x1024xf32, #tpu.memory_space<vmem>>, vector<1x16xf32>,
        %get3A_720 = vector.shape_cast %get3A_719 : vector<1x16xf32> to vector<16xf32>
        %mul3A_721 = arith.constant 3.200000e+01 : f32
        %mul3A_722 = vector.broadcast %mul3A_721 : f32 to vector<16xf32>
        %mul3A_723 = arith.mulf %get3A_720, %mul3A_722 : vector<16xf32>
        %get3A_724 = arith.index_cast %scan3A_679 : i32 to index
        %get3A_725 = arith.index_cast %mul3A_716 : i32 to index
        %get3A_726 = tpu.vector_load %arg13[%get3A_724, %get3A_725] {strides = array<i32>} : memref<16x1024xf32, #tpu.memory_space<vmem>>, vector<1x16xf32>,
        %get3A_727 = vector.shape_cast %get3A_726 : vector<1x16xf32> to vector<16xf32>
        %add3A_728 = arith.addf %mul3A_723, %get3A_727 : vector<16xf32>
        %swap3A_729 = arith.index_cast %scan3A_679 : i32 to index
        %swap3A_730 = arith.index_cast %mul3A_716 : i32 to index
        %swap3A_731 = tpu.vector_load %arg7[%swap3A_729, %swap3A_730] {strides = array<i32>} : memref<16x1024xf32, #tpu.memory_space<vmem>>, vector<1x16xf32>,
        %swap3A_732 = vector.shape_cast %swap3A_731 : vector<1x16xf32> to vector<16xf32>
        %swap3A_733 = vector.shape_cast %add3A_728 : vector<16xf32> to vector<1x16xf32>
        tpu.vector_store %arg7[%swap3A_729, %swap3A_730], %swap3A_733 {strides = array<i32>} : memref<16x1024xf32, #tpu.memory_space<vmem>>, vector<1x16xf32>,
        %mul3A_734 = arith.constant 4 : i32
        %mul3A_735 = arith.muli %scan3A_688, %mul3A_734 : i32
        %add3A_736 = arith.constant 2 : i32
        %add3A_737 = arith.addi %mul3A_735, %add3A_736 : i32
        %mul3A_738 = arith.constant 16 : i32
        %mul3A_739 = arith.muli %add3A_737, %mul3A_738 : i32
        %get3A_740 = arith.index_cast %scan3A_679 : i32 to index
        %get3A_741 = arith.index_cast %mul3A_739 : i32 to index
        %get3A_742 = tpu.vector_load %arg7[%get3A_740, %get3A_741] {strides = array<i32>} : memref<16x1024xf32, #tpu.memory_space<vmem>>, vector<1x16xf32>,
        %get3A_743 = vector.shape_cast %get3A_742 : vector<1x16xf32> to vector<16xf32>
        %mul3A_744 = arith.constant 3.200000e+01 : f32
        %mul3A_745 = vector.broadcast %mul3A_744 : f32 to vector<16xf32>
        %mul3A_746 = arith.mulf %get3A_743, %mul3A_745 : vector<16xf32>
        %get3A_747 = arith.index_cast %scan3A_679 : i32 to index
        %get3A_748 = arith.index_cast %mul3A_739 : i32 to index
        %get3A_749 = tpu.vector_load %arg13[%get3A_747, %get3A_748] {strides = array<i32>} : memref<16x1024xf32, #tpu.memory_space<vmem>>, vector<1x16xf32>,
        %get3A_750 = vector.shape_cast %get3A_749 : vector<1x16xf32> to vector<16xf32>
        %add3A_751 = arith.addf %mul3A_746, %get3A_750 : vector<16xf32>
        %swap3A_752 = arith.index_cast %scan3A_679 : i32 to index
        %swap3A_753 = arith.index_cast %mul3A_739 : i32 to index
        %swap3A_754 = tpu.vector_load %arg7[%swap3A_752, %swap3A_753] {strides = array<i32>} : memref<16x1024xf32, #tpu.memory_space<vmem>>, vector<1x16xf32>,
        %swap3A_755 = vector.shape_cast %swap3A_754 : vector<1x16xf32> to vector<16xf32>
        %swap3A_756 = vector.shape_cast %add3A_751 : vector<16xf32> to vector<1x16xf32>
        tpu.vector_store %arg7[%swap3A_752, %swap3A_753], %swap3A_756 {strides = array<i32>} : memref<16x1024xf32, #tpu.memory_space<vmem>>, vector<1x16xf32>,
        %mul3A_757 = arith.constant 4 : i32
        %mul3A_758 = arith.muli %scan3A_688, %mul3A_757 : i32
        %add3A_759 = arith.constant 3 : i32
        %add3A_760 = arith.addi %mul3A_758, %add3A_759 : i32
        %mul3A_761 = arith.constant 16 : i32
        %mul3A_762 = arith.muli %add3A_760, %mul3A_761 : i32
        %get3A_763 = arith.index_cast %scan3A_679 : i32 to index
        %get3A_764 = arith.index_cast %mul3A_762 : i32 to index
        %get3A_765 = tpu.vector_load %arg7[%get3A_763, %get3A_764] {strides = array<i32>} : memref<16x1024xf32, #tpu.memory_space<vmem>>, vector<1x16xf32>,
        %get3A_766 = vector.shape_cast %get3A_765 : vector<1x16xf32> to vector<16xf32>
        %mul3A_767 = arith.constant 3.200000e+01 : f32
        %mul3A_768 = vector.broadcast %mul3A_767 : f32 to vector<16xf32>
        %mul3A_769 = arith.mulf %get3A_766, %mul3A_768 : vector<16xf32>
        %get3A_770 = arith.index_cast %scan3A_679 : i32 to index
        %get3A_771 = arith.index_cast %mul3A_762 : i32 to index
        %get3A_772 = tpu.vector_load %arg13[%get3A_770, %get3A_771] {strides = array<i32>} : memref<16x1024xf32, #tpu.memory_space<vmem>>, vector<1x16xf32>,
        %get3A_773 = vector.shape_cast %get3A_772 : vector<1x16xf32> to vector<16xf32>
        %add3A_774 = arith.addf %mul3A_769, %get3A_773 : vector<16xf32>
        %swap3A_775 = arith.index_cast %scan3A_679 : i32 to index
        %swap3A_776 = arith.index_cast %mul3A_762 : i32 to index
        %swap3A_777 = tpu.vector_load %arg7[%swap3A_775, %swap3A_776] {strides = array<i32>} : memref<16x1024xf32, #tpu.memory_space<vmem>>, vector<1x16xf32>,
        %swap3A_778 = vector.shape_cast %swap3A_777 : vector<1x16xf32> to vector<16xf32>
        %swap3A_779 = vector.shape_cast %add3A_774 : vector<16xf32> to vector<1x16xf32>
        tpu.vector_store %arg7[%swap3A_775, %swap3A_776], %swap3A_779 {strides = array<i32>} : memref<16x1024xf32, #tpu.memory_space<vmem>>, vector<1x16xf32>,
        %scan3A_780 = arith.constant 0 : i32
        scf.yield %scan3A_780 : i32
      }
      %scan3A_687 = arith.constant 16 : i32
      scf.yield %scan3A_686 : i32
    }
    %scan3A_264 = arith.constant 16 : i32
    %add3A_265 = arith.constant 16 : i32
    %add3A_266 = arith.addi %mul3A_2, %add3A_265 : i32
    %dma_start3A_267 = arith.constant 1 : i32
    %dma_start3A_268 = arith.constant 0 : i32
    %dma_start3A_269 = tpu.memref_slice %arg5[%dma_start3A_267, %add3A_266, %dma_start3A_268] : memref<4x2048x1024xf32, #tpu.memory_space<hbm>> -> memref<1x16x1024xf32, #tpu.memory_space<hbm>>
    %dma_start3A_270 = tpu.memref_squeeze %dma_start3A_269 : memref<1x16x1024xf32, #tpu.memory_space<hbm>> -> memref<16x1024xf32, #tpu.memory_space<hbm>>
    %dma_start3A_271 = arith.constant 0 : i32
    %dma_start3A_272 = tpu.memref_slice %arg5[%dma_start3A_267, %add3A_266, %dma_start3A_271] : memref<4x2048x1024xf32, #tpu.memory_space<hbm>> -> memref<1x16x1024xf32, #tpu.memory_space<hbm>>
    %dma_start3A_273 = tpu.memref_squeeze %dma_start3A_272 : memref<1x16x1024xf32, #tpu.memory_space<hbm>> -> memref<16x1024xf32, #tpu.memory_space<hbm>>
    tpu.enqueue_dma source(%arg7 : memref<16x1024xf32, #tpu.memory_space<vmem>>) target(%dma_start3A_273 : memref<16x1024xf32, #tpu.memory_space<hbm>>) target_semaphore(%arg19 : memref<!tpu.dma_semaphore, #tpu.memory_space<semaphore_mem>>)
    %add3A_274 = arith.constant 16 : i32
    %add3A_275 = arith.addi %mul3A_2, %add3A_274 : i32
    %dma_wait3A_276 = arith.constant 0 : i32
    %dma_wait3A_277 = arith.constant 0 : i32
    %dma_wait3A_278 = tpu.memref_slice %arg5[%dma_wait3A_276, %add3A_275, %dma_wait3A_277] : memref<4x2048x1024xf32, #tpu.memory_space<hbm>> -> memref<1x16x1024xf32, #tpu.memory_space<hbm>>
    %dma_wait3A_279 = tpu.memref_squeeze %dma_wait3A_278 : memref<1x16x1024xf32, #tpu.memory_space<hbm>> -> memref<16x1024xf32, #tpu.memory_space<hbm>>
    %dma_wait3A_280 = arith.constant 0 : i32
    %dma_wait3A_281 = tpu.memref_slice %arg5[%dma_wait3A_276, %add3A_275, %dma_wait3A_280] : memref<4x2048x1024xf32, #tpu.memory_space<hbm>> -> memref<1x16x1024xf32, #tpu.memory_space<hbm>>
    %dma_wait3A_282 = tpu.memref_squeeze %dma_wait3A_281 : memref<1x16x1024xf32, #tpu.memory_space<hbm>> -> memref<16x1024xf32, #tpu.memory_space<hbm>>
    tpu.wait_dma2 semaphore(%arg23 : memref<!tpu.dma_semaphore, #tpu.memory_space<semaphore_mem>>) src(%arg11 : memref<16x1024xf32, #tpu.memory_space<vmem>>) dst(%dma_wait3A_282 : memref<16x1024xf32, #tpu.memory_space<hbm>>)
    %dma_start3A_283 = arith.constant 1 : i32
    %dma_start3A_284 = arith.constant 32 : i32
    %dma_start3A_285 = tpu.memref_slice %arg6[%dma_start3A_283, %dma_start3A_284] : memref<4x64xi32, #tpu.memory_space<vmem>> -> memref<1x16xi32, #tpu.memory_space<vmem>>
    %dma_start3A_286 = tpu.memref_squeeze %dma_start3A_285 : memref<1x16xi32, #tpu.memory_space<vmem>> -> memref<16xi32, #tpu.memory_space<vmem>>
    %dma_start3A_287 = arith.constant 0 : i32
    %dma_start3A_288 = arith.constant 0 : i32
    %dma_start3A_289 = tpu.memref_slice %arg3[%dma_start3A_287, %dma_start3A_288] : memref<100000x1024xf32, #tpu.memory_space<hbm>> -> memref<100000x1024xf32, #tpu.memory_space<hbm>>
    tpu.enqueue_indirect_dma source(%dma_start3A_289 : memref<100000x1024xf32, #tpu.memory_space<hbm>>) target(%arg11 : memref<16x1024xf32, #tpu.memory_space<vmem>>) offsets(%dma_start3A_286 : memref<16xi32, #tpu.memory_space<vmem>>) semaphore(%arg18 : memref<!tpu.dma_semaphore, #tpu.memory_space<semaphore_mem>>)
    %dma_wait3A_290 = arith.constant 2 : i32
    %dma_wait3A_291 = arith.constant 16 : i32
    %dma_wait3A_292 = tpu.memref_slice %arg6[%dma_wait3A_290, %dma_wait3A_291] : memref<4x64xi32, #tpu.memory_space<vmem>> -> memref<1x16xi32, #tpu.memory_space<vmem>>
    %dma_wait3A_293 = tpu.memref_squeeze %dma_wait3A_292 : memref<1x16xi32, #tpu.memory_space<vmem>> -> memref<16xi32, #tpu.memory_space<vmem>>
    %dma_wait3A_294 = arith.constant 0 : i32
    %dma_wait3A_295 = arith.constant 0 : i32
    %dma_wait3A_296 = tpu.memref_slice %arg3[%dma_wait3A_294, %dma_wait3A_295] : memref<100000x1024xf32, #tpu.memory_space<hbm>> -> memref<100000x1024xf32, #tpu.memory_space<hbm>>
    tpu.wait_indirect_dma semaphore(%arg15 : memref<!tpu.dma_semaphore, #tpu.memory_space<semaphore_mem>>) src(%dma_wait3A_296 : memref<100000x1024xf32, #tpu.memory_space<hbm>>) dst(%arg8 : memref<16x1024xf32, #tpu.memory_space<vmem>>)
    %scan3A_297 = arith.constant 0 : i32
    %scan3A_298 = arith.constant 0 : i32
    %scan3A_299 = arith.constant 16 : i32
    %scan3A_300 = arith.addi %scan3A_298, %scan3A_299 : i32
    %scan3A_301 = arith.constant 1 : i32
    %scan3A_302 = scf.for %scan3A_679 = %scan3A_298 to %scan3A_300 step %scan3A_301 iter_args(%scan3A_680 = %scan3A_297) -> (i32)  : i32 {
      %scan3A_681 = arith.constant 0 : i32
      %scan3A_682 = arith.constant 0 : i32
      %scan3A_683 = arith.constant 16 : i32
      %scan3A_684 = arith.addi %scan3A_682, %scan3A_683 : i32
      %scan3A_685 = arith.constant 1 : i32
      %scan3A_686 = scf.for %scan3A_688 = %scan3A_682 to %scan3A_684 step %scan3A_685 iter_args(%scan3A_689 = %scan3A_681) -> (i32)  : i32 {
        %mul3A_690 = arith.constant 4 : i32
        %mul3A_691 = arith.muli %scan3A_688, %mul3A_690 : i32
        %add3A_692 = arith.constant 0 : i32
        %add3A_693 = arith.addi %mul3A_691, %add3A_692 : i32
        %mul3A_694 = arith.constant 16 : i32
        %mul3A_695 = arith.muli %add3A_693, %mul3A_694 : i32
        %get3A = arith.index_cast %scan3A_679 : i32 to index
        %get3A_696 = arith.index_cast %mul3A_695 : i32 to index
        %get3A_697 = tpu.vector_load %arg8[%get3A, %get3A_696] {strides = array<i32>} : memref<16x1024xf32, #tpu.memory_space<vmem>>, vector<1x16xf32>,
        %get3A_698 = vector.shape_cast %get3A_697 : vector<1x16xf32> to vector<16xf32>
        %mul3A_699 = arith.constant 3.200000e+01 : f32
        %mul3A_700 = vector.broadcast %mul3A_699 : f32 to vector<16xf32>
        %mul3A_701 = arith.mulf %get3A_698, %mul3A_700 : vector<16xf32>
        %get3A_702 = arith.index_cast %scan3A_679 : i32 to index
        %get3A_703 = arith.index_cast %mul3A_695 : i32 to index
        %get3A_704 = tpu.vector_load %arg13[%get3A_702, %get3A_703] {strides = array<i32>} : memref<16x1024xf32, #tpu.memory_space<vmem>>, vector<1x16xf32>,
        %get3A_705 = vector.shape_cast %get3A_704 : vector<1x16xf32> to vector<16xf32>
        %add3A_706 = arith.addf %mul3A_701, %get3A_705 : vector<16xf32>
        %swap3A = arith.index_cast %scan3A_679 : i32 to index
        %swap3A_707 = arith.index_cast %mul3A_695 : i32 to index
        %swap3A_708 = tpu.vector_load %arg8[%swap3A, %swap3A_707] {strides = array<i32>} : memref<16x1024xf32, #tpu.memory_space<vmem>>, vector<1x16xf32>,
        %swap3A_709 = vector.shape_cast %swap3A_708 : vector<1x16xf32> to vector<16xf32>
        %swap3A_710 = vector.shape_cast %add3A_706 : vector<16xf32> to vector<1x16xf32>
        tpu.vector_store %arg8[%swap3A, %swap3A_707], %swap3A_710 {strides = array<i32>} : memref<16x1024xf32, #tpu.memory_space<vmem>>, vector<1x16xf32>,
        %mul3A_711 = arith.constant 4 : i32
        %mul3A_712 = arith.muli %scan3A_688, %mul3A_711 : i32
        %add3A_713 = arith.constant 1 : i32
        %add3A_714 = arith.addi %mul3A_712, %add3A_713 : i32
        %mul3A_715 = arith.constant 16 : i32
        %mul3A_716 = arith.muli %add3A_714, %mul3A_715 : i32
        %get3A_717 = arith.index_cast %scan3A_679 : i32 to index
        %get3A_718 = arith.index_cast %mul3A_716 : i32 to index
        %get3A_719 = tpu.vector_load %arg8[%get3A_717, %get3A_718] {strides = array<i32>} : memref<16x1024xf32, #tpu.memory_space<vmem>>, vector<1x16xf32>,
        %get3A_720 = vector.shape_cast %get3A_719 : vector<1x16xf32> to vector<16xf32>
        %mul3A_721 = arith.constant 3.200000e+01 : f32
        %mul3A_722 = vector.broadcast %mul3A_721 : f32 to vector<16xf32>
        %mul3A_723 = arith.mulf %get3A_720, %mul3A_722 : vector<16xf32>
        %get3A_724 = arith.index_cast %scan3A_679 : i32 to index
        %get3A_725 = arith.index_cast %mul3A_716 : i32 to index
        %get3A_726 = tpu.vector_load %arg13[%get3A_724, %get3A_725] {strides = array<i32>} : memref<16x1024xf32, #tpu.memory_space<vmem>>, vector<1x16xf32>,
        %get3A_727 = vector.shape_cast %get3A_726 : vector<1x16xf32> to vector<16xf32>
        %add3A_728 = arith.addf %mul3A_723, %get3A_727 : vector<16xf32>
        %swap3A_729 = arith.index_cast %scan3A_679 : i32 to index
        %swap3A_730 = arith.index_cast %mul3A_716 : i32 to index
        %swap3A_731 = tpu.vector_load %arg8[%swap3A_729, %swap3A_730] {strides = array<i32>} : memref<16x1024xf32, #tpu.memory_space<vmem>>, vector<1x16xf32>,
        %swap3A_732 = vector.shape_cast %swap3A_731 : vector<1x16xf32> to vector<16xf32>
        %swap3A_733 = vector.shape_cast %add3A_728 : vector<16xf32> to vector<1x16xf32>
        tpu.vector_store %arg8[%swap3A_729, %swap3A_730], %swap3A_733 {strides = array<i32>} : memref<16x1024xf32, #tpu.memory_space<vmem>>, vector<1x16xf32>,
        %mul3A_734 = arith.constant 4 : i32
        %mul3A_735 = arith.muli %scan3A_688, %mul3A_734 : i32
        %add3A_736 = arith.constant 2 : i32
        %add3A_737 = arith.addi %mul3A_735, %add3A_736 : i32
        %mul3A_738 = arith.constant 16 : i32
        %mul3A_739 = arith.muli %add3A_737, %mul3A_738 : i32
        %get3A_740 = arith.index_cast %scan3A_679 : i32 to index
        %get3A_741 = arith.index_cast %mul3A_739 : i32 to index
        %get3A_742 = tpu.vector_load %arg8[%get3A_740, %get3A_741] {strides = array<i32>} : memref<16x1024xf32, #tpu.memory_space<vmem>>, vector<1x16xf32>,
        %get3A_743 = vector.shape_cast %get3A_742 : vector<1x16xf32> to vector<16xf32>
        %mul3A_744 = arith.constant 3.200000e+01 : f32
        %mul3A_745 = vector.broadcast %mul3A_744 : f32 to vector<16xf32>
        %mul3A_746 = arith.mulf %get3A_743, %mul3A_745 : vector<16xf32>
        %get3A_747 = arith.index_cast %scan3A_679 : i32 to index
        %get3A_748 = arith.index_cast %mul3A_739 : i32 to index
        %get3A_749 = tpu.vector_load %arg13[%get3A_747, %get3A_748] {strides = array<i32>} : memref<16x1024xf32, #tpu.memory_space<vmem>>, vector<1x16xf32>,
        %get3A_750 = vector.shape_cast %get3A_749 : vector<1x16xf32> to vector<16xf32>
        %add3A_751 = arith.addf %mul3A_746, %get3A_750 : vector<16xf32>
        %swap3A_752 = arith.index_cast %scan3A_679 : i32 to index
        %swap3A_753 = arith.index_cast %mul3A_739 : i32 to index
        %swap3A_754 = tpu.vector_load %arg8[%swap3A_752, %swap3A_753] {strides = array<i32>} : memref<16x1024xf32, #tpu.memory_space<vmem>>, vector<1x16xf32>,
        %swap3A_755 = vector.shape_cast %swap3A_754 : vector<1x16xf32> to vector<16xf32>
        %swap3A_756 = vector.shape_cast %add3A_751 : vector<16xf32> to vector<1x16xf32>
        tpu.vector_store %arg8[%swap3A_752, %swap3A_753], %swap3A_756 {strides = array<i32>} : memref<16x1024xf32, #tpu.memory_space<vmem>>, vector<1x16xf32>,
        %mul3A_757 = arith.constant 4 : i32
        %mul3A_758 = arith.muli %scan3A_688, %mul3A_757 : i32
        %add3A_759 = arith.constant 3 : i32
        %add3A_760 = arith.addi %mul3A_758, %add3A_759 : i32
        %mul3A_761 = arith.constant 16 : i32
        %mul3A_762 = arith.muli %add3A_760, %mul3A_761 : i32
        %get3A_763 = arith.index_cast %scan3A_679 : i32 to index
        %get3A_764 = arith.index_cast %mul3A_762 : i32 to index
        %get3A_765 = tpu.vector_load %arg8[%get3A_763, %get3A_764] {strides = array<i32>} : memref<16x1024xf32, #tpu.memory_space<vmem>>, vector<1x16xf32>,
        %get3A_766 = vector.shape_cast %get3A_765 : vector<1x16xf32> to vector<16xf32>
        %mul3A_767 = arith.constant 3.200000e+01 : f32
        %mul3A_768 = vector.broadcast %mul3A_767 : f32 to vector<16xf32>
        %mul3A_769 = arith.mulf %get3A_766, %mul3A_768 : vector<16xf32>
        %get3A_770 = arith.index_cast %scan3A_679 : i32 to index
        %get3A_771 = arith.index_cast %mul3A_762 : i32 to index
        %get3A_772 = tpu.vector_load %arg13[%get3A_770, %get3A_771] {strides = array<i32>} : memref<16x1024xf32, #tpu.memory_space<vmem>>, vector<1x16xf32>,
        %get3A_773 = vector.shape_cast %get3A_772 : vector<1x16xf32> to vector<16xf32>
        %add3A_774 = arith.addf %mul3A_769, %get3A_773 : vector<16xf32>
        %swap3A_775 = arith.index_cast %scan3A_679 : i32 to index
        %swap3A_776 = arith.index_cast %mul3A_762 : i32 to index
        %swap3A_777 = tpu.vector_load %arg8[%swap3A_775, %swap3A_776] {strides = array<i32>} : memref<16x1024xf32, #tpu.memory_space<vmem>>, vector<1x16xf32>,
        %swap3A_778 = vector.shape_cast %swap3A_777 : vector<1x16xf32> to vector<16xf32>
        %swap3A_779 = vector.shape_cast %add3A_774 : vector<16xf32> to vector<1x16xf32>
        tpu.vector_store %arg8[%swap3A_775, %swap3A_776], %swap3A_779 {strides = array<i32>} : memref<16x1024xf32, #tpu.memory_space<vmem>>, vector<1x16xf32>,
        %scan3A_780 = arith.constant 0 : i32
        scf.yield %scan3A_780 : i32
      }
      %scan3A_687 = arith.constant 16 : i32
      scf.yield %scan3A_686 : i32
    }
    %scan3A_303 = arith.constant 16 : i32
    %add3A_304 = arith.constant 16 : i32
    %add3A_305 = arith.addi %mul3A_2, %add3A_304 : i32
    %dma_start3A_306 = arith.constant 2 : i32
    %dma_start3A_307 = arith.constant 0 : i32
    %dma_start3A_308 = tpu.memref_slice %arg5[%dma_start3A_306, %add3A_305, %dma_start3A_307] : memref<4x2048x1024xf32, #tpu.memory_space<hbm>> -> memref<1x16x1024xf32, #tpu.memory_space<hbm>>
    %dma_start3A_309 = tpu.memref_squeeze %dma_start3A_308 : memref<1x16x1024xf32, #tpu.memory_space<hbm>> -> memref<16x1024xf32, #tpu.memory_space<hbm>>
    %dma_start3A_310 = arith.constant 0 : i32
    %dma_start3A_311 = tpu.memref_slice %arg5[%dma_start3A_306, %add3A_305, %dma_start3A_310] : memref<4x2048x1024xf32, #tpu.memory_space<hbm>> -> memref<1x16x1024xf32, #tpu.memory_space<hbm>>
    %dma_start3A_312 = tpu.memref_squeeze %dma_start3A_311 : memref<1x16x1024xf32, #tpu.memory_space<hbm>> -> memref<16x1024xf32, #tpu.memory_space<hbm>>
    tpu.enqueue_dma source(%arg8 : memref<16x1024xf32, #tpu.memory_space<vmem>>) target(%dma_start3A_312 : memref<16x1024xf32, #tpu.memory_space<hbm>>) target_semaphore(%arg20 : memref<!tpu.dma_semaphore, #tpu.memory_space<semaphore_mem>>)
    %add3A_313 = arith.constant 16 : i32
    %add3A_314 = arith.addi %mul3A_2, %add3A_313 : i32
    %dma_wait3A_315 = arith.constant 1 : i32
    %dma_wait3A_316 = arith.constant 0 : i32
    %dma_wait3A_317 = tpu.memref_slice %arg5[%dma_wait3A_315, %add3A_314, %dma_wait3A_316] : memref<4x2048x1024xf32, #tpu.memory_space<hbm>> -> memref<1x16x1024xf32, #tpu.memory_space<hbm>>
    %dma_wait3A_318 = tpu.memref_squeeze %dma_wait3A_317 : memref<1x16x1024xf32, #tpu.memory_space<hbm>> -> memref<16x1024xf32, #tpu.memory_space<hbm>>
    %dma_wait3A_319 = arith.constant 0 : i32
    %dma_wait3A_320 = tpu.memref_slice %arg5[%dma_wait3A_315, %add3A_314, %dma_wait3A_319] : memref<4x2048x1024xf32, #tpu.memory_space<hbm>> -> memref<1x16x1024xf32, #tpu.memory_space<hbm>>
    %dma_wait3A_321 = tpu.memref_squeeze %dma_wait3A_320 : memref<1x16x1024xf32, #tpu.memory_space<hbm>> -> memref<16x1024xf32, #tpu.memory_space<hbm>>
    tpu.wait_dma2 semaphore(%arg19 : memref<!tpu.dma_semaphore, #tpu.memory_space<semaphore_mem>>) src(%arg7 : memref<16x1024xf32, #tpu.memory_space<vmem>>) dst(%dma_wait3A_321 : memref<16x1024xf32, #tpu.memory_space<hbm>>)
    %dma_start3A_322 = arith.constant 2 : i32
    %dma_start3A_323 = arith.constant 32 : i32
    %dma_start3A_324 = tpu.memref_slice %arg6[%dma_start3A_322, %dma_start3A_323] : memref<4x64xi32, #tpu.memory_space<vmem>> -> memref<1x16xi32, #tpu.memory_space<vmem>>
    %dma_start3A_325 = tpu.memref_squeeze %dma_start3A_324 : memref<1x16xi32, #tpu.memory_space<vmem>> -> memref<16xi32, #tpu.memory_space<vmem>>
    %dma_start3A_326 = arith.constant 0 : i32
    %dma_start3A_327 = arith.constant 0 : i32
    %dma_start3A_328 = tpu.memref_slice %arg3[%dma_start3A_326, %dma_start3A_327] : memref<100000x1024xf32, #tpu.memory_space<hbm>> -> memref<100000x1024xf32, #tpu.memory_space<hbm>>
    tpu.enqueue_indirect_dma source(%dma_start3A_328 : memref<100000x1024xf32, #tpu.memory_space<hbm>>) target(%arg7 : memref<16x1024xf32, #tpu.memory_space<vmem>>) offsets(%dma_start3A_325 : memref<16xi32, #tpu.memory_space<vmem>>) semaphore(%arg14 : memref<!tpu.dma_semaphore, #tpu.memory_space<semaphore_mem>>)
    %dma_wait3A_329 = arith.constant 3 : i32
    %dma_wait3A_330 = arith.constant 16 : i32
    %dma_wait3A_331 = tpu.memref_slice %arg6[%dma_wait3A_329, %dma_wait3A_330] : memref<4x64xi32, #tpu.memory_space<vmem>> -> memref<1x16xi32, #tpu.memory_space<vmem>>
    %dma_wait3A_332 = tpu.memref_squeeze %dma_wait3A_331 : memref<1x16xi32, #tpu.memory_space<vmem>> -> memref<16xi32, #tpu.memory_space<vmem>>
    %dma_wait3A_333 = arith.constant 0 : i32
    %dma_wait3A_334 = arith.constant 0 : i32
    %dma_wait3A_335 = tpu.memref_slice %arg3[%dma_wait3A_333, %dma_wait3A_334] : memref<100000x1024xf32, #tpu.memory_space<hbm>> -> memref<100000x1024xf32, #tpu.memory_space<hbm>>
    tpu.wait_indirect_dma semaphore(%arg16 : memref<!tpu.dma_semaphore, #tpu.memory_space<semaphore_mem>>) src(%dma_wait3A_335 : memref<100000x1024xf32, #tpu.memory_space<hbm>>) dst(%arg9 : memref<16x1024xf32, #tpu.memory_space<vmem>>)
    %scan3A_336 = arith.constant 0 : i32
    %scan3A_337 = arith.constant 0 : i32
    %scan3A_338 = arith.constant 16 : i32
    %scan3A_339 = arith.addi %scan3A_337, %scan3A_338 : i32
    %scan3A_340 = arith.constant 1 : i32
    %scan3A_341 = scf.for %scan3A_679 = %scan3A_337 to %scan3A_339 step %scan3A_340 iter_args(%scan3A_680 = %scan3A_336) -> (i32)  : i32 {
      %scan3A_681 = arith.constant 0 : i32
      %scan3A_682 = arith.constant 0 : i32
      %scan3A_683 = arith.constant 16 : i32
      %scan3A_684 = arith.addi %scan3A_682, %scan3A_683 : i32
      %scan3A_685 = arith.constant 1 : i32
      %scan3A_686 = scf.for %scan3A_688 = %scan3A_682 to %scan3A_684 step %scan3A_685 iter_args(%scan3A_689 = %scan3A_681) -> (i32)  : i32 {
        %mul3A_690 = arith.constant 4 : i32
        %mul3A_691 = arith.muli %scan3A_688, %mul3A_690 : i32
        %add3A_692 = arith.constant 0 : i32
        %add3A_693 = arith.addi %mul3A_691, %add3A_692 : i32
        %mul3A_694 = arith.constant 16 : i32
        %mul3A_695 = arith.muli %add3A_693, %mul3A_694 : i32
        %get3A = arith.index_cast %scan3A_679 : i32 to index
        %get3A_696 = arith.index_cast %mul3A_695 : i32 to index
        %get3A_697 = tpu.vector_load %arg9[%get3A, %get3A_696] {strides = array<i32>} : memref<16x1024xf32, #tpu.memory_space<vmem>>, vector<1x16xf32>,
        %get3A_698 = vector.shape_cast %get3A_697 : vector<1x16xf32> to vector<16xf32>
        %mul3A_699 = arith.constant 3.200000e+01 : f32
        %mul3A_700 = vector.broadcast %mul3A_699 : f32 to vector<16xf32>
        %mul3A_701 = arith.mulf %get3A_698, %mul3A_700 : vector<16xf32>
        %get3A_702 = arith.index_cast %scan3A_679 : i32 to index
        %get3A_703 = arith.index_cast %mul3A_695 : i32 to index
        %get3A_704 = tpu.vector_load %arg13[%get3A_702, %get3A_703] {strides = array<i32>} : memref<16x1024xf32, #tpu.memory_space<vmem>>, vector<1x16xf32>,
        %get3A_705 = vector.shape_cast %get3A_704 : vector<1x16xf32> to vector<16xf32>
        %add3A_706 = arith.addf %mul3A_701, %get3A_705 : vector<16xf32>
        %swap3A = arith.index_cast %scan3A_679 : i32 to index
        %swap3A_707 = arith.index_cast %mul3A_695 : i32 to index
        %swap3A_708 = tpu.vector_load %arg9[%swap3A, %swap3A_707] {strides = array<i32>} : memref<16x1024xf32, #tpu.memory_space<vmem>>, vector<1x16xf32>,
        %swap3A_709 = vector.shape_cast %swap3A_708 : vector<1x16xf32> to vector<16xf32>
        %swap3A_710 = vector.shape_cast %add3A_706 : vector<16xf32> to vector<1x16xf32>
        tpu.vector_store %arg9[%swap3A, %swap3A_707], %swap3A_710 {strides = array<i32>} : memref<16x1024xf32, #tpu.memory_space<vmem>>, vector<1x16xf32>,
        %mul3A_711 = arith.constant 4 : i32
        %mul3A_712 = arith.muli %scan3A_688, %mul3A_711 : i32
        %add3A_713 = arith.constant 1 : i32
        %add3A_714 = arith.addi %mul3A_712, %add3A_713 : i32
        %mul3A_715 = arith.constant 16 : i32
        %mul3A_716 = arith.muli %add3A_714, %mul3A_715 : i32
        %get3A_717 = arith.index_cast %scan3A_679 : i32 to index
        %get3A_718 = arith.index_cast %mul3A_716 : i32 to index
        %get3A_719 = tpu.vector_load %arg9[%get3A_717, %get3A_718] {strides = array<i32>} : memref<16x1024xf32, #tpu.memory_space<vmem>>, vector<1x16xf32>,
        %get3A_720 = vector.shape_cast %get3A_719 : vector<1x16xf32> to vector<16xf32>
        %mul3A_721 = arith.constant 3.200000e+01 : f32
        %mul3A_722 = vector.broadcast %mul3A_721 : f32 to vector<16xf32>
        %mul3A_723 = arith.mulf %get3A_720, %mul3A_722 : vector<16xf32>
        %get3A_724 = arith.index_cast %scan3A_679 : i32 to index
        %get3A_725 = arith.index_cast %mul3A_716 : i32 to index
        %get3A_726 = tpu.vector_load %arg13[%get3A_724, %get3A_725] {strides = array<i32>} : memref<16x1024xf32, #tpu.memory_space<vmem>>, vector<1x16xf32>,
        %get3A_727 = vector.shape_cast %get3A_726 : vector<1x16xf32> to vector<16xf32>
        %add3A_728 = arith.addf %mul3A_723, %get3A_727 : vector<16xf32>
        %swap3A_729 = arith.index_cast %scan3A_679 : i32 to index
        %swap3A_730 = arith.index_cast %mul3A_716 : i32 to index
        %swap3A_731 = tpu.vector_load %arg9[%swap3A_729, %swap3A_730] {strides = array<i32>} : memref<16x1024xf32, #tpu.memory_space<vmem>>, vector<1x16xf32>,
        %swap3A_732 = vector.shape_cast %swap3A_731 : vector<1x16xf32> to vector<16xf32>
        %swap3A_733 = vector.shape_cast %add3A_728 : vector<16xf32> to vector<1x16xf32>
        tpu.vector_store %arg9[%swap3A_729, %swap3A_730], %swap3A_733 {strides = array<i32>} : memref<16x1024xf32, #tpu.memory_space<vmem>>, vector<1x16xf32>,
        %mul3A_734 = arith.constant 4 : i32
        %mul3A_735 = arith.muli %scan3A_688, %mul3A_734 : i32
        %add3A_736 = arith.constant 2 : i32
        %add3A_737 = arith.addi %mul3A_735, %add3A_736 : i32
        %mul3A_738 = arith.constant 16 : i32
        %mul3A_739 = arith.muli %add3A_737, %mul3A_738 : i32
        %get3A_740 = arith.index_cast %scan3A_679 : i32 to index
        %get3A_741 = arith.index_cast %mul3A_739 : i32 to index
        %get3A_742 = tpu.vector_load %arg9[%get3A_740, %get3A_741] {strides = array<i32>} : memref<16x1024xf32, #tpu.memory_space<vmem>>, vector<1x16xf32>,
        %get3A_743 = vector.shape_cast %get3A_742 : vector<1x16xf32> to vector<16xf32>
        %mul3A_744 = arith.constant 3.200000e+01 : f32
        %mul3A_745 = vector.broadcast %mul3A_744 : f32 to vector<16xf32>
        %mul3A_746 = arith.mulf %get3A_743, %mul3A_745 : vector<16xf32>
        %get3A_747 = arith.index_cast %scan3A_679 : i32 to index
        %get3A_748 = arith.index_cast %mul3A_739 : i32 to index
        %get3A_749 = tpu.vector_load %arg13[%get3A_747, %get3A_748] {strides = array<i32>} : memref<16x1024xf32, #tpu.memory_space<vmem>>, vector<1x16xf32>,
        %get3A_750 = vector.shape_cast %get3A_749 : vector<1x16xf32> to vector<16xf32>
        %add3A_751 = arith.addf %mul3A_746, %get3A_750 : vector<16xf32>
        %swap3A_752 = arith.index_cast %scan3A_679 : i32 to index
        %swap3A_753 = arith.index_cast %mul3A_739 : i32 to index
        %swap3A_754 = tpu.vector_load %arg9[%swap3A_752, %swap3A_753] {strides = array<i32>} : memref<16x1024xf32, #tpu.memory_space<vmem>>, vector<1x16xf32>,
        %swap3A_755 = vector.shape_cast %swap3A_754 : vector<1x16xf32> to vector<16xf32>
        %swap3A_756 = vector.shape_cast %add3A_751 : vector<16xf32> to vector<1x16xf32>
        tpu.vector_store %arg9[%swap3A_752, %swap3A_753], %swap3A_756 {strides = array<i32>} : memref<16x1024xf32, #tpu.memory_space<vmem>>, vector<1x16xf32>,
        %mul3A_757 = arith.constant 4 : i32
        %mul3A_758 = arith.muli %scan3A_688, %mul3A_757 : i32
        %add3A_759 = arith.constant 3 : i32
        %add3A_760 = arith.addi %mul3A_758, %add3A_759 : i32
        %mul3A_761 = arith.constant 16 : i32
        %mul3A_762 = arith.muli %add3A_760, %mul3A_761 : i32
        %get3A_763 = arith.index_cast %scan3A_679 : i32 to index
        %get3A_764 = arith.index_cast %mul3A_762 : i32 to index
        %get3A_765 = tpu.vector_load %arg9[%get3A_763, %get3A_764] {strides = array<i32>} : memref<16x1024xf32, #tpu.memory_space<vmem>>, vector<1x16xf32>,
        %get3A_766 = vector.shape_cast %get3A_765 : vector<1x16xf32> to vector<16xf32>
        %mul3A_767 = arith.constant 3.200000e+01 : f32
        %mul3A_768 = vector.broadcast %mul3A_767 : f32 to vector<16xf32>
        %mul3A_769 = arith.mulf %get3A_766, %mul3A_768 : vector<16xf32>
        %get3A_770 = arith.index_cast %scan3A_679 : i32 to index
        %get3A_771 = arith.index_cast %mul3A_762 : i32 to index
        %get3A_772 = tpu.vector_load %arg13[%get3A_770, %get3A_771] {strides = array<i32>} : memref<16x1024xf32, #tpu.memory_space<vmem>>, vector<1x16xf32>,
        %get3A_773 = vector.shape_cast %get3A_772 : vector<1x16xf32> to vector<16xf32>
        %add3A_774 = arith.addf %mul3A_769, %get3A_773 : vector<16xf32>
        %swap3A_775 = arith.index_cast %scan3A_679 : i32 to index
        %swap3A_776 = arith.index_cast %mul3A_762 : i32 to index
        %swap3A_777 = tpu.vector_load %arg9[%swap3A_775, %swap3A_776] {strides = array<i32>} : memref<16x1024xf32, #tpu.memory_space<vmem>>, vector<1x16xf32>,
        %swap3A_778 = vector.shape_cast %swap3A_777 : vector<1x16xf32> to vector<16xf32>
        %swap3A_779 = vector.shape_cast %add3A_774 : vector<16xf32> to vector<1x16xf32>
        tpu.vector_store %arg9[%swap3A_775, %swap3A_776], %swap3A_779 {strides = array<i32>} : memref<16x1024xf32, #tpu.memory_space<vmem>>, vector<1x16xf32>,
        %scan3A_780 = arith.constant 0 : i32
        scf.yield %scan3A_780 : i32
      }
      %scan3A_687 = arith.constant 16 : i32
      scf.yield %scan3A_686 : i32
    }
    %scan3A_342 = arith.constant 16 : i32
    %add3A_343 = arith.constant 16 : i32
    %add3A_344 = arith.addi %mul3A_2, %add3A_343 : i32
    %dma_start3A_345 = arith.constant 3 : i32
    %dma_start3A_346 = arith.constant 0 : i32
    %dma_start3A_347 = tpu.memref_slice %arg5[%dma_start3A_345, %add3A_344, %dma_start3A_346] : memref<4x2048x1024xf32, #tpu.memory_space<hbm>> -> memref<1x16x1024xf32, #tpu.memory_space<hbm>>
    %dma_start3A_348 = tpu.memref_squeeze %dma_start3A_347 : memref<1x16x1024xf32, #tpu.memory_space<hbm>> -> memref<16x1024xf32, #tpu.memory_space<hbm>>
    %dma_start3A_349 = arith.constant 0 : i32
    %dma_start3A_350 = tpu.memref_slice %arg5[%dma_start3A_345, %add3A_344, %dma_start3A_349] : memref<4x2048x1024xf32, #tpu.memory_space<hbm>> -> memref<1x16x1024xf32, #tpu.memory_space<hbm>>
    %dma_start3A_351 = tpu.memref_squeeze %dma_start3A_350 : memref<1x16x1024xf32, #tpu.memory_space<hbm>> -> memref<16x1024xf32, #tpu.memory_space<hbm>>
    tpu.enqueue_dma source(%arg9 : memref<16x1024xf32, #tpu.memory_space<vmem>>) target(%dma_start3A_351 : memref<16x1024xf32, #tpu.memory_space<hbm>>) target_semaphore(%arg21 : memref<!tpu.dma_semaphore, #tpu.memory_space<semaphore_mem>>)
    %add3A_352 = arith.constant 16 : i32
    %add3A_353 = arith.addi %mul3A_2, %add3A_352 : i32
    %dma_wait3A_354 = arith.constant 2 : i32
    %dma_wait3A_355 = arith.constant 0 : i32
    %dma_wait3A_356 = tpu.memref_slice %arg5[%dma_wait3A_354, %add3A_353, %dma_wait3A_355] : memref<4x2048x1024xf32, #tpu.memory_space<hbm>> -> memref<1x16x1024xf32, #tpu.memory_space<hbm>>
    %dma_wait3A_357 = tpu.memref_squeeze %dma_wait3A_356 : memref<1x16x1024xf32, #tpu.memory_space<hbm>> -> memref<16x1024xf32, #tpu.memory_space<hbm>>
    %dma_wait3A_358 = arith.constant 0 : i32
    %dma_wait3A_359 = tpu.memref_slice %arg5[%dma_wait3A_354, %add3A_353, %dma_wait3A_358] : memref<4x2048x1024xf32, #tpu.memory_space<hbm>> -> memref<1x16x1024xf32, #tpu.memory_space<hbm>>
    %dma_wait3A_360 = tpu.memref_squeeze %dma_wait3A_359 : memref<1x16x1024xf32, #tpu.memory_space<hbm>> -> memref<16x1024xf32, #tpu.memory_space<hbm>>
    tpu.wait_dma2 semaphore(%arg20 : memref<!tpu.dma_semaphore, #tpu.memory_space<semaphore_mem>>) src(%arg8 : memref<16x1024xf32, #tpu.memory_space<vmem>>) dst(%dma_wait3A_360 : memref<16x1024xf32, #tpu.memory_space<hbm>>)
    %dma_start3A_361 = arith.constant 3 : i32
    %dma_start3A_362 = arith.constant 32 : i32
    %dma_start3A_363 = tpu.memref_slice %arg6[%dma_start3A_361, %dma_start3A_362] : memref<4x64xi32, #tpu.memory_space<vmem>> -> memref<1x16xi32, #tpu.memory_space<vmem>>
    %dma_start3A_364 = tpu.memref_squeeze %dma_start3A_363 : memref<1x16xi32, #tpu.memory_space<vmem>> -> memref<16xi32, #tpu.memory_space<vmem>>
    %dma_start3A_365 = arith.constant 0 : i32
    %dma_start3A_366 = arith.constant 0 : i32
    %dma_start3A_367 = tpu.memref_slice %arg3[%dma_start3A_365, %dma_start3A_366] : memref<100000x1024xf32, #tpu.memory_space<hbm>> -> memref<100000x1024xf32, #tpu.memory_space<hbm>>
    tpu.enqueue_indirect_dma source(%dma_start3A_367 : memref<100000x1024xf32, #tpu.memory_space<hbm>>) target(%arg8 : memref<16x1024xf32, #tpu.memory_space<vmem>>) offsets(%dma_start3A_364 : memref<16xi32, #tpu.memory_space<vmem>>) semaphore(%arg15 : memref<!tpu.dma_semaphore, #tpu.memory_space<semaphore_mem>>)
    %add3A_368 = arith.constant 48 : i32
    %add3A_369 = arith.addi %mul3A_2, %add3A_368 : i32
    %dma_start3A_370 = arith.constant 0 : i32
    %dma_start3A_371 = tpu.memref_slice %arg4[%add3A_369, %dma_start3A_370] : memref<2048x1024xf32, #tpu.memory_space<hbm>> -> memref<16x1024xf32, #tpu.memory_space<hbm>>
    %dma_start3A_372 = arith.constant 0 : i32
    %dma_start3A_373 = tpu.memref_slice %arg4[%add3A_369, %dma_start3A_372] : memref<2048x1024xf32, #tpu.memory_space<hbm>> -> memref<16x1024xf32, #tpu.memory_space<hbm>>
    tpu.enqueue_dma source(%dma_start3A_373 : memref<16x1024xf32, #tpu.memory_space<hbm>>) target(%arg13 : memref<16x1024xf32, #tpu.memory_space<vmem>>) target_semaphore(%arg25 : memref<!tpu.dma_semaphore, #tpu.memory_space<semaphore_mem>>)
    %add3A_374 = arith.constant 32 : i32
    %add3A_375 = arith.addi %mul3A_2, %add3A_374 : i32
    %dma_wait3A_376 = arith.constant 0 : i32
    %dma_wait3A_377 = tpu.memref_slice %arg4[%add3A_375, %dma_wait3A_376] : memref<2048x1024xf32, #tpu.memory_space<hbm>> -> memref<16x1024xf32, #tpu.memory_space<hbm>>
    %dma_wait3A_378 = arith.constant 0 : i32
    %dma_wait3A_379 = tpu.memref_slice %arg4[%add3A_375, %dma_wait3A_378] : memref<2048x1024xf32, #tpu.memory_space<hbm>> -> memref<16x1024xf32, #tpu.memory_space<hbm>>
    tpu.wait_dma2 semaphore(%arg24 : memref<!tpu.dma_semaphore, #tpu.memory_space<semaphore_mem>>) src(%dma_wait3A_379 : memref<16x1024xf32, #tpu.memory_space<hbm>>) dst(%arg12 : memref<16x1024xf32, #tpu.memory_space<vmem>>)
    %dma_wait3A_380 = arith.constant 0 : i32
    %dma_wait3A_381 = arith.constant 32 : i32
    %dma_wait3A_382 = tpu.memref_slice %arg6[%dma_wait3A_380, %dma_wait3A_381] : memref<4x64xi32, #tpu.memory_space<vmem>> -> memref<1x16xi32, #tpu.memory_space<vmem>>
    %dma_wait3A_383 = tpu.memref_squeeze %dma_wait3A_382 : memref<1x16xi32, #tpu.memory_space<vmem>> -> memref<16xi32, #tpu.memory_space<vmem>>
    %dma_wait3A_384 = arith.constant 0 : i32
    %dma_wait3A_385 = arith.constant 0 : i32
    %dma_wait3A_386 = tpu.memref_slice %arg3[%dma_wait3A_384, %dma_wait3A_385] : memref<100000x1024xf32, #tpu.memory_space<hbm>> -> memref<100000x1024xf32, #tpu.memory_space<hbm>>
    tpu.wait_indirect_dma semaphore(%arg17 : memref<!tpu.dma_semaphore, #tpu.memory_space<semaphore_mem>>) src(%dma_wait3A_386 : memref<100000x1024xf32, #tpu.memory_space<hbm>>) dst(%arg10 : memref<16x1024xf32, #tpu.memory_space<vmem>>)
    %scan3A_387 = arith.constant 0 : i32
    %scan3A_388 = arith.constant 0 : i32
    %scan3A_389 = arith.constant 16 : i32
    %scan3A_390 = arith.addi %scan3A_388, %scan3A_389 : i32
    %scan3A_391 = arith.constant 1 : i32
    %scan3A_392 = scf.for %scan3A_679 = %scan3A_388 to %scan3A_390 step %scan3A_391 iter_args(%scan3A_680 = %scan3A_387) -> (i32)  : i32 {
      %scan3A_681 = arith.constant 0 : i32
      %scan3A_682 = arith.constant 0 : i32
      %scan3A_683 = arith.constant 16 : i32
      %scan3A_684 = arith.addi %scan3A_682, %scan3A_683 : i32
      %scan3A_685 = arith.constant 1 : i32
      %scan3A_686 = scf.for %scan3A_688 = %scan3A_682 to %scan3A_684 step %scan3A_685 iter_args(%scan3A_689 = %scan3A_681) -> (i32)  : i32 {
        %mul3A_690 = arith.constant 4 : i32
        %mul3A_691 = arith.muli %scan3A_688, %mul3A_690 : i32
        %add3A_692 = arith.constant 0 : i32
        %add3A_693 = arith.addi %mul3A_691, %add3A_692 : i32
        %mul3A_694 = arith.constant 16 : i32
        %mul3A_695 = arith.muli %add3A_693, %mul3A_694 : i32
        %get3A = arith.index_cast %scan3A_679 : i32 to index
        %get3A_696 = arith.index_cast %mul3A_695 : i32 to index
        %get3A_697 = tpu.vector_load %arg10[%get3A, %get3A_696] {strides = array<i32>} : memref<16x1024xf32, #tpu.memory_space<vmem>>, vector<1x16xf32>,
        %get3A_698 = vector.shape_cast %get3A_697 : vector<1x16xf32> to vector<16xf32>
        %mul3A_699 = arith.constant 3.200000e+01 : f32
        %mul3A_700 = vector.broadcast %mul3A_699 : f32 to vector<16xf32>
        %mul3A_701 = arith.mulf %get3A_698, %mul3A_700 : vector<16xf32>
        %get3A_702 = arith.index_cast %scan3A_679 : i32 to index
        %get3A_703 = arith.index_cast %mul3A_695 : i32 to index
        %get3A_704 = tpu.vector_load %arg12[%get3A_702, %get3A_703] {strides = array<i32>} : memref<16x1024xf32, #tpu.memory_space<vmem>>, vector<1x16xf32>,
        %get3A_705 = vector.shape_cast %get3A_704 : vector<1x16xf32> to vector<16xf32>
        %add3A_706 = arith.addf %mul3A_701, %get3A_705 : vector<16xf32>
        %swap3A = arith.index_cast %scan3A_679 : i32 to index
        %swap3A_707 = arith.index_cast %mul3A_695 : i32 to index
        %swap3A_708 = tpu.vector_load %arg10[%swap3A, %swap3A_707] {strides = array<i32>} : memref<16x1024xf32, #tpu.memory_space<vmem>>, vector<1x16xf32>,
        %swap3A_709 = vector.shape_cast %swap3A_708 : vector<1x16xf32> to vector<16xf32>
        %swap3A_710 = vector.shape_cast %add3A_706 : vector<16xf32> to vector<1x16xf32>
        tpu.vector_store %arg10[%swap3A, %swap3A_707], %swap3A_710 {strides = array<i32>} : memref<16x1024xf32, #tpu.memory_space<vmem>>, vector<1x16xf32>,
        %mul3A_711 = arith.constant 4 : i32
        %mul3A_712 = arith.muli %scan3A_688, %mul3A_711 : i32
        %add3A_713 = arith.constant 1 : i32
        %add3A_714 = arith.addi %mul3A_712, %add3A_713 : i32
        %mul3A_715 = arith.constant 16 : i32
        %mul3A_716 = arith.muli %add3A_714, %mul3A_715 : i32
        %get3A_717 = arith.index_cast %scan3A_679 : i32 to index
        %get3A_718 = arith.index_cast %mul3A_716 : i32 to index
        %get3A_719 = tpu.vector_load %arg10[%get3A_717, %get3A_718] {strides = array<i32>} : memref<16x1024xf32, #tpu.memory_space<vmem>>, vector<1x16xf32>,
        %get3A_720 = vector.shape_cast %get3A_719 : vector<1x16xf32> to vector<16xf32>
        %mul3A_721 = arith.constant 3.200000e+01 : f32
        %mul3A_722 = vector.broadcast %mul3A_721 : f32 to vector<16xf32>
        %mul3A_723 = arith.mulf %get3A_720, %mul3A_722 : vector<16xf32>
        %get3A_724 = arith.index_cast %scan3A_679 : i32 to index
        %get3A_725 = arith.index_cast %mul3A_716 : i32 to index
        %get3A_726 = tpu.vector_load %arg12[%get3A_724, %get3A_725] {strides = array<i32>} : memref<16x1024xf32, #tpu.memory_space<vmem>>, vector<1x16xf32>,
        %get3A_727 = vector.shape_cast %get3A_726 : vector<1x16xf32> to vector<16xf32>
        %add3A_728 = arith.addf %mul3A_723, %get3A_727 : vector<16xf32>
        %swap3A_729 = arith.index_cast %scan3A_679 : i32 to index
        %swap3A_730 = arith.index_cast %mul3A_716 : i32 to index
        %swap3A_731 = tpu.vector_load %arg10[%swap3A_729, %swap3A_730] {strides = array<i32>} : memref<16x1024xf32, #tpu.memory_space<vmem>>, vector<1x16xf32>,
        %swap3A_732 = vector.shape_cast %swap3A_731 : vector<1x16xf32> to vector<16xf32>
        %swap3A_733 = vector.shape_cast %add3A_728 : vector<16xf32> to vector<1x16xf32>
        tpu.vector_store %arg10[%swap3A_729, %swap3A_730], %swap3A_733 {strides = array<i32>} : memref<16x1024xf32, #tpu.memory_space<vmem>>, vector<1x16xf32>,
        %mul3A_734 = arith.constant 4 : i32
        %mul3A_735 = arith.muli %scan3A_688, %mul3A_734 : i32
        %add3A_736 = arith.constant 2 : i32
        %add3A_737 = arith.addi %mul3A_735, %add3A_736 : i32
        %mul3A_738 = arith.constant 16 : i32
        %mul3A_739 = arith.muli %add3A_737, %mul3A_738 : i32
        %get3A_740 = arith.index_cast %scan3A_679 : i32 to index
        %get3A_741 = arith.index_cast %mul3A_739 : i32 to index
        %get3A_742 = tpu.vector_load %arg10[%get3A_740, %get3A_741] {strides = array<i32>} : memref<16x1024xf32, #tpu.memory_space<vmem>>, vector<1x16xf32>,
        %get3A_743 = vector.shape_cast %get3A_742 : vector<1x16xf32> to vector<16xf32>
        %mul3A_744 = arith.constant 3.200000e+01 : f32
        %mul3A_745 = vector.broadcast %mul3A_744 : f32 to vector<16xf32>
        %mul3A_746 = arith.mulf %get3A_743, %mul3A_745 : vector<16xf32>
        %get3A_747 = arith.index_cast %scan3A_679 : i32 to index
        %get3A_748 = arith.index_cast %mul3A_739 : i32 to index
        %get3A_749 = tpu.vector_load %arg12[%get3A_747, %get3A_748] {strides = array<i32>} : memref<16x1024xf32, #tpu.memory_space<vmem>>, vector<1x16xf32>,
        %get3A_750 = vector.shape_cast %get3A_749 : vector<1x16xf32> to vector<16xf32>
        %add3A_751 = arith.addf %mul3A_746, %get3A_750 : vector<16xf32>
        %swap3A_752 = arith.index_cast %scan3A_679 : i32 to index
        %swap3A_753 = arith.index_cast %mul3A_739 : i32 to index
        %swap3A_754 = tpu.vector_load %arg10[%swap3A_752, %swap3A_753] {strides = array<i32>} : memref<16x1024xf32, #tpu.memory_space<vmem>>, vector<1x16xf32>,
        %swap3A_755 = vector.shape_cast %swap3A_754 : vector<1x16xf32> to vector<16xf32>
        %swap3A_756 = vector.shape_cast %add3A_751 : vector<16xf32> to vector<1x16xf32>
        tpu.vector_store %arg10[%swap3A_752, %swap3A_753], %swap3A_756 {strides = array<i32>} : memref<16x1024xf32, #tpu.memory_space<vmem>>, vector<1x16xf32>,
        %mul3A_757 = arith.constant 4 : i32
        %mul3A_758 = arith.muli %scan3A_688, %mul3A_757 : i32
        %add3A_759 = arith.constant 3 : i32
        %add3A_760 = arith.addi %mul3A_758, %add3A_759 : i32
        %mul3A_761 = arith.constant 16 : i32
        %mul3A_762 = arith.muli %add3A_760, %mul3A_761 : i32
        %get3A_763 = arith.index_cast %scan3A_679 : i32 to index
        %get3A_764 = arith.index_cast %mul3A_762 : i32 to index
        %get3A_765 = tpu.vector_load %arg10[%get3A_763, %get3A_764] {strides = array<i32>} : memref<16x1024xf32, #tpu.memory_space<vmem>>, vector<1x16xf32>,
        %get3A_766 = vector.shape_cast %get3A_765 : vector<1x16xf32> to vector<16xf32>
        %mul3A_767 = arith.constant 3.200000e+01 : f32
        %mul3A_768 = vector.broadcast %mul3A_767 : f32 to vector<16xf32>
        %mul3A_769 = arith.mulf %get3A_766, %mul3A_768 : vector<16xf32>
        %get3A_770 = arith.index_cast %scan3A_679 : i32 to index
        %get3A_771 = arith.index_cast %mul3A_762 : i32 to index
        %get3A_772 = tpu.vector_load %arg12[%get3A_770, %get3A_771] {strides = array<i32>} : memref<16x1024xf32, #tpu.memory_space<vmem>>, vector<1x16xf32>,
        %get3A_773 = vector.shape_cast %get3A_772 : vector<1x16xf32> to vector<16xf32>
        %add3A_774 = arith.addf %mul3A_769, %get3A_773 : vector<16xf32>
        %swap3A_775 = arith.index_cast %scan3A_679 : i32 to index
        %swap3A_776 = arith.index_cast %mul3A_762 : i32 to index
        %swap3A_777 = tpu.vector_load %arg10[%swap3A_775, %swap3A_776] {strides = array<i32>} : memref<16x1024xf32, #tpu.memory_space<vmem>>, vector<1x16xf32>,
        %swap3A_778 = vector.shape_cast %swap3A_777 : vector<1x16xf32> to vector<16xf32>
        %swap3A_779 = vector.shape_cast %add3A_774 : vector<16xf32> to vector<1x16xf32>
        tpu.vector_store %arg10[%swap3A_775, %swap3A_776], %swap3A_779 {strides = array<i32>} : memref<16x1024xf32, #tpu.memory_space<vmem>>, vector<1x16xf32>,
        %scan3A_780 = arith.constant 0 : i32
        scf.yield %scan3A_780 : i32
      }
      %scan3A_687 = arith.constant 16 : i32
      scf.yield %scan3A_686 : i32
    }
    %scan3A_393 = arith.constant 16 : i32
    %add3A_394 = arith.constant 32 : i32
    %add3A_395 = arith.addi %mul3A_2, %add3A_394 : i32
    %dma_start3A_396 = arith.constant 0 : i32
    %dma_start3A_397 = arith.constant 0 : i32
    %dma_start3A_398 = tpu.memref_slice %arg5[%dma_start3A_396, %add3A_395, %dma_start3A_397] : memref<4x2048x1024xf32, #tpu.memory_space<hbm>> -> memref<1x16x1024xf32, #tpu.memory_space<hbm>>
    %dma_start3A_399 = tpu.memref_squeeze %dma_start3A_398 : memref<1x16x1024xf32, #tpu.memory_space<hbm>> -> memref<16x1024xf32, #tpu.memory_space<hbm>>
    %dma_start3A_400 = arith.constant 0 : i32
    %dma_start3A_401 = tpu.memref_slice %arg5[%dma_start3A_396, %add3A_395, %dma_start3A_400] : memref<4x2048x1024xf32, #tpu.memory_space<hbm>> -> memref<1x16x1024xf32, #tpu.memory_space<hbm>>
    %dma_start3A_402 = tpu.memref_squeeze %dma_start3A_401 : memref<1x16x1024xf32, #tpu.memory_space<hbm>> -> memref<16x1024xf32, #tpu.memory_space<hbm>>
    tpu.enqueue_dma source(%arg10 : memref<16x1024xf32, #tpu.memory_space<vmem>>) target(%dma_start3A_402 : memref<16x1024xf32, #tpu.memory_space<hbm>>) target_semaphore(%arg22 : memref<!tpu.dma_semaphore, #tpu.memory_space<semaphore_mem>>)
    %add3A_403 = arith.constant 16 : i32
    %add3A_404 = arith.addi %mul3A_2, %add3A_403 : i32
    %dma_wait3A_405 = arith.constant 3 : i32
    %dma_wait3A_406 = arith.constant 0 : i32
    %dma_wait3A_407 = tpu.memref_slice %arg5[%dma_wait3A_405, %add3A_404, %dma_wait3A_406] : memref<4x2048x1024xf32, #tpu.memory_space<hbm>> -> memref<1x16x1024xf32, #tpu.memory_space<hbm>>
    %dma_wait3A_408 = tpu.memref_squeeze %dma_wait3A_407 : memref<1x16x1024xf32, #tpu.memory_space<hbm>> -> memref<16x1024xf32, #tpu.memory_space<hbm>>
    %dma_wait3A_409 = arith.constant 0 : i32
    %dma_wait3A_410 = tpu.memref_slice %arg5[%dma_wait3A_405, %add3A_404, %dma_wait3A_409] : memref<4x2048x1024xf32, #tpu.memory_space<hbm>> -> memref<1x16x1024xf32, #tpu.memory_space<hbm>>
    %dma_wait3A_411 = tpu.memref_squeeze %dma_wait3A_410 : memref<1x16x1024xf32, #tpu.memory_space<hbm>> -> memref<16x1024xf32, #tpu.memory_space<hbm>>
    tpu.wait_dma2 semaphore(%arg21 : memref<!tpu.dma_semaphore, #tpu.memory_space<semaphore_mem>>) src(%arg9 : memref<16x1024xf32, #tpu.memory_space<vmem>>) dst(%dma_wait3A_411 : memref<16x1024xf32, #tpu.memory_space<hbm>>)
    %dma_start3A_412 = arith.constant 0 : i32
    %dma_start3A_413 = arith.constant 48 : i32
    %dma_start3A_414 = tpu.memref_slice %arg6[%dma_start3A_412, %dma_start3A_413] : memref<4x64xi32, #tpu.memory_space<vmem>> -> memref<1x16xi32, #tpu.memory_space<vmem>>
    %dma_start3A_415 = tpu.memref_squeeze %dma_start3A_414 : memref<1x16xi32, #tpu.memory_space<vmem>> -> memref<16xi32, #tpu.memory_space<vmem>>
    %dma_start3A_416 = arith.constant 0 : i32
    %dma_start3A_417 = arith.constant 0 : i32
    %dma_start3A_418 = tpu.memref_slice %arg3[%dma_start3A_416, %dma_start3A_417] : memref<100000x1024xf32, #tpu.memory_space<hbm>> -> memref<100000x1024xf32, #tpu.memory_space<hbm>>
    tpu.enqueue_indirect_dma source(%dma_start3A_418 : memref<100000x1024xf32, #tpu.memory_space<hbm>>) target(%arg9 : memref<16x1024xf32, #tpu.memory_space<vmem>>) offsets(%dma_start3A_415 : memref<16xi32, #tpu.memory_space<vmem>>) semaphore(%arg16 : memref<!tpu.dma_semaphore, #tpu.memory_space<semaphore_mem>>)
    %dma_wait3A_419 = arith.constant 1 : i32
    %dma_wait3A_420 = arith.constant 32 : i32
    %dma_wait3A_421 = tpu.memref_slice %arg6[%dma_wait3A_419, %dma_wait3A_420] : memref<4x64xi32, #tpu.memory_space<vmem>> -> memref<1x16xi32, #tpu.memory_space<vmem>>
    %dma_wait3A_422 = tpu.memref_squeeze %dma_wait3A_421 : memref<1x16xi32, #tpu.memory_space<vmem>> -> memref<16xi32, #tpu.memory_space<vmem>>
    %dma_wait3A_423 = arith.constant 0 : i32
    %dma_wait3A_424 = arith.constant 0 : i32
    %dma_wait3A_425 = tpu.memref_slice %arg3[%dma_wait3A_423, %dma_wait3A_424] : memref<100000x1024xf32, #tpu.memory_space<hbm>> -> memref<100000x1024xf32, #tpu.memory_space<hbm>>
    tpu.wait_indirect_dma semaphore(%arg18 : memref<!tpu.dma_semaphore, #tpu.memory_space<semaphore_mem>>) src(%dma_wait3A_425 : memref<100000x1024xf32, #tpu.memory_space<hbm>>) dst(%arg11 : memref<16x1024xf32, #tpu.memory_space<vmem>>)
    %scan3A_426 = arith.constant 0 : i32
    %scan3A_427 = arith.constant 0 : i32
    %scan3A_428 = arith.constant 16 : i32
    %scan3A_429 = arith.addi %scan3A_427, %scan3A_428 : i32
    %scan3A_430 = arith.constant 1 : i32
    %scan3A_431 = scf.for %scan3A_679 = %scan3A_427 to %scan3A_429 step %scan3A_430 iter_args(%scan3A_680 = %scan3A_426) -> (i32)  : i32 {
      %scan3A_681 = arith.constant 0 : i32
      %scan3A_682 = arith.constant 0 : i32
      %scan3A_683 = arith.constant 16 : i32
      %scan3A_684 = arith.addi %scan3A_682, %scan3A_683 : i32
      %scan3A_685 = arith.constant 1 : i32
      %scan3A_686 = scf.for %scan3A_688 = %scan3A_682 to %scan3A_684 step %scan3A_685 iter_args(%scan3A_689 = %scan3A_681) -> (i32)  : i32 {
        %mul3A_690 = arith.constant 4 : i32
        %mul3A_691 = arith.muli %scan3A_688, %mul3A_690 : i32
        %add3A_692 = arith.constant 0 : i32
        %add3A_693 = arith.addi %mul3A_691, %add3A_692 : i32
        %mul3A_694 = arith.constant 16 : i32
        %mul3A_695 = arith.muli %add3A_693, %mul3A_694 : i32
        %get3A = arith.index_cast %scan3A_679 : i32 to index
        %get3A_696 = arith.index_cast %mul3A_695 : i32 to index
        %get3A_697 = tpu.vector_load %arg11[%get3A, %get3A_696] {strides = array<i32>} : memref<16x1024xf32, #tpu.memory_space<vmem>>, vector<1x16xf32>,
        %get3A_698 = vector.shape_cast %get3A_697 : vector<1x16xf32> to vector<16xf32>
        %mul3A_699 = arith.constant 3.200000e+01 : f32
        %mul3A_700 = vector.broadcast %mul3A_699 : f32 to vector<16xf32>
        %mul3A_701 = arith.mulf %get3A_698, %mul3A_700 : vector<16xf32>
        %get3A_702 = arith.index_cast %scan3A_679 : i32 to index
        %get3A_703 = arith.index_cast %mul3A_695 : i32 to index
        %get3A_704 = tpu.vector_load %arg12[%get3A_702, %get3A_703] {strides = array<i32>} : memref<16x1024xf32, #tpu.memory_space<vmem>>, vector<1x16xf32>,
        %get3A_705 = vector.shape_cast %get3A_704 : vector<1x16xf32> to vector<16xf32>
        %add3A_706 = arith.addf %mul3A_701, %get3A_705 : vector<16xf32>
        %swap3A = arith.index_cast %scan3A_679 : i32 to index
        %swap3A_707 = arith.index_cast %mul3A_695 : i32 to index
        %swap3A_708 = tpu.vector_load %arg11[%swap3A, %swap3A_707] {strides = array<i32>} : memref<16x1024xf32, #tpu.memory_space<vmem>>, vector<1x16xf32>,
        %swap3A_709 = vector.shape_cast %swap3A_708 : vector<1x16xf32> to vector<16xf32>
        %swap3A_710 = vector.shape_cast %add3A_706 : vector<16xf32> to vector<1x16xf32>
        tpu.vector_store %arg11[%swap3A, %swap3A_707], %swap3A_710 {strides = array<i32>} : memref<16x1024xf32, #tpu.memory_space<vmem>>, vector<1x16xf32>,
        %mul3A_711 = arith.constant 4 : i32
        %mul3A_712 = arith.muli %scan3A_688, %mul3A_711 : i32
        %add3A_713 = arith.constant 1 : i32
        %add3A_714 = arith.addi %mul3A_712, %add3A_713 : i32
        %mul3A_715 = arith.constant 16 : i32
        %mul3A_716 = arith.muli %add3A_714, %mul3A_715 : i32
        %get3A_717 = arith.index_cast %scan3A_679 : i32 to index
        %get3A_718 = arith.index_cast %mul3A_716 : i32 to index
        %get3A_719 = tpu.vector_load %arg11[%get3A_717, %get3A_718] {strides = array<i32>} : memref<16x1024xf32, #tpu.memory_space<vmem>>, vector<1x16xf32>,
        %get3A_720 = vector.shape_cast %get3A_719 : vector<1x16xf32> to vector<16xf32>
        %mul3A_721 = arith.constant 3.200000e+01 : f32
        %mul3A_722 = vector.broadcast %mul3A_721 : f32 to vector<16xf32>
        %mul3A_723 = arith.mulf %get3A_720, %mul3A_722 : vector<16xf32>
        %get3A_724 = arith.index_cast %scan3A_679 : i32 to index
        %get3A_725 = arith.index_cast %mul3A_716 : i32 to index
        %get3A_726 = tpu.vector_load %arg12[%get3A_724, %get3A_725] {strides = array<i32>} : memref<16x1024xf32, #tpu.memory_space<vmem>>, vector<1x16xf32>,
        %get3A_727 = vector.shape_cast %get3A_726 : vector<1x16xf32> to vector<16xf32>
        %add3A_728 = arith.addf %mul3A_723, %get3A_727 : vector<16xf32>
        %swap3A_729 = arith.index_cast %scan3A_679 : i32 to index
        %swap3A_730 = arith.index_cast %mul3A_716 : i32 to index
        %swap3A_731 = tpu.vector_load %arg11[%swap3A_729, %swap3A_730] {strides = array<i32>} : memref<16x1024xf32, #tpu.memory_space<vmem>>, vector<1x16xf32>,
        %swap3A_732 = vector.shape_cast %swap3A_731 : vector<1x16xf32> to vector<16xf32>
        %swap3A_733 = vector.shape_cast %add3A_728 : vector<16xf32> to vector<1x16xf32>
        tpu.vector_store %arg11[%swap3A_729, %swap3A_730], %swap3A_733 {strides = array<i32>} : memref<16x1024xf32, #tpu.memory_space<vmem>>, vector<1x16xf32>,
        %mul3A_734 = arith.constant 4 : i32
        %mul3A_735 = arith.muli %scan3A_688, %mul3A_734 : i32
        %add3A_736 = arith.constant 2 : i32
        %add3A_737 = arith.addi %mul3A_735, %add3A_736 : i32
        %mul3A_738 = arith.constant 16 : i32
        %mul3A_739 = arith.muli %add3A_737, %mul3A_738 : i32
        %get3A_740 = arith.index_cast %scan3A_679 : i32 to index
        %get3A_741 = arith.index_cast %mul3A_739 : i32 to index
        %get3A_742 = tpu.vector_load %arg11[%get3A_740, %get3A_741] {strides = array<i32>} : memref<16x1024xf32, #tpu.memory_space<vmem>>, vector<1x16xf32>,
        %get3A_743 = vector.shape_cast %get3A_742 : vector<1x16xf32> to vector<16xf32>
        %mul3A_744 = arith.constant 3.200000e+01 : f32
        %mul3A_745 = vector.broadcast %mul3A_744 : f32 to vector<16xf32>
        %mul3A_746 = arith.mulf %get3A_743, %mul3A_745 : vector<16xf32>
        %get3A_747 = arith.index_cast %scan3A_679 : i32 to index
        %get3A_748 = arith.index_cast %mul3A_739 : i32 to index
        %get3A_749 = tpu.vector_load %arg12[%get3A_747, %get3A_748] {strides = array<i32>} : memref<16x1024xf32, #tpu.memory_space<vmem>>, vector<1x16xf32>,
        %get3A_750 = vector.shape_cast %get3A_749 : vector<1x16xf32> to vector<16xf32>
        %add3A_751 = arith.addf %mul3A_746, %get3A_750 : vector<16xf32>
        %swap3A_752 = arith.index_cast %scan3A_679 : i32 to index
        %swap3A_753 = arith.index_cast %mul3A_739 : i32 to index
        %swap3A_754 = tpu.vector_load %arg11[%swap3A_752, %swap3A_753] {strides = array<i32>} : memref<16x1024xf32, #tpu.memory_space<vmem>>, vector<1x16xf32>,
        %swap3A_755 = vector.shape_cast %swap3A_754 : vector<1x16xf32> to vector<16xf32>
        %swap3A_756 = vector.shape_cast %add3A_751 : vector<16xf32> to vector<1x16xf32>
        tpu.vector_store %arg11[%swap3A_752, %swap3A_753], %swap3A_756 {strides = array<i32>} : memref<16x1024xf32, #tpu.memory_space<vmem>>, vector<1x16xf32>,
        %mul3A_757 = arith.constant 4 : i32
        %mul3A_758 = arith.muli %scan3A_688, %mul3A_757 : i32
        %add3A_759 = arith.constant 3 : i32
        %add3A_760 = arith.addi %mul3A_758, %add3A_759 : i32
        %mul3A_761 = arith.constant 16 : i32
        %mul3A_762 = arith.muli %add3A_760, %mul3A_761 : i32
        %get3A_763 = arith.index_cast %scan3A_679 : i32 to index
        %get3A_764 = arith.index_cast %mul3A_762 : i32 to index
        %get3A_765 = tpu.vector_load %arg11[%get3A_763, %get3A_764] {strides = array<i32>} : memref<16x1024xf32, #tpu.memory_space<vmem>>, vector<1x16xf32>,
        %get3A_766 = vector.shape_cast %get3A_765 : vector<1x16xf32> to vector<16xf32>
        %mul3A_767 = arith.constant 3.200000e+01 : f32
        %mul3A_768 = vector.broadcast %mul3A_767 : f32 to vector<16xf32>
        %mul3A_769 = arith.mulf %get3A_766, %mul3A_768 : vector<16xf32>
        %get3A_770 = arith.index_cast %scan3A_679 : i32 to index
        %get3A_771 = arith.index_cast %mul3A_762 : i32 to index
        %get3A_772 = tpu.vector_load %arg12[%get3A_770, %get3A_771] {strides = array<i32>} : memref<16x1024xf32, #tpu.memory_space<vmem>>, vector<1x16xf32>,
        %get3A_773 = vector.shape_cast %get3A_772 : vector<1x16xf32> to vector<16xf32>
        %add3A_774 = arith.addf %mul3A_769, %get3A_773 : vector<16xf32>
        %swap3A_775 = arith.index_cast %scan3A_679 : i32 to index
        %swap3A_776 = arith.index_cast %mul3A_762 : i32 to index
        %swap3A_777 = tpu.vector_load %arg11[%swap3A_775, %swap3A_776] {strides = array<i32>} : memref<16x1024xf32, #tpu.memory_space<vmem>>, vector<1x16xf32>,
        %swap3A_778 = vector.shape_cast %swap3A_777 : vector<1x16xf32> to vector<16xf32>
        %swap3A_779 = vector.shape_cast %add3A_774 : vector<16xf32> to vector<1x16xf32>
        tpu.vector_store %arg11[%swap3A_775, %swap3A_776], %swap3A_779 {strides = array<i32>} : memref<16x1024xf32, #tpu.memory_space<vmem>>, vector<1x16xf32>,
        %scan3A_780 = arith.constant 0 : i32
        scf.yield %scan3A_780 : i32
      }
      %scan3A_687 = arith.constant 16 : i32
      scf.yield %scan3A_686 : i32
    }
    %scan3A_432 = arith.constant 16 : i32
    %add3A_433 = arith.constant 32 : i32
    %add3A_434 = arith.addi %mul3A_2, %add3A_433 : i32
    %dma_start3A_435 = arith.constant 1 : i32
    %dma_start3A_436 = arith.constant 0 : i32
    %dma_start3A_437 = tpu.memref_slice %arg5[%dma_start3A_435, %add3A_434, %dma_start3A_436] : memref<4x2048x1024xf32, #tpu.memory_space<hbm>> -> memref<1x16x1024xf32, #tpu.memory_space<hbm>>
    %dma_start3A_438 = tpu.memref_squeeze %dma_start3A_437 : memref<1x16x1024xf32, #tpu.memory_space<hbm>> -> memref<16x1024xf32, #tpu.memory_space<hbm>>
    %dma_start3A_439 = arith.constant 0 : i32
    %dma_start3A_440 = tpu.memref_slice %arg5[%dma_start3A_435, %add3A_434, %dma_start3A_439] : memref<4x2048x1024xf32, #tpu.memory_space<hbm>> -> memref<1x16x1024xf32, #tpu.memory_space<hbm>>
    %dma_start3A_441 = tpu.memref_squeeze %dma_start3A_440 : memref<1x16x1024xf32, #tpu.memory_space<hbm>> -> memref<16x1024xf32, #tpu.memory_space<hbm>>
    tpu.enqueue_dma source(%arg11 : memref<16x1024xf32, #tpu.memory_space<vmem>>) target(%dma_start3A_441 : memref<16x1024xf32, #tpu.memory_space<hbm>>) target_semaphore(%arg23 : memref<!tpu.dma_semaphore, #tpu.memory_space<semaphore_mem>>)
    %add3A_442 = arith.constant 32 : i32
    %add3A_443 = arith.addi %mul3A_2, %add3A_442 : i32
    %dma_wait3A_444 = arith.constant 0 : i32
    %dma_wait3A_445 = arith.constant 0 : i32
    %dma_wait3A_446 = tpu.memref_slice %arg5[%dma_wait3A_444, %add3A_443, %dma_wait3A_445] : memref<4x2048x1024xf32, #tpu.memory_space<hbm>> -> memref<1x16x1024xf32, #tpu.memory_space<hbm>>
    %dma_wait3A_447 = tpu.memref_squeeze %dma_wait3A_446 : memref<1x16x1024xf32, #tpu.memory_space<hbm>> -> memref<16x1024xf32, #tpu.memory_space<hbm>>
    %dma_wait3A_448 = arith.constant 0 : i32
    %dma_wait3A_449 = tpu.memref_slice %arg5[%dma_wait3A_444, %add3A_443, %dma_wait3A_448] : memref<4x2048x1024xf32, #tpu.memory_space<hbm>> -> memref<1x16x1024xf32, #tpu.memory_space<hbm>>
    %dma_wait3A_450 = tpu.memref_squeeze %dma_wait3A_449 : memref<1x16x1024xf32, #tpu.memory_space<hbm>> -> memref<16x1024xf32, #tpu.memory_space<hbm>>
    tpu.wait_dma2 semaphore(%arg22 : memref<!tpu.dma_semaphore, #tpu.memory_space<semaphore_mem>>) src(%arg10 : memref<16x1024xf32, #tpu.memory_space<vmem>>) dst(%dma_wait3A_450 : memref<16x1024xf32, #tpu.memory_space<hbm>>)
    %dma_start3A_451 = arith.constant 1 : i32
    %dma_start3A_452 = arith.constant 48 : i32
    %dma_start3A_453 = tpu.memref_slice %arg6[%dma_start3A_451, %dma_start3A_452] : memref<4x64xi32, #tpu.memory_space<vmem>> -> memref<1x16xi32, #tpu.memory_space<vmem>>
    %dma_start3A_454 = tpu.memref_squeeze %dma_start3A_453 : memref<1x16xi32, #tpu.memory_space<vmem>> -> memref<16xi32, #tpu.memory_space<vmem>>
    %dma_start3A_455 = arith.constant 0 : i32
    %dma_start3A_456 = arith.constant 0 : i32
    %dma_start3A_457 = tpu.memref_slice %arg3[%dma_start3A_455, %dma_start3A_456] : memref<100000x1024xf32, #tpu.memory_space<hbm>> -> memref<100000x1024xf32, #tpu.memory_space<hbm>>
    tpu.enqueue_indirect_dma source(%dma_start3A_457 : memref<100000x1024xf32, #tpu.memory_space<hbm>>) target(%arg10 : memref<16x1024xf32, #tpu.memory_space<vmem>>) offsets(%dma_start3A_454 : memref<16xi32, #tpu.memory_space<vmem>>) semaphore(%arg17 : memref<!tpu.dma_semaphore, #tpu.memory_space<semaphore_mem>>)
    %dma_wait3A_458 = arith.constant 2 : i32
    %dma_wait3A_459 = arith.constant 32 : i32
    %dma_wait3A_460 = tpu.memref_slice %arg6[%dma_wait3A_458, %dma_wait3A_459] : memref<4x64xi32, #tpu.memory_space<vmem>> -> memref<1x16xi32, #tpu.memory_space<vmem>>
    %dma_wait3A_461 = tpu.memref_squeeze %dma_wait3A_460 : memref<1x16xi32, #tpu.memory_space<vmem>> -> memref<16xi32, #tpu.memory_space<vmem>>
    %dma_wait3A_462 = arith.constant 0 : i32
    %dma_wait3A_463 = arith.constant 0 : i32
    %dma_wait3A_464 = tpu.memref_slice %arg3[%dma_wait3A_462, %dma_wait3A_463] : memref<100000x1024xf32, #tpu.memory_space<hbm>> -> memref<100000x1024xf32, #tpu.memory_space<hbm>>
    tpu.wait_indirect_dma semaphore(%arg14 : memref<!tpu.dma_semaphore, #tpu.memory_space<semaphore_mem>>) src(%dma_wait3A_464 : memref<100000x1024xf32, #tpu.memory_space<hbm>>) dst(%arg7 : memref<16x1024xf32, #tpu.memory_space<vmem>>)
    %scan3A_465 = arith.constant 0 : i32
    %scan3A_466 = arith.constant 0 : i32
    %scan3A_467 = arith.constant 16 : i32
    %scan3A_468 = arith.addi %scan3A_466, %scan3A_467 : i32
    %scan3A_469 = arith.constant 1 : i32
    %scan3A_470 = scf.for %scan3A_679 = %scan3A_466 to %scan3A_468 step %scan3A_469 iter_args(%scan3A_680 = %scan3A_465) -> (i32)  : i32 {
      %scan3A_681 = arith.constant 0 : i32
      %scan3A_682 = arith.constant 0 : i32
      %scan3A_683 = arith.constant 16 : i32
      %scan3A_684 = arith.addi %scan3A_682, %scan3A_683 : i32
      %scan3A_685 = arith.constant 1 : i32
      %scan3A_686 = scf.for %scan3A_688 = %scan3A_682 to %scan3A_684 step %scan3A_685 iter_args(%scan3A_689 = %scan3A_681) -> (i32)  : i32 {
        %mul3A_690 = arith.constant 4 : i32
        %mul3A_691 = arith.muli %scan3A_688, %mul3A_690 : i32
        %add3A_692 = arith.constant 0 : i32
        %add3A_693 = arith.addi %mul3A_691, %add3A_692 : i32
        %mul3A_694 = arith.constant 16 : i32
        %mul3A_695 = arith.muli %add3A_693, %mul3A_694 : i32
        %get3A = arith.index_cast %scan3A_679 : i32 to index
        %get3A_696 = arith.index_cast %mul3A_695 : i32 to index
        %get3A_697 = tpu.vector_load %arg7[%get3A, %get3A_696] {strides = array<i32>} : memref<16x1024xf32, #tpu.memory_space<vmem>>, vector<1x16xf32>,
        %get3A_698 = vector.shape_cast %get3A_697 : vector<1x16xf32> to vector<16xf32>
        %mul3A_699 = arith.constant 3.200000e+01 : f32
        %mul3A_700 = vector.broadcast %mul3A_699 : f32 to vector<16xf32>
        %mul3A_701 = arith.mulf %get3A_698, %mul3A_700 : vector<16xf32>
        %get3A_702 = arith.index_cast %scan3A_679 : i32 to index
        %get3A_703 = arith.index_cast %mul3A_695 : i32 to index
        %get3A_704 = tpu.vector_load %arg12[%get3A_702, %get3A_703] {strides = array<i32>} : memref<16x1024xf32, #tpu.memory_space<vmem>>, vector<1x16xf32>,
        %get3A_705 = vector.shape_cast %get3A_704 : vector<1x16xf32> to vector<16xf32>
        %add3A_706 = arith.addf %mul3A_701, %get3A_705 : vector<16xf32>
        %swap3A = arith.index_cast %scan3A_679 : i32 to index
        %swap3A_707 = arith.index_cast %mul3A_695 : i32 to index
        %swap3A_708 = tpu.vector_load %arg7[%swap3A, %swap3A_707] {strides = array<i32>} : memref<16x1024xf32, #tpu.memory_space<vmem>>, vector<1x16xf32>,
        %swap3A_709 = vector.shape_cast %swap3A_708 : vector<1x16xf32> to vector<16xf32>
        %swap3A_710 = vector.shape_cast %add3A_706 : vector<16xf32> to vector<1x16xf32>
        tpu.vector_store %arg7[%swap3A, %swap3A_707], %swap3A_710 {strides = array<i32>} : memref<16x1024xf32, #tpu.memory_space<vmem>>, vector<1x16xf32>,
        %mul3A_711 = arith.constant 4 : i32
        %mul3A_712 = arith.muli %scan3A_688, %mul3A_711 : i32
        %add3A_713 = arith.constant 1 : i32
        %add3A_714 = arith.addi %mul3A_712, %add3A_713 : i32
        %mul3A_715 = arith.constant 16 : i32
        %mul3A_716 = arith.muli %add3A_714, %mul3A_715 : i32
        %get3A_717 = arith.index_cast %scan3A_679 : i32 to index
        %get3A_718 = arith.index_cast %mul3A_716 : i32 to index
        %get3A_719 = tpu.vector_load %arg7[%get3A_717, %get3A_718] {strides = array<i32>} : memref<16x1024xf32, #tpu.memory_space<vmem>>, vector<1x16xf32>,
        %get3A_720 = vector.shape_cast %get3A_719 : vector<1x16xf32> to vector<16xf32>
        %mul3A_721 = arith.constant 3.200000e+01 : f32
        %mul3A_722 = vector.broadcast %mul3A_721 : f32 to vector<16xf32>
        %mul3A_723 = arith.mulf %get3A_720, %mul3A_722 : vector<16xf32>
        %get3A_724 = arith.index_cast %scan3A_679 : i32 to index
        %get3A_725 = arith.index_cast %mul3A_716 : i32 to index
        %get3A_726 = tpu.vector_load %arg12[%get3A_724, %get3A_725] {strides = array<i32>} : memref<16x1024xf32, #tpu.memory_space<vmem>>, vector<1x16xf32>,
        %get3A_727 = vector.shape_cast %get3A_726 : vector<1x16xf32> to vector<16xf32>
        %add3A_728 = arith.addf %mul3A_723, %get3A_727 : vector<16xf32>
        %swap3A_729 = arith.index_cast %scan3A_679 : i32 to index
        %swap3A_730 = arith.index_cast %mul3A_716 : i32 to index
        %swap3A_731 = tpu.vector_load %arg7[%swap3A_729, %swap3A_730] {strides = array<i32>} : memref<16x1024xf32, #tpu.memory_space<vmem>>, vector<1x16xf32>,
        %swap3A_732 = vector.shape_cast %swap3A_731 : vector<1x16xf32> to vector<16xf32>
        %swap3A_733 = vector.shape_cast %add3A_728 : vector<16xf32> to vector<1x16xf32>
        tpu.vector_store %arg7[%swap3A_729, %swap3A_730], %swap3A_733 {strides = array<i32>} : memref<16x1024xf32, #tpu.memory_space<vmem>>, vector<1x16xf32>,
        %mul3A_734 = arith.constant 4 : i32
        %mul3A_735 = arith.muli %scan3A_688, %mul3A_734 : i32
        %add3A_736 = arith.constant 2 : i32
        %add3A_737 = arith.addi %mul3A_735, %add3A_736 : i32
        %mul3A_738 = arith.constant 16 : i32
        %mul3A_739 = arith.muli %add3A_737, %mul3A_738 : i32
        %get3A_740 = arith.index_cast %scan3A_679 : i32 to index
        %get3A_741 = arith.index_cast %mul3A_739 : i32 to index
        %get3A_742 = tpu.vector_load %arg7[%get3A_740, %get3A_741] {strides = array<i32>} : memref<16x1024xf32, #tpu.memory_space<vmem>>, vector<1x16xf32>,
        %get3A_743 = vector.shape_cast %get3A_742 : vector<1x16xf32> to vector<16xf32>
        %mul3A_744 = arith.constant 3.200000e+01 : f32
        %mul3A_745 = vector.broadcast %mul3A_744 : f32 to vector<16xf32>
        %mul3A_746 = arith.mulf %get3A_743, %mul3A_745 : vector<16xf32>
        %get3A_747 = arith.index_cast %scan3A_679 : i32 to index
        %get3A_748 = arith.index_cast %mul3A_739 : i32 to index
        %get3A_749 = tpu.vector_load %arg12[%get3A_747, %get3A_748] {strides = array<i32>} : memref<16x1024xf32, #tpu.memory_space<vmem>>, vector<1x16xf32>,
        %get3A_750 = vector.shape_cast %get3A_749 : vector<1x16xf32> to vector<16xf32>
        %add3A_751 = arith.addf %mul3A_746, %get3A_750 : vector<16xf32>
        %swap3A_752 = arith.index_cast %scan3A_679 : i32 to index
        %swap3A_753 = arith.index_cast %mul3A_739 : i32 to index
        %swap3A_754 = tpu.vector_load %arg7[%swap3A_752, %swap3A_753] {strides = array<i32>} : memref<16x1024xf32, #tpu.memory_space<vmem>>, vector<1x16xf32>,
        %swap3A_755 = vector.shape_cast %swap3A_754 : vector<1x16xf32> to vector<16xf32>
        %swap3A_756 = vector.shape_cast %add3A_751 : vector<16xf32> to vector<1x16xf32>
        tpu.vector_store %arg7[%swap3A_752, %swap3A_753], %swap3A_756 {strides = array<i32>} : memref<16x1024xf32, #tpu.memory_space<vmem>>, vector<1x16xf32>,
        %mul3A_757 = arith.constant 4 : i32
        %mul3A_758 = arith.muli %scan3A_688, %mul3A_757 : i32
        %add3A_759 = arith.constant 3 : i32
        %add3A_760 = arith.addi %mul3A_758, %add3A_759 : i32
        %mul3A_761 = arith.constant 16 : i32
        %mul3A_762 = arith.muli %add3A_760, %mul3A_761 : i32
        %get3A_763 = arith.index_cast %scan3A_679 : i32 to index
        %get3A_764 = arith.index_cast %mul3A_762 : i32 to index
        %get3A_765 = tpu.vector_load %arg7[%get3A_763, %get3A_764] {strides = array<i32>} : memref<16x1024xf32, #tpu.memory_space<vmem>>, vector<1x16xf32>,
        %get3A_766 = vector.shape_cast %get3A_765 : vector<1x16xf32> to vector<16xf32>
        %mul3A_767 = arith.constant 3.200000e+01 : f32
        %mul3A_768 = vector.broadcast %mul3A_767 : f32 to vector<16xf32>
        %mul3A_769 = arith.mulf %get3A_766, %mul3A_768 : vector<16xf32>
        %get3A_770 = arith.index_cast %scan3A_679 : i32 to index
        %get3A_771 = arith.index_cast %mul3A_762 : i32 to index
        %get3A_772 = tpu.vector_load %arg12[%get3A_770, %get3A_771] {strides = array<i32>} : memref<16x1024xf32, #tpu.memory_space<vmem>>, vector<1x16xf32>,
        %get3A_773 = vector.shape_cast %get3A_772 : vector<1x16xf32> to vector<16xf32>
        %add3A_774 = arith.addf %mul3A_769, %get3A_773 : vector<16xf32>
        %swap3A_775 = arith.index_cast %scan3A_679 : i32 to index
        %swap3A_776 = arith.index_cast %mul3A_762 : i32 to index
        %swap3A_777 = tpu.vector_load %arg7[%swap3A_775, %swap3A_776] {strides = array<i32>} : memref<16x1024xf32, #tpu.memory_space<vmem>>, vector<1x16xf32>,
        %swap3A_778 = vector.shape_cast %swap3A_777 : vector<1x16xf32> to vector<16xf32>
        %swap3A_779 = vector.shape_cast %add3A_774 : vector<16xf32> to vector<1x16xf32>
        tpu.vector_store %arg7[%swap3A_775, %swap3A_776], %swap3A_779 {strides = array<i32>} : memref<16x1024xf32, #tpu.memory_space<vmem>>, vector<1x16xf32>,
        %scan3A_780 = arith.constant 0 : i32
        scf.yield %scan3A_780 : i32
      }
      %scan3A_687 = arith.constant 16 : i32
      scf.yield %scan3A_686 : i32
    }
    %scan3A_471 = arith.constant 16 : i32
    %add3A_472 = arith.constant 32 : i32
    %add3A_473 = arith.addi %mul3A_2, %add3A_472 : i32
    %dma_start3A_474 = arith.constant 2 : i32
    %dma_start3A_475 = arith.constant 0 : i32
    %dma_start3A_476 = tpu.memref_slice %arg5[%dma_start3A_474, %add3A_473, %dma_start3A_475] : memref<4x2048x1024xf32, #tpu.memory_space<hbm>> -> memref<1x16x1024xf32, #tpu.memory_space<hbm>>
    %dma_start3A_477 = tpu.memref_squeeze %dma_start3A_476 : memref<1x16x1024xf32, #tpu.memory_space<hbm>> -> memref<16x1024xf32, #tpu.memory_space<hbm>>
    %dma_start3A_478 = arith.constant 0 : i32
    %dma_start3A_479 = tpu.memref_slice %arg5[%dma_start3A_474, %add3A_473, %dma_start3A_478] : memref<4x2048x1024xf32, #tpu.memory_space<hbm>> -> memref<1x16x1024xf32, #tpu.memory_space<hbm>>
    %dma_start3A_480 = tpu.memref_squeeze %dma_start3A_479 : memref<1x16x1024xf32, #tpu.memory_space<hbm>> -> memref<16x1024xf32, #tpu.memory_space<hbm>>
    tpu.enqueue_dma source(%arg7 : memref<16x1024xf32, #tpu.memory_space<vmem>>) target(%dma_start3A_480 : memref<16x1024xf32, #tpu.memory_space<hbm>>) target_semaphore(%arg19 : memref<!tpu.dma_semaphore, #tpu.memory_space<semaphore_mem>>)
    %add3A_481 = arith.constant 32 : i32
    %add3A_482 = arith.addi %mul3A_2, %add3A_481 : i32
    %dma_wait3A_483 = arith.constant 1 : i32
    %dma_wait3A_484 = arith.constant 0 : i32
    %dma_wait3A_485 = tpu.memref_slice %arg5[%dma_wait3A_483, %add3A_482, %dma_wait3A_484] : memref<4x2048x1024xf32, #tpu.memory_space<hbm>> -> memref<1x16x1024xf32, #tpu.memory_space<hbm>>
    %dma_wait3A_486 = tpu.memref_squeeze %dma_wait3A_485 : memref<1x16x1024xf32, #tpu.memory_space<hbm>> -> memref<16x1024xf32, #tpu.memory_space<hbm>>
    %dma_wait3A_487 = arith.constant 0 : i32
    %dma_wait3A_488 = tpu.memref_slice %arg5[%dma_wait3A_483, %add3A_482, %dma_wait3A_487] : memref<4x2048x1024xf32, #tpu.memory_space<hbm>> -> memref<1x16x1024xf32, #tpu.memory_space<hbm>>
    %dma_wait3A_489 = tpu.memref_squeeze %dma_wait3A_488 : memref<1x16x1024xf32, #tpu.memory_space<hbm>> -> memref<16x1024xf32, #tpu.memory_space<hbm>>
    tpu.wait_dma2 semaphore(%arg23 : memref<!tpu.dma_semaphore, #tpu.memory_space<semaphore_mem>>) src(%arg11 : memref<16x1024xf32, #tpu.memory_space<vmem>>) dst(%dma_wait3A_489 : memref<16x1024xf32, #tpu.memory_space<hbm>>)
    %dma_start3A_490 = arith.constant 2 : i32
    %dma_start3A_491 = arith.constant 48 : i32
    %dma_start3A_492 = tpu.memref_slice %arg6[%dma_start3A_490, %dma_start3A_491] : memref<4x64xi32, #tpu.memory_space<vmem>> -> memref<1x16xi32, #tpu.memory_space<vmem>>
    %dma_start3A_493 = tpu.memref_squeeze %dma_start3A_492 : memref<1x16xi32, #tpu.memory_space<vmem>> -> memref<16xi32, #tpu.memory_space<vmem>>
    %dma_start3A_494 = arith.constant 0 : i32
    %dma_start3A_495 = arith.constant 0 : i32
    %dma_start3A_496 = tpu.memref_slice %arg3[%dma_start3A_494, %dma_start3A_495] : memref<100000x1024xf32, #tpu.memory_space<hbm>> -> memref<100000x1024xf32, #tpu.memory_space<hbm>>
    tpu.enqueue_indirect_dma source(%dma_start3A_496 : memref<100000x1024xf32, #tpu.memory_space<hbm>>) target(%arg11 : memref<16x1024xf32, #tpu.memory_space<vmem>>) offsets(%dma_start3A_493 : memref<16xi32, #tpu.memory_space<vmem>>) semaphore(%arg18 : memref<!tpu.dma_semaphore, #tpu.memory_space<semaphore_mem>>)
    %dma_wait3A_497 = arith.constant 3 : i32
    %dma_wait3A_498 = arith.constant 32 : i32
    %dma_wait3A_499 = tpu.memref_slice %arg6[%dma_wait3A_497, %dma_wait3A_498] : memref<4x64xi32, #tpu.memory_space<vmem>> -> memref<1x16xi32, #tpu.memory_space<vmem>>
    %dma_wait3A_500 = tpu.memref_squeeze %dma_wait3A_499 : memref<1x16xi32, #tpu.memory_space<vmem>> -> memref<16xi32, #tpu.memory_space<vmem>>
    %dma_wait3A_501 = arith.constant 0 : i32
    %dma_wait3A_502 = arith.constant 0 : i32
    %dma_wait3A_503 = tpu.memref_slice %arg3[%dma_wait3A_501, %dma_wait3A_502] : memref<100000x1024xf32, #tpu.memory_space<hbm>> -> memref<100000x1024xf32, #tpu.memory_space<hbm>>
    tpu.wait_indirect_dma semaphore(%arg15 : memref<!tpu.dma_semaphore, #tpu.memory_space<semaphore_mem>>) src(%dma_wait3A_503 : memref<100000x1024xf32, #tpu.memory_space<hbm>>) dst(%arg8 : memref<16x1024xf32, #tpu.memory_space<vmem>>)
    %scan3A_504 = arith.constant 0 : i32
    %scan3A_505 = arith.constant 0 : i32
    %scan3A_506 = arith.constant 16 : i32
    %scan3A_507 = arith.addi %scan3A_505, %scan3A_506 : i32
    %scan3A_508 = arith.constant 1 : i32
    %scan3A_509 = scf.for %scan3A_679 = %scan3A_505 to %scan3A_507 step %scan3A_508 iter_args(%scan3A_680 = %scan3A_504) -> (i32)  : i32 {
      %scan3A_681 = arith.constant 0 : i32
      %scan3A_682 = arith.constant 0 : i32
      %scan3A_683 = arith.constant 16 : i32
      %scan3A_684 = arith.addi %scan3A_682, %scan3A_683 : i32
      %scan3A_685 = arith.constant 1 : i32
      %scan3A_686 = scf.for %scan3A_688 = %scan3A_682 to %scan3A_684 step %scan3A_685 iter_args(%scan3A_689 = %scan3A_681) -> (i32)  : i32 {
        %mul3A_690 = arith.constant 4 : i32
        %mul3A_691 = arith.muli %scan3A_688, %mul3A_690 : i32
        %add3A_692 = arith.constant 0 : i32
        %add3A_693 = arith.addi %mul3A_691, %add3A_692 : i32
        %mul3A_694 = arith.constant 16 : i32
        %mul3A_695 = arith.muli %add3A_693, %mul3A_694 : i32
        %get3A = arith.index_cast %scan3A_679 : i32 to index
        %get3A_696 = arith.index_cast %mul3A_695 : i32 to index
        %get3A_697 = tpu.vector_load %arg8[%get3A, %get3A_696] {strides = array<i32>} : memref<16x1024xf32, #tpu.memory_space<vmem>>, vector<1x16xf32>,
        %get3A_698 = vector.shape_cast %get3A_697 : vector<1x16xf32> to vector<16xf32>
        %mul3A_699 = arith.constant 3.200000e+01 : f32
        %mul3A_700 = vector.broadcast %mul3A_699 : f32 to vector<16xf32>
        %mul3A_701 = arith.mulf %get3A_698, %mul3A_700 : vector<16xf32>
        %get3A_702 = arith.index_cast %scan3A_679 : i32 to index
        %get3A_703 = arith.index_cast %mul3A_695 : i32 to index
        %get3A_704 = tpu.vector_load %arg12[%get3A_702, %get3A_703] {strides = array<i32>} : memref<16x1024xf32, #tpu.memory_space<vmem>>, vector<1x16xf32>,
        %get3A_705 = vector.shape_cast %get3A_704 : vector<1x16xf32> to vector<16xf32>
        %add3A_706 = arith.addf %mul3A_701, %get3A_705 : vector<16xf32>
        %swap3A = arith.index_cast %scan3A_679 : i32 to index
        %swap3A_707 = arith.index_cast %mul3A_695 : i32 to index
        %swap3A_708 = tpu.vector_load %arg8[%swap3A, %swap3A_707] {strides = array<i32>} : memref<16x1024xf32, #tpu.memory_space<vmem>>, vector<1x16xf32>,
        %swap3A_709 = vector.shape_cast %swap3A_708 : vector<1x16xf32> to vector<16xf32>
        %swap3A_710 = vector.shape_cast %add3A_706 : vector<16xf32> to vector<1x16xf32>
        tpu.vector_store %arg8[%swap3A, %swap3A_707], %swap3A_710 {strides = array<i32>} : memref<16x1024xf32, #tpu.memory_space<vmem>>, vector<1x16xf32>,
        %mul3A_711 = arith.constant 4 : i32
        %mul3A_712 = arith.muli %scan3A_688, %mul3A_711 : i32
        %add3A_713 = arith.constant 1 : i32
        %add3A_714 = arith.addi %mul3A_712, %add3A_713 : i32
        %mul3A_715 = arith.constant 16 : i32
        %mul3A_716 = arith.muli %add3A_714, %mul3A_715 : i32
        %get3A_717 = arith.index_cast %scan3A_679 : i32 to index
        %get3A_718 = arith.index_cast %mul3A_716 : i32 to index
        %get3A_719 = tpu.vector_load %arg8[%get3A_717, %get3A_718] {strides = array<i32>} : memref<16x1024xf32, #tpu.memory_space<vmem>>, vector<1x16xf32>,
        %get3A_720 = vector.shape_cast %get3A_719 : vector<1x16xf32> to vector<16xf32>
        %mul3A_721 = arith.constant 3.200000e+01 : f32
        %mul3A_722 = vector.broadcast %mul3A_721 : f32 to vector<16xf32>
        %mul3A_723 = arith.mulf %get3A_720, %mul3A_722 : vector<16xf32>
        %get3A_724 = arith.index_cast %scan3A_679 : i32 to index
        %get3A_725 = arith.index_cast %mul3A_716 : i32 to index
        %get3A_726 = tpu.vector_load %arg12[%get3A_724, %get3A_725] {strides = array<i32>} : memref<16x1024xf32, #tpu.memory_space<vmem>>, vector<1x16xf32>,
        %get3A_727 = vector.shape_cast %get3A_726 : vector<1x16xf32> to vector<16xf32>
        %add3A_728 = arith.addf %mul3A_723, %get3A_727 : vector<16xf32>
        %swap3A_729 = arith.index_cast %scan3A_679 : i32 to index
        %swap3A_730 = arith.index_cast %mul3A_716 : i32 to index
        %swap3A_731 = tpu.vector_load %arg8[%swap3A_729, %swap3A_730] {strides = array<i32>} : memref<16x1024xf32, #tpu.memory_space<vmem>>, vector<1x16xf32>,
        %swap3A_732 = vector.shape_cast %swap3A_731 : vector<1x16xf32> to vector<16xf32>
        %swap3A_733 = vector.shape_cast %add3A_728 : vector<16xf32> to vector<1x16xf32>
        tpu.vector_store %arg8[%swap3A_729, %swap3A_730], %swap3A_733 {strides = array<i32>} : memref<16x1024xf32, #tpu.memory_space<vmem>>, vector<1x16xf32>,
        %mul3A_734 = arith.constant 4 : i32
        %mul3A_735 = arith.muli %scan3A_688, %mul3A_734 : i32
        %add3A_736 = arith.constant 2 : i32
        %add3A_737 = arith.addi %mul3A_735, %add3A_736 : i32
        %mul3A_738 = arith.constant 16 : i32
        %mul3A_739 = arith.muli %add3A_737, %mul3A_738 : i32
        %get3A_740 = arith.index_cast %scan3A_679 : i32 to index
        %get3A_741 = arith.index_cast %mul3A_739 : i32 to index
        %get3A_742 = tpu.vector_load %arg8[%get3A_740, %get3A_741] {strides = array<i32>} : memref<16x1024xf32, #tpu.memory_space<vmem>>, vector<1x16xf32>,
        %get3A_743 = vector.shape_cast %get3A_742 : vector<1x16xf32> to vector<16xf32>
        %mul3A_744 = arith.constant 3.200000e+01 : f32
        %mul3A_745 = vector.broadcast %mul3A_744 : f32 to vector<16xf32>
        %mul3A_746 = arith.mulf %get3A_743, %mul3A_745 : vector<16xf32>
        %get3A_747 = arith.index_cast %scan3A_679 : i32 to index
        %get3A_748 = arith.index_cast %mul3A_739 : i32 to index
        %get3A_749 = tpu.vector_load %arg12[%get3A_747, %get3A_748] {strides = array<i32>} : memref<16x1024xf32, #tpu.memory_space<vmem>>, vector<1x16xf32>,
        %get3A_750 = vector.shape_cast %get3A_749 : vector<1x16xf32> to vector<16xf32>
        %add3A_751 = arith.addf %mul3A_746, %get3A_750 : vector<16xf32>
        %swap3A_752 = arith.index_cast %scan3A_679 : i32 to index
        %swap3A_753 = arith.index_cast %mul3A_739 : i32 to index
        %swap3A_754 = tpu.vector_load %arg8[%swap3A_752, %swap3A_753] {strides = array<i32>} : memref<16x1024xf32, #tpu.memory_space<vmem>>, vector<1x16xf32>,
        %swap3A_755 = vector.shape_cast %swap3A_754 : vector<1x16xf32> to vector<16xf32>
        %swap3A_756 = vector.shape_cast %add3A_751 : vector<16xf32> to vector<1x16xf32>
        tpu.vector_store %arg8[%swap3A_752, %swap3A_753], %swap3A_756 {strides = array<i32>} : memref<16x1024xf32, #tpu.memory_space<vmem>>, vector<1x16xf32>,
        %mul3A_757 = arith.constant 4 : i32
        %mul3A_758 = arith.muli %scan3A_688, %mul3A_757 : i32
        %add3A_759 = arith.constant 3 : i32
        %add3A_760 = arith.addi %mul3A_758, %add3A_759 : i32
        %mul3A_761 = arith.constant 16 : i32
        %mul3A_762 = arith.muli %add3A_760, %mul3A_761 : i32
        %get3A_763 = arith.index_cast %scan3A_679 : i32 to index
        %get3A_764 = arith.index_cast %mul3A_762 : i32 to index
        %get3A_765 = tpu.vector_load %arg8[%get3A_763, %get3A_764] {strides = array<i32>} : memref<16x1024xf32, #tpu.memory_space<vmem>>, vector<1x16xf32>,
        %get3A_766 = vector.shape_cast %get3A_765 : vector<1x16xf32> to vector<16xf32>
        %mul3A_767 = arith.constant 3.200000e+01 : f32
        %mul3A_768 = vector.broadcast %mul3A_767 : f32 to vector<16xf32>
        %mul3A_769 = arith.mulf %get3A_766, %mul3A_768 : vector<16xf32>
        %get3A_770 = arith.index_cast %scan3A_679 : i32 to index
        %get3A_771 = arith.index_cast %mul3A_762 : i32 to index
        %get3A_772 = tpu.vector_load %arg12[%get3A_770, %get3A_771] {strides = array<i32>} : memref<16x1024xf32, #tpu.memory_space<vmem>>, vector<1x16xf32>,
        %get3A_773 = vector.shape_cast %get3A_772 : vector<1x16xf32> to vector<16xf32>
        %add3A_774 = arith.addf %mul3A_769, %get3A_773 : vector<16xf32>
        %swap3A_775 = arith.index_cast %scan3A_679 : i32 to index
        %swap3A_776 = arith.index_cast %mul3A_762 : i32 to index
        %swap3A_777 = tpu.vector_load %arg8[%swap3A_775, %swap3A_776] {strides = array<i32>} : memref<16x1024xf32, #tpu.memory_space<vmem>>, vector<1x16xf32>,
        %swap3A_778 = vector.shape_cast %swap3A_777 : vector<1x16xf32> to vector<16xf32>
        %swap3A_779 = vector.shape_cast %add3A_774 : vector<16xf32> to vector<1x16xf32>
        tpu.vector_store %arg8[%swap3A_775, %swap3A_776], %swap3A_779 {strides = array<i32>} : memref<16x1024xf32, #tpu.memory_space<vmem>>, vector<1x16xf32>,
        %scan3A_780 = arith.constant 0 : i32
        scf.yield %scan3A_780 : i32
      }
      %scan3A_687 = arith.constant 16 : i32
      scf.yield %scan3A_686 : i32
    }
    %scan3A_510 = arith.constant 16 : i32
    %add3A_511 = arith.constant 32 : i32
    %add3A_512 = arith.addi %mul3A_2, %add3A_511 : i32
    %dma_start3A_513 = arith.constant 3 : i32
    %dma_start3A_514 = arith.constant 0 : i32
    %dma_start3A_515 = tpu.memref_slice %arg5[%dma_start3A_513, %add3A_512, %dma_start3A_514] : memref<4x2048x1024xf32, #tpu.memory_space<hbm>> -> memref<1x16x1024xf32, #tpu.memory_space<hbm>>
    %dma_start3A_516 = tpu.memref_squeeze %dma_start3A_515 : memref<1x16x1024xf32, #tpu.memory_space<hbm>> -> memref<16x1024xf32, #tpu.memory_space<hbm>>
    %dma_start3A_517 = arith.constant 0 : i32
    %dma_start3A_518 = tpu.memref_slice %arg5[%dma_start3A_513, %add3A_512, %dma_start3A_517] : memref<4x2048x1024xf32, #tpu.memory_space<hbm>> -> memref<1x16x1024xf32, #tpu.memory_space<hbm>>
    %dma_start3A_519 = tpu.memref_squeeze %dma_start3A_518 : memref<1x16x1024xf32, #tpu.memory_space<hbm>> -> memref<16x1024xf32, #tpu.memory_space<hbm>>
    tpu.enqueue_dma source(%arg8 : memref<16x1024xf32, #tpu.memory_space<vmem>>) target(%dma_start3A_519 : memref<16x1024xf32, #tpu.memory_space<hbm>>) target_semaphore(%arg20 : memref<!tpu.dma_semaphore, #tpu.memory_space<semaphore_mem>>)
    %add3A_520 = arith.constant 32 : i32
    %add3A_521 = arith.addi %mul3A_2, %add3A_520 : i32
    %dma_wait3A_522 = arith.constant 2 : i32
    %dma_wait3A_523 = arith.constant 0 : i32
    %dma_wait3A_524 = tpu.memref_slice %arg5[%dma_wait3A_522, %add3A_521, %dma_wait3A_523] : memref<4x2048x1024xf32, #tpu.memory_space<hbm>> -> memref<1x16x1024xf32, #tpu.memory_space<hbm>>
    %dma_wait3A_525 = tpu.memref_squeeze %dma_wait3A_524 : memref<1x16x1024xf32, #tpu.memory_space<hbm>> -> memref<16x1024xf32, #tpu.memory_space<hbm>>
    %dma_wait3A_526 = arith.constant 0 : i32
    %dma_wait3A_527 = tpu.memref_slice %arg5[%dma_wait3A_522, %add3A_521, %dma_wait3A_526] : memref<4x2048x1024xf32, #tpu.memory_space<hbm>> -> memref<1x16x1024xf32, #tpu.memory_space<hbm>>
    %dma_wait3A_528 = tpu.memref_squeeze %dma_wait3A_527 : memref<1x16x1024xf32, #tpu.memory_space<hbm>> -> memref<16x1024xf32, #tpu.memory_space<hbm>>
    tpu.wait_dma2 semaphore(%arg19 : memref<!tpu.dma_semaphore, #tpu.memory_space<semaphore_mem>>) src(%arg7 : memref<16x1024xf32, #tpu.memory_space<vmem>>) dst(%dma_wait3A_528 : memref<16x1024xf32, #tpu.memory_space<hbm>>)
    %dma_start3A_529 = arith.constant 3 : i32
    %dma_start3A_530 = arith.constant 48 : i32
    %dma_start3A_531 = tpu.memref_slice %arg6[%dma_start3A_529, %dma_start3A_530] : memref<4x64xi32, #tpu.memory_space<vmem>> -> memref<1x16xi32, #tpu.memory_space<vmem>>
    %dma_start3A_532 = tpu.memref_squeeze %dma_start3A_531 : memref<1x16xi32, #tpu.memory_space<vmem>> -> memref<16xi32, #tpu.memory_space<vmem>>
    %dma_start3A_533 = arith.constant 0 : i32
    %dma_start3A_534 = arith.constant 0 : i32
    %dma_start3A_535 = tpu.memref_slice %arg3[%dma_start3A_533, %dma_start3A_534] : memref<100000x1024xf32, #tpu.memory_space<hbm>> -> memref<100000x1024xf32, #tpu.memory_space<hbm>>
    tpu.enqueue_indirect_dma source(%dma_start3A_535 : memref<100000x1024xf32, #tpu.memory_space<hbm>>) target(%arg7 : memref<16x1024xf32, #tpu.memory_space<vmem>>) offsets(%dma_start3A_532 : memref<16xi32, #tpu.memory_space<vmem>>) semaphore(%arg14 : memref<!tpu.dma_semaphore, #tpu.memory_space<semaphore_mem>>)
    %add3A_536 = arith.constant 48 : i32
    %add3A_537 = arith.addi %mul3A_2, %add3A_536 : i32
    %dma_wait3A_538 = arith.constant 0 : i32
    %dma_wait3A_539 = tpu.memref_slice %arg4[%add3A_537, %dma_wait3A_538] : memref<2048x1024xf32, #tpu.memory_space<hbm>> -> memref<16x1024xf32, #tpu.memory_space<hbm>>
    %dma_wait3A_540 = arith.constant 0 : i32
    %dma_wait3A_541 = tpu.memref_slice %arg4[%add3A_537, %dma_wait3A_540] : memref<2048x1024xf32, #tpu.memory_space<hbm>> -> memref<16x1024xf32, #tpu.memory_space<hbm>>
    tpu.wait_dma2 semaphore(%arg25 : memref<!tpu.dma_semaphore, #tpu.memory_space<semaphore_mem>>) src(%dma_wait3A_541 : memref<16x1024xf32, #tpu.memory_space<hbm>>) dst(%arg13 : memref<16x1024xf32, #tpu.memory_space<vmem>>)
    %dma_wait3A_542 = arith.constant 0 : i32
    %dma_wait3A_543 = arith.constant 48 : i32
    %dma_wait3A_544 = tpu.memref_slice %arg6[%dma_wait3A_542, %dma_wait3A_543] : memref<4x64xi32, #tpu.memory_space<vmem>> -> memref<1x16xi32, #tpu.memory_space<vmem>>
    %dma_wait3A_545 = tpu.memref_squeeze %dma_wait3A_544 : memref<1x16xi32, #tpu.memory_space<vmem>> -> memref<16xi32, #tpu.memory_space<vmem>>
    %dma_wait3A_546 = arith.constant 0 : i32
    %dma_wait3A_547 = arith.constant 0 : i32
    %dma_wait3A_548 = tpu.memref_slice %arg3[%dma_wait3A_546, %dma_wait3A_547] : memref<100000x1024xf32, #tpu.memory_space<hbm>> -> memref<100000x1024xf32, #tpu.memory_space<hbm>>
    tpu.wait_indirect_dma semaphore(%arg16 : memref<!tpu.dma_semaphore, #tpu.memory_space<semaphore_mem>>) src(%dma_wait3A_548 : memref<100000x1024xf32, #tpu.memory_space<hbm>>) dst(%arg9 : memref<16x1024xf32, #tpu.memory_space<vmem>>)
    %scan3A_549 = arith.constant 0 : i32
    %scan3A_550 = arith.constant 0 : i32
    %scan3A_551 = arith.constant 16 : i32
    %scan3A_552 = arith.addi %scan3A_550, %scan3A_551 : i32
    %scan3A_553 = arith.constant 1 : i32
    %scan3A_554 = scf.for %scan3A_679 = %scan3A_550 to %scan3A_552 step %scan3A_553 iter_args(%scan3A_680 = %scan3A_549) -> (i32)  : i32 {
      %scan3A_681 = arith.constant 0 : i32
      %scan3A_682 = arith.constant 0 : i32
      %scan3A_683 = arith.constant 16 : i32
      %scan3A_684 = arith.addi %scan3A_682, %scan3A_683 : i32
      %scan3A_685 = arith.constant 1 : i32
      %scan3A_686 = scf.for %scan3A_688 = %scan3A_682 to %scan3A_684 step %scan3A_685 iter_args(%scan3A_689 = %scan3A_681) -> (i32)  : i32 {
        %mul3A_690 = arith.constant 4 : i32
        %mul3A_691 = arith.muli %scan3A_688, %mul3A_690 : i32
        %add3A_692 = arith.constant 0 : i32
        %add3A_693 = arith.addi %mul3A_691, %add3A_692 : i32
        %mul3A_694 = arith.constant 16 : i32
        %mul3A_695 = arith.muli %add3A_693, %mul3A_694 : i32
        %get3A = arith.index_cast %scan3A_679 : i32 to index
        %get3A_696 = arith.index_cast %mul3A_695 : i32 to index
        %get3A_697 = tpu.vector_load %arg9[%get3A, %get3A_696] {strides = array<i32>} : memref<16x1024xf32, #tpu.memory_space<vmem>>, vector<1x16xf32>,
        %get3A_698 = vector.shape_cast %get3A_697 : vector<1x16xf32> to vector<16xf32>
        %mul3A_699 = arith.constant 3.200000e+01 : f32
        %mul3A_700 = vector.broadcast %mul3A_699 : f32 to vector<16xf32>
        %mul3A_701 = arith.mulf %get3A_698, %mul3A_700 : vector<16xf32>
        %get3A_702 = arith.index_cast %scan3A_679 : i32 to index
        %get3A_703 = arith.index_cast %mul3A_695 : i32 to index
        %get3A_704 = tpu.vector_load %arg13[%get3A_702, %get3A_703] {strides = array<i32>} : memref<16x1024xf32, #tpu.memory_space<vmem>>, vector<1x16xf32>,
        %get3A_705 = vector.shape_cast %get3A_704 : vector<1x16xf32> to vector<16xf32>
        %add3A_706 = arith.addf %mul3A_701, %get3A_705 : vector<16xf32>
        %swap3A = arith.index_cast %scan3A_679 : i32 to index
        %swap3A_707 = arith.index_cast %mul3A_695 : i32 to index
        %swap3A_708 = tpu.vector_load %arg9[%swap3A, %swap3A_707] {strides = array<i32>} : memref<16x1024xf32, #tpu.memory_space<vmem>>, vector<1x16xf32>,
        %swap3A_709 = vector.shape_cast %swap3A_708 : vector<1x16xf32> to vector<16xf32>
        %swap3A_710 = vector.shape_cast %add3A_706 : vector<16xf32> to vector<1x16xf32>
        tpu.vector_store %arg9[%swap3A, %swap3A_707], %swap3A_710 {strides = array<i32>} : memref<16x1024xf32, #tpu.memory_space<vmem>>, vector<1x16xf32>,
        %mul3A_711 = arith.constant 4 : i32
        %mul3A_712 = arith.muli %scan3A_688, %mul3A_711 : i32
        %add3A_713 = arith.constant 1 : i32
        %add3A_714 = arith.addi %mul3A_712, %add3A_713 : i32
        %mul3A_715 = arith.constant 16 : i32
        %mul3A_716 = arith.muli %add3A_714, %mul3A_715 : i32
        %get3A_717 = arith.index_cast %scan3A_679 : i32 to index
        %get3A_718 = arith.index_cast %mul3A_716 : i32 to index
        %get3A_719 = tpu.vector_load %arg9[%get3A_717, %get3A_718] {strides = array<i32>} : memref<16x1024xf32, #tpu.memory_space<vmem>>, vector<1x16xf32>,
        %get3A_720 = vector.shape_cast %get3A_719 : vector<1x16xf32> to vector<16xf32>
        %mul3A_721 = arith.constant 3.200000e+01 : f32
        %mul3A_722 = vector.broadcast %mul3A_721 : f32 to vector<16xf32>
        %mul3A_723 = arith.mulf %get3A_720, %mul3A_722 : vector<16xf32>
        %get3A_724 = arith.index_cast %scan3A_679 : i32 to index
        %get3A_725 = arith.index_cast %mul3A_716 : i32 to index
        %get3A_726 = tpu.vector_load %arg13[%get3A_724, %get3A_725] {strides = array<i32>} : memref<16x1024xf32, #tpu.memory_space<vmem>>, vector<1x16xf32>,
        %get3A_727 = vector.shape_cast %get3A_726 : vector<1x16xf32> to vector<16xf32>
        %add3A_728 = arith.addf %mul3A_723, %get3A_727 : vector<16xf32>
        %swap3A_729 = arith.index_cast %scan3A_679 : i32 to index
        %swap3A_730 = arith.index_cast %mul3A_716 : i32 to index
        %swap3A_731 = tpu.vector_load %arg9[%swap3A_729, %swap3A_730] {strides = array<i32>} : memref<16x1024xf32, #tpu.memory_space<vmem>>, vector<1x16xf32>,
        %swap3A_732 = vector.shape_cast %swap3A_731 : vector<1x16xf32> to vector<16xf32>
        %swap3A_733 = vector.shape_cast %add3A_728 : vector<16xf32> to vector<1x16xf32>
        tpu.vector_store %arg9[%swap3A_729, %swap3A_730], %swap3A_733 {strides = array<i32>} : memref<16x1024xf32, #tpu.memory_space<vmem>>, vector<1x16xf32>,
        %mul3A_734 = arith.constant 4 : i32
        %mul3A_735 = arith.muli %scan3A_688, %mul3A_734 : i32
        %add3A_736 = arith.constant 2 : i32
        %add3A_737 = arith.addi %mul3A_735, %add3A_736 : i32
        %mul3A_738 = arith.constant 16 : i32
        %mul3A_739 = arith.muli %add3A_737, %mul3A_738 : i32
        %get3A_740 = arith.index_cast %scan3A_679 : i32 to index
        %get3A_741 = arith.index_cast %mul3A_739 : i32 to index
        %get3A_742 = tpu.vector_load %arg9[%get3A_740, %get3A_741] {strides = array<i32>} : memref<16x1024xf32, #tpu.memory_space<vmem>>, vector<1x16xf32>,
        %get3A_743 = vector.shape_cast %get3A_742 : vector<1x16xf32> to vector<16xf32>
        %mul3A_744 = arith.constant 3.200000e+01 : f32
        %mul3A_745 = vector.broadcast %mul3A_744 : f32 to vector<16xf32>
        %mul3A_746 = arith.mulf %get3A_743, %mul3A_745 : vector<16xf32>
        %get3A_747 = arith.index_cast %scan3A_679 : i32 to index
        %get3A_748 = arith.index_cast %mul3A_739 : i32 to index
        %get3A_749 = tpu.vector_load %arg13[%get3A_747, %get3A_748] {strides = array<i32>} : memref<16x1024xf32, #tpu.memory_space<vmem>>, vector<1x16xf32>,
        %get3A_750 = vector.shape_cast %get3A_749 : vector<1x16xf32> to vector<16xf32>
        %add3A_751 = arith.addf %mul3A_746, %get3A_750 : vector<16xf32>
        %swap3A_752 = arith.index_cast %scan3A_679 : i32 to index
        %swap3A_753 = arith.index_cast %mul3A_739 : i32 to index
        %swap3A_754 = tpu.vector_load %arg9[%swap3A_752, %swap3A_753] {strides = array<i32>} : memref<16x1024xf32, #tpu.memory_space<vmem>>, vector<1x16xf32>,
        %swap3A_755 = vector.shape_cast %swap3A_754 : vector<1x16xf32> to vector<16xf32>
        %swap3A_756 = vector.shape_cast %add3A_751 : vector<16xf32> to vector<1x16xf32>
        tpu.vector_store %arg9[%swap3A_752, %swap3A_753], %swap3A_756 {strides = array<i32>} : memref<16x1024xf32, #tpu.memory_space<vmem>>, vector<1x16xf32>,
        %mul3A_757 = arith.constant 4 : i32
        %mul3A_758 = arith.muli %scan3A_688, %mul3A_757 : i32
        %add3A_759 = arith.constant 3 : i32
        %add3A_760 = arith.addi %mul3A_758, %add3A_759 : i32
        %mul3A_761 = arith.constant 16 : i32
        %mul3A_762 = arith.muli %add3A_760, %mul3A_761 : i32
        %get3A_763 = arith.index_cast %scan3A_679 : i32 to index
        %get3A_764 = arith.index_cast %mul3A_762 : i32 to index
        %get3A_765 = tpu.vector_load %arg9[%get3A_763, %get3A_764] {strides = array<i32>} : memref<16x1024xf32, #tpu.memory_space<vmem>>, vector<1x16xf32>,
        %get3A_766 = vector.shape_cast %get3A_765 : vector<1x16xf32> to vector<16xf32>
        %mul3A_767 = arith.constant 3.200000e+01 : f32
        %mul3A_768 = vector.broadcast %mul3A_767 : f32 to vector<16xf32>
        %mul3A_769 = arith.mulf %get3A_766, %mul3A_768 : vector<16xf32>
        %get3A_770 = arith.index_cast %scan3A_679 : i32 to index
        %get3A_771 = arith.index_cast %mul3A_762 : i32 to index
        %get3A_772 = tpu.vector_load %arg13[%get3A_770, %get3A_771] {strides = array<i32>} : memref<16x1024xf32, #tpu.memory_space<vmem>>, vector<1x16xf32>,
        %get3A_773 = vector.shape_cast %get3A_772 : vector<1x16xf32> to vector<16xf32>
        %add3A_774 = arith.addf %mul3A_769, %get3A_773 : vector<16xf32>
        %swap3A_775 = arith.index_cast %scan3A_679 : i32 to index
        %swap3A_776 = arith.index_cast %mul3A_762 : i32 to index
        %swap3A_777 = tpu.vector_load %arg9[%swap3A_775, %swap3A_776] {strides = array<i32>} : memref<16x1024xf32, #tpu.memory_space<vmem>>, vector<1x16xf32>,
        %swap3A_778 = vector.shape_cast %swap3A_777 : vector<1x16xf32> to vector<16xf32>
        %swap3A_779 = vector.shape_cast %add3A_774 : vector<16xf32> to vector<1x16xf32>
        tpu.vector_store %arg9[%swap3A_775, %swap3A_776], %swap3A_779 {strides = array<i32>} : memref<16x1024xf32, #tpu.memory_space<vmem>>, vector<1x16xf32>,
        %scan3A_780 = arith.constant 0 : i32
        scf.yield %scan3A_780 : i32
      }
      %scan3A_687 = arith.constant 16 : i32
      scf.yield %scan3A_686 : i32
    }
    %scan3A_555 = arith.constant 16 : i32
    %add3A_556 = arith.constant 48 : i32
    %add3A_557 = arith.addi %mul3A_2, %add3A_556 : i32
    %dma_start3A_558 = arith.constant 0 : i32
    %dma_start3A_559 = arith.constant 0 : i32
    %dma_start3A_560 = tpu.memref_slice %arg5[%dma_start3A_558, %add3A_557, %dma_start3A_559] : memref<4x2048x1024xf32, #tpu.memory_space<hbm>> -> memref<1x16x1024xf32, #tpu.memory_space<hbm>>
    %dma_start3A_561 = tpu.memref_squeeze %dma_start3A_560 : memref<1x16x1024xf32, #tpu.memory_space<hbm>> -> memref<16x1024xf32, #tpu.memory_space<hbm>>
    %dma_start3A_562 = arith.constant 0 : i32
    %dma_start3A_563 = tpu.memref_slice %arg5[%dma_start3A_558, %add3A_557, %dma_start3A_562] : memref<4x2048x1024xf32, #tpu.memory_space<hbm>> -> memref<1x16x1024xf32, #tpu.memory_space<hbm>>
    %dma_start3A_564 = tpu.memref_squeeze %dma_start3A_563 : memref<1x16x1024xf32, #tpu.memory_space<hbm>> -> memref<16x1024xf32, #tpu.memory_space<hbm>>
    tpu.enqueue_dma source(%arg9 : memref<16x1024xf32, #tpu.memory_space<vmem>>) target(%dma_start3A_564 : memref<16x1024xf32, #tpu.memory_space<hbm>>) target_semaphore(%arg21 : memref<!tpu.dma_semaphore, #tpu.memory_space<semaphore_mem>>)
    %dma_wait3A_565 = arith.constant 1 : i32
    %dma_wait3A_566 = arith.constant 48 : i32
    %dma_wait3A_567 = tpu.memref_slice %arg6[%dma_wait3A_565, %dma_wait3A_566] : memref<4x64xi32, #tpu.memory_space<vmem>> -> memref<1x16xi32, #tpu.memory_space<vmem>>
    %dma_wait3A_568 = tpu.memref_squeeze %dma_wait3A_567 : memref<1x16xi32, #tpu.memory_space<vmem>> -> memref<16xi32, #tpu.memory_space<vmem>>
    %dma_wait3A_569 = arith.constant 0 : i32
    %dma_wait3A_570 = arith.constant 0 : i32
    %dma_wait3A_571 = tpu.memref_slice %arg3[%dma_wait3A_569, %dma_wait3A_570] : memref<100000x1024xf32, #tpu.memory_space<hbm>> -> memref<100000x1024xf32, #tpu.memory_space<hbm>>
    tpu.wait_indirect_dma semaphore(%arg17 : memref<!tpu.dma_semaphore, #tpu.memory_space<semaphore_mem>>) src(%dma_wait3A_571 : memref<100000x1024xf32, #tpu.memory_space<hbm>>) dst(%arg10 : memref<16x1024xf32, #tpu.memory_space<vmem>>)
    %scan3A_572 = arith.constant 0 : i32
    %scan3A_573 = arith.constant 0 : i32
    %scan3A_574 = arith.constant 16 : i32
    %scan3A_575 = arith.addi %scan3A_573, %scan3A_574 : i32
    %scan3A_576 = arith.constant 1 : i32
    %scan3A_577 = scf.for %scan3A_679 = %scan3A_573 to %scan3A_575 step %scan3A_576 iter_args(%scan3A_680 = %scan3A_572) -> (i32)  : i32 {
      %scan3A_681 = arith.constant 0 : i32
      %scan3A_682 = arith.constant 0 : i32
      %scan3A_683 = arith.constant 16 : i32
      %scan3A_684 = arith.addi %scan3A_682, %scan3A_683 : i32
      %scan3A_685 = arith.constant 1 : i32
      %scan3A_686 = scf.for %scan3A_688 = %scan3A_682 to %scan3A_684 step %scan3A_685 iter_args(%scan3A_689 = %scan3A_681) -> (i32)  : i32 {
        %mul3A_690 = arith.constant 4 : i32
        %mul3A_691 = arith.muli %scan3A_688, %mul3A_690 : i32
        %add3A_692 = arith.constant 0 : i32
        %add3A_693 = arith.addi %mul3A_691, %add3A_692 : i32
        %mul3A_694 = arith.constant 16 : i32
        %mul3A_695 = arith.muli %add3A_693, %mul3A_694 : i32
        %get3A = arith.index_cast %scan3A_679 : i32 to index
        %get3A_696 = arith.index_cast %mul3A_695 : i32 to index
        %get3A_697 = tpu.vector_load %arg10[%get3A, %get3A_696] {strides = array<i32>} : memref<16x1024xf32, #tpu.memory_space<vmem>>, vector<1x16xf32>,
        %get3A_698 = vector.shape_cast %get3A_697 : vector<1x16xf32> to vector<16xf32>
        %mul3A_699 = arith.constant 3.200000e+01 : f32
        %mul3A_700 = vector.broadcast %mul3A_699 : f32 to vector<16xf32>
        %mul3A_701 = arith.mulf %get3A_698, %mul3A_700 : vector<16xf32>
        %get3A_702 = arith.index_cast %scan3A_679 : i32 to index
        %get3A_703 = arith.index_cast %mul3A_695 : i32 to index
        %get3A_704 = tpu.vector_load %arg13[%get3A_702, %get3A_703] {strides = array<i32>} : memref<16x1024xf32, #tpu.memory_space<vmem>>, vector<1x16xf32>,
        %get3A_705 = vector.shape_cast %get3A_704 : vector<1x16xf32> to vector<16xf32>
        %add3A_706 = arith.addf %mul3A_701, %get3A_705 : vector<16xf32>
        %swap3A = arith.index_cast %scan3A_679 : i32 to index
        %swap3A_707 = arith.index_cast %mul3A_695 : i32 to index
        %swap3A_708 = tpu.vector_load %arg10[%swap3A, %swap3A_707] {strides = array<i32>} : memref<16x1024xf32, #tpu.memory_space<vmem>>, vector<1x16xf32>,
        %swap3A_709 = vector.shape_cast %swap3A_708 : vector<1x16xf32> to vector<16xf32>
        %swap3A_710 = vector.shape_cast %add3A_706 : vector<16xf32> to vector<1x16xf32>
        tpu.vector_store %arg10[%swap3A, %swap3A_707], %swap3A_710 {strides = array<i32>} : memref<16x1024xf32, #tpu.memory_space<vmem>>, vector<1x16xf32>,
        %mul3A_711 = arith.constant 4 : i32
        %mul3A_712 = arith.muli %scan3A_688, %mul3A_711 : i32
        %add3A_713 = arith.constant 1 : i32
        %add3A_714 = arith.addi %mul3A_712, %add3A_713 : i32
        %mul3A_715 = arith.constant 16 : i32
        %mul3A_716 = arith.muli %add3A_714, %mul3A_715 : i32
        %get3A_717 = arith.index_cast %scan3A_679 : i32 to index
        %get3A_718 = arith.index_cast %mul3A_716 : i32 to index
        %get3A_719 = tpu.vector_load %arg10[%get3A_717, %get3A_718] {strides = array<i32>} : memref<16x1024xf32, #tpu.memory_space<vmem>>, vector<1x16xf32>,
        %get3A_720 = vector.shape_cast %get3A_719 : vector<1x16xf32> to vector<16xf32>
        %mul3A_721 = arith.constant 3.200000e+01 : f32
        %mul3A_722 = vector.broadcast %mul3A_721 : f32 to vector<16xf32>
        %mul3A_723 = arith.mulf %get3A_720, %mul3A_722 : vector<16xf32>
        %get3A_724 = arith.index_cast %scan3A_679 : i32 to index
        %get3A_725 = arith.index_cast %mul3A_716 : i32 to index
        %get3A_726 = tpu.vector_load %arg13[%get3A_724, %get3A_725] {strides = array<i32>} : memref<16x1024xf32, #tpu.memory_space<vmem>>, vector<1x16xf32>,
        %get3A_727 = vector.shape_cast %get3A_726 : vector<1x16xf32> to vector<16xf32>
        %add3A_728 = arith.addf %mul3A_723, %get3A_727 : vector<16xf32>
        %swap3A_729 = arith.index_cast %scan3A_679 : i32 to index
        %swap3A_730 = arith.index_cast %mul3A_716 : i32 to index
        %swap3A_731 = tpu.vector_load %arg10[%swap3A_729, %swap3A_730] {strides = array<i32>} : memref<16x1024xf32, #tpu.memory_space<vmem>>, vector<1x16xf32>,
        %swap3A_732 = vector.shape_cast %swap3A_731 : vector<1x16xf32> to vector<16xf32>
        %swap3A_733 = vector.shape_cast %add3A_728 : vector<16xf32> to vector<1x16xf32>
        tpu.vector_store %arg10[%swap3A_729, %swap3A_730], %swap3A_733 {strides = array<i32>} : memref<16x1024xf32, #tpu.memory_space<vmem>>, vector<1x16xf32>,
        %mul3A_734 = arith.constant 4 : i32
        %mul3A_735 = arith.muli %scan3A_688, %mul3A_734 : i32
        %add3A_736 = arith.constant 2 : i32
        %add3A_737 = arith.addi %mul3A_735, %add3A_736 : i32
        %mul3A_738 = arith.constant 16 : i32
        %mul3A_739 = arith.muli %add3A_737, %mul3A_738 : i32
        %get3A_740 = arith.index_cast %scan3A_679 : i32 to index
        %get3A_741 = arith.index_cast %mul3A_739 : i32 to index
        %get3A_742 = tpu.vector_load %arg10[%get3A_740, %get3A_741] {strides = array<i32>} : memref<16x1024xf32, #tpu.memory_space<vmem>>, vector<1x16xf32>,
        %get3A_743 = vector.shape_cast %get3A_742 : vector<1x16xf32> to vector<16xf32>
        %mul3A_744 = arith.constant 3.200000e+01 : f32
        %mul3A_745 = vector.broadcast %mul3A_744 : f32 to vector<16xf32>
        %mul3A_746 = arith.mulf %get3A_743, %mul3A_745 : vector<16xf32>
        %get3A_747 = arith.index_cast %scan3A_679 : i32 to index
        %get3A_748 = arith.index_cast %mul3A_739 : i32 to index
        %get3A_749 = tpu.vector_load %arg13[%get3A_747, %get3A_748] {strides = array<i32>} : memref<16x1024xf32, #tpu.memory_space<vmem>>, vector<1x16xf32>,
        %get3A_750 = vector.shape_cast %get3A_749 : vector<1x16xf32> to vector<16xf32>
        %add3A_751 = arith.addf %mul3A_746, %get3A_750 : vector<16xf32>
        %swap3A_752 = arith.index_cast %scan3A_679 : i32 to index
        %swap3A_753 = arith.index_cast %mul3A_739 : i32 to index
        %swap3A_754 = tpu.vector_load %arg10[%swap3A_752, %swap3A_753] {strides = array<i32>} : memref<16x1024xf32, #tpu.memory_space<vmem>>, vector<1x16xf32>,
        %swap3A_755 = vector.shape_cast %swap3A_754 : vector<1x16xf32> to vector<16xf32>
        %swap3A_756 = vector.shape_cast %add3A_751 : vector<16xf32> to vector<1x16xf32>
        tpu.vector_store %arg10[%swap3A_752, %swap3A_753], %swap3A_756 {strides = array<i32>} : memref<16x1024xf32, #tpu.memory_space<vmem>>, vector<1x16xf32>,
        %mul3A_757 = arith.constant 4 : i32
        %mul3A_758 = arith.muli %scan3A_688, %mul3A_757 : i32
        %add3A_759 = arith.constant 3 : i32
        %add3A_760 = arith.addi %mul3A_758, %add3A_759 : i32
        %mul3A_761 = arith.constant 16 : i32
        %mul3A_762 = arith.muli %add3A_760, %mul3A_761 : i32
        %get3A_763 = arith.index_cast %scan3A_679 : i32 to index
        %get3A_764 = arith.index_cast %mul3A_762 : i32 to index
        %get3A_765 = tpu.vector_load %arg10[%get3A_763, %get3A_764] {strides = array<i32>} : memref<16x1024xf32, #tpu.memory_space<vmem>>, vector<1x16xf32>,
        %get3A_766 = vector.shape_cast %get3A_765 : vector<1x16xf32> to vector<16xf32>
        %mul3A_767 = arith.constant 3.200000e+01 : f32
        %mul3A_768 = vector.broadcast %mul3A_767 : f32 to vector<16xf32>
        %mul3A_769 = arith.mulf %get3A_766, %mul3A_768 : vector<16xf32>
        %get3A_770 = arith.index_cast %scan3A_679 : i32 to index
        %get3A_771 = arith.index_cast %mul3A_762 : i32 to index
        %get3A_772 = tpu.vector_load %arg13[%get3A_770, %get3A_771] {strides = array<i32>} : memref<16x1024xf32, #tpu.memory_space<vmem>>, vector<1x16xf32>,
        %get3A_773 = vector.shape_cast %get3A_772 : vector<1x16xf32> to vector<16xf32>
        %add3A_774 = arith.addf %mul3A_769, %get3A_773 : vector<16xf32>
        %swap3A_775 = arith.index_cast %scan3A_679 : i32 to index
        %swap3A_776 = arith.index_cast %mul3A_762 : i32 to index
        %swap3A_777 = tpu.vector_load %arg10[%swap3A_775, %swap3A_776] {strides = array<i32>} : memref<16x1024xf32, #tpu.memory_space<vmem>>, vector<1x16xf32>,
        %swap3A_778 = vector.shape_cast %swap3A_777 : vector<1x16xf32> to vector<16xf32>
        %swap3A_779 = vector.shape_cast %add3A_774 : vector<16xf32> to vector<1x16xf32>
        tpu.vector_store %arg10[%swap3A_775, %swap3A_776], %swap3A_779 {strides = array<i32>} : memref<16x1024xf32, #tpu.memory_space<vmem>>, vector<1x16xf32>,
        %scan3A_780 = arith.constant 0 : i32
        scf.yield %scan3A_780 : i32
      }
      %scan3A_687 = arith.constant 16 : i32
      scf.yield %scan3A_686 : i32
    }
    %scan3A_578 = arith.constant 16 : i32
    %add3A_579 = arith.constant 48 : i32
    %add3A_580 = arith.addi %mul3A_2, %add3A_579 : i32
    %dma_start3A_581 = arith.constant 1 : i32
    %dma_start3A_582 = arith.constant 0 : i32
    %dma_start3A_583 = tpu.memref_slice %arg5[%dma_start3A_581, %add3A_580, %dma_start3A_582] : memref<4x2048x1024xf32, #tpu.memory_space<hbm>> -> memref<1x16x1024xf32, #tpu.memory_space<hbm>>
    %dma_start3A_584 = tpu.memref_squeeze %dma_start3A_583 : memref<1x16x1024xf32, #tpu.memory_space<hbm>> -> memref<16x1024xf32, #tpu.memory_space<hbm>>
    %dma_start3A_585 = arith.constant 0 : i32
    %dma_start3A_586 = tpu.memref_slice %arg5[%dma_start3A_581, %add3A_580, %dma_start3A_585] : memref<4x2048x1024xf32, #tpu.memory_space<hbm>> -> memref<1x16x1024xf32, #tpu.memory_space<hbm>>
    %dma_start3A_587 = tpu.memref_squeeze %dma_start3A_586 : memref<1x16x1024xf32, #tpu.memory_space<hbm>> -> memref<16x1024xf32, #tpu.memory_space<hbm>>
    tpu.enqueue_dma source(%arg10 : memref<16x1024xf32, #tpu.memory_space<vmem>>) target(%dma_start3A_587 : memref<16x1024xf32, #tpu.memory_space<hbm>>) target_semaphore(%arg22 : memref<!tpu.dma_semaphore, #tpu.memory_space<semaphore_mem>>)
    %dma_wait3A_588 = arith.constant 2 : i32
    %dma_wait3A_589 = arith.constant 48 : i32
    %dma_wait3A_590 = tpu.memref_slice %arg6[%dma_wait3A_588, %dma_wait3A_589] : memref<4x64xi32, #tpu.memory_space<vmem>> -> memref<1x16xi32, #tpu.memory_space<vmem>>
    %dma_wait3A_591 = tpu.memref_squeeze %dma_wait3A_590 : memref<1x16xi32, #tpu.memory_space<vmem>> -> memref<16xi32, #tpu.memory_space<vmem>>
    %dma_wait3A_592 = arith.constant 0 : i32
    %dma_wait3A_593 = arith.constant 0 : i32
    %dma_wait3A_594 = tpu.memref_slice %arg3[%dma_wait3A_592, %dma_wait3A_593] : memref<100000x1024xf32, #tpu.memory_space<hbm>> -> memref<100000x1024xf32, #tpu.memory_space<hbm>>
    tpu.wait_indirect_dma semaphore(%arg18 : memref<!tpu.dma_semaphore, #tpu.memory_space<semaphore_mem>>) src(%dma_wait3A_594 : memref<100000x1024xf32, #tpu.memory_space<hbm>>) dst(%arg11 : memref<16x1024xf32, #tpu.memory_space<vmem>>)
    %scan3A_595 = arith.constant 0 : i32
    %scan3A_596 = arith.constant 0 : i32
    %scan3A_597 = arith.constant 16 : i32
    %scan3A_598 = arith.addi %scan3A_596, %scan3A_597 : i32
    %scan3A_599 = arith.constant 1 : i32
    %scan3A_600 = scf.for %scan3A_679 = %scan3A_596 to %scan3A_598 step %scan3A_599 iter_args(%scan3A_680 = %scan3A_595) -> (i32)  : i32 {
      %scan3A_681 = arith.constant 0 : i32
      %scan3A_682 = arith.constant 0 : i32
      %scan3A_683 = arith.constant 16 : i32
      %scan3A_684 = arith.addi %scan3A_682, %scan3A_683 : i32
      %scan3A_685 = arith.constant 1 : i32
      %scan3A_686 = scf.for %scan3A_688 = %scan3A_682 to %scan3A_684 step %scan3A_685 iter_args(%scan3A_689 = %scan3A_681) -> (i32)  : i32 {
        %mul3A_690 = arith.constant 4 : i32
        %mul3A_691 = arith.muli %scan3A_688, %mul3A_690 : i32
        %add3A_692 = arith.constant 0 : i32
        %add3A_693 = arith.addi %mul3A_691, %add3A_692 : i32
        %mul3A_694 = arith.constant 16 : i32
        %mul3A_695 = arith.muli %add3A_693, %mul3A_694 : i32
        %get3A = arith.index_cast %scan3A_679 : i32 to index
        %get3A_696 = arith.index_cast %mul3A_695 : i32 to index
        %get3A_697 = tpu.vector_load %arg11[%get3A, %get3A_696] {strides = array<i32>} : memref<16x1024xf32, #tpu.memory_space<vmem>>, vector<1x16xf32>,
        %get3A_698 = vector.shape_cast %get3A_697 : vector<1x16xf32> to vector<16xf32>
        %mul3A_699 = arith.constant 3.200000e+01 : f32
        %mul3A_700 = vector.broadcast %mul3A_699 : f32 to vector<16xf32>
        %mul3A_701 = arith.mulf %get3A_698, %mul3A_700 : vector<16xf32>
        %get3A_702 = arith.index_cast %scan3A_679 : i32 to index
        %get3A_703 = arith.index_cast %mul3A_695 : i32 to index
        %get3A_704 = tpu.vector_load %arg13[%get3A_702, %get3A_703] {strides = array<i32>} : memref<16x1024xf32, #tpu.memory_space<vmem>>, vector<1x16xf32>,
        %get3A_705 = vector.shape_cast %get3A_704 : vector<1x16xf32> to vector<16xf32>
        %add3A_706 = arith.addf %mul3A_701, %get3A_705 : vector<16xf32>
        %swap3A = arith.index_cast %scan3A_679 : i32 to index
        %swap3A_707 = arith.index_cast %mul3A_695 : i32 to index
        %swap3A_708 = tpu.vector_load %arg11[%swap3A, %swap3A_707] {strides = array<i32>} : memref<16x1024xf32, #tpu.memory_space<vmem>>, vector<1x16xf32>,
        %swap3A_709 = vector.shape_cast %swap3A_708 : vector<1x16xf32> to vector<16xf32>
        %swap3A_710 = vector.shape_cast %add3A_706 : vector<16xf32> to vector<1x16xf32>
        tpu.vector_store %arg11[%swap3A, %swap3A_707], %swap3A_710 {strides = array<i32>} : memref<16x1024xf32, #tpu.memory_space<vmem>>, vector<1x16xf32>,
        %mul3A_711 = arith.constant 4 : i32
        %mul3A_712 = arith.muli %scan3A_688, %mul3A_711 : i32
        %add3A_713 = arith.constant 1 : i32
        %add3A_714 = arith.addi %mul3A_712, %add3A_713 : i32
        %mul3A_715 = arith.constant 16 : i32
        %mul3A_716 = arith.muli %add3A_714, %mul3A_715 : i32
        %get3A_717 = arith.index_cast %scan3A_679 : i32 to index
        %get3A_718 = arith.index_cast %mul3A_716 : i32 to index
        %get3A_719 = tpu.vector_load %arg11[%get3A_717, %get3A_718] {strides = array<i32>} : memref<16x1024xf32, #tpu.memory_space<vmem>>, vector<1x16xf32>,
        %get3A_720 = vector.shape_cast %get3A_719 : vector<1x16xf32> to vector<16xf32>
        %mul3A_721 = arith.constant 3.200000e+01 : f32
        %mul3A_722 = vector.broadcast %mul3A_721 : f32 to vector<16xf32>
        %mul3A_723 = arith.mulf %get3A_720, %mul3A_722 : vector<16xf32>
        %get3A_724 = arith.index_cast %scan3A_679 : i32 to index
        %get3A_725 = arith.index_cast %mul3A_716 : i32 to index
        %get3A_726 = tpu.vector_load %arg13[%get3A_724, %get3A_725] {strides = array<i32>} : memref<16x1024xf32, #tpu.memory_space<vmem>>, vector<1x16xf32>,
        %get3A_727 = vector.shape_cast %get3A_726 : vector<1x16xf32> to vector<16xf32>
        %add3A_728 = arith.addf %mul3A_723, %get3A_727 : vector<16xf32>
        %swap3A_729 = arith.index_cast %scan3A_679 : i32 to index
        %swap3A_730 = arith.index_cast %mul3A_716 : i32 to index
        %swap3A_731 = tpu.vector_load %arg11[%swap3A_729, %swap3A_730] {strides = array<i32>} : memref<16x1024xf32, #tpu.memory_space<vmem>>, vector<1x16xf32>,
        %swap3A_732 = vector.shape_cast %swap3A_731 : vector<1x16xf32> to vector<16xf32>
        %swap3A_733 = vector.shape_cast %add3A_728 : vector<16xf32> to vector<1x16xf32>
        tpu.vector_store %arg11[%swap3A_729, %swap3A_730], %swap3A_733 {strides = array<i32>} : memref<16x1024xf32, #tpu.memory_space<vmem>>, vector<1x16xf32>,
        %mul3A_734 = arith.constant 4 : i32
        %mul3A_735 = arith.muli %scan3A_688, %mul3A_734 : i32
        %add3A_736 = arith.constant 2 : i32
        %add3A_737 = arith.addi %mul3A_735, %add3A_736 : i32
        %mul3A_738 = arith.constant 16 : i32
        %mul3A_739 = arith.muli %add3A_737, %mul3A_738 : i32
        %get3A_740 = arith.index_cast %scan3A_679 : i32 to index
        %get3A_741 = arith.index_cast %mul3A_739 : i32 to index
        %get3A_742 = tpu.vector_load %arg11[%get3A_740, %get3A_741] {strides = array<i32>} : memref<16x1024xf32, #tpu.memory_space<vmem>>, vector<1x16xf32>,
        %get3A_743 = vector.shape_cast %get3A_742 : vector<1x16xf32> to vector<16xf32>
        %mul3A_744 = arith.constant 3.200000e+01 : f32
        %mul3A_745 = vector.broadcast %mul3A_744 : f32 to vector<16xf32>
        %mul3A_746 = arith.mulf %get3A_743, %mul3A_745 : vector<16xf32>
        %get3A_747 = arith.index_cast %scan3A_679 : i32 to index
        %get3A_748 = arith.index_cast %mul3A_739 : i32 to index
        %get3A_749 = tpu.vector_load %arg13[%get3A_747, %get3A_748] {strides = array<i32>} : memref<16x1024xf32, #tpu.memory_space<vmem>>, vector<1x16xf32>,
        %get3A_750 = vector.shape_cast %get3A_749 : vector<1x16xf32> to vector<16xf32>
        %add3A_751 = arith.addf %mul3A_746, %get3A_750 : vector<16xf32>
        %swap3A_752 = arith.index_cast %scan3A_679 : i32 to index
        %swap3A_753 = arith.index_cast %mul3A_739 : i32 to index
        %swap3A_754 = tpu.vector_load %arg11[%swap3A_752, %swap3A_753] {strides = array<i32>} : memref<16x1024xf32, #tpu.memory_space<vmem>>, vector<1x16xf32>,
        %swap3A_755 = vector.shape_cast %swap3A_754 : vector<1x16xf32> to vector<16xf32>
        %swap3A_756 = vector.shape_cast %add3A_751 : vector<16xf32> to vector<1x16xf32>
        tpu.vector_store %arg11[%swap3A_752, %swap3A_753], %swap3A_756 {strides = array<i32>} : memref<16x1024xf32, #tpu.memory_space<vmem>>, vector<1x16xf32>,
        %mul3A_757 = arith.constant 4 : i32
        %mul3A_758 = arith.muli %scan3A_688, %mul3A_757 : i32
        %add3A_759 = arith.constant 3 : i32
        %add3A_760 = arith.addi %mul3A_758, %add3A_759 : i32
        %mul3A_761 = arith.constant 16 : i32
        %mul3A_762 = arith.muli %add3A_760, %mul3A_761 : i32
        %get3A_763 = arith.index_cast %scan3A_679 : i32 to index
        %get3A_764 = arith.index_cast %mul3A_762 : i32 to index
        %get3A_765 = tpu.vector_load %arg11[%get3A_763, %get3A_764] {strides = array<i32>} : memref<16x1024xf32, #tpu.memory_space<vmem>>, vector<1x16xf32>,
        %get3A_766 = vector.shape_cast %get3A_765 : vector<1x16xf32> to vector<16xf32>
        %mul3A_767 = arith.constant 3.200000e+01 : f32
        %mul3A_768 = vector.broadcast %mul3A_767 : f32 to vector<16xf32>
        %mul3A_769 = arith.mulf %get3A_766, %mul3A_768 : vector<16xf32>
        %get3A_770 = arith.index_cast %scan3A_679 : i32 to index
        %get3A_771 = arith.index_cast %mul3A_762 : i32 to index
        %get3A_772 = tpu.vector_load %arg13[%get3A_770, %get3A_771] {strides = array<i32>} : memref<16x1024xf32, #tpu.memory_space<vmem>>, vector<1x16xf32>,
        %get3A_773 = vector.shape_cast %get3A_772 : vector<1x16xf32> to vector<16xf32>
        %add3A_774 = arith.addf %mul3A_769, %get3A_773 : vector<16xf32>
        %swap3A_775 = arith.index_cast %scan3A_679 : i32 to index
        %swap3A_776 = arith.index_cast %mul3A_762 : i32 to index
        %swap3A_777 = tpu.vector_load %arg11[%swap3A_775, %swap3A_776] {strides = array<i32>} : memref<16x1024xf32, #tpu.memory_space<vmem>>, vector<1x16xf32>,
        %swap3A_778 = vector.shape_cast %swap3A_777 : vector<1x16xf32> to vector<16xf32>
        %swap3A_779 = vector.shape_cast %add3A_774 : vector<16xf32> to vector<1x16xf32>
        tpu.vector_store %arg11[%swap3A_775, %swap3A_776], %swap3A_779 {strides = array<i32>} : memref<16x1024xf32, #tpu.memory_space<vmem>>, vector<1x16xf32>,
        %scan3A_780 = arith.constant 0 : i32
        scf.yield %scan3A_780 : i32
      }
      %scan3A_687 = arith.constant 16 : i32
      scf.yield %scan3A_686 : i32
    }
    %scan3A_601 = arith.constant 16 : i32
    %add3A_602 = arith.constant 48 : i32
    %add3A_603 = arith.addi %mul3A_2, %add3A_602 : i32
    %dma_start3A_604 = arith.constant 2 : i32
    %dma_start3A_605 = arith.constant 0 : i32
    %dma_start3A_606 = tpu.memref_slice %arg5[%dma_start3A_604, %add3A_603, %dma_start3A_605] : memref<4x2048x1024xf32, #tpu.memory_space<hbm>> -> memref<1x16x1024xf32, #tpu.memory_space<hbm>>
    %dma_start3A_607 = tpu.memref_squeeze %dma_start3A_606 : memref<1x16x1024xf32, #tpu.memory_space<hbm>> -> memref<16x1024xf32, #tpu.memory_space<hbm>>
    %dma_start3A_608 = arith.constant 0 : i32
    %dma_start3A_609 = tpu.memref_slice %arg5[%dma_start3A_604, %add3A_603, %dma_start3A_608] : memref<4x2048x1024xf32, #tpu.memory_space<hbm>> -> memref<1x16x1024xf32, #tpu.memory_space<hbm>>
    %dma_start3A_610 = tpu.memref_squeeze %dma_start3A_609 : memref<1x16x1024xf32, #tpu.memory_space<hbm>> -> memref<16x1024xf32, #tpu.memory_space<hbm>>
    tpu.enqueue_dma source(%arg11 : memref<16x1024xf32, #tpu.memory_space<vmem>>) target(%dma_start3A_610 : memref<16x1024xf32, #tpu.memory_space<hbm>>) target_semaphore(%arg23 : memref<!tpu.dma_semaphore, #tpu.memory_space<semaphore_mem>>)
    %dma_wait3A_611 = arith.constant 3 : i32
    %dma_wait3A_612 = arith.constant 48 : i32
    %dma_wait3A_613 = tpu.memref_slice %arg6[%dma_wait3A_611, %dma_wait3A_612] : memref<4x64xi32, #tpu.memory_space<vmem>> -> memref<1x16xi32, #tpu.memory_space<vmem>>
    %dma_wait3A_614 = tpu.memref_squeeze %dma_wait3A_613 : memref<1x16xi32, #tpu.memory_space<vmem>> -> memref<16xi32, #tpu.memory_space<vmem>>
    %dma_wait3A_615 = arith.constant 0 : i32
    %dma_wait3A_616 = arith.constant 0 : i32
    %dma_wait3A_617 = tpu.memref_slice %arg3[%dma_wait3A_615, %dma_wait3A_616] : memref<100000x1024xf32, #tpu.memory_space<hbm>> -> memref<100000x1024xf32, #tpu.memory_space<hbm>>
    tpu.wait_indirect_dma semaphore(%arg14 : memref<!tpu.dma_semaphore, #tpu.memory_space<semaphore_mem>>) src(%dma_wait3A_617 : memref<100000x1024xf32, #tpu.memory_space<hbm>>) dst(%arg7 : memref<16x1024xf32, #tpu.memory_space<vmem>>)
    %scan3A_618 = arith.constant 0 : i32
    %scan3A_619 = arith.constant 0 : i32
    %scan3A_620 = arith.constant 16 : i32
    %scan3A_621 = arith.addi %scan3A_619, %scan3A_620 : i32
    %scan3A_622 = arith.constant 1 : i32
    %scan3A_623 = scf.for %scan3A_679 = %scan3A_619 to %scan3A_621 step %scan3A_622 iter_args(%scan3A_680 = %scan3A_618) -> (i32)  : i32 {
      %scan3A_681 = arith.constant 0 : i32
      %scan3A_682 = arith.constant 0 : i32
      %scan3A_683 = arith.constant 16 : i32
      %scan3A_684 = arith.addi %scan3A_682, %scan3A_683 : i32
      %scan3A_685 = arith.constant 1 : i32
      %scan3A_686 = scf.for %scan3A_688 = %scan3A_682 to %scan3A_684 step %scan3A_685 iter_args(%scan3A_689 = %scan3A_681) -> (i32)  : i32 {
        %mul3A_690 = arith.constant 4 : i32
        %mul3A_691 = arith.muli %scan3A_688, %mul3A_690 : i32
        %add3A_692 = arith.constant 0 : i32
        %add3A_693 = arith.addi %mul3A_691, %add3A_692 : i32
        %mul3A_694 = arith.constant 16 : i32
        %mul3A_695 = arith.muli %add3A_693, %mul3A_694 : i32
        %get3A = arith.index_cast %scan3A_679 : i32 to index
        %get3A_696 = arith.index_cast %mul3A_695 : i32 to index
        %get3A_697 = tpu.vector_load %arg7[%get3A, %get3A_696] {strides = array<i32>} : memref<16x1024xf32, #tpu.memory_space<vmem>>, vector<1x16xf32>,
        %get3A_698 = vector.shape_cast %get3A_697 : vector<1x16xf32> to vector<16xf32>
        %mul3A_699 = arith.constant 3.200000e+01 : f32
        %mul3A_700 = vector.broadcast %mul3A_699 : f32 to vector<16xf32>
        %mul3A_701 = arith.mulf %get3A_698, %mul3A_700 : vector<16xf32>
        %get3A_702 = arith.index_cast %scan3A_679 : i32 to index
        %get3A_703 = arith.index_cast %mul3A_695 : i32 to index
        %get3A_704 = tpu.vector_load %arg13[%get3A_702, %get3A_703] {strides = array<i32>} : memref<16x1024xf32, #tpu.memory_space<vmem>>, vector<1x16xf32>,
        %get3A_705 = vector.shape_cast %get3A_704 : vector<1x16xf32> to vector<16xf32>
        %add3A_706 = arith.addf %mul3A_701, %get3A_705 : vector<16xf32>
        %swap3A = arith.index_cast %scan3A_679 : i32 to index
        %swap3A_707 = arith.index_cast %mul3A_695 : i32 to index
        %swap3A_708 = tpu.vector_load %arg7[%swap3A, %swap3A_707] {strides = array<i32>} : memref<16x1024xf32, #tpu.memory_space<vmem>>, vector<1x16xf32>,
        %swap3A_709 = vector.shape_cast %swap3A_708 : vector<1x16xf32> to vector<16xf32>
        %swap3A_710 = vector.shape_cast %add3A_706 : vector<16xf32> to vector<1x16xf32>
        tpu.vector_store %arg7[%swap3A, %swap3A_707], %swap3A_710 {strides = array<i32>} : memref<16x1024xf32, #tpu.memory_space<vmem>>, vector<1x16xf32>,
        %mul3A_711 = arith.constant 4 : i32
        %mul3A_712 = arith.muli %scan3A_688, %mul3A_711 : i32
        %add3A_713 = arith.constant 1 : i32
        %add3A_714 = arith.addi %mul3A_712, %add3A_713 : i32
        %mul3A_715 = arith.constant 16 : i32
        %mul3A_716 = arith.muli %add3A_714, %mul3A_715 : i32
        %get3A_717 = arith.index_cast %scan3A_679 : i32 to index
        %get3A_718 = arith.index_cast %mul3A_716 : i32 to index
        %get3A_719 = tpu.vector_load %arg7[%get3A_717, %get3A_718] {strides = array<i32>} : memref<16x1024xf32, #tpu.memory_space<vmem>>, vector<1x16xf32>,
        %get3A_720 = vector.shape_cast %get3A_719 : vector<1x16xf32> to vector<16xf32>
        %mul3A_721 = arith.constant 3.200000e+01 : f32
        %mul3A_722 = vector.broadcast %mul3A_721 : f32 to vector<16xf32>
        %mul3A_723 = arith.mulf %get3A_720, %mul3A_722 : vector<16xf32>
        %get3A_724 = arith.index_cast %scan3A_679 : i32 to index
        %get3A_725 = arith.index_cast %mul3A_716 : i32 to index
        %get3A_726 = tpu.vector_load %arg13[%get3A_724, %get3A_725] {strides = array<i32>} : memref<16x1024xf32, #tpu.memory_space<vmem>>, vector<1x16xf32>,
        %get3A_727 = vector.shape_cast %get3A_726 : vector<1x16xf32> to vector<16xf32>
        %add3A_728 = arith.addf %mul3A_723, %get3A_727 : vector<16xf32>
        %swap3A_729 = arith.index_cast %scan3A_679 : i32 to index
        %swap3A_730 = arith.index_cast %mul3A_716 : i32 to index
        %swap3A_731 = tpu.vector_load %arg7[%swap3A_729, %swap3A_730] {strides = array<i32>} : memref<16x1024xf32, #tpu.memory_space<vmem>>, vector<1x16xf32>,
        %swap3A_732 = vector.shape_cast %swap3A_731 : vector<1x16xf32> to vector<16xf32>
        %swap3A_733 = vector.shape_cast %add3A_728 : vector<16xf32> to vector<1x16xf32>
        tpu.vector_store %arg7[%swap3A_729, %swap3A_730], %swap3A_733 {strides = array<i32>} : memref<16x1024xf32, #tpu.memory_space<vmem>>, vector<1x16xf32>,
        %mul3A_734 = arith.constant 4 : i32
        %mul3A_735 = arith.muli %scan3A_688, %mul3A_734 : i32
        %add3A_736 = arith.constant 2 : i32
        %add3A_737 = arith.addi %mul3A_735, %add3A_736 : i32
        %mul3A_738 = arith.constant 16 : i32
        %mul3A_739 = arith.muli %add3A_737, %mul3A_738 : i32
        %get3A_740 = arith.index_cast %scan3A_679 : i32 to index
        %get3A_741 = arith.index_cast %mul3A_739 : i32 to index
        %get3A_742 = tpu.vector_load %arg7[%get3A_740, %get3A_741] {strides = array<i32>} : memref<16x1024xf32, #tpu.memory_space<vmem>>, vector<1x16xf32>,
        %get3A_743 = vector.shape_cast %get3A_742 : vector<1x16xf32> to vector<16xf32>
        %mul3A_744 = arith.constant 3.200000e+01 : f32
        %mul3A_745 = vector.broadcast %mul3A_744 : f32 to vector<16xf32>
        %mul3A_746 = arith.mulf %get3A_743, %mul3A_745 : vector<16xf32>
        %get3A_747 = arith.index_cast %scan3A_679 : i32 to index
        %get3A_748 = arith.index_cast %mul3A_739 : i32 to index
        %get3A_749 = tpu.vector_load %arg13[%get3A_747, %get3A_748] {strides = array<i32>} : memref<16x1024xf32, #tpu.memory_space<vmem>>, vector<1x16xf32>,
        %get3A_750 = vector.shape_cast %get3A_749 : vector<1x16xf32> to vector<16xf32>
        %add3A_751 = arith.addf %mul3A_746, %get3A_750 : vector<16xf32>
        %swap3A_752 = arith.index_cast %scan3A_679 : i32 to index
        %swap3A_753 = arith.index_cast %mul3A_739 : i32 to index
        %swap3A_754 = tpu.vector_load %arg7[%swap3A_752, %swap3A_753] {strides = array<i32>} : memref<16x1024xf32, #tpu.memory_space<vmem>>, vector<1x16xf32>,
        %swap3A_755 = vector.shape_cast %swap3A_754 : vector<1x16xf32> to vector<16xf32>
        %swap3A_756 = vector.shape_cast %add3A_751 : vector<16xf32> to vector<1x16xf32>
        tpu.vector_store %arg7[%swap3A_752, %swap3A_753], %swap3A_756 {strides = array<i32>} : memref<16x1024xf32, #tpu.memory_space<vmem>>, vector<1x16xf32>,
        %mul3A_757 = arith.constant 4 : i32
        %mul3A_758 = arith.muli %scan3A_688, %mul3A_757 : i32
        %add3A_759 = arith.constant 3 : i32
        %add3A_760 = arith.addi %mul3A_758, %add3A_759 : i32
        %mul3A_761 = arith.constant 16 : i32
        %mul3A_762 = arith.muli %add3A_760, %mul3A_761 : i32
        %get3A_763 = arith.index_cast %scan3A_679 : i32 to index
        %get3A_764 = arith.index_cast %mul3A_762 : i32 to index
        %get3A_765 = tpu.vector_load %arg7[%get3A_763, %get3A_764] {strides = array<i32>} : memref<16x1024xf32, #tpu.memory_space<vmem>>, vector<1x16xf32>,
        %get3A_766 = vector.shape_cast %get3A_765 : vector<1x16xf32> to vector<16xf32>
        %mul3A_767 = arith.constant 3.200000e+01 : f32
        %mul3A_768 = vector.broadcast %mul3A_767 : f32 to vector<16xf32>
        %mul3A_769 = arith.mulf %get3A_766, %mul3A_768 : vector<16xf32>
        %get3A_770 = arith.index_cast %scan3A_679 : i32 to index
        %get3A_771 = arith.index_cast %mul3A_762 : i32 to index
        %get3A_772 = tpu.vector_load %arg13[%get3A_770, %get3A_771] {strides = array<i32>} : memref<16x1024xf32, #tpu.memory_space<vmem>>, vector<1x16xf32>,
        %get3A_773 = vector.shape_cast %get3A_772 : vector<1x16xf32> to vector<16xf32>
        %add3A_774 = arith.addf %mul3A_769, %get3A_773 : vector<16xf32>
        %swap3A_775 = arith.index_cast %scan3A_679 : i32 to index
        %swap3A_776 = arith.index_cast %mul3A_762 : i32 to index
        %swap3A_777 = tpu.vector_load %arg7[%swap3A_775, %swap3A_776] {strides = array<i32>} : memref<16x1024xf32, #tpu.memory_space<vmem>>, vector<1x16xf32>,
        %swap3A_778 = vector.shape_cast %swap3A_777 : vector<1x16xf32> to vector<16xf32>
        %swap3A_779 = vector.shape_cast %add3A_774 : vector<16xf32> to vector<1x16xf32>
        tpu.vector_store %arg7[%swap3A_775, %swap3A_776], %swap3A_779 {strides = array<i32>} : memref<16x1024xf32, #tpu.memory_space<vmem>>, vector<1x16xf32>,
        %scan3A_780 = arith.constant 0 : i32
        scf.yield %scan3A_780 : i32
      }
      %scan3A_687 = arith.constant 16 : i32
      scf.yield %scan3A_686 : i32
    }
    %scan3A_624 = arith.constant 16 : i32
    %add3A_625 = arith.constant 48 : i32
    %add3A_626 = arith.addi %mul3A_2, %add3A_625 : i32
    %dma_start3A_627 = arith.constant 3 : i32
    %dma_start3A_628 = arith.constant 0 : i32
    %dma_start3A_629 = tpu.memref_slice %arg5[%dma_start3A_627, %add3A_626, %dma_start3A_628] : memref<4x2048x1024xf32, #tpu.memory_space<hbm>> -> memref<1x16x1024xf32, #tpu.memory_space<hbm>>
    %dma_start3A_630 = tpu.memref_squeeze %dma_start3A_629 : memref<1x16x1024xf32, #tpu.memory_space<hbm>> -> memref<16x1024xf32, #tpu.memory_space<hbm>>
    %dma_start3A_631 = arith.constant 0 : i32
    %dma_start3A_632 = tpu.memref_slice %arg5[%dma_start3A_627, %add3A_626, %dma_start3A_631] : memref<4x2048x1024xf32, #tpu.memory_space<hbm>> -> memref<1x16x1024xf32, #tpu.memory_space<hbm>>
    %dma_start3A_633 = tpu.memref_squeeze %dma_start3A_632 : memref<1x16x1024xf32, #tpu.memory_space<hbm>> -> memref<16x1024xf32, #tpu.memory_space<hbm>>
    tpu.enqueue_dma source(%arg7 : memref<16x1024xf32, #tpu.memory_space<vmem>>) target(%dma_start3A_633 : memref<16x1024xf32, #tpu.memory_space<hbm>>) target_semaphore(%arg19 : memref<!tpu.dma_semaphore, #tpu.memory_space<semaphore_mem>>)
    %add3A_634 = arith.constant 32 : i32
    %add3A_635 = arith.addi %mul3A_2, %add3A_634 : i32
    %dma_wait3A_636 = arith.constant 3 : i32
    %dma_wait3A_637 = arith.constant 0 : i32
    %dma_wait3A_638 = tpu.memref_slice %arg5[%dma_wait3A_636, %add3A_635, %dma_wait3A_637] : memref<4x2048x1024xf32, #tpu.memory_space<hbm>> -> memref<1x16x1024xf32, #tpu.memory_space<hbm>>
    %dma_wait3A_639 = tpu.memref_squeeze %dma_wait3A_638 : memref<1x16x1024xf32, #tpu.memory_space<hbm>> -> memref<16x1024xf32, #tpu.memory_space<hbm>>
    %dma_wait3A_640 = arith.constant 0 : i32
    %dma_wait3A_641 = tpu.memref_slice %arg5[%dma_wait3A_636, %add3A_635, %dma_wait3A_640] : memref<4x2048x1024xf32, #tpu.memory_space<hbm>> -> memref<1x16x1024xf32, #tpu.memory_space<hbm>>
    %dma_wait3A_642 = tpu.memref_squeeze %dma_wait3A_641 : memref<1x16x1024xf32, #tpu.memory_space<hbm>> -> memref<16x1024xf32, #tpu.memory_space<hbm>>
    tpu.wait_dma2 semaphore(%arg20 : memref<!tpu.dma_semaphore, #tpu.memory_space<semaphore_mem>>) src(%arg8 : memref<16x1024xf32, #tpu.memory_space<vmem>>) dst(%dma_wait3A_642 : memref<16x1024xf32, #tpu.memory_space<hbm>>)
    %add3A_643 = arith.constant 48 : i32
    %add3A_644 = arith.addi %mul3A_2, %add3A_643 : i32
    %dma_wait3A_645 = arith.constant 0 : i32
    %dma_wait3A_646 = arith.constant 0 : i32
    %dma_wait3A_647 = tpu.memref_slice %arg5[%dma_wait3A_645, %add3A_644, %dma_wait3A_646] : memref<4x2048x1024xf32, #tpu.memory_space<hbm>> -> memref<1x16x1024xf32, #tpu.memory_space<hbm>>
    %dma_wait3A_648 = tpu.memref_squeeze %dma_wait3A_647 : memref<1x16x1024xf32, #tpu.memory_space<hbm>> -> memref<16x1024xf32, #tpu.memory_space<hbm>>
    %dma_wait3A_649 = arith.constant 0 : i32
    %dma_wait3A_650 = tpu.memref_slice %arg5[%dma_wait3A_645, %add3A_644, %dma_wait3A_649] : memref<4x2048x1024xf32, #tpu.memory_space<hbm>> -> memref<1x16x1024xf32, #tpu.memory_space<hbm>>
    %dma_wait3A_651 = tpu.memref_squeeze %dma_wait3A_650 : memref<1x16x1024xf32, #tpu.memory_space<hbm>> -> memref<16x1024xf32, #tpu.memory_space<hbm>>
    tpu.wait_dma2 semaphore(%arg21 : memref<!tpu.dma_semaphore, #tpu.memory_space<semaphore_mem>>) src(%arg9 : memref<16x1024xf32, #tpu.memory_space<vmem>>) dst(%dma_wait3A_651 : memref<16x1024xf32, #tpu.memory_space<hbm>>)
    %add3A_652 = arith.constant 48 : i32
    %add3A_653 = arith.addi %mul3A_2, %add3A_652 : i32
    %dma_wait3A_654 = arith.constant 1 : i32
    %dma_wait3A_655 = arith.constant 0 : i32
    %dma_wait3A_656 = tpu.memref_slice %arg5[%dma_wait3A_654, %add3A_653, %dma_wait3A_655] : memref<4x2048x1024xf32, #tpu.memory_space<hbm>> -> memref<1x16x1024xf32, #tpu.memory_space<hbm>>
    %dma_wait3A_657 = tpu.memref_squeeze %dma_wait3A_656 : memref<1x16x1024xf32, #tpu.memory_space<hbm>> -> memref<16x1024xf32, #tpu.memory_space<hbm>>
    %dma_wait3A_658 = arith.constant 0 : i32
    %dma_wait3A_659 = tpu.memref_slice %arg5[%dma_wait3A_654, %add3A_653, %dma_wait3A_658] : memref<4x2048x1024xf32, #tpu.memory_space<hbm>> -> memref<1x16x1024xf32, #tpu.memory_space<hbm>>
    %dma_wait3A_660 = tpu.memref_squeeze %dma_wait3A_659 : memref<1x16x1024xf32, #tpu.memory_space<hbm>> -> memref<16x1024xf32, #tpu.memory_space<hbm>>
    tpu.wait_dma2 semaphore(%arg22 : memref<!tpu.dma_semaphore, #tpu.memory_space<semaphore_mem>>) src(%arg10 : memref<16x1024xf32, #tpu.memory_space<vmem>>) dst(%dma_wait3A_660 : memref<16x1024xf32, #tpu.memory_space<hbm>>)
    %add3A_661 = arith.constant 48 : i32
    %add3A_662 = arith.addi %mul3A_2, %add3A_661 : i32
    %dma_wait3A_663 = arith.constant 2 : i32
    %dma_wait3A_664 = arith.constant 0 : i32
    %dma_wait3A_665 = tpu.memref_slice %arg5[%dma_wait3A_663, %add3A_662, %dma_wait3A_664] : memref<4x2048x1024xf32, #tpu.memory_space<hbm>> -> memref<1x16x1024xf32, #tpu.memory_space<hbm>>
    %dma_wait3A_666 = tpu.memref_squeeze %dma_wait3A_665 : memref<1x16x1024xf32, #tpu.memory_space<hbm>> -> memref<16x1024xf32, #tpu.memory_space<hbm>>
    %dma_wait3A_667 = arith.constant 0 : i32
    %dma_wait3A_668 = tpu.memref_slice %arg5[%dma_wait3A_663, %add3A_662, %dma_wait3A_667] : memref<4x2048x1024xf32, #tpu.memory_space<hbm>> -> memref<1x16x1024xf32, #tpu.memory_space<hbm>>
    %dma_wait3A_669 = tpu.memref_squeeze %dma_wait3A_668 : memref<1x16x1024xf32, #tpu.memory_space<hbm>> -> memref<16x1024xf32, #tpu.memory_space<hbm>>
    tpu.wait_dma2 semaphore(%arg23 : memref<!tpu.dma_semaphore, #tpu.memory_space<semaphore_mem>>) src(%arg11 : memref<16x1024xf32, #tpu.memory_space<vmem>>) dst(%dma_wait3A_669 : memref<16x1024xf32, #tpu.memory_space<hbm>>)
    %add3A_670 = arith.constant 48 : i32
    %add3A_671 = arith.addi %mul3A_2, %add3A_670 : i32
    %dma_wait3A_672 = arith.constant 3 : i32
    %dma_wait3A_673 = arith.constant 0 : i32
    %dma_wait3A_674 = tpu.memref_slice %arg5[%dma_wait3A_672, %add3A_671, %dma_wait3A_673] : memref<4x2048x1024xf32, #tpu.memory_space<hbm>> -> memref<1x16x1024xf32, #tpu.memory_space<hbm>>
    %dma_wait3A_675 = tpu.memref_squeeze %dma_wait3A_674 : memref<1x16x1024xf32, #tpu.memory_space<hbm>> -> memref<16x1024xf32, #tpu.memory_space<hbm>>
    %dma_wait3A_676 = arith.constant 0 : i32
    %dma_wait3A_677 = tpu.memref_slice %arg5[%dma_wait3A_672, %add3A_671, %dma_wait3A_676] : memref<4x2048x1024xf32, #tpu.memory_space<hbm>> -> memref<1x16x1024xf32, #tpu.memory_space<hbm>>
    %dma_wait3A_678 = tpu.memref_squeeze %dma_wait3A_677 : memref<1x16x1024xf32, #tpu.memory_space<hbm>> -> memref<16x1024xf32, #tpu.memory_space<hbm>>
    tpu.wait_dma2 semaphore(%arg19 : memref<!tpu.dma_semaphore, #tpu.memory_space<semaphore_mem>>) src(%arg7 : memref<16x1024xf32, #tpu.memory_space<vmem>>) dst(%dma_wait3A_678 : memref<16x1024xf32, #tpu.memory_space<hbm>>)
    return
  }
}

</mosaic_0001>

<sc_bundles>
// kernel: kernel.3.cloned.1.call-start
scs
__scs_entry_jumppad:
0x0: {  	(pc) =	sbr.rel $0x88, $3  }
0x1: {  	(tag) =	ssettag $0x0;
	lr =	simm.s32 $0x1  }
0x2: {  	[smem:$0x3F9F] =	sst lr;
	_ =	strace $0xD0000000  }
0x3: {  	_ = 	snop  }
0x4: {  	_ = 	snop  }
0x5: {  	_ = 	snop  }
0x6: {  	_ = 	snop  }
0x7: {  	_ = 	snop  }
__scs_overlays_trampoline_lowered:
0x8: {  	[smem:$0x3FAE] =	sst s0  }
0x9: {  	[smem:$0x3FAF] =	sst s1  }
0xa: {  	[smem:$0x3FB0] =	sst s2  }
0xb: {  	[smem:$0x3FB1] =	sst s3  }
0xc: {  	[smem:$0x3FB2] =	sst s4  }
0xd: {  	[smem:$0x3FB3] =	sst s5  }
0xe: {  	[smem:$0x3FB4] =	sst s6  }
0xf: {  	[smem:$0x3FB5] =	sst s7  }
0x10: {  	[smem:$0x3FB6] =	sst s8  }
0x11: {  	[smem:$0x3FB7] =	sst s9;
	s0 =	simm.s32 @!p0 $0x0  }
0x12: {  	s1 =	sld [smem:$0x3F9D];
	s0 =	simm.s32 @p0 $0x1  }
0x13: {  	[smem:$0x3FB8] =	sst s0;
	s0 =	simm.s32 @!p1 $0x0  }
0x14: {  	s2 =	sld [smem:$0x3F9C];
	s0 =	simm.s32 @p1 $0x1  }
0x15: {  	[smem:$0x3FB9] =	sst s0;
	s0 =	simm.s32 @!p2 $0x0  }
0x16: {  	s3 =	sld [smem:$0x3FDB];
	s0 =	simm.s32 @p2 $0x1  }
0x17: {  	s4 =	simm.s32 $0x1BF5;
	[smem:$0x3FBB] =	sst s0  }
0x18: {  	s0 =	sld [smem:$0x3F9E];
	_ =	swait.ge [sflag:s4], $0x0  }
0x19: {  	s7 =	sld [smem:$0x3F9F]  }
0x1a: {  	s8 =	sadd.s32 $0xFFFFE003, lr  }
0x1b: {  	s9 =	sadd.s32 $0xFFFFFEF7, lr;
	s5 =	simm.s32 $0xFFFFFFFF;
	p2 =	slt.u32 s8, $0xFFFFF086  }
0x1c: {  	p1 =	slt.u32 s9, $0xF7A;
	s5 =	simm.s32 @!p2 $0x0  }
0x1d: {  	s5 =	simm.s32 @p1 $0x1;
	p0 =	seq.s32 s7, s2  }
0x1e: {  	s7 =	smul.u32 @!p0 $0xF7A, s2;
	p2 =	seq.s32 @!p0 s5, $0x0  }
0x1f: {  	s9 =	smul.u32 $0xF7A, s1;
	s8 =	simm.s32 @!p0 $0x1BF5;
	p2 =	por !p2, p0  }
0x20: {  	[sflag:s8] =	ssyncset.s32 @!p0 $0xFFFFF086;
	s6 =	sadd.s32 @!p0 s3, s7;
	s7 =	simm.s32 @!p0 $0x108  }
0x21: {  	s3 =	sadd.s32 s3, s9;
	s6 =	sadd.s32 @!p0 $0x88, s6;
	s7 =	simm.s32 @p2 $0x1082  }
0x22: {  	[simem:s7], [sflag:s8] =	dma.local @!p0 [hbm:s6], $0xF7A  }
0x23: {  	s9 =	sor.u32 $0xD0000000, s2;
	s6 =	simm.s32 $0x108;
	_ =	swait.ge @!p0 [sflag:s8], $0x0  }
0x24: {  	s3 =	sadd.s32 $0x88, s3;
	s6 =	simm.s32 @!p1 $0x1082;
	[sflag:s4] =	ssyncset.s32 $0xFFFFF086  }
0x25: {  	[simem:s6], [sflag:s4] =	dma.local [hbm:s3], $0xF7A  }
0x26: {  	[smem:$0x3F9F] =	sst s1;
	(tag) =	ssettag s2;
	_ =	strace s9  }
0x27: {  	s1 =	sld [smem:$0x3FAF]  }
0x28: {  	s2 =	sld [smem:$0x3FB0]  }
0x29: {  	s4 =	sld [smem:$0x3FB2]  }
0x2a: {  	p0 =	seq.s32 s5, $0x0;
	s5 =	sld [smem:$0x3FB3]  }
0x2b: {  	s6 =	sld [smem:$0x3FB4]  }
0x2c: {  	s7 =	sld [smem:$0x3FB5]  }
0x2d: {  	s3 =	simm.s32 $0x108;
	s8 =	sld [smem:$0x3FB6]  }
0x2e: {  	s3 =	simm.s32 @!p0 $0x1082;
	s9 =	sld [smem:$0x3FB7]  }
0x2f: {  	lr =	sadd.s32 s0, s3;
	s0 =	sld [smem:$0x3FAE]  }
0x30: {  	s3 =	sld [smem:$0x3FB1]  }
0x31: {  	[smem:$0x3FBA] =	sst s10  }
0x32: {  	s10 =	sld [smem:$0x3FB8];
	_ =	sdelay $0x3  }
0x33: {  	p0 =	seq.s32 s10, $0x1;
	s10 =	sld [smem:$0x3FBA];
	_ =	sdelay $0x3  }
0x34: {  	[smem:$0x3FBA] =	sst s10  }
0x35: {  	s10 =	sld [smem:$0x3FB9];
	_ =	sdelay $0x3  }
0x36: {  	p1 =	seq.s32 s10, $0x1;
	s10 =	sld [smem:$0x3FBA];
	_ =	sdelay $0x3  }
0x37: {  	[smem:$0x3FBA] =	sst s10  }
0x38: {  	s10 =	sld [smem:$0x3FBB]  }
0x39: {  	_ = 	snop;
	(pc) =	sbr.ind lr, $3  }
0x3a: {  	_ = 	snop  }
0x3b: {  	_ = 	snop  }
0x3c: {  	p2 =	seq.s32 s10, $0x1;
	s10 =	sld [smem:$0x3FBA]  }
0x3d: {  	_ =	shalt  }
0x3e: {  	_ =	shalt  }
0x3f: {  	_ =	shalt  }
0x40: {  	_ =	shalt  }
0x41: {  	_ =	shalt  }
0x42: {  	_ =	shalt  }
0x43: {  	_ =	shalt  }
0x44: {  	_ =	shalt  }
0x45: {  	_ =	shalt  }
0x46: {  	_ =	shalt  }
0x47: {  	_ =	shalt  }
0x48: {  	_ =	shalt  }
0x49: {  	_ =	shalt  }
0x4a: {  	_ =	shalt  }
0x4b: {  	_ =	shalt  }
0x4c: {  	_ =	shalt  }
0x4d: {  	_ =	shalt  }
0x4e: {  	_ =	shalt  }
0x4f: {  	_ =	shalt  }
0x50: {  	_ =	shalt  }
0x51: {  	_ =	shalt  }
0x52: {  	_ =	shalt  }
0x53: {  	_ =	shalt  }
0x54: {  	_ =	shalt  }
0x55: {  	_ =	shalt  }
0x56: {  	_ =	shalt  }
0x57: {  	_ =	shalt  }
0x58: {  	_ =	shalt  }
0x59: {  	_ =	shalt  }
0x5a: {  	_ =	shalt  }
0x5b: {  	_ =	shalt  }
0x5c: {  	_ =	shalt  }
0x5d: {  	_ =	shalt  }
0x5e: {  	_ =	shalt  }
0x5f: {  	_ =	shalt  }
0x60: {  	_ =	shalt  }
0x61: {  	_ =	shalt  }
0x62: {  	_ =	shalt  }
0x63: {  	_ =	shalt  }
0x64: {  	_ =	shalt  }
0x65: {  	_ =	shalt  }
0x66: {  	_ =	shalt  }
0x67: {  	_ =	shalt  }
0x68: {  	_ =	shalt  }
0x69: {  	_ =	shalt  }
0x6a: {  	_ =	shalt  }
0x6b: {  	_ =	shalt  }
0x6c: {  	_ =	shalt  }
0x6d: {  	_ =	shalt  }
0x6e: {  	_ =	shalt  }
0x6f: {  	_ =	shalt  }
0x70: {  	_ =	shalt  }
0x71: {  	_ =	shalt  }
0x72: {  	_ =	shalt  }
0x73: {  	_ =	shalt  }
0x74: {  	_ =	shalt  }
0x75: {  	_ =	shalt  }
0x76: {  	_ =	shalt  }
0x77: {  	_ =	shalt  }
0x78: {  	_ =	shalt  }
0x79: {  	_ =	shalt  }
0x7a: {  	_ =	shalt  }
0x7b: {  	_ =	shalt  }
0x7c: {  	_ =	shalt  }
0x7d: {  	_ =	shalt  }
0x7e: {  	_ =	shalt  }
0x7f: {  	_ =	shalt  }
0x80: {  	_ =	shalt  }
0x81: {  	_ =	shalt  }
0x82: {  	_ =	shalt  }
0x83: {  	_ =	shalt  }
0x84: {  	_ =	shalt  }
0x85: {  	_ =	shalt  }
0x86: {  	_ =	shalt  }
0x87: {  	_ =	shalt  }
.Lfunc_end0:
.L_simem_size_0:
called_computation_lowered:
.L_overlay_start_0:
0x88: {  	s2 =	sld [smem:$0x3FD9]  }
0x89: {  	s3 =	sld [smem:$0x3FFE];
	_ =	sdelay $0x1  }
0x8a: {  	s1 =	srdreg.scid  }
0x8b: {  	s0 =	sand.u32 $0x1, s1  }
0x8c: {  	s17 =	sshll.u32 s0, $0xA;
	s2 =	sadd.s32 s3, s2  }
0x8d: {  	s2 =	sadd.s32 s2, s17  }
0x8e: {  	[smem:$0x3FC6] =	sst s2  }
0x8f: {  	_ = 	snop  }
0x90: {  	s2 =	sld [smem:$0x3FC9]  }
0x91: {  	s18 =	sld [smem:$0x3FC8]  }
0x92: {  	s4 =	sld [smem:$0x3FD0];
	(tm) =	ssettm $0x1  }
0x93: {  	s5 =	sld [smem:$0x3FFB];
	_ =	sdelay $0x3  }
0x94: {  	_ =	strace s5  }
0x95: {  	s5 =	sld [smem:$0x3FFC];
	_ =	sdelay $0x3  }
0x96: {  	_ =	strace s5  }
0x97: {  	s5 =	sld [smem:$0x3FFD];
	_ =	sdelay $0x3  }
0x98: {  	_ =	strace s5  }
0x99: {  	_ =	strace $0x8FFFFFFF  }
0x9a: {  	s19 =	sld [smem:$0x3FDB];
	_ =	sdelay $0x1  }
0x9b: {  	s6 =	simm.s32 $_scs_section_size  }
0x9c: {  	s7 =	simm.s32 $_size__tile_overlayer_lowered;
	s8 =	simm.s32 $_tile_overlayer_lowered  }
0x9d: {  	s22 =	simm.s32 $0x1BFF;
	s21 =	sshll.u32 s8, $0x1;
	s5 =	sadd.s32 s6, s19  }
0x9e: {  	s9 =	simm.s32 $0x0;
	s20 =	sshll.u32 s7, $0x1;
	s7 =	sadd.s32 s21, s5  }
0x9f: {  	[timem:s9], [sflag:s22] =	dma.local [hbm:s7], s20  }
0xa0: {  	_ =	swait.ge [sflag:s22], s20  }
0xa1: {  	s6 =	ssub.s32 $0x0, s20;
	[sflag:s22] =	ssyncset.done $0x0  }
0xa2: {  	[sflag:s22] =	ssyncadd.s32 s6;
	_ =	sdelay $0x1  }
0xa3: {  	s23 =	simm.s32 $0x1B8B  }
0xa4: {  	_ =	swait.ge [sflag:s23], $0x1  }
0xa5: {  	[sflag:s23] =	ssyncset.done $0x0  }
0xa6: {  	s25 =	simm.s32 $0x1B8E;
	s24 =	sld [smem:$0x3FFE];
	[sflag:s23] =	ssyncadd.s32 $0xFFFFFFFF  }
0xa7: {  	s26 =	simm.s32 $execute0_lowered;
	[smem:$0x3FD2] =	sst s25  }
0xa8: {  	s7 =	sshll.u32 s26, $0x1;
	_ =	strace $0x80000046;
	[dreg:$0x1] =	wrdreg $0xFFFFFFFF  }
0xa9: {  	s28 =	simm.s32 $_size_execute0_lowered;
	s5 =	sadd.s32 s5, s7;
	[dreg:$0x0] =	wrdreg $0x0  }
0xaa: {  	s7 =	sshll.u32 s28, $0x1;
	[dreg:$0x2] =	wrdreg s5  }
0xab: {  	[dreg:$0x3] =	wrdreg s7  }
0xac: {  	[dreg:$0x4] =	wrdreg $0xC0  }
0xad: {  	_ =	task [dreg:s9], $0x5FFFF  }
0xae: {  	[dreg:$0x1] =	wrdreg $0xFFFFFFFF  }
0xaf: {  	[dreg:$0x0] =	wrdreg $0x60  }
0xb0: {  	[dreg:$0x2] =	wrdreg s2  }
0xb1: {  	[dreg:$0x3] =	wrdreg s18  }
0xb2: {  	[dreg:$0x4] =	wrdreg s24  }
0xb3: {  	[dreg:$0x5] =	wrdreg s4  }
0xb4: {  	[dreg:$0x6] =	wrdreg $0x9  }
0xb5: {  	_ =	task.clear_ibuf [dreg:s9], $0x7FFFF;
	_ =	strace $0x90000046  }
0xb6: {  	s29 =	simm.s32 $0x9;
	_ =	strace $0x80000048  }
0xb7: {  	_ =	swait.ge [sflag:s29], $0x1  }
0xb8: {  	[sflag:s29] =	ssyncadd.s32 $0xFFFFFFFF  }
0xb9: {  	_ =	strace $0x90000048  }
0xba: {  	_ =	sfence  }
0xbb: {  	s30 =	sld [smem:$0x0];
	_ =	sdelay $0x2  }
0xbc: {  	s31 =	sshll.u32 s1, $0xD;
	s1 =	sshrl.u32 s1, $0x2  }
0xbd: {  	s3 =	sand.u32 $0x4000, s31;
	s1 =	sadd.s32 s1, s30  }
0xbe: {  	s0 =	sor.u32 s3, s0;
	s1 =	sshll.u32 s1, $0x11  }
0xbf: {  	s0 =	sor.u32 s1, s0  }
0xc0: {  	s0 =	sadd.s32 $0x8F2B, s0  }
0xc1: {  	[sflag:s0] =	ssyncadd.remote.s32 $0x1  }
0xc2: {  	_ =	sfence.sel $0xFFFF  }
0xc3: {  	[dreg:$0x0] =	wrdreg $0xFFFFFFFF;
	(pc) =	sbr.abs _section_cstart, $3  }
0xc4: {  	[dreg:$0x1] =	wrdreg $0xFFFFFFFF  }
0xc5: {  	_ =	task.clear_ibuf [dreg:s9], $0x2FFFF;
	_ =	strace $0x9FFFFFFF  }
0xc6: {  	(tm) =	ssettm $0x7FFFFFFF  }
0xc7: {  	_ =	shalt  }
tec
execute0_lowered:
.L_overlay_start_1:
0x0: {  	(tag) =	ssettag $0x1  }
0x1: {  	s0 =	rddreg [dreg:$0x0]  }
0x2: {  	s2 =	srdreg.scid;
	s1 =	rddreg [dreg:$0x1]  }
0x3: {  	s3 =	stileid.u32;
	s4 =	rddreg [dreg:$0x2]  }
0x4: {  	s6 =	rddreg [dreg:$0x3];
	s2 =	sand.u32 $0x1, s2;
	s3 =	sshll.u32 s3, $0x7  }
0x5: {  	s4 =	sadd.s32 $0x400, s4;
	s5 =	sshll.u32 s2, $0x6;
	s2 =	ssub.s32 $0x2, s2  }
0x6: {  	s7 =	sor.u32 s5, s3;
	s3 =	simm.s32 $0x0;
	s20 =	sshrl.u32 s2, $0x1  }
0x7: {  	s8 =	sshll.u32 s7, $0x2;
	[smem:$0x7FF] =	sst s3;
	s2 =	ssub.s32 s2, s20  }
0x8: {  	s7 =	sshll.u32 s7, $0x7;
	s9 =	sand.u32 $0x1E00, s8;
	_ =	strace $0x80000047  }
0x9: {  	s23 =	sadd.s32 s4, s7;
	s24 =	sor.u32 $0x800, s7;
	s14 =	sor.u32 $0x1000, s7  }
0xa: {  	s20 =	smax.u32 s2, $0x1;
	s9 =	sor.u32 s5, s9;
	[dreg:$0x9] =	wrdreg s23  }
0xb: {  	s5 =	sor.u32 s5, s8;
	s25 =	sadd.s32 s4, s24;
	[dreg:$0x17] =	wrdreg s20  }
0xc: {  	s18 =	sadd.s32 s6, s14;
	s9 =	sshrl.u32 s9, $0x3;
	[dreg:$0xb] =	wrdreg s25  }
0xd: {  	s5 =	sshrl.u32 s5, $0x3;
	[dreg:$0x14] =	wrdreg s18;
	s9 =	sadd.s32 s0, s9  }
0xe: {  	s22 =	sor.u32 $0x20, s5;
	[dreg:$0x5] =	wrdreg s9;
	s21 =	sadd.s32 $0x10, s9  }
0xf: {  	s5 =	sor.u32 $0x30, s5;
	s8 =	sadd.s32 s0, s22;
	[dreg:$0x6] =	wrdreg s21  }
0x10: {  	s0 =	sadd.s32 s0, s5;
	[dreg:$0x7] =	wrdreg s8  }
0x11: {  	s28 =	simm.s32 $0x1;
	[dreg:$0x8] =	wrdreg s0;
	s0 =	sadd.s32 s6, s24  }
0x12: {  	s29 =	simm.s32 $0x10200;
	s8 =	sadd.s32 s6, s7;
	[dreg:$0x10] =	wrdreg s0  }
0x13: {  	s30 =	simm.s32 $0x4;
	s26 =	sadd.s32 $0x40000, s8;
	[dreg:$0xa] =	wrdreg s8  }
0x14: {  	s31 =	simm.s32 $0x8;
	s11 =	sadd.s32 $0x80000, s8;
	[dreg:$0xc] =	wrdreg s26  }
0x15: {  	s10 =	sadd.s32 $0x200, s1;
	s13 =	sadd.s32 $0xC0000, s8;
	[dreg:$0xd] =	wrdreg s11  }
0x16: {  	s12 =	sadd.s32 $0x300, s1;
	s16 =	sadd.s32 $0x40800, s8;
	[dreg:$0xe] =	wrdreg s13  }
0x17: {  	s15 =	sor.u32 $0x1800, s7;
	s17 =	sadd.s32 $0x80800, s8;
	[dreg:$0x11] =	wrdreg s16  }
0x18: {  	s2 =	simm.s32 $0xC;
	s0 =	sadd.s32 s6, s15;
	[dreg:$0x12] =	wrdreg s17  }
0x19: {  	s20 =	simm.s32 $0x0;
	s19 =	sadd.s32 $0xC0800, s8;
	[dreg:$0x15] =	wrdreg s0  }
0x1a: {  	s18 =	simm.s32 $0x9;
	s21 =	sadd.s32 $0x41000, s8;
	[dreg:$0x16] =	wrdreg s19  }
0x1b: {  	s9 =	sadd.s32 $0x100, s1;
	s22 =	sadd.s32 $0x81000, s8;
	[dreg:$0x18] =	wrdreg s21  }
0x1c: {  	s23 =	sadd.s32 $0xC1000, s8;
	s24 =	sadd.s32 $0x41800, s8;
	[dreg:$0x19] =	wrdreg s22  }
0x1d: {  	s25 =	sadd.s32 $0x81800, s8;
	s6 =	simm.s32 $0x200;
	[dreg:$0x1a] =	wrdreg s23  }
0x1e: {  	s11 =	sadd.s32 s4, s14;
	s4 =	sadd.s32 s4, s15;
	[dreg:$0x1b] =	wrdreg s24  }
0x1f: {  	[dreg:$0x1c] =	wrdreg s25;
	s26 =	sadd.s32 $0xC1800, s8;
	s0 =	simm.s32 $0xD  }
0x20: {  	s25 =	simm.s32 $0x8200;
	s21 =	simm.s32 $0x2;
	[dreg:$0xf] =	wrdreg s11  }
0x21: {  	v2 =	vlaneseq.u32;
	s22 =	simm.s32 $0x6;
	s23 =	simm.s32 $0x3;
	[dreg:$0x13] =	wrdreg s4  }
0x22: {  	vm0 =	vmmov $0xffff;
	v1 =	vshrl.u32 v2, $0x3;
	s24 =	simm.s32 $0x7;
	s19 =	simm.s32 $0xA;
	[dreg:$0x1d] =	wrdreg s26  }
0x23: {  	v0 =	vand.u32 $0x7, v2;
	v2 =	vor.u32 $0x8, v2;
	v1 =	vmul.u32 $0x8, v1;
	s11 =	simm.s32 $0xC200;
	s26 =	simm.s32 $0xB;
	s4 =	simm.s32 $0x5  }
.LBB2_1:
0x24: {  	s5 =	rddreg [dreg:$0x5]  }
0x25: {  	[tilespmem:s3], [sflag:$0xD] =	stream.linear.gather [hbm4b:s5+s3], $0x40, $0x38;
	[tilespmem:$0x1C200] =	vst v63  }
0x26: {  	_ =	swait.ge [sflag:s0], $0x40  }
0x27: {  	[sflag:s0] =	ssyncset.done $0x0  }
0x28: {  	s7 =	simm.s32 $0x80;
	s15 =	rddreg [dreg:$0x6];
	[sflag:s0] =	ssyncadd.s32 $0xFFFFFFC0  }
0x29: {  	[tilespmem:s7], [sflag:$0xD] =	stream.linear.gather [hbm4b:s15+s3], $0x40, $0x38;
	[tilespmem:$0x1C200] =	vst v63  }
0x2a: {  	_ =	swait.ge [sflag:s0], $0x40  }
0x2b: {  	[sflag:s0] =	ssyncset.done $0x0  }
0x2c: {  	s17 =	simm.s32 $0x100;
	s16 =	rddreg [dreg:$0x7];
	[sflag:s0] =	ssyncadd.s32 $0xFFFFFFC0  }
0x2d: {  	[tilespmem:s17], [sflag:$0xD] =	stream.linear.gather [hbm4b:s16+s3], $0x40, $0x38;
	[tilespmem:$0x1C200] =	vst v63  }
0x2e: {  	_ =	swait.ge [sflag:s0], $0x40  }
0x2f: {  	[sflag:s0] =	ssyncset.done $0x0  }
0x30: {  	s8 =	simm.s32 $0x180;
	s7 =	rddreg [dreg:$0x8];
	[sflag:s0] =	ssyncadd.s32 $0xFFFFFFC0  }
0x31: {  	[tilespmem:s8], [sflag:$0xD] =	stream.linear.gather [hbm4b:s7+s3], $0x40, $0x38;
	[tilespmem:$0x1C200] =	vst v63  }
0x32: {  	_ =	swait.ge [sflag:s0], $0x40  }
0x33: {  	[sflag:s0] =	ssyncset.done $0x0  }
0x34: {  	s14 =	simm.s32 $0x14200;
	s13 =	rddreg [dreg:$0x9];
	[sflag:s0] =	ssyncadd.s32 $0xFFFFFFC0  }
0x35: {  	[tilespmem:s14], [sflag:$0xB] =	stream.linear.gather [hbm4b:s13+s3], $0x4000, $0x38;
	[tilespmem:$0x1C200] =	vst v63  }
0x36: {  	v3 =	vld [tilespmem:$0x0];
	_ =	sdelay $0x4  }
0x37: {  	v4 =	vshll.u32 v3, $0x3  }
0x38: {  	v3 =	vand.u32 $0x7, v3;
	v4 =	vand.u32 $0xFFFFFFC0, v4  }
0x39: {  	v3 =	vor.u32 v3, v4  }
0x3a: {  	v4 =	vperm.xlane v3, v0;
	_ =	sdelay $0x1  }
0x3b: {  	v4 =	vadd.s32 v1, v4;
	_ =	sdelay $0x4  }
0x3c: {  	[tilespmem:s6], [sflag:$0x1] =	stream.indirect_vreg.gather [hbm4b:s1+s3], $0x80, v4, vm0, $0xb8;
	[tilespmem:$0x1C200] =	vst v63  }
0x3d: {  	s15 =	simm.s32 $0xA00;
	v3 =	vperm.xlane v3, v2  }
0x3e: {  	[tilespmem:s15], [sflag:$0x1] =	stream.indirect_vreg.gather [hbm4b:s9+s3], $0x80, v4, vm0, $0xb8;
	[tilespmem:$0x1C200] =	vst v63  }
0x3f: {  	s16 =	simm.s32 $0x1200;
	v3 =	vadd.s32 v1, v3  }
0x40: {  	[tilespmem:s16], [sflag:$0x1] =	stream.indirect_vreg.gather [hbm4b:s10+s3], $0x80, v4, vm0, $0xb8;
	[tilespmem:$0x1C200] =	vst v63  }
0x41: {  	s17 =	simm.s32 $0x1A00  }
0x42: {  	[tilespmem:s17], [sflag:$0x1] =	stream.indirect_vreg.gather [hbm4b:s12+s3], $0x80, v4, vm0, $0xb8;
	[tilespmem:$0x1C200] =	vst v63  }
0x43: {  	s7 =	simm.s32 $0x2200  }
0x44: {  	[tilespmem:s7], [sflag:$0x1] =	stream.indirect_vreg.gather [hbm4b:s1+s3], $0x80, v3, vm0, $0xb8;
	[tilespmem:$0x1C200] =	vst v63  }
0x45: {  	s8 =	simm.s32 $0x2A00  }
0x46: {  	[tilespmem:s8], [sflag:$0x1] =	stream.indirect_vreg.gather [hbm4b:s9+s3], $0x80, v3, vm0, $0xb8;
	[tilespmem:$0x1C200] =	vst v63  }
0x47: {  	s13 =	simm.s32 $0x3200  }
0x48: {  	[tilespmem:s13], [sflag:$0x1] =	stream.indirect_vreg.gather [hbm4b:s10+s3], $0x80, v3, vm0, $0xb8;
	[tilespmem:$0x1C200] =	vst v63  }
0x49: {  	s14 =	simm.s32 $0x3A00  }
0x4a: {  	[tilespmem:s14], [sflag:$0x1] =	stream.indirect_vreg.gather [hbm4b:s12+s3], $0x80, v3, vm0, $0xb8;
	[tilespmem:$0x1C200] =	vst v63  }
0x4b: {  	v3 =	vld [tilespmem:$0x80];
	_ =	sdelay $0x4  }
0x4c: {  	v61 =	vshll.u32 v3, $0x3  }
0x4d: {  	v3 =	vand.u32 $0x7, v3;
	v4 =	vand.u32 $0xFFFFFFC0, v61  }
0x4e: {  	v3 =	vor.u32 v3, v4  }
0x4f: {  	v4 =	vperm.xlane v3, v0;
	_ =	sdelay $0x1  }
0x50: {  	v4 =	vadd.s32 v1, v4;
	_ =	sdelay $0x3  }
0x51: {  	s15 =	simm.s32 $0x4200  }
0x52: {  	[tilespmem:s15], [sflag:$0x2] =	stream.indirect_vreg.gather [hbm4b:s1+s3], $0x80, v4, vm0, $0xb8;
	[tilespmem:$0x1C200] =	vst v63  }
0x53: {  	s16 =	simm.s32 $0x4A00;
	v3 =	vperm.xlane v3, v2  }
0x54: {  	[tilespmem:s16], [sflag:$0x2] =	stream.indirect_vreg.gather [hbm4b:s9+s3], $0x80, v4, vm0, $0xb8;
	[tilespmem:$0x1C200] =	vst v63  }
0x55: {  	s17 =	simm.s32 $0x5200;
	v3 =	vadd.s32 v1, v3  }
0x56: {  	[tilespmem:s17], [sflag:$0x2] =	stream.indirect_vreg.gather [hbm4b:s10+s3], $0x80, v4, vm0, $0xb8;
	[tilespmem:$0x1C200] =	vst v63  }
0x57: {  	s7 =	simm.s32 $0x5A00  }
0x58: {  	[tilespmem:s7], [sflag:$0x2] =	stream.indirect_vreg.gather [hbm4b:s12+s3], $0x80, v4, vm0, $0xb8;
	[tilespmem:$0x1C200] =	vst v63  }
0x59: {  	s8 =	simm.s32 $0x6200  }
0x5a: {  	[tilespmem:s8], [sflag:$0x2] =	stream.indirect_vreg.gather [hbm4b:s1+s3], $0x80, v3, vm0, $0xb8;
	[tilespmem:$0x1C200] =	vst v63  }
0x5b: {  	s13 =	simm.s32 $0x6A00  }
0x5c: {  	[tilespmem:s13], [sflag:$0x2] =	stream.indirect_vreg.gather [hbm4b:s9+s3], $0x80, v3, vm0, $0xb8;
	[tilespmem:$0x1C200] =	vst v63  }
0x5d: {  	s14 =	simm.s32 $0x7200  }
0x5e: {  	[tilespmem:s14], [sflag:$0x2] =	stream.indirect_vreg.gather [hbm4b:s10+s3], $0x80, v3, vm0, $0xb8;
	[tilespmem:$0x1C200] =	vst v63  }
0x5f: {  	s15 =	simm.s32 $0x7A00  }
0x60: {  	[tilespmem:s15], [sflag:$0x2] =	stream.indirect_vreg.gather [hbm4b:s12+s3], $0x80, v3, vm0, $0xb8;
	[tilespmem:$0x1C200] =	vst v63  }
0x61: {  	v3 =	vld [tilespmem:$0x100];
	_ =	sdelay $0x4  }
0x62: {  	v62 =	vshll.u32 v3, $0x3  }
0x63: {  	v3 =	vand.u32 $0x7, v3;
	v4 =	vand.u32 $0xFFFFFFC0, v62  }
0x64: {  	v3 =	vor.u32 v3, v4  }
0x65: {  	v4 =	vperm.xlane v3, v0;
	_ =	sdelay $0x1  }
0x66: {  	v4 =	vadd.s32 v1, v4;
	_ =	sdelay $0x4  }
0x67: {  	[tilespmem:s25], [sflag:$0x3] =	stream.indirect_vreg.gather [hbm4b:s1+s3], $0x80, v4, vm0, $0xb8;
	[tilespmem:$0x1C200] =	vst v63  }
0x68: {  	s16 =	simm.s32 $0x8A00;
	v3 =	vperm.xlane v3, v2  }
0x69: {  	[tilespmem:s16], [sflag:$0x3] =	stream.indirect_vreg.gather [hbm4b:s9+s3], $0x80, v4, vm0, $0xb8;
	[tilespmem:$0x1C200] =	vst v63  }
0x6a: {  	s17 =	simm.s32 $0x9200;
	v3 =	vadd.s32 v1, v3  }
0x6b: {  	[tilespmem:s17], [sflag:$0x3] =	stream.indirect_vreg.gather [hbm4b:s10+s3], $0x80, v4, vm0, $0xb8;
	[tilespmem:$0x1C200] =	vst v63  }
0x6c: {  	s7 =	simm.s32 $0x9A00  }
0x6d: {  	[tilespmem:s7], [sflag:$0x3] =	stream.indirect_vreg.gather [hbm4b:s12+s3], $0x80, v4, vm0, $0xb8;
	[tilespmem:$0x1C200] =	vst v63  }
0x6e: {  	s8 =	simm.s32 $0xA200  }
0x6f: {  	[tilespmem:s8], [sflag:$0x3] =	stream.indirect_vreg.gather [hbm4b:s1+s3], $0x80, v3, vm0, $0xb8;
	[tilespmem:$0x1C200] =	vst v63  }
0x70: {  	s13 =	simm.s32 $0xAA00  }
0x71: {  	[tilespmem:s13], [sflag:$0x3] =	stream.indirect_vreg.gather [hbm4b:s9+s3], $0x80, v3, vm0, $0xb8;
	[tilespmem:$0x1C200] =	vst v63  }
0x72: {  	s14 =	simm.s32 $0xB200  }
0x73: {  	[tilespmem:s14], [sflag:$0x3] =	stream.indirect_vreg.gather [hbm4b:s10+s3], $0x80, v3, vm0, $0xb8;
	[tilespmem:$0x1C200] =	vst v63  }
0x74: {  	s15 =	simm.s32 $0xBA00  }
0x75: {  	[tilespmem:s15], [sflag:$0x3] =	stream.indirect_vreg.gather [hbm4b:s12+s3], $0x80, v3, vm0, $0xb8;
	[tilespmem:$0x1C200] =	vst v63  }
0x76: {  	v3 =	vld [tilespmem:$0x180];
	_ =	sdelay $0x4  }
0x77: {  	v63 =	vshll.u32 v3, $0x3  }
0x78: {  	v3 =	vand.u32 $0x7, v3;
	v4 =	vand.u32 $0xFFFFFFC0, v63  }
0x79: {  	v3 =	vor.u32 v3, v4  }
0x7a: {  	v4 =	vperm.xlane v3, v0;
	_ =	sdelay $0x1  }
0x7b: {  	v4 =	vadd.s32 v1, v4;
	_ =	sdelay $0x4  }
0x7c: {  	[tilespmem:s11], [sflag:$0x4] =	stream.indirect_vreg.gather [hbm4b:s1+s3], $0x80, v4, vm0, $0xb8;
	[tilespmem:$0x1C200] =	vst v63  }
0x7d: {  	s16 =	simm.s32 $0xCA00;
	v3 =	vperm.xlane v3, v2  }
0x7e: {  	[tilespmem:s16], [sflag:$0x4] =	stream.indirect_vreg.gather [hbm4b:s9+s3], $0x80, v4, vm0, $0xb8;
	[tilespmem:$0x1C200] =	vst v63  }
0x7f: {  	s17 =	simm.s32 $0xD200;
	v3 =	vadd.s32 v1, v3  }
0x80: {  	[tilespmem:s17], [sflag:$0x4] =	stream.indirect_vreg.gather [hbm4b:s10+s3], $0x80, v4, vm0, $0xb8;
	[tilespmem:$0x1C200] =	vst v63  }
0x81: {  	s7 =	simm.s32 $0xDA00  }
0x82: {  	[tilespmem:s7], [sflag:$0x4] =	stream.indirect_vreg.gather [hbm4b:s12+s3], $0x80, v4, vm0, $0xb8;
	[tilespmem:$0x1C200] =	vst v63  }
0x83: {  	s8 =	simm.s32 $0xE200  }
0x84: {  	[tilespmem:s8], [sflag:$0x4] =	stream.indirect_vreg.gather [hbm4b:s1+s3], $0x80, v3, vm0, $0xb8;
	[tilespmem:$0x1C200] =	vst v63  }
0x85: {  	s13 =	simm.s32 $0xEA00  }
0x86: {  	[tilespmem:s13], [sflag:$0x4] =	stream.indirect_vreg.gather [hbm4b:s9+s3], $0x80, v3, vm0, $0xb8;
	[tilespmem:$0x1C200] =	vst v63  }
0x87: {  	s14 =	simm.s32 $0xF200  }
0x88: {  	[tilespmem:s14], [sflag:$0x4] =	stream.indirect_vreg.gather [hbm4b:s10+s3], $0x80, v3, vm0, $0xb8;
	[tilespmem:$0x1C200] =	vst v63  }
0x89: {  	s15 =	simm.s32 $0xFA00  }
0x8a: {  	[tilespmem:s15], [sflag:$0x4] =	stream.indirect_vreg.gather [hbm4b:s12+s3], $0x80, v3, vm0, $0xb8;
	[tilespmem:$0x1C200] =	vst v63  }
0x8b: {  	s16 =	rddreg [dreg:$0xb];
	s17 =	simm.s32 $0x18200  }
0x8c: {  	[tilespmem:s17], [sflag:$0xC] =	stream.linear.gather [hbm4b:s16+s3], $0x4000, $0x38;
	[tilespmem:$0x1C200] =	vst v63  }
0x8d: {  	_ =	swait.ge [sflag:s26], $0x4000  }
0x8e: {  	[sflag:s26] =	ssyncset.done $0x0  }
0x8f: {  	[sflag:s26] =	ssyncadd.s32 $0xFFFFC000  }
0x90: {  	_ =	swait.ge [sflag:s28], $0x4000  }
0x91: {  	[sflag:s28] =	ssyncset.done $0x0  }
0x92: {  	s5 =	simm.s32 $0x0;
	[sflag:s28] =	ssyncadd.s32 $0xFFFFC000  }
.LBB2_2:
0x93: {  	s7 =	sshll.u32 s5, $0xA;
	s8 =	sshll.u32 s5, $0x7  }
0x94: {  	s13 =	simm.s32 $0x0;
	s7 =	sand.u32 $0x2000, s7;
	s8 =	sand.u32 $0x380, s8  }
0x95: {  	s16 =	sand.u32 $0x40, s13;
	s7 =	sor.u32 s7, s8  }
0x96: {  	s13 =	sand.u32 $0x1C00, s13;
	s8 =	sor.u32 s16, s7  }
0x97: {  	s8 =	sor.u32 s13, s8  }
0x98: {  	v3 =	vld [tilespmem:s8+$0x14200]  }
0x99: {  	v4 =	vld [tilespmem:s8+$0x200]  }
0x9a: {  	v6 =	vld [tilespmem:s8+$0x210]  }
0x9b: {  	v5 =	vld [tilespmem:s8+$0x14210]  }
0x9c: {  	v7 =	vld [tilespmem:s8+$0x220]  }
0x9d: {  	v8 =	vld [tilespmem:s8+$0x230]  }
0x9e: {  	s17 =	simm.s32 $0x40;
	v9 =	vld [tilespmem:s8+$0x14220]  }
0x9f: {  	s14 =	simm.s32 $0x200;
	s13 =	sand.u32 $0x40, s17;
	v10 =	vld [tilespmem:s8+$0x14230];
	v4 =	vmul.f32 $3.200000000e+01, v4;
	v6 =	vmul.f32 $3.200000000e+01, v6  }
0xa0: {  	s15 =	sand.u32 $0x1C00, s14;
	s13 =	sor.u32 s13, s7  }
0xa1: {  	s13 =	sor.u32 s15, s13;
	v11 =	vadd.f32 v3, v4;
	v12 =	vadd.f32 v5, v6;
	v6 =	vmul.f32 $3.200000000e+01, v7  }
0xa2: {  	v4 =	vld [tilespmem:s13+$0x14200];
	v7 =	vmul.f32 $3.200000000e+01, v8  }
0xa3: {  	v3 =	vld [tilespmem:s13+$0x14210];
	[tilespmem:s8+$0x200] =	vst v11;
	v6 =	vadd.f32 v9, v6  }
0xa4: {  	s15 =	simm.s32 $0x80;
	v7 =	vadd.f32 v10, v7;
	v5 =	vld [tilespmem:s13+$0x200];
	[tilespmem:s8+$0x210] =	vst v12  }
.LBB2_3:
0xa5: {  	p0 =	sne.s32 s15, $0x3C0;
	v8 =	vld [tilespmem:s13+$0x210];
	[tilespmem:s8+$0x220] =	vst v6  }
0xa6: {  	v6 =	vld [tilespmem:s13+$0x220];
	[tilespmem:s8+$0x230] =	vst v7;
	s8 =	smov.u32 s13  }
0xa7: {  	v7 =	vld [tilespmem:s8+$0x230]  }
0xa8: {  	v9 =	vld [tilespmem:s8+$0x14220]  }
0xa9: {  	s14 =	sadd.s32 $0x200, s14;
	s13 =	sand.u32 $0x40, s15;
	v5 =	vmul.f32 $3.200000000e+01, v5;
	v10 =	vld [tilespmem:s8+$0x14230]  }
.Ltmp0:
0xaa: {  	s16 =	sand.u32 $0x1C00, s14;
	s13 =	sor.u32 s13, s7;
	v8 =	vmul.f32 $3.200000000e+01, v8;
	(pc) =	sbr.rel @p0 .LBB2_3-.Ltmp0, $4  }
0xab: {  	s13 =	sor.u32 s16, s13;
	v5 =	vadd.f32 v4, v5;
	v6 =	vmul.f32 $3.200000000e+01, v6  }
0xac: {  	v4 =	vld [tilespmem:s13+$0x14200];
	v8 =	vadd.f32 v3, v8;
	v7 =	vmul.f32 $3.200000000e+01, v7  }
0xad: {  	v3 =	vld [tilespmem:s13+$0x14210];
	[tilespmem:s8+$0x200] =	vst v5;
	v6 =	vadd.f32 v9, v6  }
0xae: {  	s15 =	sadd.s32 $0x40, s15;
	v5 =	vld [tilespmem:s13+$0x200];
	[tilespmem:s8+$0x210] =	vst v8;
	v7 =	vadd.f32 v10, v7  }
0xaf: {  	v8 =	vld [tilespmem:s13+$0x210];
	[tilespmem:s8+$0x220] =	vst v6  }
0xb0: {  	v6 =	vld [tilespmem:s13+$0x220];
	[tilespmem:s8+$0x230] =	vst v7  }
0xb1: {  	v7 =	vld [tilespmem:s13+$0x230]  }
0xb2: {  	v9 =	vld [tilespmem:s13+$0x14220]  }
0xb3: {  	v10 =	vld [tilespmem:s13+$0x14230];
	v5 =	vmul.f32 $3.200000000e+01, v5  }
0xb4: {  	s5 =	sadd.s32 $0x1, s5;
	v8 =	vmul.f32 $3.200000000e+01, v8  }
0xb5: {  	p0 =	sne.s32 s5, $0x10;
	v4 =	vadd.f32 v4, v5;
	v61 =	vmul.f32 $3.200000000e+01, v6  }
.Ltmp1:
0xb6: {  	v3 =	vadd.f32 v3, v8;
	v62 =	vmul.f32 $3.200000000e+01, v7;
	(pc) =	sbr.rel @p0 .LBB2_2-.Ltmp1, $4  }
0xb7: {  	[tilespmem:s13+$0x200] =	vst v4;
	v63 =	vadd.f32 v9, v61  }
0xb8: {  	[tilespmem:s13+$0x210] =	vst v3;
	v3 =	vadd.f32 v10, v62  }
0xb9: {  	[tilespmem:s13+$0x220] =	vst v63  }
0xba: {  	[tilespmem:s13+$0x230] =	vst v3  }
0xbb: {  	s5 =	simm.s32 $0x0;
	s7 =	rddreg [dreg:$0xa]  }
0xbc: {  	[hbm4b:s7+s5] =	stream.linear.scatter [tilespmem:s6], [sflag:$0x6], $0x4000, $0x38;
	[tilespmem:$0x1C200] =	vst v63  }
0xbd: {  	v3 =	vld [tilespmem:$0x10];
	_ =	sdelay $0x4  }
0xbe: {  	v4 =	vshll.u32 v3, $0x3  }
0xbf: {  	v3 =	vand.u32 $0x7, v3;
	v4 =	vand.u32 $0xFFFFFFC0, v4  }
0xc0: {  	v3 =	vor.u32 v3, v4  }
0xc1: {  	v4 =	vperm.xlane v3, v0;
	_ =	sdelay $0x1  }
0xc2: {  	v4 =	vadd.s32 v1, v4;
	_ =	sdelay $0x4  }
0xc3: {  	[tilespmem:s29], [sflag:$0x5] =	stream.indirect_vreg.gather [hbm4b:s1+s5], $0x80, v4, vm0, $0xb8;
	[tilespmem:$0x1C200] =	vst v63  }
0xc4: {  	s17 =	simm.s32 $0x10A00;
	v3 =	vperm.xlane v3, v2  }
0xc5: {  	[tilespmem:s17], [sflag:$0x5] =	stream.indirect_vreg.gather [hbm4b:s9+s5], $0x80, v4, vm0, $0xb8;
	[tilespmem:$0x1C200] =	vst v63  }
0xc6: {  	s8 =	simm.s32 $0x11200;
	v3 =	vadd.s32 v1, v3  }
0xc7: {  	[tilespmem:s8], [sflag:$0x5] =	stream.indirect_vreg.gather [hbm4b:s10+s5], $0x80, v4, vm0, $0xb8;
	[tilespmem:$0x1C200] =	vst v63  }
0xc8: {  	s13 =	simm.s32 $0x11A00  }
0xc9: {  	[tilespmem:s13], [sflag:$0x5] =	stream.indirect_vreg.gather [hbm4b:s12+s5], $0x80, v4, vm0, $0xb8;
	[tilespmem:$0x1C200] =	vst v63  }
0xca: {  	s14 =	simm.s32 $0x12200  }
0xcb: {  	[tilespmem:s14], [sflag:$0x5] =	stream.indirect_vreg.gather [hbm4b:s1+s5], $0x80, v3, vm0, $0xb8;
	[tilespmem:$0x1C200] =	vst v63  }
0xcc: {  	s15 =	simm.s32 $0x12A00  }
0xcd: {  	[tilespmem:s15], [sflag:$0x5] =	stream.indirect_vreg.gather [hbm4b:s9+s5], $0x80, v3, vm0, $0xb8;
	[tilespmem:$0x1C200] =	vst v63  }
0xce: {  	s16 =	simm.s32 $0x13200  }
0xcf: {  	[tilespmem:s16], [sflag:$0x5] =	stream.indirect_vreg.gather [hbm4b:s10+s5], $0x80, v3, vm0, $0xb8;
	[tilespmem:$0x1C200] =	vst v63  }
0xd0: {  	s17 =	simm.s32 $0x13A00  }
0xd1: {  	[tilespmem:s17], [sflag:$0x5] =	stream.indirect_vreg.gather [hbm4b:s12+s5], $0x80, v3, vm0, $0xb8;
	[tilespmem:$0x1C200] =	vst v63  }
0xd2: {  	_ =	swait.ge [sflag:s21], $0x4000  }
0xd3: {  	[sflag:s21] =	ssyncset.done $0x0  }
0xd4: {  	s7 =	simm.s32 $0x0;
	[sflag:s21] =	ssyncadd.s32 $0xFFFFC000  }
.LBB2_6:
0xd5: {  	s8 =	sshll.u32 s7, $0xA;
	s13 =	sshll.u32 s7, $0x7  }
0xd6: {  	s8 =	sand.u32 $0x2000, s8;
	s13 =	sand.u32 $0x380, s13  }
0xd7: {  	s16 =	sand.u32 $0x40, s5;
	s8 =	sor.u32 s8, s13  }
0xd8: {  	s14 =	sand.u32 $0x1C00, s5;
	s13 =	sor.u32 s16, s8  }
0xd9: {  	s13 =	sor.u32 s14, s13  }
0xda: {  	v3 =	vld [tilespmem:s13+$0x14200]  }
0xdb: {  	v4 =	vld [tilespmem:s13+$0x4200]  }
0xdc: {  	v6 =	vld [tilespmem:s13+$0x4210]  }
0xdd: {  	v5 =	vld [tilespmem:s13+$0x14210]  }
0xde: {  	v7 =	vld [tilespmem:s13+$0x4220]  }
0xdf: {  	v8 =	vld [tilespmem:s13+$0x4230]  }
0xe0: {  	s17 =	simm.s32 $0x40;
	v9 =	vld [tilespmem:s13+$0x14220]  }
0xe1: {  	s15 =	simm.s32 $0x200;
	s14 =	sand.u32 $0x40, s17;
	v10 =	vld [tilespmem:s13+$0x14230];
	v4 =	vmul.f32 $3.200000000e+01, v4;
	v6 =	vmul.f32 $3.200000000e+01, v6  }
0xe2: {  	s16 =	sand.u32 $0x1C00, s15;
	s14 =	sor.u32 s14, s8  }
0xe3: {  	s14 =	sor.u32 s16, s14;
	v11 =	vadd.f32 v3, v4;
	v12 =	vadd.f32 v5, v6;
	v6 =	vmul.f32 $3.200000000e+01, v7  }
0xe4: {  	v4 =	vld [tilespmem:s14+$0x14200];
	v7 =	vmul.f32 $3.200000000e+01, v8  }
0xe5: {  	v3 =	vld [tilespmem:s14+$0x14210];
	[tilespmem:s13+$0x4200] =	vst v11;
	v6 =	vadd.f32 v9, v6  }
0xe6: {  	s16 =	simm.s32 $0x80;
	v7 =	vadd.f32 v10, v7;
	v5 =	vld [tilespmem:s14+$0x4200];
	[tilespmem:s13+$0x4210] =	vst v12  }
.LBB2_7:
0xe7: {  	p0 =	sne.s32 s16, $0x3C0;
	v8 =	vld [tilespmem:s14+$0x4210];
	[tilespmem:s13+$0x4220] =	vst v6  }
0xe8: {  	v6 =	vld [tilespmem:s14+$0x4220];
	[tilespmem:s13+$0x4230] =	vst v7;
	s13 =	smov.u32 s14  }
0xe9: {  	v7 =	vld [tilespmem:s13+$0x4230]  }
0xea: {  	v9 =	vld [tilespmem:s13+$0x14220]  }
0xeb: {  	s15 =	sadd.s32 $0x200, s15;
	s14 =	sand.u32 $0x40, s16;
	v5 =	vmul.f32 $3.200000000e+01, v5;
	v10 =	vld [tilespmem:s13+$0x14230]  }
.Ltmp2:
0xec: {  	s17 =	sand.u32 $0x1C00, s15;
	s14 =	sor.u32 s14, s8;
	v8 =	vmul.f32 $3.200000000e+01, v8;
	(pc) =	sbr.rel @p0 .LBB2_7-.Ltmp2, $4  }
0xed: {  	s14 =	sor.u32 s17, s14;
	v5 =	vadd.f32 v4, v5;
	v6 =	vmul.f32 $3.200000000e+01, v6  }
0xee: {  	v4 =	vld [tilespmem:s14+$0x14200];
	v8 =	vadd.f32 v3, v8;
	v7 =	vmul.f32 $3.200000000e+01, v7  }
0xef: {  	v3 =	vld [tilespmem:s14+$0x14210];
	[tilespmem:s13+$0x4200] =	vst v5;
	v6 =	vadd.f32 v9, v6  }
0xf0: {  	s16 =	sadd.s32 $0x40, s16;
	v5 =	vld [tilespmem:s14+$0x4200];
	[tilespmem:s13+$0x4210] =	vst v8;
	v7 =	vadd.f32 v10, v7  }
0xf1: {  	v8 =	vld [tilespmem:s14+$0x4210];
	[tilespmem:s13+$0x4220] =	vst v6  }
0xf2: {  	v6 =	vld [tilespmem:s14+$0x4220];
	[tilespmem:s13+$0x4230] =	vst v7  }
0xf3: {  	v7 =	vld [tilespmem:s14+$0x4230]  }
0xf4: {  	v9 =	vld [tilespmem:s14+$0x14220]  }
0xf5: {  	v10 =	vld [tilespmem:s14+$0x14230];
	v5 =	vmul.f32 $3.200000000e+01, v5  }
0xf6: {  	s7 =	sadd.s32 $0x1, s7;
	v8 =	vmul.f32 $3.200000000e+01, v8  }
0xf7: {  	p0 =	sne.s32 s7, $0x10;
	v4 =	vadd.f32 v4, v5;
	v61 =	vmul.f32 $3.200000000e+01, v6  }
.Ltmp3:
0xf8: {  	v3 =	vadd.f32 v3, v8;
	v62 =	vmul.f32 $3.200000000e+01, v7;
	(pc) =	sbr.rel @p0 .LBB2_6-.Ltmp3, $4  }
0xf9: {  	[tilespmem:s14+$0x4200] =	vst v4;
	v63 =	vadd.f32 v9, v61  }
0xfa: {  	[tilespmem:s14+$0x4210] =	vst v3;
	v3 =	vadd.f32 v10, v62  }
0xfb: {  	[tilespmem:s14+$0x4220] =	vst v63  }
0xfc: {  	[tilespmem:s14+$0x4230] =	vst v3  }
0xfd: {  	s5 =	simm.s32 $0x0;
	s7 =	rddreg [dreg:$0xc];
	s8 =	simm.s32 $0x4200  }
0xfe: {  	[hbm4b:s7+s5] =	stream.linear.scatter [tilespmem:s8], [sflag:$0x7], $0x4000, $0x38;
	[tilespmem:$0x1C200] =	vst v63  }
0xff: {  	_ =	swait.ge [sflag:s22], $0x4000  }
0x100: {  	[sflag:s22] =	ssyncset.done $0x0  }
0x101: {  	[sflag:s22] =	ssyncadd.s32 $0xFFFFC000  }
0x102: {  	v3 =	vld [tilespmem:$0x90];
	_ =	sdelay $0x4  }
0x103: {  	v4 =	vshll.u32 v3, $0x3  }
0x104: {  	v3 =	vand.u32 $0x7, v3;
	v4 =	vand.u32 $0xFFFFFFC0, v4  }
0x105: {  	v3 =	vor.u32 v3, v4  }
0x106: {  	v4 =	vperm.xlane v3, v0;
	_ =	sdelay $0x1  }
0x107: {  	v4 =	vadd.s32 v1, v4;
	_ =	sdelay $0x4  }
0x108: {  	[tilespmem:s6], [sflag:$0x1] =	stream.indirect_vreg.gather [hbm4b:s1+s5], $0x80, v4, vm0, $0xb8;
	[tilespmem:$0x1C200] =	vst v63  }
0x109: {  	s17 =	simm.s32 $0xA00;
	v3 =	vperm.xlane v3, v2  }
0x10a: {  	[tilespmem:s17], [sflag:$0x1] =	stream.indirect_vreg.gather [hbm4b:s9+s5], $0x80, v4, vm0, $0xb8;
	[tilespmem:$0x1C200] =	vst v63  }
0x10b: {  	s8 =	simm.s32 $0x1200;
	v3 =	vadd.s32 v1, v3  }
0x10c: {  	[tilespmem:s8], [sflag:$0x1] =	stream.indirect_vreg.gather [hbm4b:s10+s5], $0x80, v4, vm0, $0xb8;
	[tilespmem:$0x1C200] =	vst v63  }
0x10d: {  	s13 =	simm.s32 $0x1A00  }
0x10e: {  	[tilespmem:s13], [sflag:$0x1] =	stream.indirect_vreg.gather [hbm4b:s12+s5], $0x80, v4, vm0, $0xb8;
	[tilespmem:$0x1C200] =	vst v63  }
0x10f: {  	s14 =	simm.s32 $0x2200  }
0x110: {  	[tilespmem:s14], [sflag:$0x1] =	stream.indirect_vreg.gather [hbm4b:s1+s5], $0x80, v3, vm0, $0xb8;
	[tilespmem:$0x1C200] =	vst v63  }
0x111: {  	s15 =	simm.s32 $0x2A00  }
0x112: {  	[tilespmem:s15], [sflag:$0x1] =	stream.indirect_vreg.gather [hbm4b:s9+s5], $0x80, v3, vm0, $0xb8;
	[tilespmem:$0x1C200] =	vst v63  }
0x113: {  	s16 =	simm.s32 $0x3200  }
0x114: {  	[tilespmem:s16], [sflag:$0x1] =	stream.indirect_vreg.gather [hbm4b:s10+s5], $0x80, v3, vm0, $0xb8;
	[tilespmem:$0x1C200] =	vst v63  }
0x115: {  	s17 =	simm.s32 $0x3A00  }
0x116: {  	[tilespmem:s17], [sflag:$0x1] =	stream.indirect_vreg.gather [hbm4b:s12+s5], $0x80, v3, vm0, $0xb8;
	[tilespmem:$0x1C200] =	vst v63  }
0x117: {  	_ =	swait.ge [sflag:s23], $0x4000  }
0x118: {  	[sflag:s23] =	ssyncset.done $0x0  }
0x119: {  	s7 =	simm.s32 $0x0;
	[sflag:s23] =	ssyncadd.s32 $0xFFFFC000  }
.LBB2_10:
0x11a: {  	s8 =	sshll.u32 s7, $0xA;
	s13 =	sshll.u32 s7, $0x7  }
0x11b: {  	s8 =	sand.u32 $0x2000, s8;
	s13 =	sand.u32 $0x380, s13  }
0x11c: {  	s16 =	sand.u32 $0x40, s5;
	s8 =	sor.u32 s8, s13  }
0x11d: {  	s14 =	sand.u32 $0x1C00, s5;
	s13 =	sor.u32 s16, s8  }
0x11e: {  	s13 =	sor.u32 s14, s13  }
0x11f: {  	v3 =	vld [tilespmem:s13+$0x14200]  }
0x120: {  	v4 =	vld [tilespmem:s13+$0x8200]  }
0x121: {  	v6 =	vld [tilespmem:s13+$0x8210]  }
0x122: {  	v5 =	vld [tilespmem:s13+$0x14210]  }
0x123: {  	v7 =	vld [tilespmem:s13+$0x8220]  }
0x124: {  	v8 =	vld [tilespmem:s13+$0x8230]  }
0x125: {  	s17 =	simm.s32 $0x40;
	v9 =	vld [tilespmem:s13+$0x14220]  }
0x126: {  	s15 =	simm.s32 $0x200;
	s14 =	sand.u32 $0x40, s17;
	v10 =	vld [tilespmem:s13+$0x14230];
	v4 =	vmul.f32 $3.200000000e+01, v4;
	v6 =	vmul.f32 $3.200000000e+01, v6  }
0x127: {  	s16 =	sand.u32 $0x1C00, s15;
	s14 =	sor.u32 s14, s8  }
0x128: {  	s14 =	sor.u32 s16, s14;
	v11 =	vadd.f32 v3, v4;
	v12 =	vadd.f32 v5, v6;
	v6 =	vmul.f32 $3.200000000e+01, v7  }
0x129: {  	v4 =	vld [tilespmem:s14+$0x14200];
	v7 =	vmul.f32 $3.200000000e+01, v8  }
0x12a: {  	v3 =	vld [tilespmem:s14+$0x14210];
	[tilespmem:s13+$0x8200] =	vst v11;
	v6 =	vadd.f32 v9, v6  }
0x12b: {  	s16 =	simm.s32 $0x80;
	v7 =	vadd.f32 v10, v7;
	v5 =	vld [tilespmem:s14+$0x8200];
	[tilespmem:s13+$0x8210] =	vst v12  }
.LBB2_11:
0x12c: {  	p0 =	sne.s32 s16, $0x3C0;
	v8 =	vld [tilespmem:s14+$0x8210];
	[tilespmem:s13+$0x8220] =	vst v6  }
0x12d: {  	v6 =	vld [tilespmem:s14+$0x8220];
	[tilespmem:s13+$0x8230] =	vst v7;
	s13 =	smov.u32 s14  }
0x12e: {  	v7 =	vld [tilespmem:s13+$0x8230]  }
0x12f: {  	v9 =	vld [tilespmem:s13+$0x14220]  }
0x130: {  	s15 =	sadd.s32 $0x200, s15;
	s14 =	sand.u32 $0x40, s16;
	v5 =	vmul.f32 $3.200000000e+01, v5;
	v10 =	vld [tilespmem:s13+$0x14230]  }
.Ltmp4:
0x131: {  	s17 =	sand.u32 $0x1C00, s15;
	s14 =	sor.u32 s14, s8;
	v8 =	vmul.f32 $3.200000000e+01, v8;
	(pc) =	sbr.rel @p0 .LBB2_11-.Ltmp4, $4  }
0x132: {  	s14 =	sor.u32 s17, s14;
	v5 =	vadd.f32 v4, v5;
	v6 =	vmul.f32 $3.200000000e+01, v6  }
0x133: {  	v4 =	vld [tilespmem:s14+$0x14200];
	v8 =	vadd.f32 v3, v8;
	v7 =	vmul.f32 $3.200000000e+01, v7  }
0x134: {  	v3 =	vld [tilespmem:s14+$0x14210];
	[tilespmem:s13+$0x8200] =	vst v5;
	v6 =	vadd.f32 v9, v6  }
0x135: {  	s16 =	sadd.s32 $0x40, s16;
	v5 =	vld [tilespmem:s14+$0x8200];
	[tilespmem:s13+$0x8210] =	vst v8;
	v7 =	vadd.f32 v10, v7  }
0x136: {  	v8 =	vld [tilespmem:s14+$0x8210];
	[tilespmem:s13+$0x8220] =	vst v6  }
0x137: {  	v6 =	vld [tilespmem:s14+$0x8220];
	[tilespmem:s13+$0x8230] =	vst v7  }
0x138: {  	v7 =	vld [tilespmem:s14+$0x8230]  }
0x139: {  	v9 =	vld [tilespmem:s14+$0x14220]  }
0x13a: {  	v10 =	vld [tilespmem:s14+$0x14230];
	v5 =	vmul.f32 $3.200000000e+01, v5  }
0x13b: {  	s7 =	sadd.s32 $0x1, s7;
	v8 =	vmul.f32 $3.200000000e+01, v8  }
0x13c: {  	p0 =	sne.s32 s7, $0x10;
	v4 =	vadd.f32 v4, v5;
	v61 =	vmul.f32 $3.200000000e+01, v6  }
.Ltmp5:
0x13d: {  	v3 =	vadd.f32 v3, v8;
	v62 =	vmul.f32 $3.200000000e+01, v7;
	(pc) =	sbr.rel @p0 .LBB2_10-.Ltmp5, $4  }
0x13e: {  	[tilespmem:s14+$0x8200] =	vst v4;
	v63 =	vadd.f32 v9, v61  }
0x13f: {  	[tilespmem:s14+$0x8210] =	vst v3;
	v3 =	vadd.f32 v10, v62  }
0x140: {  	[tilespmem:s14+$0x8220] =	vst v63  }
0x141: {  	[tilespmem:s14+$0x8230] =	vst v3  }
0x142: {  	s5 =	simm.s32 $0x0;
	s7 =	rddreg [dreg:$0xd]  }
0x143: {  	[hbm4b:s7+s5] =	stream.linear.scatter [tilespmem:s25], [sflag:$0x8], $0x4000, $0x38;
	[tilespmem:$0x1C200] =	vst v63  }
0x144: {  	_ =	swait.ge [sflag:s24], $0x4000  }
0x145: {  	[sflag:s24] =	ssyncset.done $0x0  }
0x146: {  	[sflag:s24] =	ssyncadd.s32 $0xFFFFC000  }
0x147: {  	v3 =	vld [tilespmem:$0x110];
	_ =	sdelay $0x4  }
0x148: {  	v4 =	vshll.u32 v3, $0x3  }
0x149: {  	v3 =	vand.u32 $0x7, v3;
	v4 =	vand.u32 $0xFFFFFFC0, v4  }
0x14a: {  	v3 =	vor.u32 v3, v4  }
0x14b: {  	v4 =	vperm.xlane v3, v0;
	_ =	sdelay $0x1  }
0x14c: {  	v4 =	vadd.s32 v1, v4;
	_ =	sdelay $0x3  }
0x14d: {  	s16 =	simm.s32 $0x4200  }
0x14e: {  	[tilespmem:s16], [sflag:$0x2] =	stream.indirect_vreg.gather [hbm4b:s1+s5], $0x80, v4, vm0, $0xb8;
	[tilespmem:$0x1C200] =	vst v63  }
0x14f: {  	s17 =	simm.s32 $0x4A00;
	v3 =	vperm.xlane v3, v2  }
0x150: {  	[tilespmem:s17], [sflag:$0x2] =	stream.indirect_vreg.gather [hbm4b:s9+s5], $0x80, v4, vm0, $0xb8;
	[tilespmem:$0x1C200] =	vst v63  }
0x151: {  	s8 =	simm.s32 $0x5200;
	v3 =	vadd.s32 v1, v3  }
0x152: {  	[tilespmem:s8], [sflag:$0x2] =	stream.indirect_vreg.gather [hbm4b:s10+s5], $0x80, v4, vm0, $0xb8;
	[tilespmem:$0x1C200] =	vst v63  }
0x153: {  	s13 =	simm.s32 $0x5A00  }
0x154: {  	[tilespmem:s13], [sflag:$0x2] =	stream.indirect_vreg.gather [hbm4b:s12+s5], $0x80, v4, vm0, $0xb8;
	[tilespmem:$0x1C200] =	vst v63  }
0x155: {  	s14 =	simm.s32 $0x6200  }
0x156: {  	[tilespmem:s14], [sflag:$0x2] =	stream.indirect_vreg.gather [hbm4b:s1+s5], $0x80, v3, vm0, $0xb8;
	[tilespmem:$0x1C200] =	vst v63  }
0x157: {  	s15 =	simm.s32 $0x6A00  }
0x158: {  	[tilespmem:s15], [sflag:$0x2] =	stream.indirect_vreg.gather [hbm4b:s9+s5], $0x80, v3, vm0, $0xb8;
	[tilespmem:$0x1C200] =	vst v63  }
0x159: {  	s16 =	simm.s32 $0x7200  }
0x15a: {  	[tilespmem:s16], [sflag:$0x2] =	stream.indirect_vreg.gather [hbm4b:s10+s5], $0x80, v3, vm0, $0xb8;
	[tilespmem:$0x1C200] =	vst v63  }
0x15b: {  	s17 =	simm.s32 $0x7A00  }
0x15c: {  	[tilespmem:s17], [sflag:$0x2] =	stream.indirect_vreg.gather [hbm4b:s12+s5], $0x80, v3, vm0, $0xb8;
	[tilespmem:$0x1C200] =	vst v63  }
0x15d: {  	_ =	swait.ge [sflag:s30], $0x4000  }
0x15e: {  	[sflag:s30] =	ssyncset.done $0x0  }
0x15f: {  	s7 =	simm.s32 $0x0;
	[sflag:s30] =	ssyncadd.s32 $0xFFFFC000  }
.LBB2_14:
0x160: {  	s8 =	sshll.u32 s7, $0xA;
	s13 =	sshll.u32 s7, $0x7  }
0x161: {  	s8 =	sand.u32 $0x2000, s8;
	s13 =	sand.u32 $0x380, s13  }
0x162: {  	s16 =	sand.u32 $0x40, s5;
	s8 =	sor.u32 s8, s13  }
0x163: {  	s14 =	sand.u32 $0x1C00, s5;
	s13 =	sor.u32 s16, s8  }
0x164: {  	s13 =	sor.u32 s14, s13  }
0x165: {  	v3 =	vld [tilespmem:s13+$0x14200]  }
0x166: {  	v4 =	vld [tilespmem:s13+$0xC200]  }
0x167: {  	v6 =	vld [tilespmem:s13+$0xC210]  }
0x168: {  	v5 =	vld [tilespmem:s13+$0x14210]  }
0x169: {  	v7 =	vld [tilespmem:s13+$0xC220]  }
0x16a: {  	v8 =	vld [tilespmem:s13+$0xC230]  }
0x16b: {  	s17 =	simm.s32 $0x40;
	v9 =	vld [tilespmem:s13+$0x14220]  }
0x16c: {  	s15 =	simm.s32 $0x200;
	s14 =	sand.u32 $0x40, s17;
	v10 =	vld [tilespmem:s13+$0x14230];
	v4 =	vmul.f32 $3.200000000e+01, v4;
	v6 =	vmul.f32 $3.200000000e+01, v6  }
0x16d: {  	s16 =	sand.u32 $0x1C00, s15;
	s14 =	sor.u32 s14, s8  }
0x16e: {  	s14 =	sor.u32 s16, s14;
	v11 =	vadd.f32 v3, v4;
	v12 =	vadd.f32 v5, v6;
	v6 =	vmul.f32 $3.200000000e+01, v7  }
0x16f: {  	v4 =	vld [tilespmem:s14+$0x14200];
	v7 =	vmul.f32 $3.200000000e+01, v8  }
0x170: {  	v3 =	vld [tilespmem:s14+$0x14210];
	[tilespmem:s13+$0xC200] =	vst v11;
	v6 =	vadd.f32 v9, v6  }
0x171: {  	s16 =	simm.s32 $0x80;
	v7 =	vadd.f32 v10, v7;
	v5 =	vld [tilespmem:s14+$0xC200];
	[tilespmem:s13+$0xC210] =	vst v12  }
.LBB2_15:
0x172: {  	p0 =	sne.s32 s16, $0x3C0;
	v8 =	vld [tilespmem:s14+$0xC210];
	[tilespmem:s13+$0xC220] =	vst v6  }
0x173: {  	v6 =	vld [tilespmem:s14+$0xC220];
	[tilespmem:s13+$0xC230] =	vst v7;
	s13 =	smov.u32 s14  }
0x174: {  	v7 =	vld [tilespmem:s13+$0xC230]  }
0x175: {  	v9 =	vld [tilespmem:s13+$0x14220]  }
0x176: {  	s15 =	sadd.s32 $0x200, s15;
	s14 =	sand.u32 $0x40, s16;
	v5 =	vmul.f32 $3.200000000e+01, v5;
	v10 =	vld [tilespmem:s13+$0x14230]  }
.Ltmp6:
0x177: {  	s17 =	sand.u32 $0x1C00, s15;
	s14 =	sor.u32 s14, s8;
	v8 =	vmul.f32 $3.200000000e+01, v8;
	(pc) =	sbr.rel @p0 .LBB2_15-.Ltmp6, $4  }
0x178: {  	s14 =	sor.u32 s17, s14;
	v5 =	vadd.f32 v4, v5;
	v6 =	vmul.f32 $3.200000000e+01, v6  }
0x179: {  	v4 =	vld [tilespmem:s14+$0x14200];
	v8 =	vadd.f32 v3, v8;
	v7 =	vmul.f32 $3.200000000e+01, v7  }
0x17a: {  	v3 =	vld [tilespmem:s14+$0x14210];
	[tilespmem:s13+$0xC200] =	vst v5;
	v6 =	vadd.f32 v9, v6  }
0x17b: {  	s16 =	sadd.s32 $0x40, s16;
	v5 =	vld [tilespmem:s14+$0xC200];
	[tilespmem:s13+$0xC210] =	vst v8;
	v7 =	vadd.f32 v10, v7  }
0x17c: {  	v8 =	vld [tilespmem:s14+$0xC210];
	[tilespmem:s13+$0xC220] =	vst v6  }
0x17d: {  	v6 =	vld [tilespmem:s14+$0xC220];
	[tilespmem:s13+$0xC230] =	vst v7  }
0x17e: {  	v7 =	vld [tilespmem:s14+$0xC230]  }
0x17f: {  	v9 =	vld [tilespmem:s14+$0x14220]  }
0x180: {  	v10 =	vld [tilespmem:s14+$0x14230];
	v5 =	vmul.f32 $3.200000000e+01, v5  }
0x181: {  	s7 =	sadd.s32 $0x1, s7;
	v8 =	vmul.f32 $3.200000000e+01, v8  }
0x182: {  	p0 =	sne.s32 s7, $0x10;
	v4 =	vadd.f32 v4, v5;
	v61 =	vmul.f32 $3.200000000e+01, v6  }
.Ltmp7:
0x183: {  	v3 =	vadd.f32 v3, v8;
	v62 =	vmul.f32 $3.200000000e+01, v7;
	(pc) =	sbr.rel @p0 .LBB2_14-.Ltmp7, $4  }
0x184: {  	[tilespmem:s14+$0xC200] =	vst v4;
	v63 =	vadd.f32 v9, v61  }
0x185: {  	[tilespmem:s14+$0xC210] =	vst v3;
	v3 =	vadd.f32 v10, v62  }
0x186: {  	[tilespmem:s14+$0xC220] =	vst v63  }
0x187: {  	[tilespmem:s14+$0xC230] =	vst v3  }
0x188: {  	s5 =	simm.s32 $0x0;
	s7 =	rddreg [dreg:$0xe]  }
0x189: {  	[hbm4b:s7+s5] =	stream.linear.scatter [tilespmem:s11], [sflag:$0x9], $0x4000, $0x38;
	[tilespmem:$0x1C200] =	vst v63  }
0x18a: {  	_ =	swait.ge [sflag:s31], $0x4000  }
0x18b: {  	[sflag:s31] =	ssyncset.done $0x0  }
0x18c: {  	[sflag:s31] =	ssyncadd.s32 $0xFFFFC000  }
0x18d: {  	v3 =	vld [tilespmem:$0x190];
	_ =	sdelay $0x4  }
0x18e: {  	v4 =	vshll.u32 v3, $0x3  }
0x18f: {  	v3 =	vand.u32 $0x7, v3;
	v4 =	vand.u32 $0xFFFFFFC0, v4  }
0x190: {  	v3 =	vor.u32 v3, v4  }
0x191: {  	v4 =	vperm.xlane v3, v0;
	_ =	sdelay $0x1  }
0x192: {  	v4 =	vadd.s32 v1, v4;
	_ =	sdelay $0x4  }
0x193: {  	[tilespmem:s25], [sflag:$0x3] =	stream.indirect_vreg.gather [hbm4b:s1+s5], $0x80, v4, vm0, $0xb8;
	[tilespmem:$0x1C200] =	vst v63  }
0x194: {  	s16 =	simm.s32 $0x8A00;
	v3 =	vperm.xlane v3, v2  }
0x195: {  	[tilespmem:s16], [sflag:$0x3] =	stream.indirect_vreg.gather [hbm4b:s9+s5], $0x80, v4, vm0, $0xb8;
	[tilespmem:$0x1C200] =	vst v63  }
0x196: {  	s17 =	simm.s32 $0x9200;
	v3 =	vadd.s32 v1, v3  }
0x197: {  	[tilespmem:s17], [sflag:$0x3] =	stream.indirect_vreg.gather [hbm4b:s10+s5], $0x80, v4, vm0, $0xb8;
	[tilespmem:$0x1C200] =	vst v63  }
0x198: {  	s8 =	simm.s32 $0x9A00  }
0x199: {  	[tilespmem:s8], [sflag:$0x3] =	stream.indirect_vreg.gather [hbm4b:s12+s5], $0x80, v4, vm0, $0xb8;
	[tilespmem:$0x1C200] =	vst v63  }
0x19a: {  	s13 =	simm.s32 $0xA200  }
0x19b: {  	[tilespmem:s13], [sflag:$0x3] =	stream.indirect_vreg.gather [hbm4b:s1+s5], $0x80, v3, vm0, $0xb8;
	[tilespmem:$0x1C200] =	vst v63  }
0x19c: {  	s14 =	simm.s32 $0xAA00  }
0x19d: {  	[tilespmem:s14], [sflag:$0x3] =	stream.indirect_vreg.gather [hbm4b:s9+s5], $0x80, v3, vm0, $0xb8;
	[tilespmem:$0x1C200] =	vst v63  }
0x19e: {  	s15 =	simm.s32 $0xB200  }
0x19f: {  	[tilespmem:s15], [sflag:$0x3] =	stream.indirect_vreg.gather [hbm4b:s10+s5], $0x80, v3, vm0, $0xb8;
	[tilespmem:$0x1C200] =	vst v63  }
0x1a0: {  	s16 =	simm.s32 $0xBA00  }
0x1a1: {  	[tilespmem:s16], [sflag:$0x3] =	stream.indirect_vreg.gather [hbm4b:s12+s5], $0x80, v3, vm0, $0xb8;
	[tilespmem:$0x1C200] =	vst v63  }
0x1a2: {  	s17 =	rddreg [dreg:$0xf];
	s8 =	simm.s32 $0x14200  }
0x1a3: {  	[tilespmem:s8], [sflag:$0xB] =	stream.linear.gather [hbm4b:s17+s5], $0x4000, $0x38;
	[tilespmem:$0x1C200] =	vst v63  }
0x1a4: {  	_ =	swait.ge [sflag:s2], $0x4000  }
0x1a5: {  	[sflag:s2] =	ssyncset.done $0x0  }
0x1a6: {  	[sflag:s2] =	ssyncadd.s32 $0xFFFFC000  }
0x1a7: {  	_ =	swait.ge [sflag:s4], $0x4000  }
0x1a8: {  	[sflag:s4] =	ssyncset.done $0x0  }
0x1a9: {  	s7 =	simm.s32 $0x0;
	[sflag:s4] =	ssyncadd.s32 $0xFFFFC000  }
.LBB2_18:
0x1aa: {  	s8 =	sshll.u32 s7, $0xA;
	s13 =	sshll.u32 s7, $0x7  }
0x1ab: {  	s8 =	sand.u32 $0x2000, s8;
	s13 =	sand.u32 $0x380, s13  }
0x1ac: {  	s16 =	sand.u32 $0x40, s5;
	s8 =	sor.u32 s8, s13  }
0x1ad: {  	s14 =	sand.u32 $0x1C00, s5;
	s13 =	sor.u32 s16, s8  }
0x1ae: {  	s13 =	sor.u32 s14, s13  }
0x1af: {  	v3 =	vld [tilespmem:s13+$0x18200]  }
0x1b0: {  	v4 =	vld [tilespmem:s13+$0x10200]  }
0x1b1: {  	v6 =	vld [tilespmem:s13+$0x10210]  }
0x1b2: {  	v5 =	vld [tilespmem:s13+$0x18210]  }
0x1b3: {  	v7 =	vld [tilespmem:s13+$0x10220]  }
0x1b4: {  	v8 =	vld [tilespmem:s13+$0x10230]  }
0x1b5: {  	s17 =	simm.s32 $0x40;
	v9 =	vld [tilespmem:s13+$0x18220]  }
0x1b6: {  	s15 =	simm.s32 $0x200;
	s14 =	sand.u32 $0x40, s17;
	v10 =	vld [tilespmem:s13+$0x18230];
	v4 =	vmul.f32 $3.200000000e+01, v4;
	v6 =	vmul.f32 $3.200000000e+01, v6  }
0x1b7: {  	s16 =	sand.u32 $0x1C00, s15;
	s14 =	sor.u32 s14, s8  }
0x1b8: {  	s14 =	sor.u32 s16, s14;
	v11 =	vadd.f32 v3, v4;
	v12 =	vadd.f32 v5, v6;
	v6 =	vmul.f32 $3.200000000e+01, v7  }
0x1b9: {  	v4 =	vld [tilespmem:s14+$0x18200];
	v7 =	vmul.f32 $3.200000000e+01, v8  }
0x1ba: {  	v3 =	vld [tilespmem:s14+$0x18210];
	[tilespmem:s13+$0x10200] =	vst v11;
	v6 =	vadd.f32 v9, v6  }
0x1bb: {  	s16 =	simm.s32 $0x80;
	v7 =	vadd.f32 v10, v7;
	v5 =	vld [tilespmem:s14+$0x10200];
	[tilespmem:s13+$0x10210] =	vst v12  }
.LBB2_19:
0x1bc: {  	p0 =	sne.s32 s16, $0x3C0;
	v8 =	vld [tilespmem:s14+$0x10210];
	[tilespmem:s13+$0x10220] =	vst v6  }
0x1bd: {  	v6 =	vld [tilespmem:s14+$0x10220];
	[tilespmem:s13+$0x10230] =	vst v7;
	s13 =	smov.u32 s14  }
0x1be: {  	v7 =	vld [tilespmem:s13+$0x10230]  }
0x1bf: {  	v9 =	vld [tilespmem:s13+$0x18220]  }
0x1c0: {  	s15 =	sadd.s32 $0x200, s15;
	s14 =	sand.u32 $0x40, s16;
	v5 =	vmul.f32 $3.200000000e+01, v5;
	v10 =	vld [tilespmem:s13+$0x18230]  }
.Ltmp8:
0x1c1: {  	s17 =	sand.u32 $0x1C00, s15;
	s14 =	sor.u32 s14, s8;
	v8 =	vmul.f32 $3.200000000e+01, v8;
	(pc) =	sbr.rel @p0 .LBB2_19-.Ltmp8, $4  }
0x1c2: {  	s14 =	sor.u32 s17, s14;
	v5 =	vadd.f32 v4, v5;
	v6 =	vmul.f32 $3.200000000e+01, v6  }
0x1c3: {  	v4 =	vld [tilespmem:s14+$0x18200];
	v8 =	vadd.f32 v3, v8;
	v7 =	vmul.f32 $3.200000000e+01, v7  }
0x1c4: {  	v3 =	vld [tilespmem:s14+$0x18210];
	[tilespmem:s13+$0x10200] =	vst v5;
	v6 =	vadd.f32 v9, v6  }
0x1c5: {  	s16 =	sadd.s32 $0x40, s16;
	v5 =	vld [tilespmem:s14+$0x10200];
	[tilespmem:s13+$0x10210] =	vst v8;
	v7 =	vadd.f32 v10, v7  }
0x1c6: {  	v8 =	vld [tilespmem:s14+$0x10210];
	[tilespmem:s13+$0x10220] =	vst v6  }
0x1c7: {  	v6 =	vld [tilespmem:s14+$0x10220];
	[tilespmem:s13+$0x10230] =	vst v7  }
0x1c8: {  	v7 =	vld [tilespmem:s14+$0x10230]  }
0x1c9: {  	v9 =	vld [tilespmem:s14+$0x18220]  }
0x1ca: {  	v10 =	vld [tilespmem:s14+$0x18230];
	v5 =	vmul.f32 $3.200000000e+01, v5  }
0x1cb: {  	s7 =	sadd.s32 $0x1, s7;
	v8 =	vmul.f32 $3.200000000e+01, v8  }
0x1cc: {  	p0 =	sne.s32 s7, $0x10;
	v4 =	vadd.f32 v4, v5;
	v61 =	vmul.f32 $3.200000000e+01, v6  }
.Ltmp9:
0x1cd: {  	v3 =	vadd.f32 v3, v8;
	v62 =	vmul.f32 $3.200000000e+01, v7;
	(pc) =	sbr.rel @p0 .LBB2_18-.Ltmp9, $4  }
0x1ce: {  	[tilespmem:s14+$0x10200] =	vst v4;
	v63 =	vadd.f32 v9, v61  }
0x1cf: {  	[tilespmem:s14+$0x10210] =	vst v3;
	v3 =	vadd.f32 v10, v62  }
0x1d0: {  	[tilespmem:s14+$0x10220] =	vst v63  }
0x1d1: {  	[tilespmem:s14+$0x10230] =	vst v3  }
0x1d2: {  	s5 =	simm.s32 $0x0;
	s7 =	rddreg [dreg:$0x10]  }
0x1d3: {  	[hbm4b:s7+s5] =	stream.linear.scatter [tilespmem:s29], [sflag:$0xA], $0x4000, $0x38;
	[tilespmem:$0x1C200] =	vst v63  }
0x1d4: {  	_ =	swait.ge [sflag:s18], $0x4000  }
0x1d5: {  	[sflag:s18] =	ssyncset.done $0x0  }
0x1d6: {  	[sflag:s18] =	ssyncadd.s32 $0xFFFFC000  }
0x1d7: {  	v3 =	vld [tilespmem:$0x20];
	_ =	sdelay $0x4  }
0x1d8: {  	v4 =	vshll.u32 v3, $0x3  }
0x1d9: {  	v3 =	vand.u32 $0x7, v3;
	v4 =	vand.u32 $0xFFFFFFC0, v4  }
0x1da: {  	v3 =	vor.u32 v3, v4  }
0x1db: {  	v4 =	vperm.xlane v3, v0;
	_ =	sdelay $0x1  }
0x1dc: {  	v4 =	vadd.s32 v1, v4;
	_ =	sdelay $0x4  }
0x1dd: {  	[tilespmem:s11], [sflag:$0x4] =	stream.indirect_vreg.gather [hbm4b:s1+s5], $0x80, v4, vm0, $0xb8;
	[tilespmem:$0x1C200] =	vst v63  }
0x1de: {  	s17 =	simm.s32 $0xCA00;
	v3 =	vperm.xlane v3, v2  }
0x1df: {  	[tilespmem:s17], [sflag:$0x4] =	stream.indirect_vreg.gather [hbm4b:s9+s5], $0x80, v4, vm0, $0xb8;
	[tilespmem:$0x1C200] =	vst v63  }
0x1e0: {  	s8 =	simm.s32 $0xD200;
	v3 =	vadd.s32 v1, v3  }
0x1e1: {  	[tilespmem:s8], [sflag:$0x4] =	stream.indirect_vreg.gather [hbm4b:s10+s5], $0x80, v4, vm0, $0xb8;
	[tilespmem:$0x1C200] =	vst v63  }
0x1e2: {  	s13 =	simm.s32 $0xDA00  }
0x1e3: {  	[tilespmem:s13], [sflag:$0x4] =	stream.indirect_vreg.gather [hbm4b:s12+s5], $0x80, v4, vm0, $0xb8;
	[tilespmem:$0x1C200] =	vst v63  }
0x1e4: {  	s14 =	simm.s32 $0xE200  }
0x1e5: {  	[tilespmem:s14], [sflag:$0x4] =	stream.indirect_vreg.gather [hbm4b:s1+s5], $0x80, v3, vm0, $0xb8;
	[tilespmem:$0x1C200] =	vst v63  }
0x1e6: {  	s15 =	simm.s32 $0xEA00  }
0x1e7: {  	[tilespmem:s15], [sflag:$0x4] =	stream.indirect_vreg.gather [hbm4b:s9+s5], $0x80, v3, vm0, $0xb8;
	[tilespmem:$0x1C200] =	vst v63  }
0x1e8: {  	s16 =	simm.s32 $0xF200  }
0x1e9: {  	[tilespmem:s16], [sflag:$0x4] =	stream.indirect_vreg.gather [hbm4b:s10+s5], $0x80, v3, vm0, $0xb8;
	[tilespmem:$0x1C200] =	vst v63  }
0x1ea: {  	s17 =	simm.s32 $0xFA00  }
0x1eb: {  	[tilespmem:s17], [sflag:$0x4] =	stream.indirect_vreg.gather [hbm4b:s12+s5], $0x80, v3, vm0, $0xb8;
	[tilespmem:$0x1C200] =	vst v63  }
0x1ec: {  	_ =	swait.ge [sflag:s28], $0x4000  }
0x1ed: {  	[sflag:s28] =	ssyncset.done $0x0  }
0x1ee: {  	s7 =	simm.s32 $0x0;
	[sflag:s28] =	ssyncadd.s32 $0xFFFFC000  }
.LBB2_22:
0x1ef: {  	s8 =	sshll.u32 s7, $0xA;
	s13 =	sshll.u32 s7, $0x7  }
0x1f0: {  	s8 =	sand.u32 $0x2000, s8;
	s13 =	sand.u32 $0x380, s13  }
0x1f1: {  	s16 =	sand.u32 $0x40, s5;
	s8 =	sor.u32 s8, s13  }
0x1f2: {  	s14 =	sand.u32 $0x1C00, s5;
	s13 =	sor.u32 s16, s8  }
0x1f3: {  	s13 =	sor.u32 s14, s13  }
0x1f4: {  	v3 =	vld [tilespmem:s13+$0x18200]  }
0x1f5: {  	v4 =	vld [tilespmem:s13+$0x200]  }
0x1f6: {  	v6 =	vld [tilespmem:s13+$0x210]  }
0x1f7: {  	v5 =	vld [tilespmem:s13+$0x18210]  }
0x1f8: {  	v7 =	vld [tilespmem:s13+$0x220]  }
0x1f9: {  	v8 =	vld [tilespmem:s13+$0x230]  }
0x1fa: {  	s17 =	simm.s32 $0x40;
	v9 =	vld [tilespmem:s13+$0x18220]  }
0x1fb: {  	s15 =	simm.s32 $0x200;
	s14 =	sand.u32 $0x40, s17;
	v10 =	vld [tilespmem:s13+$0x18230];
	v4 =	vmul.f32 $3.200000000e+01, v4;
	v6 =	vmul.f32 $3.200000000e+01, v6  }
0x1fc: {  	s16 =	sand.u32 $0x1C00, s15;
	s14 =	sor.u32 s14, s8  }
0x1fd: {  	s14 =	sor.u32 s16, s14;
	v11 =	vadd.f32 v3, v4;
	v12 =	vadd.f32 v5, v6;
	v6 =	vmul.f32 $3.200000000e+01, v7  }
0x1fe: {  	v4 =	vld [tilespmem:s14+$0x18200];
	v7 =	vmul.f32 $3.200000000e+01, v8  }
0x1ff: {  	v3 =	vld [tilespmem:s14+$0x18210];
	[tilespmem:s13+$0x200] =	vst v11;
	v6 =	vadd.f32 v9, v6  }
0x200: {  	s16 =	simm.s32 $0x80;
	v7 =	vadd.f32 v10, v7;
	v5 =	vld [tilespmem:s14+$0x200];
	[tilespmem:s13+$0x210] =	vst v12  }
.LBB2_23:
0x201: {  	p0 =	sne.s32 s16, $0x3C0;
	v8 =	vld [tilespmem:s14+$0x210];
	[tilespmem:s13+$0x220] =	vst v6  }
0x202: {  	v6 =	vld [tilespmem:s14+$0x220];
	[tilespmem:s13+$0x230] =	vst v7;
	s13 =	smov.u32 s14  }
0x203: {  	v7 =	vld [tilespmem:s13+$0x230]  }
0x204: {  	v9 =	vld [tilespmem:s13+$0x18220]  }
0x205: {  	s15 =	sadd.s32 $0x200, s15;
	s14 =	sand.u32 $0x40, s16;
	v5 =	vmul.f32 $3.200000000e+01, v5;
	v10 =	vld [tilespmem:s13+$0x18230]  }
.Ltmp10:
0x206: {  	s17 =	sand.u32 $0x1C00, s15;
	s14 =	sor.u32 s14, s8;
	v8 =	vmul.f32 $3.200000000e+01, v8;
	(pc) =	sbr.rel @p0 .LBB2_23-.Ltmp10, $4  }
0x207: {  	s14 =	sor.u32 s17, s14;
	v5 =	vadd.f32 v4, v5;
	v6 =	vmul.f32 $3.200000000e+01, v6  }
0x208: {  	v4 =	vld [tilespmem:s14+$0x18200];
	v8 =	vadd.f32 v3, v8;
	v7 =	vmul.f32 $3.200000000e+01, v7  }
0x209: {  	v3 =	vld [tilespmem:s14+$0x18210];
	[tilespmem:s13+$0x200] =	vst v5;
	v6 =	vadd.f32 v9, v6  }
0x20a: {  	s16 =	sadd.s32 $0x40, s16;
	v5 =	vld [tilespmem:s14+$0x200];
	[tilespmem:s13+$0x210] =	vst v8;
	v7 =	vadd.f32 v10, v7  }
0x20b: {  	v8 =	vld [tilespmem:s14+$0x210];
	[tilespmem:s13+$0x220] =	vst v6  }
0x20c: {  	v6 =	vld [tilespmem:s14+$0x220];
	[tilespmem:s13+$0x230] =	vst v7  }
0x20d: {  	v7 =	vld [tilespmem:s14+$0x230]  }
0x20e: {  	v9 =	vld [tilespmem:s14+$0x18220]  }
0x20f: {  	v10 =	vld [tilespmem:s14+$0x18230];
	v5 =	vmul.f32 $3.200000000e+01, v5  }
0x210: {  	s7 =	sadd.s32 $0x1, s7;
	v8 =	vmul.f32 $3.200000000e+01, v8  }
0x211: {  	p0 =	sne.s32 s7, $0x10;
	v4 =	vadd.f32 v4, v5;
	v61 =	vmul.f32 $3.200000000e+01, v6  }
.Ltmp11:
0x212: {  	v3 =	vadd.f32 v3, v8;
	v62 =	vmul.f32 $3.200000000e+01, v7;
	(pc) =	sbr.rel @p0 .LBB2_22-.Ltmp11, $4  }
0x213: {  	[tilespmem:s14+$0x200] =	vst v4;
	v63 =	vadd.f32 v9, v61  }
0x214: {  	[tilespmem:s14+$0x210] =	vst v3;
	v3 =	vadd.f32 v10, v62  }
0x215: {  	[tilespmem:s14+$0x220] =	vst v63  }
0x216: {  	[tilespmem:s14+$0x230] =	vst v3  }
0x217: {  	s5 =	simm.s32 $0x0;
	s7 =	rddreg [dreg:$0x11]  }
0x218: {  	[hbm4b:s7+s5] =	stream.linear.scatter [tilespmem:s6], [sflag:$0x6], $0x4000, $0x38;
	[tilespmem:$0x1C200] =	vst v63  }
0x219: {  	_ =	swait.ge [sflag:s19], $0x4000  }
0x21a: {  	[sflag:s19] =	ssyncset.done $0x0  }
0x21b: {  	[sflag:s19] =	ssyncadd.s32 $0xFFFFC000  }
0x21c: {  	v3 =	vld [tilespmem:$0xA0];
	_ =	sdelay $0x4  }
0x21d: {  	v4 =	vshll.u32 v3, $0x3  }
0x21e: {  	v3 =	vand.u32 $0x7, v3;
	v4 =	vand.u32 $0xFFFFFFC0, v4  }
0x21f: {  	v3 =	vor.u32 v3, v4  }
0x220: {  	v4 =	vperm.xlane v3, v0;
	_ =	sdelay $0x1  }
0x221: {  	v4 =	vadd.s32 v1, v4;
	_ =	sdelay $0x4  }
0x222: {  	[tilespmem:s29], [sflag:$0x5] =	stream.indirect_vreg.gather [hbm4b:s1+s5], $0x80, v4, vm0, $0xb8;
	[tilespmem:$0x1C200] =	vst v63  }
0x223: {  	s17 =	simm.s32 $0x10A00;
	v3 =	vperm.xlane v3, v2  }
0x224: {  	[tilespmem:s17], [sflag:$0x5] =	stream.indirect_vreg.gather [hbm4b:s9+s5], $0x80, v4, vm0, $0xb8;
	[tilespmem:$0x1C200] =	vst v63  }
0x225: {  	s8 =	simm.s32 $0x11200;
	v3 =	vadd.s32 v1, v3  }
0x226: {  	[tilespmem:s8], [sflag:$0x5] =	stream.indirect_vreg.gather [hbm4b:s10+s5], $0x80, v4, vm0, $0xb8;
	[tilespmem:$0x1C200] =	vst v63  }
0x227: {  	s13 =	simm.s32 $0x11A00  }
0x228: {  	[tilespmem:s13], [sflag:$0x5] =	stream.indirect_vreg.gather [hbm4b:s12+s5], $0x80, v4, vm0, $0xb8;
	[tilespmem:$0x1C200] =	vst v63  }
0x229: {  	s14 =	simm.s32 $0x12200  }
0x22a: {  	[tilespmem:s14], [sflag:$0x5] =	stream.indirect_vreg.gather [hbm4b:s1+s5], $0x80, v3, vm0, $0xb8;
	[tilespmem:$0x1C200] =	vst v63  }
0x22b: {  	s15 =	simm.s32 $0x12A00  }
0x22c: {  	[tilespmem:s15], [sflag:$0x5] =	stream.indirect_vreg.gather [hbm4b:s9+s5], $0x80, v3, vm0, $0xb8;
	[tilespmem:$0x1C200] =	vst v63  }
0x22d: {  	s16 =	simm.s32 $0x13200  }
0x22e: {  	[tilespmem:s16], [sflag:$0x5] =	stream.indirect_vreg.gather [hbm4b:s10+s5], $0x80, v3, vm0, $0xb8;
	[tilespmem:$0x1C200] =	vst v63  }
0x22f: {  	s17 =	simm.s32 $0x13A00  }
0x230: {  	[tilespmem:s17], [sflag:$0x5] =	stream.indirect_vreg.gather [hbm4b:s12+s5], $0x80, v3, vm0, $0xb8;
	[tilespmem:$0x1C200] =	vst v63  }
0x231: {  	_ =	swait.ge [sflag:s21], $0x4000  }
0x232: {  	[sflag:s21] =	ssyncset.done $0x0  }
0x233: {  	s7 =	simm.s32 $0x0;
	[sflag:s21] =	ssyncadd.s32 $0xFFFFC000  }
.LBB2_26:
0x234: {  	s8 =	sshll.u32 s7, $0xA;
	s13 =	sshll.u32 s7, $0x7  }
0x235: {  	s8 =	sand.u32 $0x2000, s8;
	s13 =	sand.u32 $0x380, s13  }
0x236: {  	s16 =	sand.u32 $0x40, s5;
	s8 =	sor.u32 s8, s13  }
0x237: {  	s14 =	sand.u32 $0x1C00, s5;
	s13 =	sor.u32 s16, s8  }
0x238: {  	s13 =	sor.u32 s14, s13  }
0x239: {  	v3 =	vld [tilespmem:s13+$0x18200]  }
0x23a: {  	v4 =	vld [tilespmem:s13+$0x4200]  }
0x23b: {  	v6 =	vld [tilespmem:s13+$0x4210]  }
0x23c: {  	v5 =	vld [tilespmem:s13+$0x18210]  }
0x23d: {  	v7 =	vld [tilespmem:s13+$0x4220]  }
0x23e: {  	v8 =	vld [tilespmem:s13+$0x4230]  }
0x23f: {  	s17 =	simm.s32 $0x40;
	v9 =	vld [tilespmem:s13+$0x18220]  }
0x240: {  	s15 =	simm.s32 $0x200;
	s14 =	sand.u32 $0x40, s17;
	v10 =	vld [tilespmem:s13+$0x18230];
	v4 =	vmul.f32 $3.200000000e+01, v4;
	v6 =	vmul.f32 $3.200000000e+01, v6  }
0x241: {  	s16 =	sand.u32 $0x1C00, s15;
	s14 =	sor.u32 s14, s8  }
0x242: {  	s14 =	sor.u32 s16, s14;
	v11 =	vadd.f32 v3, v4;
	v12 =	vadd.f32 v5, v6;
	v6 =	vmul.f32 $3.200000000e+01, v7  }
0x243: {  	v4 =	vld [tilespmem:s14+$0x18200];
	v7 =	vmul.f32 $3.200000000e+01, v8  }
0x244: {  	v3 =	vld [tilespmem:s14+$0x18210];
	[tilespmem:s13+$0x4200] =	vst v11;
	v6 =	vadd.f32 v9, v6  }
0x245: {  	s16 =	simm.s32 $0x80;
	v7 =	vadd.f32 v10, v7;
	v5 =	vld [tilespmem:s14+$0x4200];
	[tilespmem:s13+$0x4210] =	vst v12  }
.LBB2_27:
0x246: {  	p0 =	sne.s32 s16, $0x3C0;
	v8 =	vld [tilespmem:s14+$0x4210];
	[tilespmem:s13+$0x4220] =	vst v6  }
0x247: {  	v6 =	vld [tilespmem:s14+$0x4220];
	[tilespmem:s13+$0x4230] =	vst v7;
	s13 =	smov.u32 s14  }
0x248: {  	v7 =	vld [tilespmem:s13+$0x4230]  }
0x249: {  	v9 =	vld [tilespmem:s13+$0x18220]  }
0x24a: {  	s15 =	sadd.s32 $0x200, s15;
	s14 =	sand.u32 $0x40, s16;
	v5 =	vmul.f32 $3.200000000e+01, v5;
	v10 =	vld [tilespmem:s13+$0x18230]  }
.Ltmp12:
0x24b: {  	s17 =	sand.u32 $0x1C00, s15;
	s14 =	sor.u32 s14, s8;
	v8 =	vmul.f32 $3.200000000e+01, v8;
	(pc) =	sbr.rel @p0 .LBB2_27-.Ltmp12, $4  }
0x24c: {  	s14 =	sor.u32 s17, s14;
	v5 =	vadd.f32 v4, v5;
	v6 =	vmul.f32 $3.200000000e+01, v6  }
0x24d: {  	v4 =	vld [tilespmem:s14+$0x18200];
	v8 =	vadd.f32 v3, v8;
	v7 =	vmul.f32 $3.200000000e+01, v7  }
0x24e: {  	v3 =	vld [tilespmem:s14+$0x18210];
	[tilespmem:s13+$0x4200] =	vst v5;
	v6 =	vadd.f32 v9, v6  }
0x24f: {  	s16 =	sadd.s32 $0x40, s16;
	v5 =	vld [tilespmem:s14+$0x4200];
	[tilespmem:s13+$0x4210] =	vst v8;
	v7 =	vadd.f32 v10, v7  }
0x250: {  	v8 =	vld [tilespmem:s14+$0x4210];
	[tilespmem:s13+$0x4220] =	vst v6  }
0x251: {  	v6 =	vld [tilespmem:s14+$0x4220];
	[tilespmem:s13+$0x4230] =	vst v7  }
0x252: {  	v7 =	vld [tilespmem:s14+$0x4230]  }
0x253: {  	v9 =	vld [tilespmem:s14+$0x18220]  }
0x254: {  	v10 =	vld [tilespmem:s14+$0x18230];
	v5 =	vmul.f32 $3.200000000e+01, v5  }
0x255: {  	s7 =	sadd.s32 $0x1, s7;
	v8 =	vmul.f32 $3.200000000e+01, v8  }
0x256: {  	p0 =	sne.s32 s7, $0x10;
	v4 =	vadd.f32 v4, v5;
	v61 =	vmul.f32 $3.200000000e+01, v6  }
.Ltmp13:
0x257: {  	v3 =	vadd.f32 v3, v8;
	v62 =	vmul.f32 $3.200000000e+01, v7;
	(pc) =	sbr.rel @p0 .LBB2_26-.Ltmp13, $4  }
0x258: {  	[tilespmem:s14+$0x4200] =	vst v4;
	v63 =	vadd.f32 v9, v61  }
0x259: {  	[tilespmem:s14+$0x4210] =	vst v3;
	v3 =	vadd.f32 v10, v62  }
0x25a: {  	[tilespmem:s14+$0x4220] =	vst v63  }
0x25b: {  	[tilespmem:s14+$0x4230] =	vst v3  }
0x25c: {  	s5 =	simm.s32 $0x0;
	s7 =	rddreg [dreg:$0x12];
	s8 =	simm.s32 $0x4200  }
0x25d: {  	[hbm4b:s7+s5] =	stream.linear.scatter [tilespmem:s8], [sflag:$0x7], $0x4000, $0x38;
	[tilespmem:$0x1C200] =	vst v63  }
0x25e: {  	_ =	swait.ge [sflag:s22], $0x4000  }
0x25f: {  	[sflag:s22] =	ssyncset.done $0x0  }
0x260: {  	[sflag:s22] =	ssyncadd.s32 $0xFFFFC000  }
0x261: {  	v3 =	vld [tilespmem:$0x120];
	_ =	sdelay $0x4  }
0x262: {  	v4 =	vshll.u32 v3, $0x3  }
0x263: {  	v3 =	vand.u32 $0x7, v3;
	v4 =	vand.u32 $0xFFFFFFC0, v4  }
0x264: {  	v3 =	vor.u32 v3, v4  }
0x265: {  	v4 =	vperm.xlane v3, v0;
	_ =	sdelay $0x1  }
0x266: {  	v4 =	vadd.s32 v1, v4;
	_ =	sdelay $0x4  }
0x267: {  	[tilespmem:s6], [sflag:$0x1] =	stream.indirect_vreg.gather [hbm4b:s1+s5], $0x80, v4, vm0, $0xb8;
	[tilespmem:$0x1C200] =	vst v63  }
0x268: {  	s17 =	simm.s32 $0xA00;
	v3 =	vperm.xlane v3, v2  }
0x269: {  	[tilespmem:s17], [sflag:$0x1] =	stream.indirect_vreg.gather [hbm4b:s9+s5], $0x80, v4, vm0, $0xb8;
	[tilespmem:$0x1C200] =	vst v63  }
0x26a: {  	s8 =	simm.s32 $0x1200;
	v3 =	vadd.s32 v1, v3  }
0x26b: {  	[tilespmem:s8], [sflag:$0x1] =	stream.indirect_vreg.gather [hbm4b:s10+s5], $0x80, v4, vm0, $0xb8;
	[tilespmem:$0x1C200] =	vst v63  }
0x26c: {  	s13 =	simm.s32 $0x1A00  }
0x26d: {  	[tilespmem:s13], [sflag:$0x1] =	stream.indirect_vreg.gather [hbm4b:s12+s5], $0x80, v4, vm0, $0xb8;
	[tilespmem:$0x1C200] =	vst v63  }
0x26e: {  	s14 =	simm.s32 $0x2200  }
0x26f: {  	[tilespmem:s14], [sflag:$0x1] =	stream.indirect_vreg.gather [hbm4b:s1+s5], $0x80, v3, vm0, $0xb8;
	[tilespmem:$0x1C200] =	vst v63  }
0x270: {  	s15 =	simm.s32 $0x2A00  }
0x271: {  	[tilespmem:s15], [sflag:$0x1] =	stream.indirect_vreg.gather [hbm4b:s9+s5], $0x80, v3, vm0, $0xb8;
	[tilespmem:$0x1C200] =	vst v63  }
0x272: {  	s16 =	simm.s32 $0x3200  }
0x273: {  	[tilespmem:s16], [sflag:$0x1] =	stream.indirect_vreg.gather [hbm4b:s10+s5], $0x80, v3, vm0, $0xb8;
	[tilespmem:$0x1C200] =	vst v63  }
0x274: {  	s17 =	simm.s32 $0x3A00  }
0x275: {  	[tilespmem:s17], [sflag:$0x1] =	stream.indirect_vreg.gather [hbm4b:s12+s5], $0x80, v3, vm0, $0xb8;
	[tilespmem:$0x1C200] =	vst v63  }
0x276: {  	_ =	swait.ge [sflag:s23], $0x4000  }
0x277: {  	[sflag:s23] =	ssyncset.done $0x0  }
0x278: {  	s7 =	simm.s32 $0x0;
	[sflag:s23] =	ssyncadd.s32 $0xFFFFC000  }
.LBB2_30:
0x279: {  	s8 =	sshll.u32 s7, $0xA;
	s13 =	sshll.u32 s7, $0x7  }
0x27a: {  	s8 =	sand.u32 $0x2000, s8;
	s13 =	sand.u32 $0x380, s13  }
0x27b: {  	s16 =	sand.u32 $0x40, s5;
	s8 =	sor.u32 s8, s13  }
0x27c: {  	s14 =	sand.u32 $0x1C00, s5;
	s13 =	sor.u32 s16, s8  }
0x27d: {  	s13 =	sor.u32 s14, s13  }
0x27e: {  	v3 =	vld [tilespmem:s13+$0x18200]  }
0x27f: {  	v4 =	vld [tilespmem:s13+$0x8200]  }
0x280: {  	v6 =	vld [tilespmem:s13+$0x8210]  }
0x281: {  	v5 =	vld [tilespmem:s13+$0x18210]  }
0x282: {  	v7 =	vld [tilespmem:s13+$0x8220]  }
0x283: {  	v8 =	vld [tilespmem:s13+$0x8230]  }
0x284: {  	s17 =	simm.s32 $0x40;
	v9 =	vld [tilespmem:s13+$0x18220]  }
0x285: {  	s15 =	simm.s32 $0x200;
	s14 =	sand.u32 $0x40, s17;
	v10 =	vld [tilespmem:s13+$0x18230];
	v4 =	vmul.f32 $3.200000000e+01, v4;
	v6 =	vmul.f32 $3.200000000e+01, v6  }
0x286: {  	s16 =	sand.u32 $0x1C00, s15;
	s14 =	sor.u32 s14, s8  }
0x287: {  	s14 =	sor.u32 s16, s14;
	v11 =	vadd.f32 v3, v4;
	v12 =	vadd.f32 v5, v6;
	v6 =	vmul.f32 $3.200000000e+01, v7  }
0x288: {  	v4 =	vld [tilespmem:s14+$0x18200];
	v7 =	vmul.f32 $3.200000000e+01, v8  }
0x289: {  	v3 =	vld [tilespmem:s14+$0x18210];
	[tilespmem:s13+$0x8200] =	vst v11;
	v6 =	vadd.f32 v9, v6  }
0x28a: {  	s16 =	simm.s32 $0x80;
	v7 =	vadd.f32 v10, v7;
	v5 =	vld [tilespmem:s14+$0x8200];
	[tilespmem:s13+$0x8210] =	vst v12  }
.LBB2_31:
0x28b: {  	p0 =	sne.s32 s16, $0x3C0;
	v8 =	vld [tilespmem:s14+$0x8210];
	[tilespmem:s13+$0x8220] =	vst v6  }
0x28c: {  	v6 =	vld [tilespmem:s14+$0x8220];
	[tilespmem:s13+$0x8230] =	vst v7;
	s13 =	smov.u32 s14  }
0x28d: {  	v7 =	vld [tilespmem:s13+$0x8230]  }
0x28e: {  	v9 =	vld [tilespmem:s13+$0x18220]  }
0x28f: {  	s15 =	sadd.s32 $0x200, s15;
	s14 =	sand.u32 $0x40, s16;
	v5 =	vmul.f32 $3.200000000e+01, v5;
	v10 =	vld [tilespmem:s13+$0x18230]  }
.Ltmp14:
0x290: {  	s17 =	sand.u32 $0x1C00, s15;
	s14 =	sor.u32 s14, s8;
	v8 =	vmul.f32 $3.200000000e+01, v8;
	(pc) =	sbr.rel @p0 .LBB2_31-.Ltmp14, $4  }
0x291: {  	s14 =	sor.u32 s17, s14;
	v5 =	vadd.f32 v4, v5;
	v6 =	vmul.f32 $3.200000000e+01, v6  }
0x292: {  	v4 =	vld [tilespmem:s14+$0x18200];
	v8 =	vadd.f32 v3, v8;
	v7 =	vmul.f32 $3.200000000e+01, v7  }
0x293: {  	v3 =	vld [tilespmem:s14+$0x18210];
	[tilespmem:s13+$0x8200] =	vst v5;
	v6 =	vadd.f32 v9, v6  }
0x294: {  	s16 =	sadd.s32 $0x40, s16;
	v5 =	vld [tilespmem:s14+$0x8200];
	[tilespmem:s13+$0x8210] =	vst v8;
	v7 =	vadd.f32 v10, v7  }
0x295: {  	v8 =	vld [tilespmem:s14+$0x8210];
	[tilespmem:s13+$0x8220] =	vst v6  }
0x296: {  	v6 =	vld [tilespmem:s14+$0x8220];
	[tilespmem:s13+$0x8230] =	vst v7  }
0x297: {  	v7 =	vld [tilespmem:s14+$0x8230]  }
0x298: {  	v9 =	vld [tilespmem:s14+$0x18220]  }
0x299: {  	v10 =	vld [tilespmem:s14+$0x18230];
	v5 =	vmul.f32 $3.200000000e+01, v5  }
0x29a: {  	s7 =	sadd.s32 $0x1, s7;
	v8 =	vmul.f32 $3.200000000e+01, v8  }
0x29b: {  	p0 =	sne.s32 s7, $0x10;
	v4 =	vadd.f32 v4, v5;
	v61 =	vmul.f32 $3.200000000e+01, v6  }
.Ltmp15:
0x29c: {  	v3 =	vadd.f32 v3, v8;
	v62 =	vmul.f32 $3.200000000e+01, v7;
	(pc) =	sbr.rel @p0 .LBB2_30-.Ltmp15, $4  }
0x29d: {  	[tilespmem:s14+$0x8200] =	vst v4;
	v63 =	vadd.f32 v9, v61  }
0x29e: {  	[tilespmem:s14+$0x8210] =	vst v3;
	v3 =	vadd.f32 v10, v62  }
0x29f: {  	[tilespmem:s14+$0x8220] =	vst v63  }
0x2a0: {  	[tilespmem:s14+$0x8230] =	vst v3  }
0x2a1: {  	s5 =	simm.s32 $0x0;
	s7 =	rddreg [dreg:$0x16]  }
0x2a2: {  	[hbm4b:s7+s5] =	stream.linear.scatter [tilespmem:s25], [sflag:$0x8], $0x4000, $0x38;
	[tilespmem:$0x1C200] =	vst v63  }
0x2a3: {  	_ =	swait.ge [sflag:s24], $0x4000  }
0x2a4: {  	[sflag:s24] =	ssyncset.done $0x0  }
0x2a5: {  	[sflag:s24] =	ssyncadd.s32 $0xFFFFC000  }
0x2a6: {  	v3 =	vld [tilespmem:$0x1A0];
	_ =	sdelay $0x4  }
0x2a7: {  	v4 =	vshll.u32 v3, $0x3  }
0x2a8: {  	v3 =	vand.u32 $0x7, v3;
	v4 =	vand.u32 $0xFFFFFFC0, v4  }
0x2a9: {  	v3 =	vor.u32 v3, v4  }
0x2aa: {  	v4 =	vperm.xlane v3, v0;
	_ =	sdelay $0x1  }
0x2ab: {  	v4 =	vadd.s32 v1, v4;
	_ =	sdelay $0x3  }
0x2ac: {  	s15 =	simm.s32 $0x4200  }
0x2ad: {  	[tilespmem:s15], [sflag:$0x2] =	stream.indirect_vreg.gather [hbm4b:s1+s5], $0x80, v4, vm0, $0xb8;
	[tilespmem:$0x1C200] =	vst v63  }
0x2ae: {  	s16 =	simm.s32 $0x4A00;
	v3 =	vperm.xlane v3, v2  }
0x2af: {  	[tilespmem:s16], [sflag:$0x2] =	stream.indirect_vreg.gather [hbm4b:s9+s5], $0x80, v4, vm0, $0xb8;
	[tilespmem:$0x1C200] =	vst v63  }
0x2b0: {  	s17 =	simm.s32 $0x5200;
	v3 =	vadd.s32 v1, v3  }
0x2b1: {  	[tilespmem:s17], [sflag:$0x2] =	stream.indirect_vreg.gather [hbm4b:s10+s5], $0x80, v4, vm0, $0xb8;
	[tilespmem:$0x1C200] =	vst v63  }
0x2b2: {  	s8 =	simm.s32 $0x5A00  }
0x2b3: {  	[tilespmem:s8], [sflag:$0x2] =	stream.indirect_vreg.gather [hbm4b:s12+s5], $0x80, v4, vm0, $0xb8;
	[tilespmem:$0x1C200] =	vst v63  }
0x2b4: {  	s13 =	simm.s32 $0x6200  }
0x2b5: {  	[tilespmem:s13], [sflag:$0x2] =	stream.indirect_vreg.gather [hbm4b:s1+s5], $0x80, v3, vm0, $0xb8;
	[tilespmem:$0x1C200] =	vst v63  }
0x2b6: {  	s14 =	simm.s32 $0x6A00  }
0x2b7: {  	[tilespmem:s14], [sflag:$0x2] =	stream.indirect_vreg.gather [hbm4b:s9+s5], $0x80, v3, vm0, $0xb8;
	[tilespmem:$0x1C200] =	vst v63  }
0x2b8: {  	s15 =	simm.s32 $0x7200  }
0x2b9: {  	[tilespmem:s15], [sflag:$0x2] =	stream.indirect_vreg.gather [hbm4b:s10+s5], $0x80, v3, vm0, $0xb8;
	[tilespmem:$0x1C200] =	vst v63  }
0x2ba: {  	s16 =	simm.s32 $0x7A00  }
0x2bb: {  	[tilespmem:s16], [sflag:$0x2] =	stream.indirect_vreg.gather [hbm4b:s12+s5], $0x80, v3, vm0, $0xb8;
	[tilespmem:$0x1C200] =	vst v63  }
0x2bc: {  	s17 =	rddreg [dreg:$0x13];
	s8 =	simm.s32 $0x18200  }
0x2bd: {  	[tilespmem:s8], [sflag:$0xC] =	stream.linear.gather [hbm4b:s17+s5], $0x4000, $0x38;
	[tilespmem:$0x1C200] =	vst v63  }
0x2be: {  	_ =	swait.ge [sflag:s26], $0x4000  }
0x2bf: {  	[sflag:s26] =	ssyncset.done $0x0  }
0x2c0: {  	[sflag:s26] =	ssyncadd.s32 $0xFFFFC000  }
0x2c1: {  	_ =	swait.ge [sflag:s30], $0x4000  }
0x2c2: {  	[sflag:s30] =	ssyncset.done $0x0  }
0x2c3: {  	s7 =	simm.s32 $0x0;
	[sflag:s30] =	ssyncadd.s32 $0xFFFFC000  }
.LBB2_34:
0x2c4: {  	s8 =	sshll.u32 s7, $0xA;
	s13 =	sshll.u32 s7, $0x7  }
0x2c5: {  	s8 =	sand.u32 $0x2000, s8;
	s13 =	sand.u32 $0x380, s13  }
0x2c6: {  	s16 =	sand.u32 $0x40, s5;
	s8 =	sor.u32 s8, s13  }
0x2c7: {  	s14 =	sand.u32 $0x1C00, s5;
	s13 =	sor.u32 s16, s8  }
0x2c8: {  	s13 =	sor.u32 s14, s13  }
0x2c9: {  	v3 =	vld [tilespmem:s13+$0x14200]  }
0x2ca: {  	v4 =	vld [tilespmem:s13+$0xC200]  }
0x2cb: {  	v6 =	vld [tilespmem:s13+$0xC210]  }
0x2cc: {  	v5 =	vld [tilespmem:s13+$0x14210]  }
0x2cd: {  	v7 =	vld [tilespmem:s13+$0xC220]  }
0x2ce: {  	v8 =	vld [tilespmem:s13+$0xC230]  }
0x2cf: {  	s17 =	simm.s32 $0x40;
	v9 =	vld [tilespmem:s13+$0x14220]  }
0x2d0: {  	s15 =	simm.s32 $0x200;
	s14 =	sand.u32 $0x40, s17;
	v10 =	vld [tilespmem:s13+$0x14230];
	v4 =	vmul.f32 $3.200000000e+01, v4;
	v6 =	vmul.f32 $3.200000000e+01, v6  }
0x2d1: {  	s16 =	sand.u32 $0x1C00, s15;
	s14 =	sor.u32 s14, s8  }
0x2d2: {  	s14 =	sor.u32 s16, s14;
	v11 =	vadd.f32 v3, v4;
	v12 =	vadd.f32 v5, v6;
	v6 =	vmul.f32 $3.200000000e+01, v7  }
0x2d3: {  	v4 =	vld [tilespmem:s14+$0x14200];
	v7 =	vmul.f32 $3.200000000e+01, v8  }
0x2d4: {  	v3 =	vld [tilespmem:s14+$0x14210];
	[tilespmem:s13+$0xC200] =	vst v11;
	v6 =	vadd.f32 v9, v6  }
0x2d5: {  	s16 =	simm.s32 $0x80;
	v7 =	vadd.f32 v10, v7;
	v5 =	vld [tilespmem:s14+$0xC200];
	[tilespmem:s13+$0xC210] =	vst v12  }
.LBB2_35:
0x2d6: {  	p0 =	sne.s32 s16, $0x3C0;
	v8 =	vld [tilespmem:s14+$0xC210];
	[tilespmem:s13+$0xC220] =	vst v6  }
0x2d7: {  	v6 =	vld [tilespmem:s14+$0xC220];
	[tilespmem:s13+$0xC230] =	vst v7;
	s13 =	smov.u32 s14  }
0x2d8: {  	v7 =	vld [tilespmem:s13+$0xC230]  }
0x2d9: {  	v9 =	vld [tilespmem:s13+$0x14220]  }
0x2da: {  	s15 =	sadd.s32 $0x200, s15;
	s14 =	sand.u32 $0x40, s16;
	v5 =	vmul.f32 $3.200000000e+01, v5;
	v10 =	vld [tilespmem:s13+$0x14230]  }
.Ltmp16:
0x2db: {  	s17 =	sand.u32 $0x1C00, s15;
	s14 =	sor.u32 s14, s8;
	v8 =	vmul.f32 $3.200000000e+01, v8;
	(pc) =	sbr.rel @p0 .LBB2_35-.Ltmp16, $4  }
0x2dc: {  	s14 =	sor.u32 s17, s14;
	v5 =	vadd.f32 v4, v5;
	v6 =	vmul.f32 $3.200000000e+01, v6  }
0x2dd: {  	v4 =	vld [tilespmem:s14+$0x14200];
	v8 =	vadd.f32 v3, v8;
	v7 =	vmul.f32 $3.200000000e+01, v7  }
0x2de: {  	v3 =	vld [tilespmem:s14+$0x14210];
	[tilespmem:s13+$0xC200] =	vst v5;
	v6 =	vadd.f32 v9, v6  }
0x2df: {  	s16 =	sadd.s32 $0x40, s16;
	v5 =	vld [tilespmem:s14+$0xC200];
	[tilespmem:s13+$0xC210] =	vst v8;
	v7 =	vadd.f32 v10, v7  }
0x2e0: {  	v8 =	vld [tilespmem:s14+$0xC210];
	[tilespmem:s13+$0xC220] =	vst v6  }
0x2e1: {  	v6 =	vld [tilespmem:s14+$0xC220];
	[tilespmem:s13+$0xC230] =	vst v7  }
0x2e2: {  	v7 =	vld [tilespmem:s14+$0xC230]  }
0x2e3: {  	v9 =	vld [tilespmem:s14+$0x14220]  }
0x2e4: {  	v10 =	vld [tilespmem:s14+$0x14230];
	v5 =	vmul.f32 $3.200000000e+01, v5  }
0x2e5: {  	s7 =	sadd.s32 $0x1, s7;
	v8 =	vmul.f32 $3.200000000e+01, v8  }
0x2e6: {  	p0 =	sne.s32 s7, $0x10;
	v4 =	vadd.f32 v4, v5;
	v61 =	vmul.f32 $3.200000000e+01, v6  }
.Ltmp17:
0x2e7: {  	v3 =	vadd.f32 v3, v8;
	v62 =	vmul.f32 $3.200000000e+01, v7;
	(pc) =	sbr.rel @p0 .LBB2_34-.Ltmp17, $4  }
0x2e8: {  	[tilespmem:s14+$0xC200] =	vst v4;
	v63 =	vadd.f32 v9, v61  }
0x2e9: {  	[tilespmem:s14+$0xC210] =	vst v3;
	v3 =	vadd.f32 v10, v62  }
0x2ea: {  	[tilespmem:s14+$0xC220] =	vst v63  }
0x2eb: {  	[tilespmem:s14+$0xC230] =	vst v3  }
0x2ec: {  	s5 =	simm.s32 $0x0;
	s7 =	rddreg [dreg:$0x14]  }
0x2ed: {  	[hbm4b:s7+s5] =	stream.linear.scatter [tilespmem:s11], [sflag:$0x9], $0x4000, $0x38;
	[tilespmem:$0x1C200] =	vst v63  }
0x2ee: {  	_ =	swait.ge [sflag:s31], $0x4000  }
0x2ef: {  	[sflag:s31] =	ssyncset.done $0x0  }
0x2f0: {  	[sflag:s31] =	ssyncadd.s32 $0xFFFFC000  }
0x2f1: {  	v3 =	vld [tilespmem:$0x30];
	_ =	sdelay $0x4  }
0x2f2: {  	v4 =	vshll.u32 v3, $0x3  }
0x2f3: {  	v3 =	vand.u32 $0x7, v3;
	v4 =	vand.u32 $0xFFFFFFC0, v4  }
0x2f4: {  	v3 =	vor.u32 v3, v4  }
0x2f5: {  	v4 =	vperm.xlane v3, v0;
	_ =	sdelay $0x1  }
0x2f6: {  	v4 =	vadd.s32 v1, v4;
	_ =	sdelay $0x4  }
0x2f7: {  	[tilespmem:s25], [sflag:$0x3] =	stream.indirect_vreg.gather [hbm4b:s1+s5], $0x80, v4, vm0, $0xb8;
	[tilespmem:$0x1C200] =	vst v63  }
0x2f8: {  	s17 =	simm.s32 $0x8A00;
	v3 =	vperm.xlane v3, v2  }
0x2f9: {  	[tilespmem:s17], [sflag:$0x3] =	stream.indirect_vreg.gather [hbm4b:s9+s5], $0x80, v4, vm0, $0xb8;
	[tilespmem:$0x1C200] =	vst v63  }
0x2fa: {  	s8 =	simm.s32 $0x9200;
	v3 =	vadd.s32 v1, v3  }
0x2fb: {  	[tilespmem:s8], [sflag:$0x3] =	stream.indirect_vreg.gather [hbm4b:s10+s5], $0x80, v4, vm0, $0xb8;
	[tilespmem:$0x1C200] =	vst v63  }
0x2fc: {  	s13 =	simm.s32 $0x9A00  }
0x2fd: {  	[tilespmem:s13], [sflag:$0x3] =	stream.indirect_vreg.gather [hbm4b:s12+s5], $0x80, v4, vm0, $0xb8;
	[tilespmem:$0x1C200] =	vst v63  }
0x2fe: {  	s14 =	simm.s32 $0xA200  }
0x2ff: {  	[tilespmem:s14], [sflag:$0x3] =	stream.indirect_vreg.gather [hbm4b:s1+s5], $0x80, v3, vm0, $0xb8;
	[tilespmem:$0x1C200] =	vst v63  }
0x300: {  	s15 =	simm.s32 $0xAA00  }
0x301: {  	[tilespmem:s15], [sflag:$0x3] =	stream.indirect_vreg.gather [hbm4b:s9+s5], $0x80, v3, vm0, $0xb8;
	[tilespmem:$0x1C200] =	vst v63  }
0x302: {  	s16 =	simm.s32 $0xB200  }
0x303: {  	[tilespmem:s16], [sflag:$0x3] =	stream.indirect_vreg.gather [hbm4b:s10+s5], $0x80, v3, vm0, $0xb8;
	[tilespmem:$0x1C200] =	vst v63  }
0x304: {  	s17 =	simm.s32 $0xBA00  }
0x305: {  	[tilespmem:s17], [sflag:$0x3] =	stream.indirect_vreg.gather [hbm4b:s12+s5], $0x80, v3, vm0, $0xb8;
	[tilespmem:$0x1C200] =	vst v63  }
0x306: {  	_ =	swait.ge [sflag:s4], $0x4000  }
0x307: {  	[sflag:s4] =	ssyncset.done $0x0  }
0x308: {  	s7 =	simm.s32 $0x0;
	[sflag:s4] =	ssyncadd.s32 $0xFFFFC000  }
.LBB2_38:
0x309: {  	s8 =	sshll.u32 s7, $0xA;
	s13 =	sshll.u32 s7, $0x7  }
0x30a: {  	s8 =	sand.u32 $0x2000, s8;
	s13 =	sand.u32 $0x380, s13  }
0x30b: {  	s16 =	sand.u32 $0x40, s5;
	s8 =	sor.u32 s8, s13  }
0x30c: {  	s14 =	sand.u32 $0x1C00, s5;
	s13 =	sor.u32 s16, s8  }
0x30d: {  	s13 =	sor.u32 s14, s13  }
0x30e: {  	v3 =	vld [tilespmem:s13+$0x14200]  }
0x30f: {  	v4 =	vld [tilespmem:s13+$0x10200]  }
0x310: {  	v6 =	vld [tilespmem:s13+$0x10210]  }
0x311: {  	v5 =	vld [tilespmem:s13+$0x14210]  }
0x312: {  	v7 =	vld [tilespmem:s13+$0x10220]  }
0x313: {  	v8 =	vld [tilespmem:s13+$0x10230]  }
0x314: {  	s17 =	simm.s32 $0x40;
	v9 =	vld [tilespmem:s13+$0x14220]  }
0x315: {  	s15 =	simm.s32 $0x200;
	s14 =	sand.u32 $0x40, s17;
	v10 =	vld [tilespmem:s13+$0x14230];
	v4 =	vmul.f32 $3.200000000e+01, v4;
	v6 =	vmul.f32 $3.200000000e+01, v6  }
0x316: {  	s16 =	sand.u32 $0x1C00, s15;
	s14 =	sor.u32 s14, s8  }
0x317: {  	s14 =	sor.u32 s16, s14;
	v11 =	vadd.f32 v3, v4;
	v12 =	vadd.f32 v5, v6;
	v6 =	vmul.f32 $3.200000000e+01, v7  }
0x318: {  	v4 =	vld [tilespmem:s14+$0x14200];
	v7 =	vmul.f32 $3.200000000e+01, v8  }
0x319: {  	v3 =	vld [tilespmem:s14+$0x14210];
	[tilespmem:s13+$0x10200] =	vst v11;
	v6 =	vadd.f32 v9, v6  }
0x31a: {  	s16 =	simm.s32 $0x80;
	v7 =	vadd.f32 v10, v7;
	v5 =	vld [tilespmem:s14+$0x10200];
	[tilespmem:s13+$0x10210] =	vst v12  }
.LBB2_39:
0x31b: {  	p0 =	sne.s32 s16, $0x3C0;
	v8 =	vld [tilespmem:s14+$0x10210];
	[tilespmem:s13+$0x10220] =	vst v6  }
0x31c: {  	v6 =	vld [tilespmem:s14+$0x10220];
	[tilespmem:s13+$0x10230] =	vst v7;
	s13 =	smov.u32 s14  }
0x31d: {  	v7 =	vld [tilespmem:s13+$0x10230]  }
0x31e: {  	v9 =	vld [tilespmem:s13+$0x14220]  }
0x31f: {  	s15 =	sadd.s32 $0x200, s15;
	s14 =	sand.u32 $0x40, s16;
	v5 =	vmul.f32 $3.200000000e+01, v5;
	v10 =	vld [tilespmem:s13+$0x14230]  }
.Ltmp18:
0x320: {  	s17 =	sand.u32 $0x1C00, s15;
	s14 =	sor.u32 s14, s8;
	v8 =	vmul.f32 $3.200000000e+01, v8;
	(pc) =	sbr.rel @p0 .LBB2_39-.Ltmp18, $4  }
0x321: {  	s14 =	sor.u32 s17, s14;
	v5 =	vadd.f32 v4, v5;
	v6 =	vmul.f32 $3.200000000e+01, v6  }
0x322: {  	v4 =	vld [tilespmem:s14+$0x14200];
	v8 =	vadd.f32 v3, v8;
	v7 =	vmul.f32 $3.200000000e+01, v7  }
0x323: {  	v3 =	vld [tilespmem:s14+$0x14210];
	[tilespmem:s13+$0x10200] =	vst v5;
	v6 =	vadd.f32 v9, v6  }
0x324: {  	s16 =	sadd.s32 $0x40, s16;
	v5 =	vld [tilespmem:s14+$0x10200];
	[tilespmem:s13+$0x10210] =	vst v8;
	v7 =	vadd.f32 v10, v7  }
0x325: {  	v8 =	vld [tilespmem:s14+$0x10210];
	[tilespmem:s13+$0x10220] =	vst v6  }
0x326: {  	v6 =	vld [tilespmem:s14+$0x10220];
	[tilespmem:s13+$0x10230] =	vst v7  }
0x327: {  	v7 =	vld [tilespmem:s14+$0x10230]  }
0x328: {  	v9 =	vld [tilespmem:s14+$0x14220]  }
0x329: {  	v10 =	vld [tilespmem:s14+$0x14230];
	v5 =	vmul.f32 $3.200000000e+01, v5  }
0x32a: {  	s7 =	sadd.s32 $0x1, s7;
	v8 =	vmul.f32 $3.200000000e+01, v8  }
0x32b: {  	p0 =	sne.s32 s7, $0x10;
	v4 =	vadd.f32 v4, v5;
	v61 =	vmul.f32 $3.200000000e+01, v6  }
.Ltmp19:
0x32c: {  	v3 =	vadd.f32 v3, v8;
	v62 =	vmul.f32 $3.200000000e+01, v7;
	(pc) =	sbr.rel @p0 .LBB2_38-.Ltmp19, $4  }
0x32d: {  	[tilespmem:s14+$0x10200] =	vst v4;
	v63 =	vadd.f32 v9, v61  }
0x32e: {  	[tilespmem:s14+$0x10210] =	vst v3;
	v3 =	vadd.f32 v10, v62  }
0x32f: {  	[tilespmem:s14+$0x10220] =	vst v63  }
0x330: {  	[tilespmem:s14+$0x10230] =	vst v3  }
0x331: {  	s5 =	simm.s32 $0x0;
	s7 =	rddreg [dreg:$0x18]  }
0x332: {  	[hbm4b:s7+s5] =	stream.linear.scatter [tilespmem:s29], [sflag:$0xA], $0x4000, $0x38;
	[tilespmem:$0x1C200] =	vst v63  }
0x333: {  	_ =	swait.ge [sflag:s18], $0x4000  }
0x334: {  	[sflag:s18] =	ssyncset.done $0x0  }
0x335: {  	[sflag:s18] =	ssyncadd.s32 $0xFFFFC000  }
0x336: {  	v3 =	vld [tilespmem:$0xB0];
	_ =	sdelay $0x4  }
0x337: {  	v4 =	vshll.u32 v3, $0x3  }
0x338: {  	v3 =	vand.u32 $0x7, v3;
	v4 =	vand.u32 $0xFFFFFFC0, v4  }
0x339: {  	v3 =	vor.u32 v3, v4  }
0x33a: {  	v4 =	vperm.xlane v3, v0;
	_ =	sdelay $0x1  }
0x33b: {  	v4 =	vadd.s32 v1, v4;
	_ =	sdelay $0x4  }
0x33c: {  	[tilespmem:s11], [sflag:$0x4] =	stream.indirect_vreg.gather [hbm4b:s1+s5], $0x80, v4, vm0, $0xb8;
	[tilespmem:$0x1C200] =	vst v63  }
0x33d: {  	s17 =	simm.s32 $0xCA00;
	v3 =	vperm.xlane v3, v2  }
0x33e: {  	[tilespmem:s17], [sflag:$0x4] =	stream.indirect_vreg.gather [hbm4b:s9+s5], $0x80, v4, vm0, $0xb8;
	[tilespmem:$0x1C200] =	vst v63  }
0x33f: {  	s8 =	simm.s32 $0xD200;
	v3 =	vadd.s32 v1, v3  }
0x340: {  	[tilespmem:s8], [sflag:$0x4] =	stream.indirect_vreg.gather [hbm4b:s10+s5], $0x80, v4, vm0, $0xb8;
	[tilespmem:$0x1C200] =	vst v63  }
0x341: {  	s13 =	simm.s32 $0xDA00  }
0x342: {  	[tilespmem:s13], [sflag:$0x4] =	stream.indirect_vreg.gather [hbm4b:s12+s5], $0x80, v4, vm0, $0xb8;
	[tilespmem:$0x1C200] =	vst v63  }
0x343: {  	s14 =	simm.s32 $0xE200  }
0x344: {  	[tilespmem:s14], [sflag:$0x4] =	stream.indirect_vreg.gather [hbm4b:s1+s5], $0x80, v3, vm0, $0xb8;
	[tilespmem:$0x1C200] =	vst v63  }
0x345: {  	s15 =	simm.s32 $0xEA00  }
0x346: {  	[tilespmem:s15], [sflag:$0x4] =	stream.indirect_vreg.gather [hbm4b:s9+s5], $0x80, v3, vm0, $0xb8;
	[tilespmem:$0x1C200] =	vst v63  }
0x347: {  	s16 =	simm.s32 $0xF200  }
0x348: {  	[tilespmem:s16], [sflag:$0x4] =	stream.indirect_vreg.gather [hbm4b:s10+s5], $0x80, v3, vm0, $0xb8;
	[tilespmem:$0x1C200] =	vst v63  }
0x349: {  	s17 =	simm.s32 $0xFA00  }
0x34a: {  	[tilespmem:s17], [sflag:$0x4] =	stream.indirect_vreg.gather [hbm4b:s12+s5], $0x80, v3, vm0, $0xb8;
	[tilespmem:$0x1C200] =	vst v63  }
0x34b: {  	_ =	swait.ge [sflag:s28], $0x4000  }
0x34c: {  	[sflag:s28] =	ssyncset.done $0x0  }
0x34d: {  	s7 =	simm.s32 $0x0;
	[sflag:s28] =	ssyncadd.s32 $0xFFFFC000  }
.LBB2_42:
0x34e: {  	s8 =	sshll.u32 s7, $0xA;
	s13 =	sshll.u32 s7, $0x7  }
0x34f: {  	s8 =	sand.u32 $0x2000, s8;
	s13 =	sand.u32 $0x380, s13  }
0x350: {  	s16 =	sand.u32 $0x40, s5;
	s8 =	sor.u32 s8, s13  }
0x351: {  	s14 =	sand.u32 $0x1C00, s5;
	s13 =	sor.u32 s16, s8  }
0x352: {  	s13 =	sor.u32 s14, s13  }
0x353: {  	v3 =	vld [tilespmem:s13+$0x14200]  }
0x354: {  	v4 =	vld [tilespmem:s13+$0x200]  }
0x355: {  	v6 =	vld [tilespmem:s13+$0x210]  }
0x356: {  	v5 =	vld [tilespmem:s13+$0x14210]  }
0x357: {  	v7 =	vld [tilespmem:s13+$0x220]  }
0x358: {  	v8 =	vld [tilespmem:s13+$0x230]  }
0x359: {  	s17 =	simm.s32 $0x40;
	v9 =	vld [tilespmem:s13+$0x14220]  }
0x35a: {  	s15 =	simm.s32 $0x200;
	s14 =	sand.u32 $0x40, s17;
	v10 =	vld [tilespmem:s13+$0x14230];
	v4 =	vmul.f32 $3.200000000e+01, v4;
	v6 =	vmul.f32 $3.200000000e+01, v6  }
0x35b: {  	s16 =	sand.u32 $0x1C00, s15;
	s14 =	sor.u32 s14, s8  }
0x35c: {  	s14 =	sor.u32 s16, s14;
	v11 =	vadd.f32 v3, v4;
	v12 =	vadd.f32 v5, v6;
	v6 =	vmul.f32 $3.200000000e+01, v7  }
0x35d: {  	v4 =	vld [tilespmem:s14+$0x14200];
	v7 =	vmul.f32 $3.200000000e+01, v8  }
0x35e: {  	v3 =	vld [tilespmem:s14+$0x14210];
	[tilespmem:s13+$0x200] =	vst v11;
	v6 =	vadd.f32 v9, v6  }
0x35f: {  	s16 =	simm.s32 $0x80;
	v7 =	vadd.f32 v10, v7;
	v5 =	vld [tilespmem:s14+$0x200];
	[tilespmem:s13+$0x210] =	vst v12  }
.LBB2_43:
0x360: {  	p0 =	sne.s32 s16, $0x3C0;
	v8 =	vld [tilespmem:s14+$0x210];
	[tilespmem:s13+$0x220] =	vst v6  }
0x361: {  	v6 =	vld [tilespmem:s14+$0x220];
	[tilespmem:s13+$0x230] =	vst v7;
	s13 =	smov.u32 s14  }
0x362: {  	v7 =	vld [tilespmem:s13+$0x230]  }
0x363: {  	v9 =	vld [tilespmem:s13+$0x14220]  }
0x364: {  	s15 =	sadd.s32 $0x200, s15;
	s14 =	sand.u32 $0x40, s16;
	v5 =	vmul.f32 $3.200000000e+01, v5;
	v10 =	vld [tilespmem:s13+$0x14230]  }
.Ltmp20:
0x365: {  	s17 =	sand.u32 $0x1C00, s15;
	s14 =	sor.u32 s14, s8;
	v8 =	vmul.f32 $3.200000000e+01, v8;
	(pc) =	sbr.rel @p0 .LBB2_43-.Ltmp20, $4  }
0x366: {  	s14 =	sor.u32 s17, s14;
	v5 =	vadd.f32 v4, v5;
	v6 =	vmul.f32 $3.200000000e+01, v6  }
0x367: {  	v4 =	vld [tilespmem:s14+$0x14200];
	v8 =	vadd.f32 v3, v8;
	v7 =	vmul.f32 $3.200000000e+01, v7  }
0x368: {  	v3 =	vld [tilespmem:s14+$0x14210];
	[tilespmem:s13+$0x200] =	vst v5;
	v6 =	vadd.f32 v9, v6  }
0x369: {  	s16 =	sadd.s32 $0x40, s16;
	v5 =	vld [tilespmem:s14+$0x200];
	[tilespmem:s13+$0x210] =	vst v8;
	v7 =	vadd.f32 v10, v7  }
0x36a: {  	v8 =	vld [tilespmem:s14+$0x210];
	[tilespmem:s13+$0x220] =	vst v6  }
0x36b: {  	v6 =	vld [tilespmem:s14+$0x220];
	[tilespmem:s13+$0x230] =	vst v7  }
0x36c: {  	v7 =	vld [tilespmem:s14+$0x230]  }
0x36d: {  	v9 =	vld [tilespmem:s14+$0x14220]  }
0x36e: {  	v10 =	vld [tilespmem:s14+$0x14230];
	v5 =	vmul.f32 $3.200000000e+01, v5  }
0x36f: {  	s7 =	sadd.s32 $0x1, s7;
	v8 =	vmul.f32 $3.200000000e+01, v8  }
0x370: {  	p0 =	sne.s32 s7, $0x10;
	v4 =	vadd.f32 v4, v5;
	v61 =	vmul.f32 $3.200000000e+01, v6  }
.Ltmp21:
0x371: {  	v3 =	vadd.f32 v3, v8;
	v62 =	vmul.f32 $3.200000000e+01, v7;
	(pc) =	sbr.rel @p0 .LBB2_42-.Ltmp21, $4  }
0x372: {  	[tilespmem:s14+$0x200] =	vst v4;
	v63 =	vadd.f32 v9, v61  }
0x373: {  	[tilespmem:s14+$0x210] =	vst v3;
	v3 =	vadd.f32 v10, v62  }
0x374: {  	[tilespmem:s14+$0x220] =	vst v63  }
0x375: {  	[tilespmem:s14+$0x230] =	vst v3  }
0x376: {  	s5 =	simm.s32 $0x0;
	s7 =	rddreg [dreg:$0x19]  }
0x377: {  	[hbm4b:s7+s5] =	stream.linear.scatter [tilespmem:s6], [sflag:$0x6], $0x4000, $0x38;
	[tilespmem:$0x1C200] =	vst v63  }
0x378: {  	_ =	swait.ge [sflag:s19], $0x4000  }
0x379: {  	[sflag:s19] =	ssyncset.done $0x0  }
0x37a: {  	[sflag:s19] =	ssyncadd.s32 $0xFFFFC000  }
0x37b: {  	v3 =	vld [tilespmem:$0x130];
	_ =	sdelay $0x4  }
0x37c: {  	v4 =	vshll.u32 v3, $0x3  }
0x37d: {  	v3 =	vand.u32 $0x7, v3;
	v4 =	vand.u32 $0xFFFFFFC0, v4  }
0x37e: {  	v3 =	vor.u32 v3, v4  }
0x37f: {  	v4 =	vperm.xlane v3, v0;
	_ =	sdelay $0x1  }
0x380: {  	v4 =	vadd.s32 v1, v4;
	_ =	sdelay $0x4  }
0x381: {  	[tilespmem:s29], [sflag:$0x5] =	stream.indirect_vreg.gather [hbm4b:s1+s5], $0x80, v4, vm0, $0xb8;
	[tilespmem:$0x1C200] =	vst v63  }
0x382: {  	s17 =	simm.s32 $0x10A00;
	v3 =	vperm.xlane v3, v2  }
0x383: {  	[tilespmem:s17], [sflag:$0x5] =	stream.indirect_vreg.gather [hbm4b:s9+s5], $0x80, v4, vm0, $0xb8;
	[tilespmem:$0x1C200] =	vst v63  }
0x384: {  	s8 =	simm.s32 $0x11200;
	v3 =	vadd.s32 v1, v3  }
0x385: {  	[tilespmem:s8], [sflag:$0x5] =	stream.indirect_vreg.gather [hbm4b:s10+s5], $0x80, v4, vm0, $0xb8;
	[tilespmem:$0x1C200] =	vst v63  }
0x386: {  	s13 =	simm.s32 $0x11A00  }
0x387: {  	[tilespmem:s13], [sflag:$0x5] =	stream.indirect_vreg.gather [hbm4b:s12+s5], $0x80, v4, vm0, $0xb8;
	[tilespmem:$0x1C200] =	vst v63  }
0x388: {  	s14 =	simm.s32 $0x12200  }
0x389: {  	[tilespmem:s14], [sflag:$0x5] =	stream.indirect_vreg.gather [hbm4b:s1+s5], $0x80, v3, vm0, $0xb8;
	[tilespmem:$0x1C200] =	vst v63  }
0x38a: {  	s15 =	simm.s32 $0x12A00  }
0x38b: {  	[tilespmem:s15], [sflag:$0x5] =	stream.indirect_vreg.gather [hbm4b:s9+s5], $0x80, v3, vm0, $0xb8;
	[tilespmem:$0x1C200] =	vst v63  }
0x38c: {  	s16 =	simm.s32 $0x13200  }
0x38d: {  	[tilespmem:s16], [sflag:$0x5] =	stream.indirect_vreg.gather [hbm4b:s10+s5], $0x80, v3, vm0, $0xb8;
	[tilespmem:$0x1C200] =	vst v63  }
0x38e: {  	s17 =	simm.s32 $0x13A00  }
0x38f: {  	[tilespmem:s17], [sflag:$0x5] =	stream.indirect_vreg.gather [hbm4b:s12+s5], $0x80, v3, vm0, $0xb8;
	[tilespmem:$0x1C200] =	vst v63  }
0x390: {  	_ =	swait.ge [sflag:s21], $0x4000  }
0x391: {  	[sflag:s21] =	ssyncset.done $0x0  }
0x392: {  	s7 =	simm.s32 $0x0;
	[sflag:s21] =	ssyncadd.s32 $0xFFFFC000  }
.LBB2_46:
0x393: {  	s8 =	sshll.u32 s7, $0xA;
	s13 =	sshll.u32 s7, $0x7  }
0x394: {  	s8 =	sand.u32 $0x2000, s8;
	s13 =	sand.u32 $0x380, s13  }
0x395: {  	s16 =	sand.u32 $0x40, s5;
	s8 =	sor.u32 s8, s13  }
0x396: {  	s14 =	sand.u32 $0x1C00, s5;
	s13 =	sor.u32 s16, s8  }
0x397: {  	s13 =	sor.u32 s14, s13  }
0x398: {  	v3 =	vld [tilespmem:s13+$0x14200]  }
0x399: {  	v4 =	vld [tilespmem:s13+$0x4200]  }
0x39a: {  	v6 =	vld [tilespmem:s13+$0x4210]  }
0x39b: {  	v5 =	vld [tilespmem:s13+$0x14210]  }
0x39c: {  	v7 =	vld [tilespmem:s13+$0x4220]  }
0x39d: {  	v8 =	vld [tilespmem:s13+$0x4230]  }
0x39e: {  	s17 =	simm.s32 $0x40;
	v9 =	vld [tilespmem:s13+$0x14220]  }
0x39f: {  	s15 =	simm.s32 $0x200;
	s14 =	sand.u32 $0x40, s17;
	v10 =	vld [tilespmem:s13+$0x14230];
	v4 =	vmul.f32 $3.200000000e+01, v4;
	v6 =	vmul.f32 $3.200000000e+01, v6  }
0x3a0: {  	s16 =	sand.u32 $0x1C00, s15;
	s14 =	sor.u32 s14, s8  }
0x3a1: {  	s14 =	sor.u32 s16, s14;
	v11 =	vadd.f32 v3, v4;
	v12 =	vadd.f32 v5, v6;
	v6 =	vmul.f32 $3.200000000e+01, v7  }
0x3a2: {  	v4 =	vld [tilespmem:s14+$0x14200];
	v7 =	vmul.f32 $3.200000000e+01, v8  }
0x3a3: {  	v3 =	vld [tilespmem:s14+$0x14210];
	[tilespmem:s13+$0x4200] =	vst v11;
	v6 =	vadd.f32 v9, v6  }
0x3a4: {  	s16 =	simm.s32 $0x80;
	v7 =	vadd.f32 v10, v7;
	v5 =	vld [tilespmem:s14+$0x4200];
	[tilespmem:s13+$0x4210] =	vst v12  }
.LBB2_47:
0x3a5: {  	p0 =	sne.s32 s16, $0x3C0;
	v8 =	vld [tilespmem:s14+$0x4210];
	[tilespmem:s13+$0x4220] =	vst v6  }
0x3a6: {  	v6 =	vld [tilespmem:s14+$0x4220];
	[tilespmem:s13+$0x4230] =	vst v7;
	s13 =	smov.u32 s14  }
0x3a7: {  	v7 =	vld [tilespmem:s13+$0x4230]  }
0x3a8: {  	v9 =	vld [tilespmem:s13+$0x14220]  }
0x3a9: {  	s15 =	sadd.s32 $0x200, s15;
	s14 =	sand.u32 $0x40, s16;
	v5 =	vmul.f32 $3.200000000e+01, v5;
	v10 =	vld [tilespmem:s13+$0x14230]  }
.Ltmp22:
0x3aa: {  	s17 =	sand.u32 $0x1C00, s15;
	s14 =	sor.u32 s14, s8;
	v8 =	vmul.f32 $3.200000000e+01, v8;
	(pc) =	sbr.rel @p0 .LBB2_47-.Ltmp22, $4  }
0x3ab: {  	s14 =	sor.u32 s17, s14;
	v5 =	vadd.f32 v4, v5;
	v6 =	vmul.f32 $3.200000000e+01, v6  }
0x3ac: {  	v4 =	vld [tilespmem:s14+$0x14200];
	v8 =	vadd.f32 v3, v8;
	v7 =	vmul.f32 $3.200000000e+01, v7  }
0x3ad: {  	v3 =	vld [tilespmem:s14+$0x14210];
	[tilespmem:s13+$0x4200] =	vst v5;
	v6 =	vadd.f32 v9, v6  }
0x3ae: {  	s16 =	sadd.s32 $0x40, s16;
	v5 =	vld [tilespmem:s14+$0x4200];
	[tilespmem:s13+$0x4210] =	vst v8;
	v7 =	vadd.f32 v10, v7  }
0x3af: {  	v8 =	vld [tilespmem:s14+$0x4210];
	[tilespmem:s13+$0x4220] =	vst v6  }
0x3b0: {  	v6 =	vld [tilespmem:s14+$0x4220];
	[tilespmem:s13+$0x4230] =	vst v7  }
0x3b1: {  	v7 =	vld [tilespmem:s14+$0x4230]  }
0x3b2: {  	v9 =	vld [tilespmem:s14+$0x14220]  }
0x3b3: {  	v10 =	vld [tilespmem:s14+$0x14230];
	v5 =	vmul.f32 $3.200000000e+01, v5  }
0x3b4: {  	s7 =	sadd.s32 $0x1, s7;
	v8 =	vmul.f32 $3.200000000e+01, v8  }
0x3b5: {  	p0 =	sne.s32 s7, $0x10;
	v4 =	vadd.f32 v4, v5;
	v61 =	vmul.f32 $3.200000000e+01, v6  }
.Ltmp23:
0x3b6: {  	v3 =	vadd.f32 v3, v8;
	v62 =	vmul.f32 $3.200000000e+01, v7;
	(pc) =	sbr.rel @p0 .LBB2_46-.Ltmp23, $4  }
0x3b7: {  	[tilespmem:s14+$0x4200] =	vst v4;
	v63 =	vadd.f32 v9, v61  }
0x3b8: {  	[tilespmem:s14+$0x4210] =	vst v3;
	v3 =	vadd.f32 v10, v62  }
0x3b9: {  	[tilespmem:s14+$0x4220] =	vst v63  }
0x3ba: {  	[tilespmem:s14+$0x4230] =	vst v3  }
0x3bb: {  	s5 =	simm.s32 $0x0;
	s7 =	rddreg [dreg:$0x1a];
	s8 =	simm.s32 $0x4200  }
0x3bc: {  	[hbm4b:s7+s5] =	stream.linear.scatter [tilespmem:s8], [sflag:$0x7], $0x4000, $0x38;
	[tilespmem:$0x1C200] =	vst v63  }
0x3bd: {  	_ =	swait.ge [sflag:s22], $0x4000  }
0x3be: {  	[sflag:s22] =	ssyncset.done $0x0  }
0x3bf: {  	[sflag:s22] =	ssyncadd.s32 $0xFFFFC000  }
0x3c0: {  	v3 =	vld [tilespmem:$0x1B0];
	_ =	sdelay $0x4  }
0x3c1: {  	v4 =	vshll.u32 v3, $0x3  }
0x3c2: {  	v3 =	vand.u32 $0x7, v3;
	v4 =	vand.u32 $0xFFFFFFC0, v4  }
0x3c3: {  	v3 =	vor.u32 v3, v4  }
0x3c4: {  	v4 =	vperm.xlane v3, v0;
	_ =	sdelay $0x1  }
0x3c5: {  	v4 =	vadd.s32 v1, v4;
	_ =	sdelay $0x4  }
0x3c6: {  	[tilespmem:s6], [sflag:$0x1] =	stream.indirect_vreg.gather [hbm4b:s1+s5], $0x80, v4, vm0, $0xb8;
	[tilespmem:$0x1C200] =	vst v63  }
0x3c7: {  	s17 =	simm.s32 $0xA00;
	v3 =	vperm.xlane v3, v2  }
0x3c8: {  	[tilespmem:s17], [sflag:$0x1] =	stream.indirect_vreg.gather [hbm4b:s9+s5], $0x80, v4, vm0, $0xb8;
	[tilespmem:$0x1C200] =	vst v63  }
0x3c9: {  	s8 =	simm.s32 $0x1200;
	v3 =	vadd.s32 v1, v3  }
0x3ca: {  	[tilespmem:s8], [sflag:$0x1] =	stream.indirect_vreg.gather [hbm4b:s10+s5], $0x80, v4, vm0, $0xb8;
	[tilespmem:$0x1C200] =	vst v63  }
0x3cb: {  	s13 =	simm.s32 $0x1A00  }
0x3cc: {  	[tilespmem:s13], [sflag:$0x1] =	stream.indirect_vreg.gather [hbm4b:s12+s5], $0x80, v4, vm0, $0xb8;
	[tilespmem:$0x1C200] =	vst v63  }
0x3cd: {  	s14 =	simm.s32 $0x2200  }
0x3ce: {  	[tilespmem:s14], [sflag:$0x1] =	stream.indirect_vreg.gather [hbm4b:s1+s5], $0x80, v3, vm0, $0xb8;
	[tilespmem:$0x1C200] =	vst v63  }
0x3cf: {  	s15 =	simm.s32 $0x2A00  }
0x3d0: {  	[tilespmem:s15], [sflag:$0x1] =	stream.indirect_vreg.gather [hbm4b:s9+s5], $0x80, v3, vm0, $0xb8;
	[tilespmem:$0x1C200] =	vst v63  }
0x3d1: {  	s16 =	simm.s32 $0x3200  }
0x3d2: {  	[tilespmem:s16], [sflag:$0x1] =	stream.indirect_vreg.gather [hbm4b:s10+s5], $0x80, v3, vm0, $0xb8;
	[tilespmem:$0x1C200] =	vst v63  }
0x3d3: {  	s17 =	simm.s32 $0x3A00  }
0x3d4: {  	[tilespmem:s17], [sflag:$0x1] =	stream.indirect_vreg.gather [hbm4b:s12+s5], $0x80, v3, vm0, $0xb8;
	[tilespmem:$0x1C200] =	vst v63  }
0x3d5: {  	_ =	swait.ge [sflag:s2], $0x4000  }
0x3d6: {  	[sflag:s2] =	ssyncset.done $0x0  }
0x3d7: {  	[sflag:s2] =	ssyncadd.s32 $0xFFFFC000  }
0x3d8: {  	_ =	swait.ge [sflag:s23], $0x4000  }
0x3d9: {  	[sflag:s23] =	ssyncset.done $0x0  }
0x3da: {  	s7 =	simm.s32 $0x0;
	[sflag:s23] =	ssyncadd.s32 $0xFFFFC000  }
.LBB2_50:
0x3db: {  	s8 =	sshll.u32 s7, $0xA;
	s13 =	sshll.u32 s7, $0x7  }
0x3dc: {  	s8 =	sand.u32 $0x2000, s8;
	s13 =	sand.u32 $0x380, s13  }
0x3dd: {  	s16 =	sand.u32 $0x40, s5;
	s8 =	sor.u32 s8, s13  }
0x3de: {  	s14 =	sand.u32 $0x1C00, s5;
	s13 =	sor.u32 s16, s8  }
0x3df: {  	s13 =	sor.u32 s14, s13  }
0x3e0: {  	v3 =	vld [tilespmem:s13+$0x18200]  }
0x3e1: {  	v4 =	vld [tilespmem:s13+$0x8200]  }
0x3e2: {  	v6 =	vld [tilespmem:s13+$0x8210]  }
0x3e3: {  	v5 =	vld [tilespmem:s13+$0x18210]  }
0x3e4: {  	v7 =	vld [tilespmem:s13+$0x8220]  }
0x3e5: {  	v8 =	vld [tilespmem:s13+$0x8230]  }
0x3e6: {  	s17 =	simm.s32 $0x40;
	v9 =	vld [tilespmem:s13+$0x18220]  }
0x3e7: {  	s15 =	simm.s32 $0x200;
	s14 =	sand.u32 $0x40, s17;
	v10 =	vld [tilespmem:s13+$0x18230];
	v4 =	vmul.f32 $3.200000000e+01, v4;
	v6 =	vmul.f32 $3.200000000e+01, v6  }
0x3e8: {  	s16 =	sand.u32 $0x1C00, s15;
	s14 =	sor.u32 s14, s8  }
0x3e9: {  	s14 =	sor.u32 s16, s14;
	v11 =	vadd.f32 v3, v4;
	v12 =	vadd.f32 v5, v6;
	v6 =	vmul.f32 $3.200000000e+01, v7  }
0x3ea: {  	v4 =	vld [tilespmem:s14+$0x18200];
	v7 =	vmul.f32 $3.200000000e+01, v8  }
0x3eb: {  	v3 =	vld [tilespmem:s14+$0x18210];
	[tilespmem:s13+$0x8200] =	vst v11;
	v6 =	vadd.f32 v9, v6  }
0x3ec: {  	s16 =	simm.s32 $0x80;
	v7 =	vadd.f32 v10, v7;
	v5 =	vld [tilespmem:s14+$0x8200];
	[tilespmem:s13+$0x8210] =	vst v12  }
.LBB2_51:
0x3ed: {  	p0 =	sne.s32 s16, $0x3C0;
	v8 =	vld [tilespmem:s14+$0x8210];
	[tilespmem:s13+$0x8220] =	vst v6  }
0x3ee: {  	v6 =	vld [tilespmem:s14+$0x8220];
	[tilespmem:s13+$0x8230] =	vst v7;
	s13 =	smov.u32 s14  }
0x3ef: {  	v7 =	vld [tilespmem:s13+$0x8230]  }
0x3f0: {  	v9 =	vld [tilespmem:s13+$0x18220]  }
0x3f1: {  	s15 =	sadd.s32 $0x200, s15;
	s14 =	sand.u32 $0x40, s16;
	v5 =	vmul.f32 $3.200000000e+01, v5;
	v10 =	vld [tilespmem:s13+$0x18230]  }
.Ltmp24:
0x3f2: {  	s17 =	sand.u32 $0x1C00, s15;
	s14 =	sor.u32 s14, s8;
	v8 =	vmul.f32 $3.200000000e+01, v8;
	(pc) =	sbr.rel @p0 .LBB2_51-.Ltmp24, $4  }
0x3f3: {  	s14 =	sor.u32 s17, s14;
	v5 =	vadd.f32 v4, v5;
	v6 =	vmul.f32 $3.200000000e+01, v6  }
0x3f4: {  	v4 =	vld [tilespmem:s14+$0x18200];
	v8 =	vadd.f32 v3, v8;
	v7 =	vmul.f32 $3.200000000e+01, v7  }
0x3f5: {  	v3 =	vld [tilespmem:s14+$0x18210];
	[tilespmem:s13+$0x8200] =	vst v5;
	v6 =	vadd.f32 v9, v6  }
0x3f6: {  	s16 =	sadd.s32 $0x40, s16;
	v5 =	vld [tilespmem:s14+$0x8200];
	[tilespmem:s13+$0x8210] =	vst v8;
	v7 =	vadd.f32 v10, v7  }
0x3f7: {  	v8 =	vld [tilespmem:s14+$0x8210];
	[tilespmem:s13+$0x8220] =	vst v6  }
0x3f8: {  	v6 =	vld [tilespmem:s14+$0x8220];
	[tilespmem:s13+$0x8230] =	vst v7  }
0x3f9: {  	v7 =	vld [tilespmem:s14+$0x8230]  }
0x3fa: {  	v9 =	vld [tilespmem:s14+$0x18220]  }
0x3fb: {  	v10 =	vld [tilespmem:s14+$0x18230];
	v5 =	vmul.f32 $3.200000000e+01, v5  }
0x3fc: {  	s7 =	sadd.s32 $0x1, s7;
	v8 =	vmul.f32 $3.200000000e+01, v8  }
0x3fd: {  	p0 =	sne.s32 s7, $0x10;
	v4 =	vadd.f32 v4, v5;
	v61 =	vmul.f32 $3.200000000e+01, v6  }
.Ltmp25:
0x3fe: {  	v3 =	vadd.f32 v3, v8;
	v62 =	vmul.f32 $3.200000000e+01, v7;
	(pc) =	sbr.rel @p0 .LBB2_50-.Ltmp25, $4  }
0x3ff: {  	[tilespmem:s14+$0x8200] =	vst v4;
	v63 =	vadd.f32 v9, v61  }
0x400: {  	[tilespmem:s14+$0x8210] =	vst v3;
	v3 =	vadd.f32 v10, v62  }
0x401: {  	[tilespmem:s14+$0x8220] =	vst v63  }
0x402: {  	[tilespmem:s14+$0x8230] =	vst v3  }
0x403: {  	s5 =	simm.s32 $0x0;
	s7 =	rddreg [dreg:$0x15]  }
0x404: {  	[hbm4b:s7+s5] =	stream.linear.scatter [tilespmem:s25], [sflag:$0x8], $0x4000, $0x38;
	[tilespmem:$0x1C200] =	vst v63  }
0x405: {  	_ =	swait.ge [sflag:s30], $0x4000  }
0x406: {  	[sflag:s30] =	ssyncset.done $0x0  }
0x407: {  	s7 =	simm.s32 $0x0;
	[sflag:s30] =	ssyncadd.s32 $0xFFFFC000  }
.LBB2_54:
0x408: {  	s8 =	sshll.u32 s7, $0xA;
	s13 =	sshll.u32 s7, $0x7  }
0x409: {  	s8 =	sand.u32 $0x2000, s8;
	s13 =	sand.u32 $0x380, s13  }
0x40a: {  	s16 =	sand.u32 $0x40, s5;
	s8 =	sor.u32 s8, s13  }
0x40b: {  	s14 =	sand.u32 $0x1C00, s5;
	s13 =	sor.u32 s16, s8  }
0x40c: {  	s13 =	sor.u32 s14, s13  }
0x40d: {  	v3 =	vld [tilespmem:s13+$0x18200]  }
0x40e: {  	v4 =	vld [tilespmem:s13+$0xC200]  }
0x40f: {  	v6 =	vld [tilespmem:s13+$0xC210]  }
0x410: {  	v5 =	vld [tilespmem:s13+$0x18210]  }
0x411: {  	v7 =	vld [tilespmem:s13+$0xC220]  }
0x412: {  	v8 =	vld [tilespmem:s13+$0xC230]  }
0x413: {  	s17 =	simm.s32 $0x40;
	v9 =	vld [tilespmem:s13+$0x18220]  }
0x414: {  	s15 =	simm.s32 $0x200;
	s14 =	sand.u32 $0x40, s17;
	v10 =	vld [tilespmem:s13+$0x18230];
	v4 =	vmul.f32 $3.200000000e+01, v4;
	v6 =	vmul.f32 $3.200000000e+01, v6  }
0x415: {  	s16 =	sand.u32 $0x1C00, s15;
	s14 =	sor.u32 s14, s8  }
0x416: {  	s14 =	sor.u32 s16, s14;
	v11 =	vadd.f32 v3, v4;
	v12 =	vadd.f32 v5, v6;
	v6 =	vmul.f32 $3.200000000e+01, v7  }
0x417: {  	v4 =	vld [tilespmem:s14+$0x18200];
	v7 =	vmul.f32 $3.200000000e+01, v8  }
0x418: {  	v3 =	vld [tilespmem:s14+$0x18210];
	[tilespmem:s13+$0xC200] =	vst v11;
	v6 =	vadd.f32 v9, v6  }
0x419: {  	s16 =	simm.s32 $0x80;
	v7 =	vadd.f32 v10, v7;
	v5 =	vld [tilespmem:s14+$0xC200];
	[tilespmem:s13+$0xC210] =	vst v12  }
.LBB2_55:
0x41a: {  	p0 =	sne.s32 s16, $0x3C0;
	v8 =	vld [tilespmem:s14+$0xC210];
	[tilespmem:s13+$0xC220] =	vst v6  }
0x41b: {  	v6 =	vld [tilespmem:s14+$0xC220];
	[tilespmem:s13+$0xC230] =	vst v7;
	s13 =	smov.u32 s14  }
0x41c: {  	v7 =	vld [tilespmem:s13+$0xC230]  }
0x41d: {  	v9 =	vld [tilespmem:s13+$0x18220]  }
0x41e: {  	s15 =	sadd.s32 $0x200, s15;
	s14 =	sand.u32 $0x40, s16;
	v5 =	vmul.f32 $3.200000000e+01, v5;
	v10 =	vld [tilespmem:s13+$0x18230]  }
.Ltmp26:
0x41f: {  	s17 =	sand.u32 $0x1C00, s15;
	s14 =	sor.u32 s14, s8;
	v8 =	vmul.f32 $3.200000000e+01, v8;
	(pc) =	sbr.rel @p0 .LBB2_55-.Ltmp26, $4  }
0x420: {  	s14 =	sor.u32 s17, s14;
	v5 =	vadd.f32 v4, v5;
	v6 =	vmul.f32 $3.200000000e+01, v6  }
0x421: {  	v4 =	vld [tilespmem:s14+$0x18200];
	v8 =	vadd.f32 v3, v8;
	v7 =	vmul.f32 $3.200000000e+01, v7  }
0x422: {  	v3 =	vld [tilespmem:s14+$0x18210];
	[tilespmem:s13+$0xC200] =	vst v5;
	v6 =	vadd.f32 v9, v6  }
0x423: {  	s16 =	sadd.s32 $0x40, s16;
	v5 =	vld [tilespmem:s14+$0xC200];
	[tilespmem:s13+$0xC210] =	vst v8;
	v7 =	vadd.f32 v10, v7  }
0x424: {  	v8 =	vld [tilespmem:s14+$0xC210];
	[tilespmem:s13+$0xC220] =	vst v6  }
0x425: {  	v6 =	vld [tilespmem:s14+$0xC220];
	[tilespmem:s13+$0xC230] =	vst v7  }
0x426: {  	v7 =	vld [tilespmem:s14+$0xC230]  }
0x427: {  	v9 =	vld [tilespmem:s14+$0x18220]  }
0x428: {  	v10 =	vld [tilespmem:s14+$0x18230];
	v5 =	vmul.f32 $3.200000000e+01, v5  }
0x429: {  	s7 =	sadd.s32 $0x1, s7;
	v8 =	vmul.f32 $3.200000000e+01, v8  }
0x42a: {  	p0 =	sne.s32 s7, $0x10;
	v4 =	vadd.f32 v4, v5;
	v61 =	vmul.f32 $3.200000000e+01, v6  }
.Ltmp27:
0x42b: {  	v3 =	vadd.f32 v3, v8;
	v62 =	vmul.f32 $3.200000000e+01, v7;
	(pc) =	sbr.rel @p0 .LBB2_54-.Ltmp27, $4  }
0x42c: {  	[tilespmem:s14+$0xC200] =	vst v4;
	v63 =	vadd.f32 v9, v61  }
0x42d: {  	[tilespmem:s14+$0xC210] =	vst v3;
	v3 =	vadd.f32 v10, v62  }
0x42e: {  	[tilespmem:s14+$0xC220] =	vst v63  }
0x42f: {  	[tilespmem:s14+$0xC230] =	vst v3  }
0x430: {  	s5 =	simm.s32 $0x0;
	s7 =	rddreg [dreg:$0x1b]  }
0x431: {  	[hbm4b:s7+s5] =	stream.linear.scatter [tilespmem:s11], [sflag:$0x9], $0x4000, $0x38;
	[tilespmem:$0x1C200] =	vst v63  }
0x432: {  	_ =	swait.ge [sflag:s4], $0x4000  }
0x433: {  	[sflag:s4] =	ssyncset.done $0x0  }
0x434: {  	s7 =	simm.s32 $0x0;
	[sflag:s4] =	ssyncadd.s32 $0xFFFFC000  }
.LBB2_58:
0x435: {  	s8 =	sshll.u32 s7, $0xA;
	s13 =	sshll.u32 s7, $0x7  }
0x436: {  	s8 =	sand.u32 $0x2000, s8;
	s13 =	sand.u32 $0x380, s13  }
0x437: {  	s16 =	sand.u32 $0x40, s5;
	s8 =	sor.u32 s8, s13  }
0x438: {  	s14 =	sand.u32 $0x1C00, s5;
	s13 =	sor.u32 s16, s8  }
0x439: {  	s13 =	sor.u32 s14, s13  }
0x43a: {  	v3 =	vld [tilespmem:s13+$0x18200]  }
0x43b: {  	v4 =	vld [tilespmem:s13+$0x10200]  }
0x43c: {  	v6 =	vld [tilespmem:s13+$0x10210]  }
0x43d: {  	v5 =	vld [tilespmem:s13+$0x18210]  }
0x43e: {  	v7 =	vld [tilespmem:s13+$0x10220]  }
0x43f: {  	v8 =	vld [tilespmem:s13+$0x10230]  }
0x440: {  	s17 =	simm.s32 $0x40;
	v9 =	vld [tilespmem:s13+$0x18220]  }
0x441: {  	s15 =	simm.s32 $0x200;
	s14 =	sand.u32 $0x40, s17;
	v10 =	vld [tilespmem:s13+$0x18230];
	v4 =	vmul.f32 $3.200000000e+01, v4;
	v6 =	vmul.f32 $3.200000000e+01, v6  }
0x442: {  	s16 =	sand.u32 $0x1C00, s15;
	s14 =	sor.u32 s14, s8  }
0x443: {  	s14 =	sor.u32 s16, s14;
	v11 =	vadd.f32 v3, v4;
	v12 =	vadd.f32 v5, v6;
	v6 =	vmul.f32 $3.200000000e+01, v7  }
0x444: {  	v4 =	vld [tilespmem:s14+$0x18200];
	v7 =	vmul.f32 $3.200000000e+01, v8  }
0x445: {  	v3 =	vld [tilespmem:s14+$0x18210];
	[tilespmem:s13+$0x10200] =	vst v11;
	v6 =	vadd.f32 v9, v6  }
0x446: {  	s16 =	simm.s32 $0x80;
	v7 =	vadd.f32 v10, v7;
	v5 =	vld [tilespmem:s14+$0x10200];
	[tilespmem:s13+$0x10210] =	vst v12  }
.LBB2_59:
0x447: {  	p0 =	sne.s32 s16, $0x3C0;
	v8 =	vld [tilespmem:s14+$0x10210];
	[tilespmem:s13+$0x10220] =	vst v6  }
0x448: {  	v6 =	vld [tilespmem:s14+$0x10220];
	[tilespmem:s13+$0x10230] =	vst v7;
	s13 =	smov.u32 s14  }
0x449: {  	v7 =	vld [tilespmem:s13+$0x10230]  }
0x44a: {  	v9 =	vld [tilespmem:s13+$0x18220]  }
0x44b: {  	s15 =	sadd.s32 $0x200, s15;
	s14 =	sand.u32 $0x40, s16;
	v5 =	vmul.f32 $3.200000000e+01, v5;
	v10 =	vld [tilespmem:s13+$0x18230]  }
.Ltmp28:
0x44c: {  	s17 =	sand.u32 $0x1C00, s15;
	s14 =	sor.u32 s14, s8;
	v8 =	vmul.f32 $3.200000000e+01, v8;
	(pc) =	sbr.rel @p0 .LBB2_59-.Ltmp28, $4  }
0x44d: {  	s14 =	sor.u32 s17, s14;
	v5 =	vadd.f32 v4, v5;
	v6 =	vmul.f32 $3.200000000e+01, v6  }
0x44e: {  	v4 =	vld [tilespmem:s14+$0x18200];
	v8 =	vadd.f32 v3, v8;
	v7 =	vmul.f32 $3.200000000e+01, v7  }
0x44f: {  	v3 =	vld [tilespmem:s14+$0x18210];
	[tilespmem:s13+$0x10200] =	vst v5;
	v6 =	vadd.f32 v9, v6  }
0x450: {  	s16 =	sadd.s32 $0x40, s16;
	v5 =	vld [tilespmem:s14+$0x10200];
	[tilespmem:s13+$0x10210] =	vst v8;
	v7 =	vadd.f32 v10, v7  }
0x451: {  	v8 =	vld [tilespmem:s14+$0x10210];
	[tilespmem:s13+$0x10220] =	vst v6  }
0x452: {  	v6 =	vld [tilespmem:s14+$0x10220];
	[tilespmem:s13+$0x10230] =	vst v7  }
0x453: {  	v7 =	vld [tilespmem:s14+$0x10230]  }
0x454: {  	v9 =	vld [tilespmem:s14+$0x18220]  }
0x455: {  	v10 =	vld [tilespmem:s14+$0x18230];
	v5 =	vmul.f32 $3.200000000e+01, v5  }
0x456: {  	s7 =	sadd.s32 $0x1, s7;
	v8 =	vmul.f32 $3.200000000e+01, v8  }
0x457: {  	p0 =	sne.s32 s7, $0x10;
	v4 =	vadd.f32 v4, v5;
	v61 =	vmul.f32 $3.200000000e+01, v6  }
.Ltmp29:
0x458: {  	v3 =	vadd.f32 v3, v8;
	v62 =	vmul.f32 $3.200000000e+01, v7;
	(pc) =	sbr.rel @p0 .LBB2_58-.Ltmp29, $4  }
0x459: {  	[tilespmem:s14+$0x10200] =	vst v4;
	v63 =	vadd.f32 v9, v61  }
0x45a: {  	[tilespmem:s14+$0x10210] =	vst v3;
	v3 =	vadd.f32 v10, v62  }
0x45b: {  	[tilespmem:s14+$0x10220] =	vst v63  }
0x45c: {  	[tilespmem:s14+$0x10230] =	vst v3  }
0x45d: {  	s5 =	simm.s32 $0x0;
	s7 =	rddreg [dreg:$0x1c]  }
0x45e: {  	[hbm4b:s7+s5] =	stream.linear.scatter [tilespmem:s29], [sflag:$0xA], $0x4000, $0x38;
	[tilespmem:$0x1C200] =	vst v63  }
0x45f: {  	_ =	swait.ge [sflag:s28], $0x4000  }
0x460: {  	[sflag:s28] =	ssyncset.done $0x0  }
0x461: {  	s7 =	simm.s32 $0x0;
	[sflag:s28] =	ssyncadd.s32 $0xFFFFC000  }
.LBB2_62:
0x462: {  	s8 =	sshll.u32 s7, $0xA;
	s13 =	sshll.u32 s7, $0x7  }
0x463: {  	s8 =	sand.u32 $0x2000, s8;
	s13 =	sand.u32 $0x380, s13  }
0x464: {  	s16 =	sand.u32 $0x40, s5;
	s8 =	sor.u32 s8, s13  }
0x465: {  	s14 =	sand.u32 $0x1C00, s5;
	s13 =	sor.u32 s16, s8  }
0x466: {  	s13 =	sor.u32 s14, s13  }
0x467: {  	v3 =	vld [tilespmem:s13+$0x18200]  }
0x468: {  	v4 =	vld [tilespmem:s13+$0x200]  }
0x469: {  	v6 =	vld [tilespmem:s13+$0x210]  }
0x46a: {  	v5 =	vld [tilespmem:s13+$0x18210]  }
0x46b: {  	v7 =	vld [tilespmem:s13+$0x220]  }
0x46c: {  	v8 =	vld [tilespmem:s13+$0x230]  }
0x46d: {  	s17 =	simm.s32 $0x40;
	v9 =	vld [tilespmem:s13+$0x18220]  }
0x46e: {  	s15 =	simm.s32 $0x200;
	s14 =	sand.u32 $0x40, s17;
	v10 =	vld [tilespmem:s13+$0x18230];
	v4 =	vmul.f32 $3.200000000e+01, v4;
	v6 =	vmul.f32 $3.200000000e+01, v6  }
0x46f: {  	s16 =	sand.u32 $0x1C00, s15;
	s14 =	sor.u32 s14, s8  }
0x470: {  	s14 =	sor.u32 s16, s14;
	v11 =	vadd.f32 v3, v4;
	v12 =	vadd.f32 v5, v6;
	v6 =	vmul.f32 $3.200000000e+01, v7  }
0x471: {  	v4 =	vld [tilespmem:s14+$0x18200];
	v7 =	vmul.f32 $3.200000000e+01, v8  }
0x472: {  	v3 =	vld [tilespmem:s14+$0x18210];
	[tilespmem:s13+$0x200] =	vst v11;
	v6 =	vadd.f32 v9, v6  }
0x473: {  	s16 =	simm.s32 $0x80;
	v7 =	vadd.f32 v10, v7;
	v5 =	vld [tilespmem:s14+$0x200];
	[tilespmem:s13+$0x210] =	vst v12  }
.LBB2_63:
0x474: {  	p0 =	sne.s32 s16, $0x3C0;
	v8 =	vld [tilespmem:s14+$0x210];
	[tilespmem:s13+$0x220] =	vst v6  }
0x475: {  	v6 =	vld [tilespmem:s14+$0x220];
	[tilespmem:s13+$0x230] =	vst v7;
	s13 =	smov.u32 s14  }
0x476: {  	v7 =	vld [tilespmem:s13+$0x230]  }
0x477: {  	v9 =	vld [tilespmem:s13+$0x18220]  }
0x478: {  	s15 =	sadd.s32 $0x200, s15;
	s14 =	sand.u32 $0x40, s16;
	v5 =	vmul.f32 $3.200000000e+01, v5;
	v10 =	vld [tilespmem:s13+$0x18230]  }
.Ltmp30:
0x479: {  	s17 =	sand.u32 $0x1C00, s15;
	s14 =	sor.u32 s14, s8;
	v8 =	vmul.f32 $3.200000000e+01, v8;
	(pc) =	sbr.rel @p0 .LBB2_63-.Ltmp30, $4  }
0x47a: {  	s14 =	sor.u32 s17, s14;
	v5 =	vadd.f32 v4, v5;
	v6 =	vmul.f32 $3.200000000e+01, v6  }
0x47b: {  	v4 =	vld [tilespmem:s14+$0x18200];
	v8 =	vadd.f32 v3, v8;
	v7 =	vmul.f32 $3.200000000e+01, v7  }
0x47c: {  	v3 =	vld [tilespmem:s14+$0x18210];
	[tilespmem:s13+$0x200] =	vst v5;
	v6 =	vadd.f32 v9, v6  }
0x47d: {  	s16 =	sadd.s32 $0x40, s16;
	v5 =	vld [tilespmem:s14+$0x200];
	[tilespmem:s13+$0x210] =	vst v8;
	v7 =	vadd.f32 v10, v7  }
0x47e: {  	v8 =	vld [tilespmem:s14+$0x210];
	[tilespmem:s13+$0x220] =	vst v6  }
0x47f: {  	v6 =	vld [tilespmem:s14+$0x220];
	[tilespmem:s13+$0x230] =	vst v7  }
0x480: {  	v7 =	vld [tilespmem:s14+$0x230]  }
0x481: {  	v9 =	vld [tilespmem:s14+$0x18220]  }
0x482: {  	v10 =	vld [tilespmem:s14+$0x18230];
	v5 =	vmul.f32 $3.200000000e+01, v5  }
0x483: {  	s7 =	sadd.s32 $0x1, s7;
	v8 =	vmul.f32 $3.200000000e+01, v8  }
0x484: {  	p0 =	sne.s32 s7, $0x10;
	v4 =	vadd.f32 v4, v5;
	v61 =	vmul.f32 $3.200000000e+01, v6  }
.Ltmp31:
0x485: {  	v3 =	vadd.f32 v3, v8;
	v62 =	vmul.f32 $3.200000000e+01, v7;
	(pc) =	sbr.rel @p0 .LBB2_62-.Ltmp31, $4  }
0x486: {  	[tilespmem:s14+$0x200] =	vst v4;
	v63 =	vadd.f32 v9, v61  }
0x487: {  	[tilespmem:s14+$0x210] =	vst v3;
	v3 =	vadd.f32 v10, v62  }
0x488: {  	[tilespmem:s14+$0x220] =	vst v63  }
0x489: {  	[tilespmem:s14+$0x230] =	vst v3  }
0x48a: {  	s5 =	rddreg [dreg:$0x1d]  }
0x48b: {  	[hbm4b:s5+s3] =	stream.linear.scatter [tilespmem:s6], [sflag:$0x6], $0x4000, $0x38;
	[tilespmem:$0x1C200] =	vst v63  }
0x48c: {  	_ =	swait.ge [sflag:s24], $0x4000  }
0x48d: {  	[sflag:s24] =	ssyncset.done $0x0  }
0x48e: {  	[sflag:s24] =	ssyncadd.s32 $0xFFFFC000  }
0x48f: {  	_ =	swait.ge [sflag:s31], $0x4000  }
0x490: {  	[sflag:s31] =	ssyncset.done $0x0  }
0x491: {  	[sflag:s31] =	ssyncadd.s32 $0xFFFFC000  }
0x492: {  	_ =	swait.ge [sflag:s18], $0x4000  }
0x493: {  	[sflag:s18] =	ssyncset.done $0x0  }
0x494: {  	[sflag:s18] =	ssyncadd.s32 $0xFFFFC000  }
0x495: {  	_ =	swait.ge [sflag:s19], $0x4000  }
0x496: {  	[sflag:s19] =	ssyncset.done $0x0  }
0x497: {  	[sflag:s19] =	ssyncadd.s32 $0xFFFFC000  }
0x498: {  	_ =	swait.ge [sflag:s22], $0x4000  }
0x499: {  	s20 =	sadd.s32 $0x1, s20;
	s17 =	rddreg [dreg:$0x17]  }
0x49a: {  	p0 =	sne.s32 s20, s17  }
.Ltmp32:
0x49b: {  	_ = 	snop;
	(pc) =	sbr.rel @p0 .LBB2_1-.Ltmp32, $3  }
0x49c: {  	_ =	sdelay $0x1  }
0x49d: {  	[sflag:s22] =	ssyncset.done $0x0  }
0x49e: {  	[sflag:s22] =	ssyncadd.s32 $0xFFFFC000  }
0x49f: {  	_ =	sfence.sel $0x180000  }
0x4a0: {  	[bflag:$0x0] =	sbarrier.arrive $0xFFFF  }
0x4a1: {  	_ =	strace $0x90000047  }
0x4a2: {  	s0 =	stileid.u32;
	[bflag:$0x2] =	sbarrier.arrive $0xFFFF  }
0x4a3: {  	p0 =	sne.s32 s0, $0x0;
	s0 =	rddreg [dreg:$0x4]  }
0x4a4: {  	s0 =	sadd.s32 @!p0 $0x100000, s0  }
0x4a5: {  	[sflag:s0] =	ssyncadd.tile.s32 @!p0 $0x1;
	_ =	shalt  }
.Lfunc_end2:
_tile_overlayer_lowered:
.L_overlay_start_2:
0x4a6: {  	(tag) =	ssettag $0x2  }
0x4a7: {  	s0 =	rddreg [dreg:$0x0];
	s2 =	stileid.u32  }
0x4a8: {  	s1 =	rddreg [dreg:$0x1];
	p0 =	sne.s32 s2, $0x0  }
0x4a9: {  	s3 =	rddreg [dreg:$0x2];
	[bflag:$0x3] =	sbarrier.arrive $0xFFFF;
	s2 =	simm.s32 @!p0 $0x1C0D  }
0x4aa: {  	[timem:s3], [sflag:s2] =	dma.local @!p0 [hbm:s0], s1  }
0x4ab: {  	s0 =	simm.s32 @!p0 $0xD  }
0x4ac: {  	_ =	swait.ge @!p0 [sflag:s0], s1  }
0x4ad: {  	s1 =	ssub.s32 @!p0 $0x0, s1;
	[sflag:s0] =	ssyncset.done @!p0 $0x0  }
0x4ae: {  	[sflag:s0] =	ssyncadd.s32 @!p0 s1  }
0x4af: {  	[bflag:$0x3] =	sbarrier.arrive $0xFFFF  }
0x4b0: {  	_ =	shalt  }

</sc_bundles>
